<compile_context>
chip_gen: v7x
topology: tpu7x:2x2x1
jax: 0.10.2.dev20260603
libtpu: 0.0.44.dev20260713+nightly
codegen_flags: <defaults>
</compile_context>

<pallas_src>
import functools

import jax
import jax.numpy as jnp
from jax import lax
from jax.experimental import pallas as pl
from jax.experimental.pallas import tpu as pltpu
from jax.experimental.pallas import tpu_sc as plsc


def _sc_dims():
    try:
        info = plsc.get_sparse_core_info()
        return info.num_cores, info.num_subcores
    except Exception:
        return 2, 16


_NC, _NS = _sc_dims()
_NW = _NC * _NS


def _mm_body(x_ref, w_ref, o_ref):
    o_ref[...] = lax.dot_general(
        x_ref[...], w_ref[...],
        (((1,), (1,)), ((), ())),
        preferred_element_type=jnp.float32,
    )


def _down_project(x, w):
    V, H = x.shape
    R = w.shape[0]
    BM = 1000
    assert V % BM == 0
    return pl.pallas_call(
        _mm_body,
        grid=(V // BM,),
        in_specs=[
            pl.BlockSpec((BM, H), lambda i: (i, 0)),
            pl.BlockSpec((R, H), lambda i: (0, 0)),
        ],
        out_specs=pl.BlockSpec((BM, R), lambda i: (i, 0)),
        out_shape=jax.ShapeDtypeStruct((V, R), jnp.float32),
        compiler_params=pltpu.CompilerParams(
            dimension_semantics=("arbitrary",),
        ),
    )(x, w)


def _flat_indices(kgl_ids, S):
    B = kgl_ids.shape[0]

    def body(ids_ref, o_ref):
        ids = ids_ref[...]
        o_ref[...] = ids * S + lax.broadcasted_iota(jnp.int32, (B, S), 1)

    out = pl.pallas_call(
        body,
        out_shape=jax.ShapeDtypeStruct((B, S), jnp.int32),
    )(kgl_ids.reshape(B, 1))
    return out.reshape(B * S)


def _sc_tok_mask(gidx, kgl2token_flat):
    N = gidx.shape[0]
    npw = N // _NW
    mesh = plsc.VectorSubcoreMesh(core_axis_name="c", subcore_axis_name="s")

    @functools.partial(
        pl.kernel,
        mesh=mesh,
        out_type=(
            jax.ShapeDtypeStruct((N,), jnp.int32),
            jax.ShapeDtypeStruct((N,), jnp.float32),
        ),
        scratch_types=[
            pltpu.VMEM((npw,), jnp.int32),
            pltpu.VMEM((npw,), jnp.int32),
            pltpu.VMEM((npw,), jnp.float32),
            pltpu.SemaphoreType.DMA,
        ],
        compiler_params=pltpu.CompilerParams(use_tc_tiling_on_sc=False),
    )
    def k(gidx_hbm, tblf_hbm, tok_hbm, maskf_hbm,
          gidx_v, tok_v, mskf_v, sem):
        wid = lax.axis_index("s") * _NC + lax.axis_index("c")
        nbase = wid * npw
        pltpu.sync_copy(gidx_hbm.at[pl.ds(nbase, npw)], gidx_v)
        pltpu.async_copy(tblf_hbm.at[gidx_v], tok_v, sem).wait()

        @pl.loop(0, npw // 16)
        def _(r):
            off = pl.multiple_of(r * 16, 16)
            v = tok_v[pl.ds(off, 16)]
            mskf_v[pl.ds(off, 16)] = jnp.where(
                v > 0, jnp.float32(1.0), jnp.float32(0.0))

        pltpu.sync_copy(tok_v, tok_hbm.at[pl.ds(nbase, npw)])
        pltpu.sync_copy(mskf_v, maskf_hbm.at[pl.ds(nbase, npw)])

    return k(gidx, kgl2token_flat)


def _sc_row_gather(tok, rmat):
    N = tok.shape[0]
    R = rmat.shape[1]
    npw = N // _NW
    CH = 256
    assert npw % CH == 0
    n_ch = npw // CH
    mesh = plsc.VectorSubcoreMesh(core_axis_name="c", subcore_axis_name="s")

    @functools.partial(
        pl.kernel,
        mesh=mesh,
        out_type=jax.ShapeDtypeStruct((N, R), jnp.float32),
        scratch_types=[
            pltpu.VMEM((npw,), jnp.int32),
            pltpu.VMEM((2, CH, R), jnp.float32),
            pltpu.SemaphoreType.DMA,
            pltpu.SemaphoreType.DMA((2,)),
            pltpu.SemaphoreType.DMA((2,)),
        ],
        compiler_params=pltpu.CompilerParams(use_tc_tiling_on_sc=False),
    )
    def k(tok_hbm, rmat_hbm, embs_hbm, tok_v, rows_v, sem, gsem, wsem):
        wid = lax.axis_index("s") * _NC + lax.axis_index("c")
        nbase = wid * npw
        pltpu.sync_copy(tok_hbm.at[pl.ds(nbase, npw)], tok_v)
        gh = [None, None]
        wh = [None, None]
        for c in range(n_ch):
            cur, nxt = c % 2, (c + 1) % 2
            if c == 0:
                gh[0] = pltpu.async_copy(
                    rmat_hbm.at[tok_v.at[pl.ds(0, CH)]],
                    rows_v.at[0], gsem.at[0])
            if c + 1 < n_ch:
                if wh[nxt] is not None:
                    wh[nxt].wait()
                gh[nxt] = pltpu.async_copy(
                    rmat_hbm.at[tok_v.at[pl.ds((c + 1) * CH, CH)]],
                    rows_v.at[nxt], gsem.at[nxt])
            gh[cur].wait()
            wh[cur] = pltpu.async_copy(
                rows_v.at[cur], embs_hbm.at[pl.ds(nbase + c * CH, CH)],
                wsem.at[cur])
        wh[0].wait()
        wh[1].wait()

    return k(tok, rmat)


def _pool_body(mask_ref, maskf_ref, embs_ref, w0_ref, w1_ref, w2_ref, b_ref,
               o_ref, gmean_ref):
    i = pl.program_id(0)

    @pl.when(i == 0)
    def _():
        mf = maskf_ref[...]
        lens = jnp.sum(mf, axis=2)
        gmean_ref[0] = jnp.sum(jnp.log(lens)) / lens.size

    mask = mask_ref[0]
    b3 = mask[:, :, None] > 0.0
    BB, S = mask.shape
    e2 = embs_ref[...]
    e = e2.reshape(BB, S, e2.shape[1])
    em = jnp.where(b3, e, 0.0)
    s = jnp.sum(em, axis=1)
    sq = jnp.sum(em * em, axis=1)
    mx = jnp.max(jnp.where(b3, e, -1e10), axis=1)
    mn = jnp.min(jnp.where(b3, e, 1e10), axis=1)
    ln = jnp.sum(mask, axis=1, keepdims=True)
    mean = s / (ln + 1e-10)
    sqm = sq / (ln + 1e-10)
    std = jnp.sqrt(jnp.clip(sqm - mean * mean, 1e-6, None))
    feats = jnp.concatenate([mean, mx, mn, std], axis=-1)
    g = gmean_ref[0]
    scale = jnp.log(ln) / (g + 1e-10)
    sinv = 1.0 / jnp.clip(scale, 0.01, None)
    dn = (((1,), (1,)), ((), ()))
    r0 = lax.dot_general(feats, w0_ref[...], dn,
                         preferred_element_type=jnp.float32)
    r1 = lax.dot_general(feats, w1_ref[...], dn,
                         preferred_element_type=jnp.float32)
    r2 = lax.dot_general(feats, w2_ref[...], dn,
                         preferred_element_type=jnp.float32)
    res = r0 + scale * r1 + sinv * r2 + b_ref[...]
    nrm = jnp.sqrt(jnp.sum(res * res, axis=1, keepdims=True))
    o_ref[...] = res / jnp.clip(nrm, 1e-12, None)


def _pool(mask3, mask3_full, embs, w0, w1, w2, b2):
    NB, BB, S = mask3.shape
    NBF = mask3_full.shape[0]
    R = embs.shape[1]
    return pl.pallas_call(
        _pool_body,
        grid=(NB,),
        in_specs=[
            pl.BlockSpec((1, BB, S), lambda i: (i, 0, 0)),
            pl.BlockSpec((NBF, BB, S), lambda i: (0, 0, 0)),
            pl.BlockSpec((BB * S, R), lambda i: (i, 0)),
            pl.BlockSpec((R, 4 * R), lambda i: (0, 0)),
            pl.BlockSpec((R, 4 * R), lambda i: (0, 0)),
            pl.BlockSpec((R, 4 * R), lambda i: (0, 0)),
            pl.BlockSpec((1, R), lambda i: (0, 0)),
        ],
        out_specs=pl.BlockSpec((BB, R), lambda i: (i, 0)),
        out_shape=jax.ShapeDtypeStruct((NB * BB, R), jnp.float32),
        scratch_shapes=[pltpu.SMEM((1,), jnp.float32)],
        compiler_params=pltpu.CompilerParams(
            dimension_semantics=("arbitrary",),
        ),
    )(mask3, mask3_full, embs, w0, w1, w2, b2)


def kernel(kgl_ids, kgl2token, text_embeddings, W_down, W_re, b_re):
    B = kgl_ids.shape[0]
    S = kgl2token.shape[1]
    R = W_down.shape[0]
    rmat = _down_project(text_embeddings, W_down)
    gidx = _flat_indices(kgl_ids, S)
    tok, maskf = _sc_tok_mask(gidx, kgl2token.reshape(-1))
    N = B * S
    H2 = N // 2
    embs0 = _sc_row_gather(tok[:H2], rmat)
    embs1 = _sc_row_gather(tok[H2:], rmat)
    BB = B // _NW
    mask3 = maskf.reshape(_NW, BB, S)
    w0 = W_re[:, 0::3]
    w1 = W_re[:, 1::3]
    w2 = W_re[:, 2::3]
    b2 = b_re.reshape(1, R)
    NH = _NW // 2
    out0 = _pool(mask3[:NH], mask3, embs0, w0, w1, w2, b2)
    out1 = _pool(mask3[NH:], mask3, embs1, w0, w1, w2, b2)
    return jnp.concatenate([out0, out1], axis=0)

# --- scband reference (transcript-rebuilt; emitter-appended) ---
"""Pipeline reference for scband-base-pnaretriever-8555574853794 (READ-ONLY COPY).

The authoritative reference and input builder live on the scoring server;
editing this copy changes nothing except your own understanding.
"""

import jax, jax.numpy as jnp
import numpy as np

VOCAB = 100000
HID = 2048
R = 128
NKGL = 20000
SEQ = 20
B = 16384


def setup_inputs(seed: int = 0) -> dict:
    key = jax.random.key(seed)
    k1, k2, k3, k4, k5 = jax.random.split(key, 5)
    kgl_ids = jax.random.randint(k1, (B,), 0, NKGL, dtype=jnp.int32)
    kgl2token = jax.random.randint(k2, (NKGL, SEQ), 0, VOCAB, dtype=jnp.int32)
    text_embeddings = jax.random.normal(k3, (VOCAB, HID), dtype=jnp.float32) * 0.02
    # nn.Linear(llm_hidden_dim, r, bias=False): weight [r, hid]
    W_down = jax.random.normal(k4, (R, HID), dtype=jnp.float32) * 0.02
    # nn.Linear(r*12, r): weight [r, r*12], bias [r]
    W_re = jax.random.normal(k5, (R, R * 12), dtype=jnp.float32) * 0.02
    b_re = jnp.zeros((R,), dtype=jnp.float32)
    return {
        "kgl_ids": kgl_ids,
        "kgl2token": kgl2token,
        "text_embeddings": text_embeddings,
        "W_down": W_down,
        "W_re": W_re,
        "b_re": b_re,
    }


def reference(kgl_ids, kgl2token, text_embeddings, W_down, W_re, b_re):
    # down_scaling applied to the full embedding table
    Rmat = text_embeddings @ W_down.T  # [VOCAB, R]
    # kgl_ids - orig_vocab_size (orig_vocab_size = 0), gather token id rows
    token_ids = jnp.take(kgl2token, kgl_ids, axis=0)  # [B, SEQ]
    token_mask = (token_ids > 0)[..., None].astype(jnp.float32)  # [B, SEQ, 1]
    token_lengths = token_mask.sum(axis=1)  # [B, 1]
    degree = token_lengths
    token_embs = jnp.take(Rmat, token_ids, axis=0)  # [B, SEQ, R]
    mean = (token_embs * token_mask).sum(axis=1) / (token_lengths + 1e-10)
    sq_mean = (token_embs ** 2 * token_mask).sum(axis=1) / (token_lengths + 1e-10)
    max_val = (token_embs * token_mask + (1.0 - token_mask) * -1e10).max(axis=1)
    min_val = (token_embs * token_mask + (1.0 - token_mask) * 1e10).min(axis=1)
    std = jnp.sqrt(jnp.clip(sq_mean - mean ** 2, 1e-06, None))
    features = jnp.concatenate([mean, max_val, min_val, std], axis=-1)  # [B, 4R]
    scale = jnp.log(degree)  # [B, 1]
    scale = scale / (scale.mean() + 1e-10)
    scales = jnp.concatenate([
        jnp.ones_like(scale), scale, 1.0 / jnp.clip(scale, 0.01, None)
    ], axis=-1)  # [B, 3]
    result = (features[..., :, None] * scales[..., None, :]).reshape(features.shape[0], -1)  # [B, 12R]
    # re_scaling linear
    result = result @ W_re.T + b_re  # [B, R]
    # F.normalize(p=2, dim=1)
    norm = jnp.linalg.norm(result, ord=2, axis=1, keepdims=True)
    return result / jnp.clip(norm, 1e-12, None)

if __name__ == "__main__":
    import jax
    _d = setup_inputs()
    print(jax.jit(kernel)(*tuple(_d.values())))

</pallas_src>

<mosaic_0001>
#map = affine_map<(d0, d1) -> (0)>
#map1 = affine_map<(d0, d1) -> (0, 0)>
module attributes {stable_mosaic.version = 14 : i64} {
  func.func @k(%arg0: i32, %arg1: i32, %arg2: memref<163840xi32, #tpu.memory_space<hbm>>, %arg3: memref<100000x128xf32, #tpu.memory_space<hbm>>, %arg4: memref<163840x128xf32, #tpu.memory_space<hbm>>, %arg5: memref<5120xi32, #tpu.memory_space<vmem>>, %arg6: memref<2x256x128xf32, #tpu.memory_space<vmem>>, %arg7: memref<!tpu.dma_semaphore, #tpu.memory_space<semaphore_mem>>, %arg8: memref<2x!tpu.dma_semaphore, #tpu.memory_space<semaphore_mem>>, %arg9: memref<2x!tpu.dma_semaphore, #tpu.memory_space<semaphore_mem>>) attributes {dimension_semantics = [#tpu.dimension_semantics<core_parallel>, #tpu.dimension_semantics<subcore_parallel>], iteration_bounds = array<i64: 2, 16>, scalar_prefetch = 0 : i64, scratch_operands = 5 : i64, tpu.core_type = #tpu.core_type<sc_vector_subcore>, window_params = [{transform_indices = #map}, {transform_indices = #map1}, {transform_indices = #map1}]} {
    %mul3A = arith.constant 2 : i32
    %mul3A_0 = arith.muli %arg1, %mul3A : i32
    %add3A = arith.addi %mul3A_0, %arg0 : i32
    %mul3A_1 = arith.constant 5120 : i32
    %mul3A_2 = arith.muli %add3A, %mul3A_1 : i32
    "tpu.region"() ({
      %run_scoped3A = tpu.sem_alloc : memref<!tpu.dma_semaphore, #tpu.memory_space<semaphore_mem>>
      %dma_start3A_1201 = tpu.memref_slice %arg2[%mul3A_2] : memref<163840xi32, #tpu.memory_space<hbm>> -> memref<5120xi32, #tpu.memory_space<hbm>>
      %dma_start3A_1202 = tpu.memref_slice %arg2[%mul3A_2] : memref<163840xi32, #tpu.memory_space<hbm>> -> memref<5120xi32, #tpu.memory_space<hbm>>
      tpu.enqueue_dma source(%dma_start3A_1202 : memref<5120xi32, #tpu.memory_space<hbm>>) target(%arg5 : memref<5120xi32, #tpu.memory_space<vmem>>) target_semaphore(%run_scoped3A : memref<!tpu.dma_semaphore, #tpu.memory_space<semaphore_mem>>)
      %dma_wait3A_1203 = tpu.memref_slice %arg2[%mul3A_2] : memref<163840xi32, #tpu.memory_space<hbm>> -> memref<5120xi32, #tpu.memory_space<hbm>>
      %dma_wait3A_1204 = tpu.memref_slice %arg2[%mul3A_2] : memref<163840xi32, #tpu.memory_space<hbm>> -> memref<5120xi32, #tpu.memory_space<hbm>>
      tpu.wait_dma2 semaphore(%run_scoped3A : memref<!tpu.dma_semaphore, #tpu.memory_space<semaphore_mem>>) src(%dma_wait3A_1204 : memref<5120xi32, #tpu.memory_space<hbm>>) dst(%arg5 : memref<5120xi32, #tpu.memory_space<vmem>>)
      tpu.yield
    }) : () -> ()
    %dma_start3A = arith.constant 0 : i32
    %dma_start3A_3 = arith.constant 0 : i32
    %dma_start3A_4 = arith.constant 0 : i32
    %dma_start3A_5 = arith.constant 0 : i32
    %dma_start3A_6 = tpu.memref_slice %arg6[%dma_start3A, %dma_start3A_4, %dma_start3A_5] : memref<2x256x128xf32, #tpu.memory_space<vmem>> -> memref<1x256x128xf32, #tpu.memory_space<vmem>>
    %dma_start3A_7 = tpu.memref_squeeze %dma_start3A_6 : memref<1x256x128xf32, #tpu.memory_space<vmem>> -> memref<256x128xf32, #tpu.memory_space<vmem>>
    %dma_start3A_8 = arith.constant 0 : i32
    %dma_start3A_9 = tpu.memref_slice %arg5[%dma_start3A_8] : memref<5120xi32, #tpu.memory_space<vmem>> -> memref<256xi32, #tpu.memory_space<vmem>>
    %dma_start3A_10 = arith.constant 0 : i32
    %dma_start3A_11 = arith.constant 0 : i32
    %dma_start3A_12 = tpu.memref_slice %arg3[%dma_start3A_10, %dma_start3A_11] : memref<100000x128xf32, #tpu.memory_space<hbm>> -> memref<100000x128xf32, #tpu.memory_space<hbm>>
    %dma_start3A_13 = tpu.memref_slice %arg8[%dma_start3A_3] : memref<2x!tpu.dma_semaphore, #tpu.memory_space<semaphore_mem>> -> memref<1x!tpu.dma_semaphore, #tpu.memory_space<semaphore_mem>>
    %dma_start3A_14 = tpu.memref_squeeze %dma_start3A_13 : memref<1x!tpu.dma_semaphore, #tpu.memory_space<semaphore_mem>> -> memref<!tpu.dma_semaphore, #tpu.memory_space<semaphore_mem>>
    tpu.enqueue_indirect_dma source(%dma_start3A_12 : memref<100000x128xf32, #tpu.memory_space<hbm>>) target(%dma_start3A_7 : memref<256x128xf32, #tpu.memory_space<vmem>>) offsets(%dma_start3A_9 : memref<256xi32, #tpu.memory_space<vmem>>) semaphore(%dma_start3A_14 : memref<!tpu.dma_semaphore, #tpu.memory_space<semaphore_mem>>)
    %dma_start3A_15 = arith.constant 1 : i32
    %dma_start3A_16 = arith.constant 1 : i32
    %dma_start3A_17 = arith.constant 0 : i32
    %dma_start3A_18 = arith.constant 0 : i32
    %dma_start3A_19 = tpu.memref_slice %arg6[%dma_start3A_15, %dma_start3A_17, %dma_start3A_18] : memref<2x256x128xf32, #tpu.memory_space<vmem>> -> memref<1x256x128xf32, #tpu.memory_space<vmem>>
    %dma_start3A_20 = tpu.memref_squeeze %dma_start3A_19 : memref<1x256x128xf32, #tpu.memory_space<vmem>> -> memref<256x128xf32, #tpu.memory_space<vmem>>
    %dma_start3A_21 = arith.constant 256 : i32
    %dma_start3A_22 = tpu.memref_slice %arg5[%dma_start3A_21] : memref<5120xi32, #tpu.memory_space<vmem>> -> memref<256xi32, #tpu.memory_space<vmem>>
    %dma_start3A_23 = arith.constant 0 : i32
    %dma_start3A_24 = arith.constant 0 : i32
    %dma_start3A_25 = tpu.memref_slice %arg3[%dma_start3A_23, %dma_start3A_24] : memref<100000x128xf32, #tpu.memory_space<hbm>> -> memref<100000x128xf32, #tpu.memory_space<hbm>>
    %dma_start3A_26 = tpu.memref_slice %arg8[%dma_start3A_16] : memref<2x!tpu.dma_semaphore, #tpu.memory_space<semaphore_mem>> -> memref<1x!tpu.dma_semaphore, #tpu.memory_space<semaphore_mem>>
    %dma_start3A_27 = tpu.memref_squeeze %dma_start3A_26 : memref<1x!tpu.dma_semaphore, #tpu.memory_space<semaphore_mem>> -> memref<!tpu.dma_semaphore, #tpu.memory_space<semaphore_mem>>
    tpu.enqueue_indirect_dma source(%dma_start3A_25 : memref<100000x128xf32, #tpu.memory_space<hbm>>) target(%dma_start3A_20 : memref<256x128xf32, #tpu.memory_space<vmem>>) offsets(%dma_start3A_22 : memref<256xi32, #tpu.memory_space<vmem>>) semaphore(%dma_start3A_27 : memref<!tpu.dma_semaphore, #tpu.memory_space<semaphore_mem>>)
    %dma_wait3A = arith.constant 0 : i32
    %dma_wait3A_28 = arith.constant 0 : i32
    %dma_wait3A_29 = arith.constant 0 : i32
    %dma_wait3A_30 = arith.constant 0 : i32
    %dma_wait3A_31 = tpu.memref_slice %arg6[%dma_wait3A, %dma_wait3A_29, %dma_wait3A_30] : memref<2x256x128xf32, #tpu.memory_space<vmem>> -> memref<1x256x128xf32, #tpu.memory_space<vmem>>
    %dma_wait3A_32 = tpu.memref_squeeze %dma_wait3A_31 : memref<1x256x128xf32, #tpu.memory_space<vmem>> -> memref<256x128xf32, #tpu.memory_space<vmem>>
    %dma_wait3A_33 = arith.constant 0 : i32
    %dma_wait3A_34 = tpu.memref_slice %arg5[%dma_wait3A_33] : memref<5120xi32, #tpu.memory_space<vmem>> -> memref<256xi32, #tpu.memory_space<vmem>>
    %dma_wait3A_35 = arith.constant 0 : i32
    %dma_wait3A_36 = arith.constant 0 : i32
    %dma_wait3A_37 = tpu.memref_slice %arg3[%dma_wait3A_35, %dma_wait3A_36] : memref<100000x128xf32, #tpu.memory_space<hbm>> -> memref<100000x128xf32, #tpu.memory_space<hbm>>
    %dma_wait3A_38 = tpu.memref_slice %arg8[%dma_wait3A_28] : memref<2x!tpu.dma_semaphore, #tpu.memory_space<semaphore_mem>> -> memref<1x!tpu.dma_semaphore, #tpu.memory_space<semaphore_mem>>
    %dma_wait3A_39 = tpu.memref_squeeze %dma_wait3A_38 : memref<1x!tpu.dma_semaphore, #tpu.memory_space<semaphore_mem>> -> memref<!tpu.dma_semaphore, #tpu.memory_space<semaphore_mem>>
    tpu.wait_indirect_dma semaphore(%dma_wait3A_39 : memref<!tpu.dma_semaphore, #tpu.memory_space<semaphore_mem>>) src(%dma_wait3A_37 : memref<100000x128xf32, #tpu.memory_space<hbm>>) dst(%dma_wait3A_32 : memref<256x128xf32, #tpu.memory_space<vmem>>)
    %add3A_40 = arith.constant 0 : i32
    %add3A_41 = arith.addi %mul3A_2, %add3A_40 : i32
    %dma_start3A_42 = arith.constant 0 : i32
    %dma_start3A_43 = arith.constant 0 : i32
    %dma_start3A_44 = arith.constant 0 : i32
    %dma_start3A_45 = arith.constant 0 : i32
    %dma_start3A_46 = tpu.memref_slice %arg6[%dma_start3A_42, %dma_start3A_44, %dma_start3A_45] : memref<2x256x128xf32, #tpu.memory_space<vmem>> -> memref<1x256x128xf32, #tpu.memory_space<vmem>>
    %dma_start3A_47 = tpu.memref_squeeze %dma_start3A_46 : memref<1x256x128xf32, #tpu.memory_space<vmem>> -> memref<256x128xf32, #tpu.memory_space<vmem>>
    %dma_start3A_48 = arith.constant 0 : i32
    %dma_start3A_49 = tpu.memref_slice %arg4[%add3A_41, %dma_start3A_48] : memref<163840x128xf32, #tpu.memory_space<hbm>> -> memref<256x128xf32, #tpu.memory_space<hbm>>
    %dma_start3A_50 = tpu.memref_slice %arg9[%dma_start3A_43] : memref<2x!tpu.dma_semaphore, #tpu.memory_space<semaphore_mem>> -> memref<1x!tpu.dma_semaphore, #tpu.memory_space<semaphore_mem>>
    %dma_start3A_51 = tpu.memref_squeeze %dma_start3A_50 : memref<1x!tpu.dma_semaphore, #tpu.memory_space<semaphore_mem>> -> memref<!tpu.dma_semaphore, #tpu.memory_space<semaphore_mem>>
    %dma_start3A_52 = arith.constant 0 : i32
    %dma_start3A_53 = tpu.memref_slice %arg4[%add3A_41, %dma_start3A_52] : memref<163840x128xf32, #tpu.memory_space<hbm>> -> memref<256x128xf32, #tpu.memory_space<hbm>>
    %dma_start3A_54 = arith.constant 0 : i32
    %dma_start3A_55 = arith.constant 0 : i32
    %dma_start3A_56 = tpu.memref_slice %arg6[%dma_start3A_42, %dma_start3A_54, %dma_start3A_55] : memref<2x256x128xf32, #tpu.memory_space<vmem>> -> memref<1x256x128xf32, #tpu.memory_space<vmem>>
    %dma_start3A_57 = tpu.memref_squeeze %dma_start3A_56 : memref<1x256x128xf32, #tpu.memory_space<vmem>> -> memref<256x128xf32, #tpu.memory_space<vmem>>
    tpu.enqueue_dma source(%dma_start3A_57 : memref<256x128xf32, #tpu.memory_space<vmem>>) target(%dma_start3A_53 : memref<256x128xf32, #tpu.memory_space<hbm>>) target_semaphore(%dma_start3A_51 : memref<!tpu.dma_semaphore, #tpu.memory_space<semaphore_mem>>)
    %dma_wait3A_58 = arith.constant 0 : i32
    %dma_wait3A_59 = arith.constant 0 : i32
    %dma_wait3A_60 = arith.constant 0 : i32
    %dma_wait3A_61 = arith.constant 0 : i32
    %dma_wait3A_62 = tpu.memref_slice %arg6[%dma_wait3A_58, %dma_wait3A_60, %dma_wait3A_61] : memref<2x256x128xf32, #tpu.memory_space<vmem>> -> memref<1x256x128xf32, #tpu.memory_space<vmem>>
    %dma_wait3A_63 = tpu.memref_squeeze %dma_wait3A_62 : memref<1x256x128xf32, #tpu.memory_space<vmem>> -> memref<256x128xf32, #tpu.memory_space<vmem>>
    %dma_wait3A_64 = arith.constant 0 : i32
    %dma_wait3A_65 = tpu.memref_slice %arg4[%add3A_41, %dma_wait3A_64] : memref<163840x128xf32, #tpu.memory_space<hbm>> -> memref<256x128xf32, #tpu.memory_space<hbm>>
    %dma_wait3A_66 = tpu.memref_slice %arg9[%dma_wait3A_59] : memref<2x!tpu.dma_semaphore, #tpu.memory_space<semaphore_mem>> -> memref<1x!tpu.dma_semaphore, #tpu.memory_space<semaphore_mem>>
    %dma_wait3A_67 = tpu.memref_squeeze %dma_wait3A_66 : memref<1x!tpu.dma_semaphore, #tpu.memory_space<semaphore_mem>> -> memref<!tpu.dma_semaphore, #tpu.memory_space<semaphore_mem>>
    %dma_wait3A_68 = arith.constant 0 : i32
    %dma_wait3A_69 = tpu.memref_slice %arg4[%add3A_41, %dma_wait3A_68] : memref<163840x128xf32, #tpu.memory_space<hbm>> -> memref<256x128xf32, #tpu.memory_space<hbm>>
    %dma_wait3A_70 = arith.constant 0 : i32
    %dma_wait3A_71 = arith.constant 0 : i32
    %dma_wait3A_72 = tpu.memref_slice %arg6[%dma_wait3A_58, %dma_wait3A_70, %dma_wait3A_71] : memref<2x256x128xf32, #tpu.memory_space<vmem>> -> memref<1x256x128xf32, #tpu.memory_space<vmem>>
    %dma_wait3A_73 = tpu.memref_squeeze %dma_wait3A_72 : memref<1x256x128xf32, #tpu.memory_space<vmem>> -> memref<256x128xf32, #tpu.memory_space<vmem>>
    tpu.wait_dma2 semaphore(%dma_wait3A_67 : memref<!tpu.dma_semaphore, #tpu.memory_space<semaphore_mem>>) src(%dma_wait3A_73 : memref<256x128xf32, #tpu.memory_space<vmem>>) dst(%dma_wait3A_69 : memref<256x128xf32, #tpu.memory_space<hbm>>)
    %dma_start3A_74 = arith.constant 0 : i32
    %dma_start3A_75 = arith.constant 0 : i32
    %dma_start3A_76 = arith.constant 0 : i32
    %dma_start3A_77 = arith.constant 0 : i32
    %dma_start3A_78 = tpu.memref_slice %arg6[%dma_start3A_74, %dma_start3A_76, %dma_start3A_77] : memref<2x256x128xf32, #tpu.memory_space<vmem>> -> memref<1x256x128xf32, #tpu.memory_space<vmem>>
    %dma_start3A_79 = tpu.memref_squeeze %dma_start3A_78 : memref<1x256x128xf32, #tpu.memory_space<vmem>> -> memref<256x128xf32, #tpu.memory_space<vmem>>
    %dma_start3A_80 = arith.constant 512 : i32
    %dma_start3A_81 = tpu.memref_slice %arg5[%dma_start3A_80] : memref<5120xi32, #tpu.memory_space<vmem>> -> memref<256xi32, #tpu.memory_space<vmem>>
    %dma_start3A_82 = arith.constant 0 : i32
    %dma_start3A_83 = arith.constant 0 : i32
    %dma_start3A_84 = tpu.memref_slice %arg3[%dma_start3A_82, %dma_start3A_83] : memref<100000x128xf32, #tpu.memory_space<hbm>> -> memref<100000x128xf32, #tpu.memory_space<hbm>>
    %dma_start3A_85 = tpu.memref_slice %arg8[%dma_start3A_75] : memref<2x!tpu.dma_semaphore, #tpu.memory_space<semaphore_mem>> -> memref<1x!tpu.dma_semaphore, #tpu.memory_space<semaphore_mem>>
    %dma_start3A_86 = tpu.memref_squeeze %dma_start3A_85 : memref<1x!tpu.dma_semaphore, #tpu.memory_space<semaphore_mem>> -> memref<!tpu.dma_semaphore, #tpu.memory_space<semaphore_mem>>
    tpu.enqueue_indirect_dma source(%dma_start3A_84 : memref<100000x128xf32, #tpu.memory_space<hbm>>) target(%dma_start3A_79 : memref<256x128xf32, #tpu.memory_space<vmem>>) offsets(%dma_start3A_81 : memref<256xi32, #tpu.memory_space<vmem>>) semaphore(%dma_start3A_86 : memref<!tpu.dma_semaphore, #tpu.memory_space<semaphore_mem>>)
    %dma_wait3A_87 = arith.constant 1 : i32
    %dma_wait3A_88 = arith.constant 1 : i32
    %dma_wait3A_89 = arith.constant 0 : i32
    %dma_wait3A_90 = arith.constant 0 : i32
    %dma_wait3A_91 = tpu.memref_slice %arg6[%dma_wait3A_87, %dma_wait3A_89, %dma_wait3A_90] : memref<2x256x128xf32, #tpu.memory_space<vmem>> -> memref<1x256x128xf32, #tpu.memory_space<vmem>>
    %dma_wait3A_92 = tpu.memref_squeeze %dma_wait3A_91 : memref<1x256x128xf32, #tpu.memory_space<vmem>> -> memref<256x128xf32, #tpu.memory_space<vmem>>
    %dma_wait3A_93 = arith.constant 256 : i32
    %dma_wait3A_94 = tpu.memref_slice %arg5[%dma_wait3A_93] : memref<5120xi32, #tpu.memory_space<vmem>> -> memref<256xi32, #tpu.memory_space<vmem>>
    %dma_wait3A_95 = arith.constant 0 : i32
    %dma_wait3A_96 = arith.constant 0 : i32
    %dma_wait3A_97 = tpu.memref_slice %arg3[%dma_wait3A_95, %dma_wait3A_96] : memref<100000x128xf32, #tpu.memory_space<hbm>> -> memref<100000x128xf32, #tpu.memory_space<hbm>>
    %dma_wait3A_98 = tpu.memref_slice %arg8[%dma_wait3A_88] : memref<2x!tpu.dma_semaphore, #tpu.memory_space<semaphore_mem>> -> memref<1x!tpu.dma_semaphore, #tpu.memory_space<semaphore_mem>>
    %dma_wait3A_99 = tpu.memref_squeeze %dma_wait3A_98 : memref<1x!tpu.dma_semaphore, #tpu.memory_space<semaphore_mem>> -> memref<!tpu.dma_semaphore, #tpu.memory_space<semaphore_mem>>
    tpu.wait_indirect_dma semaphore(%dma_wait3A_99 : memref<!tpu.dma_semaphore, #tpu.memory_space<semaphore_mem>>) src(%dma_wait3A_97 : memref<100000x128xf32, #tpu.memory_space<hbm>>) dst(%dma_wait3A_92 : memref<256x128xf32, #tpu.memory_space<vmem>>)
    %add3A_100 = arith.constant 256 : i32
    %add3A_101 = arith.addi %mul3A_2, %add3A_100 : i32
    %dma_start3A_102 = arith.constant 1 : i32
    %dma_start3A_103 = arith.constant 1 : i32
    %dma_start3A_104 = arith.constant 0 : i32
    %dma_start3A_105 = arith.constant 0 : i32
    %dma_start3A_106 = tpu.memref_slice %arg6[%dma_start3A_102, %dma_start3A_104, %dma_start3A_105] : memref<2x256x128xf32, #tpu.memory_space<vmem>> -> memref<1x256x128xf32, #tpu.memory_space<vmem>>
    %dma_start3A_107 = tpu.memref_squeeze %dma_start3A_106 : memref<1x256x128xf32, #tpu.memory_space<vmem>> -> memref<256x128xf32, #tpu.memory_space<vmem>>
    %dma_start3A_108 = arith.constant 0 : i32
    %dma_start3A_109 = tpu.memref_slice %arg4[%add3A_101, %dma_start3A_108] : memref<163840x128xf32, #tpu.memory_space<hbm>> -> memref<256x128xf32, #tpu.memory_space<hbm>>
    %dma_start3A_110 = tpu.memref_slice %arg9[%dma_start3A_103] : memref<2x!tpu.dma_semaphore, #tpu.memory_space<semaphore_mem>> -> memref<1x!tpu.dma_semaphore, #tpu.memory_space<semaphore_mem>>
    %dma_start3A_111 = tpu.memref_squeeze %dma_start3A_110 : memref<1x!tpu.dma_semaphore, #tpu.memory_space<semaphore_mem>> -> memref<!tpu.dma_semaphore, #tpu.memory_space<semaphore_mem>>
    %dma_start3A_112 = arith.constant 0 : i32
    %dma_start3A_113 = tpu.memref_slice %arg4[%add3A_101, %dma_start3A_112] : memref<163840x128xf32, #tpu.memory_space<hbm>> -> memref<256x128xf32, #tpu.memory_space<hbm>>
    %dma_start3A_114 = arith.constant 0 : i32
    %dma_start3A_115 = arith.constant 0 : i32
    %dma_start3A_116 = tpu.memref_slice %arg6[%dma_start3A_102, %dma_start3A_114, %dma_start3A_115] : memref<2x256x128xf32, #tpu.memory_space<vmem>> -> memref<1x256x128xf32, #tpu.memory_space<vmem>>
    %dma_start3A_117 = tpu.memref_squeeze %dma_start3A_116 : memref<1x256x128xf32, #tpu.memory_space<vmem>> -> memref<256x128xf32, #tpu.memory_space<vmem>>
    tpu.enqueue_dma source(%dma_start3A_117 : memref<256x128xf32, #tpu.memory_space<vmem>>) target(%dma_start3A_113 : memref<256x128xf32, #tpu.memory_space<hbm>>) target_semaphore(%dma_start3A_111 : memref<!tpu.dma_semaphore, #tpu.memory_space<semaphore_mem>>)
    %dma_wait3A_118 = arith.constant 1 : i32
    %dma_wait3A_119 = arith.constant 1 : i32
    %dma_wait3A_120 = arith.constant 0 : i32
    %dma_wait3A_121 = arith.constant 0 : i32
    %dma_wait3A_122 = tpu.memref_slice %arg6[%dma_wait3A_118, %dma_wait3A_120, %dma_wait3A_121] : memref<2x256x128xf32, #tpu.memory_space<vmem>> -> memref<1x256x128xf32, #tpu.memory_space<vmem>>
    %dma_wait3A_123 = tpu.memref_squeeze %dma_wait3A_122 : memref<1x256x128xf32, #tpu.memory_space<vmem>> -> memref<256x128xf32, #tpu.memory_space<vmem>>
    %dma_wait3A_124 = arith.constant 0 : i32
    %dma_wait3A_125 = tpu.memref_slice %arg4[%add3A_101, %dma_wait3A_124] : memref<163840x128xf32, #tpu.memory_space<hbm>> -> memref<256x128xf32, #tpu.memory_space<hbm>>
    %dma_wait3A_126 = tpu.memref_slice %arg9[%dma_wait3A_119] : memref<2x!tpu.dma_semaphore, #tpu.memory_space<semaphore_mem>> -> memref<1x!tpu.dma_semaphore, #tpu.memory_space<semaphore_mem>>
    %dma_wait3A_127 = tpu.memref_squeeze %dma_wait3A_126 : memref<1x!tpu.dma_semaphore, #tpu.memory_space<semaphore_mem>> -> memref<!tpu.dma_semaphore, #tpu.memory_space<semaphore_mem>>
    %dma_wait3A_128 = arith.constant 0 : i32
    %dma_wait3A_129 = tpu.memref_slice %arg4[%add3A_101, %dma_wait3A_128] : memref<163840x128xf32, #tpu.memory_space<hbm>> -> memref<256x128xf32, #tpu.memory_space<hbm>>
    %dma_wait3A_130 = arith.constant 0 : i32
    %dma_wait3A_131 = arith.constant 0 : i32
    %dma_wait3A_132 = tpu.memref_slice %arg6[%dma_wait3A_118, %dma_wait3A_130, %dma_wait3A_131] : memref<2x256x128xf32, #tpu.memory_space<vmem>> -> memref<1x256x128xf32, #tpu.memory_space<vmem>>
    %dma_wait3A_133 = tpu.memref_squeeze %dma_wait3A_132 : memref<1x256x128xf32, #tpu.memory_space<vmem>> -> memref<256x128xf32, #tpu.memory_space<vmem>>
    tpu.wait_dma2 semaphore(%dma_wait3A_127 : memref<!tpu.dma_semaphore, #tpu.memory_space<semaphore_mem>>) src(%dma_wait3A_133 : memref<256x128xf32, #tpu.memory_space<vmem>>) dst(%dma_wait3A_129 : memref<256x128xf32, #tpu.memory_space<hbm>>)
    %dma_start3A_134 = arith.constant 1 : i32
    %dma_start3A_135 = arith.constant 1 : i32
    %dma_start3A_136 = arith.constant 0 : i32
    %dma_start3A_137 = arith.constant 0 : i32
    %dma_start3A_138 = tpu.memref_slice %arg6[%dma_start3A_134, %dma_start3A_136, %dma_start3A_137] : memref<2x256x128xf32, #tpu.memory_space<vmem>> -> memref<1x256x128xf32, #tpu.memory_space<vmem>>
    %dma_start3A_139 = tpu.memref_squeeze %dma_start3A_138 : memref<1x256x128xf32, #tpu.memory_space<vmem>> -> memref<256x128xf32, #tpu.memory_space<vmem>>
    %dma_start3A_140 = arith.constant 768 : i32
    %dma_start3A_141 = tpu.memref_slice %arg5[%dma_start3A_140] : memref<5120xi32, #tpu.memory_space<vmem>> -> memref<256xi32, #tpu.memory_space<vmem>>
    %dma_start3A_142 = arith.constant 0 : i32
    %dma_start3A_143 = arith.constant 0 : i32
    %dma_start3A_144 = tpu.memref_slice %arg3[%dma_start3A_142, %dma_start3A_143] : memref<100000x128xf32, #tpu.memory_space<hbm>> -> memref<100000x128xf32, #tpu.memory_space<hbm>>
    %dma_start3A_145 = tpu.memref_slice %arg8[%dma_start3A_135] : memref<2x!tpu.dma_semaphore, #tpu.memory_space<semaphore_mem>> -> memref<1x!tpu.dma_semaphore, #tpu.memory_space<semaphore_mem>>
    %dma_start3A_146 = tpu.memref_squeeze %dma_start3A_145 : memref<1x!tpu.dma_semaphore, #tpu.memory_space<semaphore_mem>> -> memref<!tpu.dma_semaphore, #tpu.memory_space<semaphore_mem>>
    tpu.enqueue_indirect_dma source(%dma_start3A_144 : memref<100000x128xf32, #tpu.memory_space<hbm>>) target(%dma_start3A_139 : memref<256x128xf32, #tpu.memory_space<vmem>>) offsets(%dma_start3A_141 : memref<256xi32, #tpu.memory_space<vmem>>) semaphore(%dma_start3A_146 : memref<!tpu.dma_semaphore, #tpu.memory_space<semaphore_mem>>)
    %dma_wait3A_147 = arith.constant 0 : i32
    %dma_wait3A_148 = arith.constant 0 : i32
    %dma_wait3A_149 = arith.constant 0 : i32
    %dma_wait3A_150 = arith.constant 0 : i32
    %dma_wait3A_151 = tpu.memref_slice %arg6[%dma_wait3A_147, %dma_wait3A_149, %dma_wait3A_150] : memref<2x256x128xf32, #tpu.memory_space<vmem>> -> memref<1x256x128xf32, #tpu.memory_space<vmem>>
    %dma_wait3A_152 = tpu.memref_squeeze %dma_wait3A_151 : memref<1x256x128xf32, #tpu.memory_space<vmem>> -> memref<256x128xf32, #tpu.memory_space<vmem>>
    %dma_wait3A_153 = arith.constant 512 : i32
    %dma_wait3A_154 = tpu.memref_slice %arg5[%dma_wait3A_153] : memref<5120xi32, #tpu.memory_space<vmem>> -> memref<256xi32, #tpu.memory_space<vmem>>
    %dma_wait3A_155 = arith.constant 0 : i32
    %dma_wait3A_156 = arith.constant 0 : i32
    %dma_wait3A_157 = tpu.memref_slice %arg3[%dma_wait3A_155, %dma_wait3A_156] : memref<100000x128xf32, #tpu.memory_space<hbm>> -> memref<100000x128xf32, #tpu.memory_space<hbm>>
    %dma_wait3A_158 = tpu.memref_slice %arg8[%dma_wait3A_148] : memref<2x!tpu.dma_semaphore, #tpu.memory_space<semaphore_mem>> -> memref<1x!tpu.dma_semaphore, #tpu.memory_space<semaphore_mem>>
    %dma_wait3A_159 = tpu.memref_squeeze %dma_wait3A_158 : memref<1x!tpu.dma_semaphore, #tpu.memory_space<semaphore_mem>> -> memref<!tpu.dma_semaphore, #tpu.memory_space<semaphore_mem>>
    tpu.wait_indirect_dma semaphore(%dma_wait3A_159 : memref<!tpu.dma_semaphore, #tpu.memory_space<semaphore_mem>>) src(%dma_wait3A_157 : memref<100000x128xf32, #tpu.memory_space<hbm>>) dst(%dma_wait3A_152 : memref<256x128xf32, #tpu.memory_space<vmem>>)
    %add3A_160 = arith.constant 512 : i32
    %add3A_161 = arith.addi %mul3A_2, %add3A_160 : i32
    %dma_start3A_162 = arith.constant 0 : i32
    %dma_start3A_163 = arith.constant 0 : i32
    %dma_start3A_164 = arith.constant 0 : i32
    %dma_start3A_165 = arith.constant 0 : i32
    %dma_start3A_166 = tpu.memref_slice %arg6[%dma_start3A_162, %dma_start3A_164, %dma_start3A_165] : memref<2x256x128xf32, #tpu.memory_space<vmem>> -> memref<1x256x128xf32, #tpu.memory_space<vmem>>
    %dma_start3A_167 = tpu.memref_squeeze %dma_start3A_166 : memref<1x256x128xf32, #tpu.memory_space<vmem>> -> memref<256x128xf32, #tpu.memory_space<vmem>>
    %dma_start3A_168 = arith.constant 0 : i32
    %dma_start3A_169 = tpu.memref_slice %arg4[%add3A_161, %dma_start3A_168] : memref<163840x128xf32, #tpu.memory_space<hbm>> -> memref<256x128xf32, #tpu.memory_space<hbm>>
    %dma_start3A_170 = tpu.memref_slice %arg9[%dma_start3A_163] : memref<2x!tpu.dma_semaphore, #tpu.memory_space<semaphore_mem>> -> memref<1x!tpu.dma_semaphore, #tpu.memory_space<semaphore_mem>>
    %dma_start3A_171 = tpu.memref_squeeze %dma_start3A_170 : memref<1x!tpu.dma_semaphore, #tpu.memory_space<semaphore_mem>> -> memref<!tpu.dma_semaphore, #tpu.memory_space<semaphore_mem>>
    %dma_start3A_172 = arith.constant 0 : i32
    %dma_start3A_173 = tpu.memref_slice %arg4[%add3A_161, %dma_start3A_172] : memref<163840x128xf32, #tpu.memory_space<hbm>> -> memref<256x128xf32, #tpu.memory_space<hbm>>
    %dma_start3A_174 = arith.constant 0 : i32
    %dma_start3A_175 = arith.constant 0 : i32
    %dma_start3A_176 = tpu.memref_slice %arg6[%dma_start3A_162, %dma_start3A_174, %dma_start3A_175] : memref<2x256x128xf32, #tpu.memory_space<vmem>> -> memref<1x256x128xf32, #tpu.memory_space<vmem>>
    %dma_start3A_177 = tpu.memref_squeeze %dma_start3A_176 : memref<1x256x128xf32, #tpu.memory_space<vmem>> -> memref<256x128xf32, #tpu.memory_space<vmem>>
    tpu.enqueue_dma source(%dma_start3A_177 : memref<256x128xf32, #tpu.memory_space<vmem>>) target(%dma_start3A_173 : memref<256x128xf32, #tpu.memory_space<hbm>>) target_semaphore(%dma_start3A_171 : memref<!tpu.dma_semaphore, #tpu.memory_space<semaphore_mem>>)
    %dma_wait3A_178 = arith.constant 0 : i32
    %dma_wait3A_179 = arith.constant 0 : i32
    %dma_wait3A_180 = arith.constant 0 : i32
    %dma_wait3A_181 = arith.constant 0 : i32
    %dma_wait3A_182 = tpu.memref_slice %arg6[%dma_wait3A_178, %dma_wait3A_180, %dma_wait3A_181] : memref<2x256x128xf32, #tpu.memory_space<vmem>> -> memref<1x256x128xf32, #tpu.memory_space<vmem>>
    %dma_wait3A_183 = tpu.memref_squeeze %dma_wait3A_182 : memref<1x256x128xf32, #tpu.memory_space<vmem>> -> memref<256x128xf32, #tpu.memory_space<vmem>>
    %dma_wait3A_184 = arith.constant 0 : i32
    %dma_wait3A_185 = tpu.memref_slice %arg4[%add3A_161, %dma_wait3A_184] : memref<163840x128xf32, #tpu.memory_space<hbm>> -> memref<256x128xf32, #tpu.memory_space<hbm>>
    %dma_wait3A_186 = tpu.memref_slice %arg9[%dma_wait3A_179] : memref<2x!tpu.dma_semaphore, #tpu.memory_space<semaphore_mem>> -> memref<1x!tpu.dma_semaphore, #tpu.memory_space<semaphore_mem>>
    %dma_wait3A_187 = tpu.memref_squeeze %dma_wait3A_186 : memref<1x!tpu.dma_semaphore, #tpu.memory_space<semaphore_mem>> -> memref<!tpu.dma_semaphore, #tpu.memory_space<semaphore_mem>>
    %dma_wait3A_188 = arith.constant 0 : i32
    %dma_wait3A_189 = tpu.memref_slice %arg4[%add3A_161, %dma_wait3A_188] : memref<163840x128xf32, #tpu.memory_space<hbm>> -> memref<256x128xf32, #tpu.memory_space<hbm>>
    %dma_wait3A_190 = arith.constant 0 : i32
    %dma_wait3A_191 = arith.constant 0 : i32
    %dma_wait3A_192 = tpu.memref_slice %arg6[%dma_wait3A_178, %dma_wait3A_190, %dma_wait3A_191] : memref<2x256x128xf32, #tpu.memory_space<vmem>> -> memref<1x256x128xf32, #tpu.memory_space<vmem>>
    %dma_wait3A_193 = tpu.memref_squeeze %dma_wait3A_192 : memref<1x256x128xf32, #tpu.memory_space<vmem>> -> memref<256x128xf32, #tpu.memory_space<vmem>>
    tpu.wait_dma2 semaphore(%dma_wait3A_187 : memref<!tpu.dma_semaphore, #tpu.memory_space<semaphore_mem>>) src(%dma_wait3A_193 : memref<256x128xf32, #tpu.memory_space<vmem>>) dst(%dma_wait3A_189 : memref<256x128xf32, #tpu.memory_space<hbm>>)
    %dma_start3A_194 = arith.constant 0 : i32
    %dma_start3A_195 = arith.constant 0 : i32
    %dma_start3A_196 = arith.constant 0 : i32
    %dma_start3A_197 = arith.constant 0 : i32
    %dma_start3A_198 = tpu.memref_slice %arg6[%dma_start3A_194, %dma_start3A_196, %dma_start3A_197] : memref<2x256x128xf32, #tpu.memory_space<vmem>> -> memref<1x256x128xf32, #tpu.memory_space<vmem>>
    %dma_start3A_199 = tpu.memref_squeeze %dma_start3A_198 : memref<1x256x128xf32, #tpu.memory_space<vmem>> -> memref<256x128xf32, #tpu.memory_space<vmem>>
    %dma_start3A_200 = arith.constant 1024 : i32
    %dma_start3A_201 = tpu.memref_slice %arg5[%dma_start3A_200] : memref<5120xi32, #tpu.memory_space<vmem>> -> memref<256xi32, #tpu.memory_space<vmem>>
    %dma_start3A_202 = arith.constant 0 : i32
    %dma_start3A_203 = arith.constant 0 : i32
    %dma_start3A_204 = tpu.memref_slice %arg3[%dma_start3A_202, %dma_start3A_203] : memref<100000x128xf32, #tpu.memory_space<hbm>> -> memref<100000x128xf32, #tpu.memory_space<hbm>>
    %dma_start3A_205 = tpu.memref_slice %arg8[%dma_start3A_195] : memref<2x!tpu.dma_semaphore, #tpu.memory_space<semaphore_mem>> -> memref<1x!tpu.dma_semaphore, #tpu.memory_space<semaphore_mem>>
    %dma_start3A_206 = tpu.memref_squeeze %dma_start3A_205 : memref<1x!tpu.dma_semaphore, #tpu.memory_space<semaphore_mem>> -> memref<!tpu.dma_semaphore, #tpu.memory_space<semaphore_mem>>
    tpu.enqueue_indirect_dma source(%dma_start3A_204 : memref<100000x128xf32, #tpu.memory_space<hbm>>) target(%dma_start3A_199 : memref<256x128xf32, #tpu.memory_space<vmem>>) offsets(%dma_start3A_201 : memref<256xi32, #tpu.memory_space<vmem>>) semaphore(%dma_start3A_206 : memref<!tpu.dma_semaphore, #tpu.memory_space<semaphore_mem>>)
    %dma_wait3A_207 = arith.constant 1 : i32
    %dma_wait3A_208 = arith.constant 1 : i32
    %dma_wait3A_209 = arith.constant 0 : i32
    %dma_wait3A_210 = arith.constant 0 : i32
    %dma_wait3A_211 = tpu.memref_slice %arg6[%dma_wait3A_207, %dma_wait3A_209, %dma_wait3A_210] : memref<2x256x128xf32, #tpu.memory_space<vmem>> -> memref<1x256x128xf32, #tpu.memory_space<vmem>>
    %dma_wait3A_212 = tpu.memref_squeeze %dma_wait3A_211 : memref<1x256x128xf32, #tpu.memory_space<vmem>> -> memref<256x128xf32, #tpu.memory_space<vmem>>
    %dma_wait3A_213 = arith.constant 768 : i32
    %dma_wait3A_214 = tpu.memref_slice %arg5[%dma_wait3A_213] : memref<5120xi32, #tpu.memory_space<vmem>> -> memref<256xi32, #tpu.memory_space<vmem>>
    %dma_wait3A_215 = arith.constant 0 : i32
    %dma_wait3A_216 = arith.constant 0 : i32
    %dma_wait3A_217 = tpu.memref_slice %arg3[%dma_wait3A_215, %dma_wait3A_216] : memref<100000x128xf32, #tpu.memory_space<hbm>> -> memref<100000x128xf32, #tpu.memory_space<hbm>>
    %dma_wait3A_218 = tpu.memref_slice %arg8[%dma_wait3A_208] : memref<2x!tpu.dma_semaphore, #tpu.memory_space<semaphore_mem>> -> memref<1x!tpu.dma_semaphore, #tpu.memory_space<semaphore_mem>>
    %dma_wait3A_219 = tpu.memref_squeeze %dma_wait3A_218 : memref<1x!tpu.dma_semaphore, #tpu.memory_space<semaphore_mem>> -> memref<!tpu.dma_semaphore, #tpu.memory_space<semaphore_mem>>
    tpu.wait_indirect_dma semaphore(%dma_wait3A_219 : memref<!tpu.dma_semaphore, #tpu.memory_space<semaphore_mem>>) src(%dma_wait3A_217 : memref<100000x128xf32, #tpu.memory_space<hbm>>) dst(%dma_wait3A_212 : memref<256x128xf32, #tpu.memory_space<vmem>>)
    %add3A_220 = arith.constant 768 : i32
    %add3A_221 = arith.addi %mul3A_2, %add3A_220 : i32
    %dma_start3A_222 = arith.constant 1 : i32
    %dma_start3A_223 = arith.constant 1 : i32
    %dma_start3A_224 = arith.constant 0 : i32
    %dma_start3A_225 = arith.constant 0 : i32
    %dma_start3A_226 = tpu.memref_slice %arg6[%dma_start3A_222, %dma_start3A_224, %dma_start3A_225] : memref<2x256x128xf32, #tpu.memory_space<vmem>> -> memref<1x256x128xf32, #tpu.memory_space<vmem>>
    %dma_start3A_227 = tpu.memref_squeeze %dma_start3A_226 : memref<1x256x128xf32, #tpu.memory_space<vmem>> -> memref<256x128xf32, #tpu.memory_space<vmem>>
    %dma_start3A_228 = arith.constant 0 : i32
    %dma_start3A_229 = tpu.memref_slice %arg4[%add3A_221, %dma_start3A_228] : memref<163840x128xf32, #tpu.memory_space<hbm>> -> memref<256x128xf32, #tpu.memory_space<hbm>>
    %dma_start3A_230 = tpu.memref_slice %arg9[%dma_start3A_223] : memref<2x!tpu.dma_semaphore, #tpu.memory_space<semaphore_mem>> -> memref<1x!tpu.dma_semaphore, #tpu.memory_space<semaphore_mem>>
    %dma_start3A_231 = tpu.memref_squeeze %dma_start3A_230 : memref<1x!tpu.dma_semaphore, #tpu.memory_space<semaphore_mem>> -> memref<!tpu.dma_semaphore, #tpu.memory_space<semaphore_mem>>
    %dma_start3A_232 = arith.constant 0 : i32
    %dma_start3A_233 = tpu.memref_slice %arg4[%add3A_221, %dma_start3A_232] : memref<163840x128xf32, #tpu.memory_space<hbm>> -> memref<256x128xf32, #tpu.memory_space<hbm>>
    %dma_start3A_234 = arith.constant 0 : i32
    %dma_start3A_235 = arith.constant 0 : i32
    %dma_start3A_236 = tpu.memref_slice %arg6[%dma_start3A_222, %dma_start3A_234, %dma_start3A_235] : memref<2x256x128xf32, #tpu.memory_space<vmem>> -> memref<1x256x128xf32, #tpu.memory_space<vmem>>
    %dma_start3A_237 = tpu.memref_squeeze %dma_start3A_236 : memref<1x256x128xf32, #tpu.memory_space<vmem>> -> memref<256x128xf32, #tpu.memory_space<vmem>>
    tpu.enqueue_dma source(%dma_start3A_237 : memref<256x128xf32, #tpu.memory_space<vmem>>) target(%dma_start3A_233 : memref<256x128xf32, #tpu.memory_space<hbm>>) target_semaphore(%dma_start3A_231 : memref<!tpu.dma_semaphore, #tpu.memory_space<semaphore_mem>>)
    %dma_wait3A_238 = arith.constant 1 : i32
    %dma_wait3A_239 = arith.constant 1 : i32
    %dma_wait3A_240 = arith.constant 0 : i32
    %dma_wait3A_241 = arith.constant 0 : i32
    %dma_wait3A_242 = tpu.memref_slice %arg6[%dma_wait3A_238, %dma_wait3A_240, %dma_wait3A_241] : memref<2x256x128xf32, #tpu.memory_space<vmem>> -> memref<1x256x128xf32, #tpu.memory_space<vmem>>
    %dma_wait3A_243 = tpu.memref_squeeze %dma_wait3A_242 : memref<1x256x128xf32, #tpu.memory_space<vmem>> -> memref<256x128xf32, #tpu.memory_space<vmem>>
    %dma_wait3A_244 = arith.constant 0 : i32
    %dma_wait3A_245 = tpu.memref_slice %arg4[%add3A_221, %dma_wait3A_244] : memref<163840x128xf32, #tpu.memory_space<hbm>> -> memref<256x128xf32, #tpu.memory_space<hbm>>
    %dma_wait3A_246 = tpu.memref_slice %arg9[%dma_wait3A_239] : memref<2x!tpu.dma_semaphore, #tpu.memory_space<semaphore_mem>> -> memref<1x!tpu.dma_semaphore, #tpu.memory_space<semaphore_mem>>
    %dma_wait3A_247 = tpu.memref_squeeze %dma_wait3A_246 : memref<1x!tpu.dma_semaphore, #tpu.memory_space<semaphore_mem>> -> memref<!tpu.dma_semaphore, #tpu.memory_space<semaphore_mem>>
    %dma_wait3A_248 = arith.constant 0 : i32
    %dma_wait3A_249 = tpu.memref_slice %arg4[%add3A_221, %dma_wait3A_248] : memref<163840x128xf32, #tpu.memory_space<hbm>> -> memref<256x128xf32, #tpu.memory_space<hbm>>
    %dma_wait3A_250 = arith.constant 0 : i32
    %dma_wait3A_251 = arith.constant 0 : i32
    %dma_wait3A_252 = tpu.memref_slice %arg6[%dma_wait3A_238, %dma_wait3A_250, %dma_wait3A_251] : memref<2x256x128xf32, #tpu.memory_space<vmem>> -> memref<1x256x128xf32, #tpu.memory_space<vmem>>
    %dma_wait3A_253 = tpu.memref_squeeze %dma_wait3A_252 : memref<1x256x128xf32, #tpu.memory_space<vmem>> -> memref<256x128xf32, #tpu.memory_space<vmem>>
    tpu.wait_dma2 semaphore(%dma_wait3A_247 : memref<!tpu.dma_semaphore, #tpu.memory_space<semaphore_mem>>) src(%dma_wait3A_253 : memref<256x128xf32, #tpu.memory_space<vmem>>) dst(%dma_wait3A_249 : memref<256x128xf32, #tpu.memory_space<hbm>>)
    %dma_start3A_254 = arith.constant 1 : i32
    %dma_start3A_255 = arith.constant 1 : i32
    %dma_start3A_256 = arith.constant 0 : i32
    %dma_start3A_257 = arith.constant 0 : i32
    %dma_start3A_258 = tpu.memref_slice %arg6[%dma_start3A_254, %dma_start3A_256, %dma_start3A_257] : memref<2x256x128xf32, #tpu.memory_space<vmem>> -> memref<1x256x128xf32, #tpu.memory_space<vmem>>
    %dma_start3A_259 = tpu.memref_squeeze %dma_start3A_258 : memref<1x256x128xf32, #tpu.memory_space<vmem>> -> memref<256x128xf32, #tpu.memory_space<vmem>>
    %dma_start3A_260 = arith.constant 1280 : i32
    %dma_start3A_261 = tpu.memref_slice %arg5[%dma_start3A_260] : memref<5120xi32, #tpu.memory_space<vmem>> -> memref<256xi32, #tpu.memory_space<vmem>>
    %dma_start3A_262 = arith.constant 0 : i32
    %dma_start3A_263 = arith.constant 0 : i32
    %dma_start3A_264 = tpu.memref_slice %arg3[%dma_start3A_262, %dma_start3A_263] : memref<100000x128xf32, #tpu.memory_space<hbm>> -> memref<100000x128xf32, #tpu.memory_space<hbm>>
    %dma_start3A_265 = tpu.memref_slice %arg8[%dma_start3A_255] : memref<2x!tpu.dma_semaphore, #tpu.memory_space<semaphore_mem>> -> memref<1x!tpu.dma_semaphore, #tpu.memory_space<semaphore_mem>>
    %dma_start3A_266 = tpu.memref_squeeze %dma_start3A_265 : memref<1x!tpu.dma_semaphore, #tpu.memory_space<semaphore_mem>> -> memref<!tpu.dma_semaphore, #tpu.memory_space<semaphore_mem>>
    tpu.enqueue_indirect_dma source(%dma_start3A_264 : memref<100000x128xf32, #tpu.memory_space<hbm>>) target(%dma_start3A_259 : memref<256x128xf32, #tpu.memory_space<vmem>>) offsets(%dma_start3A_261 : memref<256xi32, #tpu.memory_space<vmem>>) semaphore(%dma_start3A_266 : memref<!tpu.dma_semaphore, #tpu.memory_space<semaphore_mem>>)
    %dma_wait3A_267 = arith.constant 0 : i32
    %dma_wait3A_268 = arith.constant 0 : i32
    %dma_wait3A_269 = arith.constant 0 : i32
    %dma_wait3A_270 = arith.constant 0 : i32
    %dma_wait3A_271 = tpu.memref_slice %arg6[%dma_wait3A_267, %dma_wait3A_269, %dma_wait3A_270] : memref<2x256x128xf32, #tpu.memory_space<vmem>> -> memref<1x256x128xf32, #tpu.memory_space<vmem>>
    %dma_wait3A_272 = tpu.memref_squeeze %dma_wait3A_271 : memref<1x256x128xf32, #tpu.memory_space<vmem>> -> memref<256x128xf32, #tpu.memory_space<vmem>>
    %dma_wait3A_273 = arith.constant 1024 : i32
    %dma_wait3A_274 = tpu.memref_slice %arg5[%dma_wait3A_273] : memref<5120xi32, #tpu.memory_space<vmem>> -> memref<256xi32, #tpu.memory_space<vmem>>
    %dma_wait3A_275 = arith.constant 0 : i32
    %dma_wait3A_276 = arith.constant 0 : i32
    %dma_wait3A_277 = tpu.memref_slice %arg3[%dma_wait3A_275, %dma_wait3A_276] : memref<100000x128xf32, #tpu.memory_space<hbm>> -> memref<100000x128xf32, #tpu.memory_space<hbm>>
    %dma_wait3A_278 = tpu.memref_slice %arg8[%dma_wait3A_268] : memref<2x!tpu.dma_semaphore, #tpu.memory_space<semaphore_mem>> -> memref<1x!tpu.dma_semaphore, #tpu.memory_space<semaphore_mem>>
    %dma_wait3A_279 = tpu.memref_squeeze %dma_wait3A_278 : memref<1x!tpu.dma_semaphore, #tpu.memory_space<semaphore_mem>> -> memref<!tpu.dma_semaphore, #tpu.memory_space<semaphore_mem>>
    tpu.wait_indirect_dma semaphore(%dma_wait3A_279 : memref<!tpu.dma_semaphore, #tpu.memory_space<semaphore_mem>>) src(%dma_wait3A_277 : memref<100000x128xf32, #tpu.memory_space<hbm>>) dst(%dma_wait3A_272 : memref<256x128xf32, #tpu.memory_space<vmem>>)
    %add3A_280 = arith.constant 1024 : i32
    %add3A_281 = arith.addi %mul3A_2, %add3A_280 : i32
    %dma_start3A_282 = arith.constant 0 : i32
    %dma_start3A_283 = arith.constant 0 : i32
    %dma_start3A_284 = arith.constant 0 : i32
    %dma_start3A_285 = arith.constant 0 : i32
    %dma_start3A_286 = tpu.memref_slice %arg6[%dma_start3A_282, %dma_start3A_284, %dma_start3A_285] : memref<2x256x128xf32, #tpu.memory_space<vmem>> -> memref<1x256x128xf32, #tpu.memory_space<vmem>>
    %dma_start3A_287 = tpu.memref_squeeze %dma_start3A_286 : memref<1x256x128xf32, #tpu.memory_space<vmem>> -> memref<256x128xf32, #tpu.memory_space<vmem>>
    %dma_start3A_288 = arith.constant 0 : i32
    %dma_start3A_289 = tpu.memref_slice %arg4[%add3A_281, %dma_start3A_288] : memref<163840x128xf32, #tpu.memory_space<hbm>> -> memref<256x128xf32, #tpu.memory_space<hbm>>
    %dma_start3A_290 = tpu.memref_slice %arg9[%dma_start3A_283] : memref<2x!tpu.dma_semaphore, #tpu.memory_space<semaphore_mem>> -> memref<1x!tpu.dma_semaphore, #tpu.memory_space<semaphore_mem>>
    %dma_start3A_291 = tpu.memref_squeeze %dma_start3A_290 : memref<1x!tpu.dma_semaphore, #tpu.memory_space<semaphore_mem>> -> memref<!tpu.dma_semaphore, #tpu.memory_space<semaphore_mem>>
    %dma_start3A_292 = arith.constant 0 : i32
    %dma_start3A_293 = tpu.memref_slice %arg4[%add3A_281, %dma_start3A_292] : memref<163840x128xf32, #tpu.memory_space<hbm>> -> memref<256x128xf32, #tpu.memory_space<hbm>>
    %dma_start3A_294 = arith.constant 0 : i32
    %dma_start3A_295 = arith.constant 0 : i32
    %dma_start3A_296 = tpu.memref_slice %arg6[%dma_start3A_282, %dma_start3A_294, %dma_start3A_295] : memref<2x256x128xf32, #tpu.memory_space<vmem>> -> memref<1x256x128xf32, #tpu.memory_space<vmem>>
    %dma_start3A_297 = tpu.memref_squeeze %dma_start3A_296 : memref<1x256x128xf32, #tpu.memory_space<vmem>> -> memref<256x128xf32, #tpu.memory_space<vmem>>
    tpu.enqueue_dma source(%dma_start3A_297 : memref<256x128xf32, #tpu.memory_space<vmem>>) target(%dma_start3A_293 : memref<256x128xf32, #tpu.memory_space<hbm>>) target_semaphore(%dma_start3A_291 : memref<!tpu.dma_semaphore, #tpu.memory_space<semaphore_mem>>)
    %dma_wait3A_298 = arith.constant 0 : i32
    %dma_wait3A_299 = arith.constant 0 : i32
    %dma_wait3A_300 = arith.constant 0 : i32
    %dma_wait3A_301 = arith.constant 0 : i32
    %dma_wait3A_302 = tpu.memref_slice %arg6[%dma_wait3A_298, %dma_wait3A_300, %dma_wait3A_301] : memref<2x256x128xf32, #tpu.memory_space<vmem>> -> memref<1x256x128xf32, #tpu.memory_space<vmem>>
    %dma_wait3A_303 = tpu.memref_squeeze %dma_wait3A_302 : memref<1x256x128xf32, #tpu.memory_space<vmem>> -> memref<256x128xf32, #tpu.memory_space<vmem>>
    %dma_wait3A_304 = arith.constant 0 : i32
    %dma_wait3A_305 = tpu.memref_slice %arg4[%add3A_281, %dma_wait3A_304] : memref<163840x128xf32, #tpu.memory_space<hbm>> -> memref<256x128xf32, #tpu.memory_space<hbm>>
    %dma_wait3A_306 = tpu.memref_slice %arg9[%dma_wait3A_299] : memref<2x!tpu.dma_semaphore, #tpu.memory_space<semaphore_mem>> -> memref<1x!tpu.dma_semaphore, #tpu.memory_space<semaphore_mem>>
    %dma_wait3A_307 = tpu.memref_squeeze %dma_wait3A_306 : memref<1x!tpu.dma_semaphore, #tpu.memory_space<semaphore_mem>> -> memref<!tpu.dma_semaphore, #tpu.memory_space<semaphore_mem>>
    %dma_wait3A_308 = arith.constant 0 : i32
    %dma_wait3A_309 = tpu.memref_slice %arg4[%add3A_281, %dma_wait3A_308] : memref<163840x128xf32, #tpu.memory_space<hbm>> -> memref<256x128xf32, #tpu.memory_space<hbm>>
    %dma_wait3A_310 = arith.constant 0 : i32
    %dma_wait3A_311 = arith.constant 0 : i32
    %dma_wait3A_312 = tpu.memref_slice %arg6[%dma_wait3A_298, %dma_wait3A_310, %dma_wait3A_311] : memref<2x256x128xf32, #tpu.memory_space<vmem>> -> memref<1x256x128xf32, #tpu.memory_space<vmem>>
    %dma_wait3A_313 = tpu.memref_squeeze %dma_wait3A_312 : memref<1x256x128xf32, #tpu.memory_space<vmem>> -> memref<256x128xf32, #tpu.memory_space<vmem>>
    tpu.wait_dma2 semaphore(%dma_wait3A_307 : memref<!tpu.dma_semaphore, #tpu.memory_space<semaphore_mem>>) src(%dma_wait3A_313 : memref<256x128xf32, #tpu.memory_space<vmem>>) dst(%dma_wait3A_309 : memref<256x128xf32, #tpu.memory_space<hbm>>)
    %dma_start3A_314 = arith.constant 0 : i32
    %dma_start3A_315 = arith.constant 0 : i32
    %dma_start3A_316 = arith.constant 0 : i32
    %dma_start3A_317 = arith.constant 0 : i32
    %dma_start3A_318 = tpu.memref_slice %arg6[%dma_start3A_314, %dma_start3A_316, %dma_start3A_317] : memref<2x256x128xf32, #tpu.memory_space<vmem>> -> memref<1x256x128xf32, #tpu.memory_space<vmem>>
    %dma_start3A_319 = tpu.memref_squeeze %dma_start3A_318 : memref<1x256x128xf32, #tpu.memory_space<vmem>> -> memref<256x128xf32, #tpu.memory_space<vmem>>
    %dma_start3A_320 = arith.constant 1536 : i32
    %dma_start3A_321 = tpu.memref_slice %arg5[%dma_start3A_320] : memref<5120xi32, #tpu.memory_space<vmem>> -> memref<256xi32, #tpu.memory_space<vmem>>
    %dma_start3A_322 = arith.constant 0 : i32
    %dma_start3A_323 = arith.constant 0 : i32
    %dma_start3A_324 = tpu.memref_slice %arg3[%dma_start3A_322, %dma_start3A_323] : memref<100000x128xf32, #tpu.memory_space<hbm>> -> memref<100000x128xf32, #tpu.memory_space<hbm>>
    %dma_start3A_325 = tpu.memref_slice %arg8[%dma_start3A_315] : memref<2x!tpu.dma_semaphore, #tpu.memory_space<semaphore_mem>> -> memref<1x!tpu.dma_semaphore, #tpu.memory_space<semaphore_mem>>
    %dma_start3A_326 = tpu.memref_squeeze %dma_start3A_325 : memref<1x!tpu.dma_semaphore, #tpu.memory_space<semaphore_mem>> -> memref<!tpu.dma_semaphore, #tpu.memory_space<semaphore_mem>>
    tpu.enqueue_indirect_dma source(%dma_start3A_324 : memref<100000x128xf32, #tpu.memory_space<hbm>>) target(%dma_start3A_319 : memref<256x128xf32, #tpu.memory_space<vmem>>) offsets(%dma_start3A_321 : memref<256xi32, #tpu.memory_space<vmem>>) semaphore(%dma_start3A_326 : memref<!tpu.dma_semaphore, #tpu.memory_space<semaphore_mem>>)
    %dma_wait3A_327 = arith.constant 1 : i32
    %dma_wait3A_328 = arith.constant 1 : i32
    %dma_wait3A_329 = arith.constant 0 : i32
    %dma_wait3A_330 = arith.constant 0 : i32
    %dma_wait3A_331 = tpu.memref_slice %arg6[%dma_wait3A_327, %dma_wait3A_329, %dma_wait3A_330] : memref<2x256x128xf32, #tpu.memory_space<vmem>> -> memref<1x256x128xf32, #tpu.memory_space<vmem>>
    %dma_wait3A_332 = tpu.memref_squeeze %dma_wait3A_331 : memref<1x256x128xf32, #tpu.memory_space<vmem>> -> memref<256x128xf32, #tpu.memory_space<vmem>>
    %dma_wait3A_333 = arith.constant 1280 : i32
    %dma_wait3A_334 = tpu.memref_slice %arg5[%dma_wait3A_333] : memref<5120xi32, #tpu.memory_space<vmem>> -> memref<256xi32, #tpu.memory_space<vmem>>
    %dma_wait3A_335 = arith.constant 0 : i32
    %dma_wait3A_336 = arith.constant 0 : i32
    %dma_wait3A_337 = tpu.memref_slice %arg3[%dma_wait3A_335, %dma_wait3A_336] : memref<100000x128xf32, #tpu.memory_space<hbm>> -> memref<100000x128xf32, #tpu.memory_space<hbm>>
    %dma_wait3A_338 = tpu.memref_slice %arg8[%dma_wait3A_328] : memref<2x!tpu.dma_semaphore, #tpu.memory_space<semaphore_mem>> -> memref<1x!tpu.dma_semaphore, #tpu.memory_space<semaphore_mem>>
    %dma_wait3A_339 = tpu.memref_squeeze %dma_wait3A_338 : memref<1x!tpu.dma_semaphore, #tpu.memory_space<semaphore_mem>> -> memref<!tpu.dma_semaphore, #tpu.memory_space<semaphore_mem>>
    tpu.wait_indirect_dma semaphore(%dma_wait3A_339 : memref<!tpu.dma_semaphore, #tpu.memory_space<semaphore_mem>>) src(%dma_wait3A_337 : memref<100000x128xf32, #tpu.memory_space<hbm>>) dst(%dma_wait3A_332 : memref<256x128xf32, #tpu.memory_space<vmem>>)
    %add3A_340 = arith.constant 1280 : i32
    %add3A_341 = arith.addi %mul3A_2, %add3A_340 : i32
    %dma_start3A_342 = arith.constant 1 : i32
    %dma_start3A_343 = arith.constant 1 : i32
    %dma_start3A_344 = arith.constant 0 : i32
    %dma_start3A_345 = arith.constant 0 : i32
    %dma_start3A_346 = tpu.memref_slice %arg6[%dma_start3A_342, %dma_start3A_344, %dma_start3A_345] : memref<2x256x128xf32, #tpu.memory_space<vmem>> -> memref<1x256x128xf32, #tpu.memory_space<vmem>>
    %dma_start3A_347 = tpu.memref_squeeze %dma_start3A_346 : memref<1x256x128xf32, #tpu.memory_space<vmem>> -> memref<256x128xf32, #tpu.memory_space<vmem>>
    %dma_start3A_348 = arith.constant 0 : i32
    %dma_start3A_349 = tpu.memref_slice %arg4[%add3A_341, %dma_start3A_348] : memref<163840x128xf32, #tpu.memory_space<hbm>> -> memref<256x128xf32, #tpu.memory_space<hbm>>
    %dma_start3A_350 = tpu.memref_slice %arg9[%dma_start3A_343] : memref<2x!tpu.dma_semaphore, #tpu.memory_space<semaphore_mem>> -> memref<1x!tpu.dma_semaphore, #tpu.memory_space<semaphore_mem>>
    %dma_start3A_351 = tpu.memref_squeeze %dma_start3A_350 : memref<1x!tpu.dma_semaphore, #tpu.memory_space<semaphore_mem>> -> memref<!tpu.dma_semaphore, #tpu.memory_space<semaphore_mem>>
    %dma_start3A_352 = arith.constant 0 : i32
    %dma_start3A_353 = tpu.memref_slice %arg4[%add3A_341, %dma_start3A_352] : memref<163840x128xf32, #tpu.memory_space<hbm>> -> memref<256x128xf32, #tpu.memory_space<hbm>>
    %dma_start3A_354 = arith.constant 0 : i32
    %dma_start3A_355 = arith.constant 0 : i32
    %dma_start3A_356 = tpu.memref_slice %arg6[%dma_start3A_342, %dma_start3A_354, %dma_start3A_355] : memref<2x256x128xf32, #tpu.memory_space<vmem>> -> memref<1x256x128xf32, #tpu.memory_space<vmem>>
    %dma_start3A_357 = tpu.memref_squeeze %dma_start3A_356 : memref<1x256x128xf32, #tpu.memory_space<vmem>> -> memref<256x128xf32, #tpu.memory_space<vmem>>
    tpu.enqueue_dma source(%dma_start3A_357 : memref<256x128xf32, #tpu.memory_space<vmem>>) target(%dma_start3A_353 : memref<256x128xf32, #tpu.memory_space<hbm>>) target_semaphore(%dma_start3A_351 : memref<!tpu.dma_semaphore, #tpu.memory_space<semaphore_mem>>)
    %dma_wait3A_358 = arith.constant 1 : i32
    %dma_wait3A_359 = arith.constant 1 : i32
    %dma_wait3A_360 = arith.constant 0 : i32
    %dma_wait3A_361 = arith.constant 0 : i32
    %dma_wait3A_362 = tpu.memref_slice %arg6[%dma_wait3A_358, %dma_wait3A_360, %dma_wait3A_361] : memref<2x256x128xf32, #tpu.memory_space<vmem>> -> memref<1x256x128xf32, #tpu.memory_space<vmem>>
    %dma_wait3A_363 = tpu.memref_squeeze %dma_wait3A_362 : memref<1x256x128xf32, #tpu.memory_space<vmem>> -> memref<256x128xf32, #tpu.memory_space<vmem>>
    %dma_wait3A_364 = arith.constant 0 : i32
    %dma_wait3A_365 = tpu.memref_slice %arg4[%add3A_341, %dma_wait3A_364] : memref<163840x128xf32, #tpu.memory_space<hbm>> -> memref<256x128xf32, #tpu.memory_space<hbm>>
    %dma_wait3A_366 = tpu.memref_slice %arg9[%dma_wait3A_359] : memref<2x!tpu.dma_semaphore, #tpu.memory_space<semaphore_mem>> -> memref<1x!tpu.dma_semaphore, #tpu.memory_space<semaphore_mem>>
    %dma_wait3A_367 = tpu.memref_squeeze %dma_wait3A_366 : memref<1x!tpu.dma_semaphore, #tpu.memory_space<semaphore_mem>> -> memref<!tpu.dma_semaphore, #tpu.memory_space<semaphore_mem>>
    %dma_wait3A_368 = arith.constant 0 : i32
    %dma_wait3A_369 = tpu.memref_slice %arg4[%add3A_341, %dma_wait3A_368] : memref<163840x128xf32, #tpu.memory_space<hbm>> -> memref<256x128xf32, #tpu.memory_space<hbm>>
    %dma_wait3A_370 = arith.constant 0 : i32
    %dma_wait3A_371 = arith.constant 0 : i32
    %dma_wait3A_372 = tpu.memref_slice %arg6[%dma_wait3A_358, %dma_wait3A_370, %dma_wait3A_371] : memref<2x256x128xf32, #tpu.memory_space<vmem>> -> memref<1x256x128xf32, #tpu.memory_space<vmem>>
    %dma_wait3A_373 = tpu.memref_squeeze %dma_wait3A_372 : memref<1x256x128xf32, #tpu.memory_space<vmem>> -> memref<256x128xf32, #tpu.memory_space<vmem>>
    tpu.wait_dma2 semaphore(%dma_wait3A_367 : memref<!tpu.dma_semaphore, #tpu.memory_space<semaphore_mem>>) src(%dma_wait3A_373 : memref<256x128xf32, #tpu.memory_space<vmem>>) dst(%dma_wait3A_369 : memref<256x128xf32, #tpu.memory_space<hbm>>)
    %dma_start3A_374 = arith.constant 1 : i32
    %dma_start3A_375 = arith.constant 1 : i32
    %dma_start3A_376 = arith.constant 0 : i32
    %dma_start3A_377 = arith.constant 0 : i32
    %dma_start3A_378 = tpu.memref_slice %arg6[%dma_start3A_374, %dma_start3A_376, %dma_start3A_377] : memref<2x256x128xf32, #tpu.memory_space<vmem>> -> memref<1x256x128xf32, #tpu.memory_space<vmem>>
    %dma_start3A_379 = tpu.memref_squeeze %dma_start3A_378 : memref<1x256x128xf32, #tpu.memory_space<vmem>> -> memref<256x128xf32, #tpu.memory_space<vmem>>
    %dma_start3A_380 = arith.constant 1792 : i32
    %dma_start3A_381 = tpu.memref_slice %arg5[%dma_start3A_380] : memref<5120xi32, #tpu.memory_space<vmem>> -> memref<256xi32, #tpu.memory_space<vmem>>
    %dma_start3A_382 = arith.constant 0 : i32
    %dma_start3A_383 = arith.constant 0 : i32
    %dma_start3A_384 = tpu.memref_slice %arg3[%dma_start3A_382, %dma_start3A_383] : memref<100000x128xf32, #tpu.memory_space<hbm>> -> memref<100000x128xf32, #tpu.memory_space<hbm>>
    %dma_start3A_385 = tpu.memref_slice %arg8[%dma_start3A_375] : memref<2x!tpu.dma_semaphore, #tpu.memory_space<semaphore_mem>> -> memref<1x!tpu.dma_semaphore, #tpu.memory_space<semaphore_mem>>
    %dma_start3A_386 = tpu.memref_squeeze %dma_start3A_385 : memref<1x!tpu.dma_semaphore, #tpu.memory_space<semaphore_mem>> -> memref<!tpu.dma_semaphore, #tpu.memory_space<semaphore_mem>>
    tpu.enqueue_indirect_dma source(%dma_start3A_384 : memref<100000x128xf32, #tpu.memory_space<hbm>>) target(%dma_start3A_379 : memref<256x128xf32, #tpu.memory_space<vmem>>) offsets(%dma_start3A_381 : memref<256xi32, #tpu.memory_space<vmem>>) semaphore(%dma_start3A_386 : memref<!tpu.dma_semaphore, #tpu.memory_space<semaphore_mem>>)
    %dma_wait3A_387 = arith.constant 0 : i32
    %dma_wait3A_388 = arith.constant 0 : i32
    %dma_wait3A_389 = arith.constant 0 : i32
    %dma_wait3A_390 = arith.constant 0 : i32
    %dma_wait3A_391 = tpu.memref_slice %arg6[%dma_wait3A_387, %dma_wait3A_389, %dma_wait3A_390] : memref<2x256x128xf32, #tpu.memory_space<vmem>> -> memref<1x256x128xf32, #tpu.memory_space<vmem>>
    %dma_wait3A_392 = tpu.memref_squeeze %dma_wait3A_391 : memref<1x256x128xf32, #tpu.memory_space<vmem>> -> memref<256x128xf32, #tpu.memory_space<vmem>>
    %dma_wait3A_393 = arith.constant 1536 : i32
    %dma_wait3A_394 = tpu.memref_slice %arg5[%dma_wait3A_393] : memref<5120xi32, #tpu.memory_space<vmem>> -> memref<256xi32, #tpu.memory_space<vmem>>
    %dma_wait3A_395 = arith.constant 0 : i32
    %dma_wait3A_396 = arith.constant 0 : i32
    %dma_wait3A_397 = tpu.memref_slice %arg3[%dma_wait3A_395, %dma_wait3A_396] : memref<100000x128xf32, #tpu.memory_space<hbm>> -> memref<100000x128xf32, #tpu.memory_space<hbm>>
    %dma_wait3A_398 = tpu.memref_slice %arg8[%dma_wait3A_388] : memref<2x!tpu.dma_semaphore, #tpu.memory_space<semaphore_mem>> -> memref<1x!tpu.dma_semaphore, #tpu.memory_space<semaphore_mem>>
    %dma_wait3A_399 = tpu.memref_squeeze %dma_wait3A_398 : memref<1x!tpu.dma_semaphore, #tpu.memory_space<semaphore_mem>> -> memref<!tpu.dma_semaphore, #tpu.memory_space<semaphore_mem>>
    tpu.wait_indirect_dma semaphore(%dma_wait3A_399 : memref<!tpu.dma_semaphore, #tpu.memory_space<semaphore_mem>>) src(%dma_wait3A_397 : memref<100000x128xf32, #tpu.memory_space<hbm>>) dst(%dma_wait3A_392 : memref<256x128xf32, #tpu.memory_space<vmem>>)
    %add3A_400 = arith.constant 1536 : i32
    %add3A_401 = arith.addi %mul3A_2, %add3A_400 : i32
    %dma_start3A_402 = arith.constant 0 : i32
    %dma_start3A_403 = arith.constant 0 : i32
    %dma_start3A_404 = arith.constant 0 : i32
    %dma_start3A_405 = arith.constant 0 : i32
    %dma_start3A_406 = tpu.memref_slice %arg6[%dma_start3A_402, %dma_start3A_404, %dma_start3A_405] : memref<2x256x128xf32, #tpu.memory_space<vmem>> -> memref<1x256x128xf32, #tpu.memory_space<vmem>>
    %dma_start3A_407 = tpu.memref_squeeze %dma_start3A_406 : memref<1x256x128xf32, #tpu.memory_space<vmem>> -> memref<256x128xf32, #tpu.memory_space<vmem>>
    %dma_start3A_408 = arith.constant 0 : i32
    %dma_start3A_409 = tpu.memref_slice %arg4[%add3A_401, %dma_start3A_408] : memref<163840x128xf32, #tpu.memory_space<hbm>> -> memref<256x128xf32, #tpu.memory_space<hbm>>
    %dma_start3A_410 = tpu.memref_slice %arg9[%dma_start3A_403] : memref<2x!tpu.dma_semaphore, #tpu.memory_space<semaphore_mem>> -> memref<1x!tpu.dma_semaphore, #tpu.memory_space<semaphore_mem>>
    %dma_start3A_411 = tpu.memref_squeeze %dma_start3A_410 : memref<1x!tpu.dma_semaphore, #tpu.memory_space<semaphore_mem>> -> memref<!tpu.dma_semaphore, #tpu.memory_space<semaphore_mem>>
    %dma_start3A_412 = arith.constant 0 : i32
    %dma_start3A_413 = tpu.memref_slice %arg4[%add3A_401, %dma_start3A_412] : memref<163840x128xf32, #tpu.memory_space<hbm>> -> memref<256x128xf32, #tpu.memory_space<hbm>>
    %dma_start3A_414 = arith.constant 0 : i32
    %dma_start3A_415 = arith.constant 0 : i32
    %dma_start3A_416 = tpu.memref_slice %arg6[%dma_start3A_402, %dma_start3A_414, %dma_start3A_415] : memref<2x256x128xf32, #tpu.memory_space<vmem>> -> memref<1x256x128xf32, #tpu.memory_space<vmem>>
    %dma_start3A_417 = tpu.memref_squeeze %dma_start3A_416 : memref<1x256x128xf32, #tpu.memory_space<vmem>> -> memref<256x128xf32, #tpu.memory_space<vmem>>
    tpu.enqueue_dma source(%dma_start3A_417 : memref<256x128xf32, #tpu.memory_space<vmem>>) target(%dma_start3A_413 : memref<256x128xf32, #tpu.memory_space<hbm>>) target_semaphore(%dma_start3A_411 : memref<!tpu.dma_semaphore, #tpu.memory_space<semaphore_mem>>)
    %dma_wait3A_418 = arith.constant 0 : i32
    %dma_wait3A_419 = arith.constant 0 : i32
    %dma_wait3A_420 = arith.constant 0 : i32
    %dma_wait3A_421 = arith.constant 0 : i32
    %dma_wait3A_422 = tpu.memref_slice %arg6[%dma_wait3A_418, %dma_wait3A_420, %dma_wait3A_421] : memref<2x256x128xf32, #tpu.memory_space<vmem>> -> memref<1x256x128xf32, #tpu.memory_space<vmem>>
    %dma_wait3A_423 = tpu.memref_squeeze %dma_wait3A_422 : memref<1x256x128xf32, #tpu.memory_space<vmem>> -> memref<256x128xf32, #tpu.memory_space<vmem>>
    %dma_wait3A_424 = arith.constant 0 : i32
    %dma_wait3A_425 = tpu.memref_slice %arg4[%add3A_401, %dma_wait3A_424] : memref<163840x128xf32, #tpu.memory_space<hbm>> -> memref<256x128xf32, #tpu.memory_space<hbm>>
    %dma_wait3A_426 = tpu.memref_slice %arg9[%dma_wait3A_419] : memref<2x!tpu.dma_semaphore, #tpu.memory_space<semaphore_mem>> -> memref<1x!tpu.dma_semaphore, #tpu.memory_space<semaphore_mem>>
    %dma_wait3A_427 = tpu.memref_squeeze %dma_wait3A_426 : memref<1x!tpu.dma_semaphore, #tpu.memory_space<semaphore_mem>> -> memref<!tpu.dma_semaphore, #tpu.memory_space<semaphore_mem>>
    %dma_wait3A_428 = arith.constant 0 : i32
    %dma_wait3A_429 = tpu.memref_slice %arg4[%add3A_401, %dma_wait3A_428] : memref<163840x128xf32, #tpu.memory_space<hbm>> -> memref<256x128xf32, #tpu.memory_space<hbm>>
    %dma_wait3A_430 = arith.constant 0 : i32
    %dma_wait3A_431 = arith.constant 0 : i32
    %dma_wait3A_432 = tpu.memref_slice %arg6[%dma_wait3A_418, %dma_wait3A_430, %dma_wait3A_431] : memref<2x256x128xf32, #tpu.memory_space<vmem>> -> memref<1x256x128xf32, #tpu.memory_space<vmem>>
    %dma_wait3A_433 = tpu.memref_squeeze %dma_wait3A_432 : memref<1x256x128xf32, #tpu.memory_space<vmem>> -> memref<256x128xf32, #tpu.memory_space<vmem>>
    tpu.wait_dma2 semaphore(%dma_wait3A_427 : memref<!tpu.dma_semaphore, #tpu.memory_space<semaphore_mem>>) src(%dma_wait3A_433 : memref<256x128xf32, #tpu.memory_space<vmem>>) dst(%dma_wait3A_429 : memref<256x128xf32, #tpu.memory_space<hbm>>)
    %dma_start3A_434 = arith.constant 0 : i32
    %dma_start3A_435 = arith.constant 0 : i32
    %dma_start3A_436 = arith.constant 0 : i32
    %dma_start3A_437 = arith.constant 0 : i32
    %dma_start3A_438 = tpu.memref_slice %arg6[%dma_start3A_434, %dma_start3A_436, %dma_start3A_437] : memref<2x256x128xf32, #tpu.memory_space<vmem>> -> memref<1x256x128xf32, #tpu.memory_space<vmem>>
    %dma_start3A_439 = tpu.memref_squeeze %dma_start3A_438 : memref<1x256x128xf32, #tpu.memory_space<vmem>> -> memref<256x128xf32, #tpu.memory_space<vmem>>
    %dma_start3A_440 = arith.constant 2048 : i32
    %dma_start3A_441 = tpu.memref_slice %arg5[%dma_start3A_440] : memref<5120xi32, #tpu.memory_space<vmem>> -> memref<256xi32, #tpu.memory_space<vmem>>
    %dma_start3A_442 = arith.constant 0 : i32
    %dma_start3A_443 = arith.constant 0 : i32
    %dma_start3A_444 = tpu.memref_slice %arg3[%dma_start3A_442, %dma_start3A_443] : memref<100000x128xf32, #tpu.memory_space<hbm>> -> memref<100000x128xf32, #tpu.memory_space<hbm>>
    %dma_start3A_445 = tpu.memref_slice %arg8[%dma_start3A_435] : memref<2x!tpu.dma_semaphore, #tpu.memory_space<semaphore_mem>> -> memref<1x!tpu.dma_semaphore, #tpu.memory_space<semaphore_mem>>
    %dma_start3A_446 = tpu.memref_squeeze %dma_start3A_445 : memref<1x!tpu.dma_semaphore, #tpu.memory_space<semaphore_mem>> -> memref<!tpu.dma_semaphore, #tpu.memory_space<semaphore_mem>>
    tpu.enqueue_indirect_dma source(%dma_start3A_444 : memref<100000x128xf32, #tpu.memory_space<hbm>>) target(%dma_start3A_439 : memref<256x128xf32, #tpu.memory_space<vmem>>) offsets(%dma_start3A_441 : memref<256xi32, #tpu.memory_space<vmem>>) semaphore(%dma_start3A_446 : memref<!tpu.dma_semaphore, #tpu.memory_space<semaphore_mem>>)
    %dma_wait3A_447 = arith.constant 1 : i32
    %dma_wait3A_448 = arith.constant 1 : i32
    %dma_wait3A_449 = arith.constant 0 : i32
    %dma_wait3A_450 = arith.constant 0 : i32
    %dma_wait3A_451 = tpu.memref_slice %arg6[%dma_wait3A_447, %dma_wait3A_449, %dma_wait3A_450] : memref<2x256x128xf32, #tpu.memory_space<vmem>> -> memref<1x256x128xf32, #tpu.memory_space<vmem>>
    %dma_wait3A_452 = tpu.memref_squeeze %dma_wait3A_451 : memref<1x256x128xf32, #tpu.memory_space<vmem>> -> memref<256x128xf32, #tpu.memory_space<vmem>>
    %dma_wait3A_453 = arith.constant 1792 : i32
    %dma_wait3A_454 = tpu.memref_slice %arg5[%dma_wait3A_453] : memref<5120xi32, #tpu.memory_space<vmem>> -> memref<256xi32, #tpu.memory_space<vmem>>
    %dma_wait3A_455 = arith.constant 0 : i32
    %dma_wait3A_456 = arith.constant 0 : i32
    %dma_wait3A_457 = tpu.memref_slice %arg3[%dma_wait3A_455, %dma_wait3A_456] : memref<100000x128xf32, #tpu.memory_space<hbm>> -> memref<100000x128xf32, #tpu.memory_space<hbm>>
    %dma_wait3A_458 = tpu.memref_slice %arg8[%dma_wait3A_448] : memref<2x!tpu.dma_semaphore, #tpu.memory_space<semaphore_mem>> -> memref<1x!tpu.dma_semaphore, #tpu.memory_space<semaphore_mem>>
    %dma_wait3A_459 = tpu.memref_squeeze %dma_wait3A_458 : memref<1x!tpu.dma_semaphore, #tpu.memory_space<semaphore_mem>> -> memref<!tpu.dma_semaphore, #tpu.memory_space<semaphore_mem>>
    tpu.wait_indirect_dma semaphore(%dma_wait3A_459 : memref<!tpu.dma_semaphore, #tpu.memory_space<semaphore_mem>>) src(%dma_wait3A_457 : memref<100000x128xf32, #tpu.memory_space<hbm>>) dst(%dma_wait3A_452 : memref<256x128xf32, #tpu.memory_space<vmem>>)
    %add3A_460 = arith.constant 1792 : i32
    %add3A_461 = arith.addi %mul3A_2, %add3A_460 : i32
    %dma_start3A_462 = arith.constant 1 : i32
    %dma_start3A_463 = arith.constant 1 : i32
    %dma_start3A_464 = arith.constant 0 : i32
    %dma_start3A_465 = arith.constant 0 : i32
    %dma_start3A_466 = tpu.memref_slice %arg6[%dma_start3A_462, %dma_start3A_464, %dma_start3A_465] : memref<2x256x128xf32, #tpu.memory_space<vmem>> -> memref<1x256x128xf32, #tpu.memory_space<vmem>>
    %dma_start3A_467 = tpu.memref_squeeze %dma_start3A_466 : memref<1x256x128xf32, #tpu.memory_space<vmem>> -> memref<256x128xf32, #tpu.memory_space<vmem>>
    %dma_start3A_468 = arith.constant 0 : i32
    %dma_start3A_469 = tpu.memref_slice %arg4[%add3A_461, %dma_start3A_468] : memref<163840x128xf32, #tpu.memory_space<hbm>> -> memref<256x128xf32, #tpu.memory_space<hbm>>
    %dma_start3A_470 = tpu.memref_slice %arg9[%dma_start3A_463] : memref<2x!tpu.dma_semaphore, #tpu.memory_space<semaphore_mem>> -> memref<1x!tpu.dma_semaphore, #tpu.memory_space<semaphore_mem>>
    %dma_start3A_471 = tpu.memref_squeeze %dma_start3A_470 : memref<1x!tpu.dma_semaphore, #tpu.memory_space<semaphore_mem>> -> memref<!tpu.dma_semaphore, #tpu.memory_space<semaphore_mem>>
    %dma_start3A_472 = arith.constant 0 : i32
    %dma_start3A_473 = tpu.memref_slice %arg4[%add3A_461, %dma_start3A_472] : memref<163840x128xf32, #tpu.memory_space<hbm>> -> memref<256x128xf32, #tpu.memory_space<hbm>>
    %dma_start3A_474 = arith.constant 0 : i32
    %dma_start3A_475 = arith.constant 0 : i32
    %dma_start3A_476 = tpu.memref_slice %arg6[%dma_start3A_462, %dma_start3A_474, %dma_start3A_475] : memref<2x256x128xf32, #tpu.memory_space<vmem>> -> memref<1x256x128xf32, #tpu.memory_space<vmem>>
    %dma_start3A_477 = tpu.memref_squeeze %dma_start3A_476 : memref<1x256x128xf32, #tpu.memory_space<vmem>> -> memref<256x128xf32, #tpu.memory_space<vmem>>
    tpu.enqueue_dma source(%dma_start3A_477 : memref<256x128xf32, #tpu.memory_space<vmem>>) target(%dma_start3A_473 : memref<256x128xf32, #tpu.memory_space<hbm>>) target_semaphore(%dma_start3A_471 : memref<!tpu.dma_semaphore, #tpu.memory_space<semaphore_mem>>)
    %dma_wait3A_478 = arith.constant 1 : i32
    %dma_wait3A_479 = arith.constant 1 : i32
    %dma_wait3A_480 = arith.constant 0 : i32
    %dma_wait3A_481 = arith.constant 0 : i32
    %dma_wait3A_482 = tpu.memref_slice %arg6[%dma_wait3A_478, %dma_wait3A_480, %dma_wait3A_481] : memref<2x256x128xf32, #tpu.memory_space<vmem>> -> memref<1x256x128xf32, #tpu.memory_space<vmem>>
    %dma_wait3A_483 = tpu.memref_squeeze %dma_wait3A_482 : memref<1x256x128xf32, #tpu.memory_space<vmem>> -> memref<256x128xf32, #tpu.memory_space<vmem>>
    %dma_wait3A_484 = arith.constant 0 : i32
    %dma_wait3A_485 = tpu.memref_slice %arg4[%add3A_461, %dma_wait3A_484] : memref<163840x128xf32, #tpu.memory_space<hbm>> -> memref<256x128xf32, #tpu.memory_space<hbm>>
    %dma_wait3A_486 = tpu.memref_slice %arg9[%dma_wait3A_479] : memref<2x!tpu.dma_semaphore, #tpu.memory_space<semaphore_mem>> -> memref<1x!tpu.dma_semaphore, #tpu.memory_space<semaphore_mem>>
    %dma_wait3A_487 = tpu.memref_squeeze %dma_wait3A_486 : memref<1x!tpu.dma_semaphore, #tpu.memory_space<semaphore_mem>> -> memref<!tpu.dma_semaphore, #tpu.memory_space<semaphore_mem>>
    %dma_wait3A_488 = arith.constant 0 : i32
    %dma_wait3A_489 = tpu.memref_slice %arg4[%add3A_461, %dma_wait3A_488] : memref<163840x128xf32, #tpu.memory_space<hbm>> -> memref<256x128xf32, #tpu.memory_space<hbm>>
    %dma_wait3A_490 = arith.constant 0 : i32
    %dma_wait3A_491 = arith.constant 0 : i32
    %dma_wait3A_492 = tpu.memref_slice %arg6[%dma_wait3A_478, %dma_wait3A_490, %dma_wait3A_491] : memref<2x256x128xf32, #tpu.memory_space<vmem>> -> memref<1x256x128xf32, #tpu.memory_space<vmem>>
    %dma_wait3A_493 = tpu.memref_squeeze %dma_wait3A_492 : memref<1x256x128xf32, #tpu.memory_space<vmem>> -> memref<256x128xf32, #tpu.memory_space<vmem>>
    tpu.wait_dma2 semaphore(%dma_wait3A_487 : memref<!tpu.dma_semaphore, #tpu.memory_space<semaphore_mem>>) src(%dma_wait3A_493 : memref<256x128xf32, #tpu.memory_space<vmem>>) dst(%dma_wait3A_489 : memref<256x128xf32, #tpu.memory_space<hbm>>)
    %dma_start3A_494 = arith.constant 1 : i32
    %dma_start3A_495 = arith.constant 1 : i32
    %dma_start3A_496 = arith.constant 0 : i32
    %dma_start3A_497 = arith.constant 0 : i32
    %dma_start3A_498 = tpu.memref_slice %arg6[%dma_start3A_494, %dma_start3A_496, %dma_start3A_497] : memref<2x256x128xf32, #tpu.memory_space<vmem>> -> memref<1x256x128xf32, #tpu.memory_space<vmem>>
    %dma_start3A_499 = tpu.memref_squeeze %dma_start3A_498 : memref<1x256x128xf32, #tpu.memory_space<vmem>> -> memref<256x128xf32, #tpu.memory_space<vmem>>
    %dma_start3A_500 = arith.constant 2304 : i32
    %dma_start3A_501 = tpu.memref_slice %arg5[%dma_start3A_500] : memref<5120xi32, #tpu.memory_space<vmem>> -> memref<256xi32, #tpu.memory_space<vmem>>
    %dma_start3A_502 = arith.constant 0 : i32
    %dma_start3A_503 = arith.constant 0 : i32
    %dma_start3A_504 = tpu.memref_slice %arg3[%dma_start3A_502, %dma_start3A_503] : memref<100000x128xf32, #tpu.memory_space<hbm>> -> memref<100000x128xf32, #tpu.memory_space<hbm>>
    %dma_start3A_505 = tpu.memref_slice %arg8[%dma_start3A_495] : memref<2x!tpu.dma_semaphore, #tpu.memory_space<semaphore_mem>> -> memref<1x!tpu.dma_semaphore, #tpu.memory_space<semaphore_mem>>
    %dma_start3A_506 = tpu.memref_squeeze %dma_start3A_505 : memref<1x!tpu.dma_semaphore, #tpu.memory_space<semaphore_mem>> -> memref<!tpu.dma_semaphore, #tpu.memory_space<semaphore_mem>>
    tpu.enqueue_indirect_dma source(%dma_start3A_504 : memref<100000x128xf32, #tpu.memory_space<hbm>>) target(%dma_start3A_499 : memref<256x128xf32, #tpu.memory_space<vmem>>) offsets(%dma_start3A_501 : memref<256xi32, #tpu.memory_space<vmem>>) semaphore(%dma_start3A_506 : memref<!tpu.dma_semaphore, #tpu.memory_space<semaphore_mem>>)
    %dma_wait3A_507 = arith.constant 0 : i32
    %dma_wait3A_508 = arith.constant 0 : i32
    %dma_wait3A_509 = arith.constant 0 : i32
    %dma_wait3A_510 = arith.constant 0 : i32
    %dma_wait3A_511 = tpu.memref_slice %arg6[%dma_wait3A_507, %dma_wait3A_509, %dma_wait3A_510] : memref<2x256x128xf32, #tpu.memory_space<vmem>> -> memref<1x256x128xf32, #tpu.memory_space<vmem>>
    %dma_wait3A_512 = tpu.memref_squeeze %dma_wait3A_511 : memref<1x256x128xf32, #tpu.memory_space<vmem>> -> memref<256x128xf32, #tpu.memory_space<vmem>>
    %dma_wait3A_513 = arith.constant 2048 : i32
    %dma_wait3A_514 = tpu.memref_slice %arg5[%dma_wait3A_513] : memref<5120xi32, #tpu.memory_space<vmem>> -> memref<256xi32, #tpu.memory_space<vmem>>
    %dma_wait3A_515 = arith.constant 0 : i32
    %dma_wait3A_516 = arith.constant 0 : i32
    %dma_wait3A_517 = tpu.memref_slice %arg3[%dma_wait3A_515, %dma_wait3A_516] : memref<100000x128xf32, #tpu.memory_space<hbm>> -> memref<100000x128xf32, #tpu.memory_space<hbm>>
    %dma_wait3A_518 = tpu.memref_slice %arg8[%dma_wait3A_508] : memref<2x!tpu.dma_semaphore, #tpu.memory_space<semaphore_mem>> -> memref<1x!tpu.dma_semaphore, #tpu.memory_space<semaphore_mem>>
    %dma_wait3A_519 = tpu.memref_squeeze %dma_wait3A_518 : memref<1x!tpu.dma_semaphore, #tpu.memory_space<semaphore_mem>> -> memref<!tpu.dma_semaphore, #tpu.memory_space<semaphore_mem>>
    tpu.wait_indirect_dma semaphore(%dma_wait3A_519 : memref<!tpu.dma_semaphore, #tpu.memory_space<semaphore_mem>>) src(%dma_wait3A_517 : memref<100000x128xf32, #tpu.memory_space<hbm>>) dst(%dma_wait3A_512 : memref<256x128xf32, #tpu.memory_space<vmem>>)
    %add3A_520 = arith.constant 2048 : i32
    %add3A_521 = arith.addi %mul3A_2, %add3A_520 : i32
    %dma_start3A_522 = arith.constant 0 : i32
    %dma_start3A_523 = arith.constant 0 : i32
    %dma_start3A_524 = arith.constant 0 : i32
    %dma_start3A_525 = arith.constant 0 : i32
    %dma_start3A_526 = tpu.memref_slice %arg6[%dma_start3A_522, %dma_start3A_524, %dma_start3A_525] : memref<2x256x128xf32, #tpu.memory_space<vmem>> -> memref<1x256x128xf32, #tpu.memory_space<vmem>>
    %dma_start3A_527 = tpu.memref_squeeze %dma_start3A_526 : memref<1x256x128xf32, #tpu.memory_space<vmem>> -> memref<256x128xf32, #tpu.memory_space<vmem>>
    %dma_start3A_528 = arith.constant 0 : i32
    %dma_start3A_529 = tpu.memref_slice %arg4[%add3A_521, %dma_start3A_528] : memref<163840x128xf32, #tpu.memory_space<hbm>> -> memref<256x128xf32, #tpu.memory_space<hbm>>
    %dma_start3A_530 = tpu.memref_slice %arg9[%dma_start3A_523] : memref<2x!tpu.dma_semaphore, #tpu.memory_space<semaphore_mem>> -> memref<1x!tpu.dma_semaphore, #tpu.memory_space<semaphore_mem>>
    %dma_start3A_531 = tpu.memref_squeeze %dma_start3A_530 : memref<1x!tpu.dma_semaphore, #tpu.memory_space<semaphore_mem>> -> memref<!tpu.dma_semaphore, #tpu.memory_space<semaphore_mem>>
    %dma_start3A_532 = arith.constant 0 : i32
    %dma_start3A_533 = tpu.memref_slice %arg4[%add3A_521, %dma_start3A_532] : memref<163840x128xf32, #tpu.memory_space<hbm>> -> memref<256x128xf32, #tpu.memory_space<hbm>>
    %dma_start3A_534 = arith.constant 0 : i32
    %dma_start3A_535 = arith.constant 0 : i32
    %dma_start3A_536 = tpu.memref_slice %arg6[%dma_start3A_522, %dma_start3A_534, %dma_start3A_535] : memref<2x256x128xf32, #tpu.memory_space<vmem>> -> memref<1x256x128xf32, #tpu.memory_space<vmem>>
    %dma_start3A_537 = tpu.memref_squeeze %dma_start3A_536 : memref<1x256x128xf32, #tpu.memory_space<vmem>> -> memref<256x128xf32, #tpu.memory_space<vmem>>
    tpu.enqueue_dma source(%dma_start3A_537 : memref<256x128xf32, #tpu.memory_space<vmem>>) target(%dma_start3A_533 : memref<256x128xf32, #tpu.memory_space<hbm>>) target_semaphore(%dma_start3A_531 : memref<!tpu.dma_semaphore, #tpu.memory_space<semaphore_mem>>)
    %dma_wait3A_538 = arith.constant 0 : i32
    %dma_wait3A_539 = arith.constant 0 : i32
    %dma_wait3A_540 = arith.constant 0 : i32
    %dma_wait3A_541 = arith.constant 0 : i32
    %dma_wait3A_542 = tpu.memref_slice %arg6[%dma_wait3A_538, %dma_wait3A_540, %dma_wait3A_541] : memref<2x256x128xf32, #tpu.memory_space<vmem>> -> memref<1x256x128xf32, #tpu.memory_space<vmem>>
    %dma_wait3A_543 = tpu.memref_squeeze %dma_wait3A_542 : memref<1x256x128xf32, #tpu.memory_space<vmem>> -> memref<256x128xf32, #tpu.memory_space<vmem>>
    %dma_wait3A_544 = arith.constant 0 : i32
    %dma_wait3A_545 = tpu.memref_slice %arg4[%add3A_521, %dma_wait3A_544] : memref<163840x128xf32, #tpu.memory_space<hbm>> -> memref<256x128xf32, #tpu.memory_space<hbm>>
    %dma_wait3A_546 = tpu.memref_slice %arg9[%dma_wait3A_539] : memref<2x!tpu.dma_semaphore, #tpu.memory_space<semaphore_mem>> -> memref<1x!tpu.dma_semaphore, #tpu.memory_space<semaphore_mem>>
    %dma_wait3A_547 = tpu.memref_squeeze %dma_wait3A_546 : memref<1x!tpu.dma_semaphore, #tpu.memory_space<semaphore_mem>> -> memref<!tpu.dma_semaphore, #tpu.memory_space<semaphore_mem>>
    %dma_wait3A_548 = arith.constant 0 : i32
    %dma_wait3A_549 = tpu.memref_slice %arg4[%add3A_521, %dma_wait3A_548] : memref<163840x128xf32, #tpu.memory_space<hbm>> -> memref<256x128xf32, #tpu.memory_space<hbm>>
    %dma_wait3A_550 = arith.constant 0 : i32
    %dma_wait3A_551 = arith.constant 0 : i32
    %dma_wait3A_552 = tpu.memref_slice %arg6[%dma_wait3A_538, %dma_wait3A_550, %dma_wait3A_551] : memref<2x256x128xf32, #tpu.memory_space<vmem>> -> memref<1x256x128xf32, #tpu.memory_space<vmem>>
    %dma_wait3A_553 = tpu.memref_squeeze %dma_wait3A_552 : memref<1x256x128xf32, #tpu.memory_space<vmem>> -> memref<256x128xf32, #tpu.memory_space<vmem>>
    tpu.wait_dma2 semaphore(%dma_wait3A_547 : memref<!tpu.dma_semaphore, #tpu.memory_space<semaphore_mem>>) src(%dma_wait3A_553 : memref<256x128xf32, #tpu.memory_space<vmem>>) dst(%dma_wait3A_549 : memref<256x128xf32, #tpu.memory_space<hbm>>)
    %dma_start3A_554 = arith.constant 0 : i32
    %dma_start3A_555 = arith.constant 0 : i32
    %dma_start3A_556 = arith.constant 0 : i32
    %dma_start3A_557 = arith.constant 0 : i32
    %dma_start3A_558 = tpu.memref_slice %arg6[%dma_start3A_554, %dma_start3A_556, %dma_start3A_557] : memref<2x256x128xf32, #tpu.memory_space<vmem>> -> memref<1x256x128xf32, #tpu.memory_space<vmem>>
    %dma_start3A_559 = tpu.memref_squeeze %dma_start3A_558 : memref<1x256x128xf32, #tpu.memory_space<vmem>> -> memref<256x128xf32, #tpu.memory_space<vmem>>
    %dma_start3A_560 = arith.constant 2560 : i32
    %dma_start3A_561 = tpu.memref_slice %arg5[%dma_start3A_560] : memref<5120xi32, #tpu.memory_space<vmem>> -> memref<256xi32, #tpu.memory_space<vmem>>
    %dma_start3A_562 = arith.constant 0 : i32
    %dma_start3A_563 = arith.constant 0 : i32
    %dma_start3A_564 = tpu.memref_slice %arg3[%dma_start3A_562, %dma_start3A_563] : memref<100000x128xf32, #tpu.memory_space<hbm>> -> memref<100000x128xf32, #tpu.memory_space<hbm>>
    %dma_start3A_565 = tpu.memref_slice %arg8[%dma_start3A_555] : memref<2x!tpu.dma_semaphore, #tpu.memory_space<semaphore_mem>> -> memref<1x!tpu.dma_semaphore, #tpu.memory_space<semaphore_mem>>
    %dma_start3A_566 = tpu.memref_squeeze %dma_start3A_565 : memref<1x!tpu.dma_semaphore, #tpu.memory_space<semaphore_mem>> -> memref<!tpu.dma_semaphore, #tpu.memory_space<semaphore_mem>>
    tpu.enqueue_indirect_dma source(%dma_start3A_564 : memref<100000x128xf32, #tpu.memory_space<hbm>>) target(%dma_start3A_559 : memref<256x128xf32, #tpu.memory_space<vmem>>) offsets(%dma_start3A_561 : memref<256xi32, #tpu.memory_space<vmem>>) semaphore(%dma_start3A_566 : memref<!tpu.dma_semaphore, #tpu.memory_space<semaphore_mem>>)
    %dma_wait3A_567 = arith.constant 1 : i32
    %dma_wait3A_568 = arith.constant 1 : i32
    %dma_wait3A_569 = arith.constant 0 : i32
    %dma_wait3A_570 = arith.constant 0 : i32
    %dma_wait3A_571 = tpu.memref_slice %arg6[%dma_wait3A_567, %dma_wait3A_569, %dma_wait3A_570] : memref<2x256x128xf32, #tpu.memory_space<vmem>> -> memref<1x256x128xf32, #tpu.memory_space<vmem>>
    %dma_wait3A_572 = tpu.memref_squeeze %dma_wait3A_571 : memref<1x256x128xf32, #tpu.memory_space<vmem>> -> memref<256x128xf32, #tpu.memory_space<vmem>>
    %dma_wait3A_573 = arith.constant 2304 : i32
    %dma_wait3A_574 = tpu.memref_slice %arg5[%dma_wait3A_573] : memref<5120xi32, #tpu.memory_space<vmem>> -> memref<256xi32, #tpu.memory_space<vmem>>
    %dma_wait3A_575 = arith.constant 0 : i32
    %dma_wait3A_576 = arith.constant 0 : i32
    %dma_wait3A_577 = tpu.memref_slice %arg3[%dma_wait3A_575, %dma_wait3A_576] : memref<100000x128xf32, #tpu.memory_space<hbm>> -> memref<100000x128xf32, #tpu.memory_space<hbm>>
    %dma_wait3A_578 = tpu.memref_slice %arg8[%dma_wait3A_568] : memref<2x!tpu.dma_semaphore, #tpu.memory_space<semaphore_mem>> -> memref<1x!tpu.dma_semaphore, #tpu.memory_space<semaphore_mem>>
    %dma_wait3A_579 = tpu.memref_squeeze %dma_wait3A_578 : memref<1x!tpu.dma_semaphore, #tpu.memory_space<semaphore_mem>> -> memref<!tpu.dma_semaphore, #tpu.memory_space<semaphore_mem>>
    tpu.wait_indirect_dma semaphore(%dma_wait3A_579 : memref<!tpu.dma_semaphore, #tpu.memory_space<semaphore_mem>>) src(%dma_wait3A_577 : memref<100000x128xf32, #tpu.memory_space<hbm>>) dst(%dma_wait3A_572 : memref<256x128xf32, #tpu.memory_space<vmem>>)
    %add3A_580 = arith.constant 2304 : i32
    %add3A_581 = arith.addi %mul3A_2, %add3A_580 : i32
    %dma_start3A_582 = arith.constant 1 : i32
    %dma_start3A_583 = arith.constant 1 : i32
    %dma_start3A_584 = arith.constant 0 : i32
    %dma_start3A_585 = arith.constant 0 : i32
    %dma_start3A_586 = tpu.memref_slice %arg6[%dma_start3A_582, %dma_start3A_584, %dma_start3A_585] : memref<2x256x128xf32, #tpu.memory_space<vmem>> -> memref<1x256x128xf32, #tpu.memory_space<vmem>>
    %dma_start3A_587 = tpu.memref_squeeze %dma_start3A_586 : memref<1x256x128xf32, #tpu.memory_space<vmem>> -> memref<256x128xf32, #tpu.memory_space<vmem>>
    %dma_start3A_588 = arith.constant 0 : i32
    %dma_start3A_589 = tpu.memref_slice %arg4[%add3A_581, %dma_start3A_588] : memref<163840x128xf32, #tpu.memory_space<hbm>> -> memref<256x128xf32, #tpu.memory_space<hbm>>
    %dma_start3A_590 = tpu.memref_slice %arg9[%dma_start3A_583] : memref<2x!tpu.dma_semaphore, #tpu.memory_space<semaphore_mem>> -> memref<1x!tpu.dma_semaphore, #tpu.memory_space<semaphore_mem>>
    %dma_start3A_591 = tpu.memref_squeeze %dma_start3A_590 : memref<1x!tpu.dma_semaphore, #tpu.memory_space<semaphore_mem>> -> memref<!tpu.dma_semaphore, #tpu.memory_space<semaphore_mem>>
    %dma_start3A_592 = arith.constant 0 : i32
    %dma_start3A_593 = tpu.memref_slice %arg4[%add3A_581, %dma_start3A_592] : memref<163840x128xf32, #tpu.memory_space<hbm>> -> memref<256x128xf32, #tpu.memory_space<hbm>>
    %dma_start3A_594 = arith.constant 0 : i32
    %dma_start3A_595 = arith.constant 0 : i32
    %dma_start3A_596 = tpu.memref_slice %arg6[%dma_start3A_582, %dma_start3A_594, %dma_start3A_595] : memref<2x256x128xf32, #tpu.memory_space<vmem>> -> memref<1x256x128xf32, #tpu.memory_space<vmem>>
    %dma_start3A_597 = tpu.memref_squeeze %dma_start3A_596 : memref<1x256x128xf32, #tpu.memory_space<vmem>> -> memref<256x128xf32, #tpu.memory_space<vmem>>
    tpu.enqueue_dma source(%dma_start3A_597 : memref<256x128xf32, #tpu.memory_space<vmem>>) target(%dma_start3A_593 : memref<256x128xf32, #tpu.memory_space<hbm>>) target_semaphore(%dma_start3A_591 : memref<!tpu.dma_semaphore, #tpu.memory_space<semaphore_mem>>)
    %dma_wait3A_598 = arith.constant 1 : i32
    %dma_wait3A_599 = arith.constant 1 : i32
    %dma_wait3A_600 = arith.constant 0 : i32
    %dma_wait3A_601 = arith.constant 0 : i32
    %dma_wait3A_602 = tpu.memref_slice %arg6[%dma_wait3A_598, %dma_wait3A_600, %dma_wait3A_601] : memref<2x256x128xf32, #tpu.memory_space<vmem>> -> memref<1x256x128xf32, #tpu.memory_space<vmem>>
    %dma_wait3A_603 = tpu.memref_squeeze %dma_wait3A_602 : memref<1x256x128xf32, #tpu.memory_space<vmem>> -> memref<256x128xf32, #tpu.memory_space<vmem>>
    %dma_wait3A_604 = arith.constant 0 : i32
    %dma_wait3A_605 = tpu.memref_slice %arg4[%add3A_581, %dma_wait3A_604] : memref<163840x128xf32, #tpu.memory_space<hbm>> -> memref<256x128xf32, #tpu.memory_space<hbm>>
    %dma_wait3A_606 = tpu.memref_slice %arg9[%dma_wait3A_599] : memref<2x!tpu.dma_semaphore, #tpu.memory_space<semaphore_mem>> -> memref<1x!tpu.dma_semaphore, #tpu.memory_space<semaphore_mem>>
    %dma_wait3A_607 = tpu.memref_squeeze %dma_wait3A_606 : memref<1x!tpu.dma_semaphore, #tpu.memory_space<semaphore_mem>> -> memref<!tpu.dma_semaphore, #tpu.memory_space<semaphore_mem>>
    %dma_wait3A_608 = arith.constant 0 : i32
    %dma_wait3A_609 = tpu.memref_slice %arg4[%add3A_581, %dma_wait3A_608] : memref<163840x128xf32, #tpu.memory_space<hbm>> -> memref<256x128xf32, #tpu.memory_space<hbm>>
    %dma_wait3A_610 = arith.constant 0 : i32
    %dma_wait3A_611 = arith.constant 0 : i32
    %dma_wait3A_612 = tpu.memref_slice %arg6[%dma_wait3A_598, %dma_wait3A_610, %dma_wait3A_611] : memref<2x256x128xf32, #tpu.memory_space<vmem>> -> memref<1x256x128xf32, #tpu.memory_space<vmem>>
    %dma_wait3A_613 = tpu.memref_squeeze %dma_wait3A_612 : memref<1x256x128xf32, #tpu.memory_space<vmem>> -> memref<256x128xf32, #tpu.memory_space<vmem>>
    tpu.wait_dma2 semaphore(%dma_wait3A_607 : memref<!tpu.dma_semaphore, #tpu.memory_space<semaphore_mem>>) src(%dma_wait3A_613 : memref<256x128xf32, #tpu.memory_space<vmem>>) dst(%dma_wait3A_609 : memref<256x128xf32, #tpu.memory_space<hbm>>)
    %dma_start3A_614 = arith.constant 1 : i32
    %dma_start3A_615 = arith.constant 1 : i32
    %dma_start3A_616 = arith.constant 0 : i32
    %dma_start3A_617 = arith.constant 0 : i32
    %dma_start3A_618 = tpu.memref_slice %arg6[%dma_start3A_614, %dma_start3A_616, %dma_start3A_617] : memref<2x256x128xf32, #tpu.memory_space<vmem>> -> memref<1x256x128xf32, #tpu.memory_space<vmem>>
    %dma_start3A_619 = tpu.memref_squeeze %dma_start3A_618 : memref<1x256x128xf32, #tpu.memory_space<vmem>> -> memref<256x128xf32, #tpu.memory_space<vmem>>
    %dma_start3A_620 = arith.constant 2816 : i32
    %dma_start3A_621 = tpu.memref_slice %arg5[%dma_start3A_620] : memref<5120xi32, #tpu.memory_space<vmem>> -> memref<256xi32, #tpu.memory_space<vmem>>
    %dma_start3A_622 = arith.constant 0 : i32
    %dma_start3A_623 = arith.constant 0 : i32
    %dma_start3A_624 = tpu.memref_slice %arg3[%dma_start3A_622, %dma_start3A_623] : memref<100000x128xf32, #tpu.memory_space<hbm>> -> memref<100000x128xf32, #tpu.memory_space<hbm>>
    %dma_start3A_625 = tpu.memref_slice %arg8[%dma_start3A_615] : memref<2x!tpu.dma_semaphore, #tpu.memory_space<semaphore_mem>> -> memref<1x!tpu.dma_semaphore, #tpu.memory_space<semaphore_mem>>
    %dma_start3A_626 = tpu.memref_squeeze %dma_start3A_625 : memref<1x!tpu.dma_semaphore, #tpu.memory_space<semaphore_mem>> -> memref<!tpu.dma_semaphore, #tpu.memory_space<semaphore_mem>>
    tpu.enqueue_indirect_dma source(%dma_start3A_624 : memref<100000x128xf32, #tpu.memory_space<hbm>>) target(%dma_start3A_619 : memref<256x128xf32, #tpu.memory_space<vmem>>) offsets(%dma_start3A_621 : memref<256xi32, #tpu.memory_space<vmem>>) semaphore(%dma_start3A_626 : memref<!tpu.dma_semaphore, #tpu.memory_space<semaphore_mem>>)
    %dma_wait3A_627 = arith.constant 0 : i32
    %dma_wait3A_628 = arith.constant 0 : i32
    %dma_wait3A_629 = arith.constant 0 : i32
    %dma_wait3A_630 = arith.constant 0 : i32
    %dma_wait3A_631 = tpu.memref_slice %arg6[%dma_wait3A_627, %dma_wait3A_629, %dma_wait3A_630] : memref<2x256x128xf32, #tpu.memory_space<vmem>> -> memref<1x256x128xf32, #tpu.memory_space<vmem>>
    %dma_wait3A_632 = tpu.memref_squeeze %dma_wait3A_631 : memref<1x256x128xf32, #tpu.memory_space<vmem>> -> memref<256x128xf32, #tpu.memory_space<vmem>>
    %dma_wait3A_633 = arith.constant 2560 : i32
    %dma_wait3A_634 = tpu.memref_slice %arg5[%dma_wait3A_633] : memref<5120xi32, #tpu.memory_space<vmem>> -> memref<256xi32, #tpu.memory_space<vmem>>
    %dma_wait3A_635 = arith.constant 0 : i32
    %dma_wait3A_636 = arith.constant 0 : i32
    %dma_wait3A_637 = tpu.memref_slice %arg3[%dma_wait3A_635, %dma_wait3A_636] : memref<100000x128xf32, #tpu.memory_space<hbm>> -> memref<100000x128xf32, #tpu.memory_space<hbm>>
    %dma_wait3A_638 = tpu.memref_slice %arg8[%dma_wait3A_628] : memref<2x!tpu.dma_semaphore, #tpu.memory_space<semaphore_mem>> -> memref<1x!tpu.dma_semaphore, #tpu.memory_space<semaphore_mem>>
    %dma_wait3A_639 = tpu.memref_squeeze %dma_wait3A_638 : memref<1x!tpu.dma_semaphore, #tpu.memory_space<semaphore_mem>> -> memref<!tpu.dma_semaphore, #tpu.memory_space<semaphore_mem>>
    tpu.wait_indirect_dma semaphore(%dma_wait3A_639 : memref<!tpu.dma_semaphore, #tpu.memory_space<semaphore_mem>>) src(%dma_wait3A_637 : memref<100000x128xf32, #tpu.memory_space<hbm>>) dst(%dma_wait3A_632 : memref<256x128xf32, #tpu.memory_space<vmem>>)
    %add3A_640 = arith.constant 2560 : i32
    %add3A_641 = arith.addi %mul3A_2, %add3A_640 : i32
    %dma_start3A_642 = arith.constant 0 : i32
    %dma_start3A_643 = arith.constant 0 : i32
    %dma_start3A_644 = arith.constant 0 : i32
    %dma_start3A_645 = arith.constant 0 : i32
    %dma_start3A_646 = tpu.memref_slice %arg6[%dma_start3A_642, %dma_start3A_644, %dma_start3A_645] : memref<2x256x128xf32, #tpu.memory_space<vmem>> -> memref<1x256x128xf32, #tpu.memory_space<vmem>>
    %dma_start3A_647 = tpu.memref_squeeze %dma_start3A_646 : memref<1x256x128xf32, #tpu.memory_space<vmem>> -> memref<256x128xf32, #tpu.memory_space<vmem>>
    %dma_start3A_648 = arith.constant 0 : i32
    %dma_start3A_649 = tpu.memref_slice %arg4[%add3A_641, %dma_start3A_648] : memref<163840x128xf32, #tpu.memory_space<hbm>> -> memref<256x128xf32, #tpu.memory_space<hbm>>
    %dma_start3A_650 = tpu.memref_slice %arg9[%dma_start3A_643] : memref<2x!tpu.dma_semaphore, #tpu.memory_space<semaphore_mem>> -> memref<1x!tpu.dma_semaphore, #tpu.memory_space<semaphore_mem>>
    %dma_start3A_651 = tpu.memref_squeeze %dma_start3A_650 : memref<1x!tpu.dma_semaphore, #tpu.memory_space<semaphore_mem>> -> memref<!tpu.dma_semaphore, #tpu.memory_space<semaphore_mem>>
    %dma_start3A_652 = arith.constant 0 : i32
    %dma_start3A_653 = tpu.memref_slice %arg4[%add3A_641, %dma_start3A_652] : memref<163840x128xf32, #tpu.memory_space<hbm>> -> memref<256x128xf32, #tpu.memory_space<hbm>>
    %dma_start3A_654 = arith.constant 0 : i32
    %dma_start3A_655 = arith.constant 0 : i32
    %dma_start3A_656 = tpu.memref_slice %arg6[%dma_start3A_642, %dma_start3A_654, %dma_start3A_655] : memref<2x256x128xf32, #tpu.memory_space<vmem>> -> memref<1x256x128xf32, #tpu.memory_space<vmem>>
    %dma_start3A_657 = tpu.memref_squeeze %dma_start3A_656 : memref<1x256x128xf32, #tpu.memory_space<vmem>> -> memref<256x128xf32, #tpu.memory_space<vmem>>
    tpu.enqueue_dma source(%dma_start3A_657 : memref<256x128xf32, #tpu.memory_space<vmem>>) target(%dma_start3A_653 : memref<256x128xf32, #tpu.memory_space<hbm>>) target_semaphore(%dma_start3A_651 : memref<!tpu.dma_semaphore, #tpu.memory_space<semaphore_mem>>)
    %dma_wait3A_658 = arith.constant 0 : i32
    %dma_wait3A_659 = arith.constant 0 : i32
    %dma_wait3A_660 = arith.constant 0 : i32
    %dma_wait3A_661 = arith.constant 0 : i32
    %dma_wait3A_662 = tpu.memref_slice %arg6[%dma_wait3A_658, %dma_wait3A_660, %dma_wait3A_661] : memref<2x256x128xf32, #tpu.memory_space<vmem>> -> memref<1x256x128xf32, #tpu.memory_space<vmem>>
    %dma_wait3A_663 = tpu.memref_squeeze %dma_wait3A_662 : memref<1x256x128xf32, #tpu.memory_space<vmem>> -> memref<256x128xf32, #tpu.memory_space<vmem>>
    %dma_wait3A_664 = arith.constant 0 : i32
    %dma_wait3A_665 = tpu.memref_slice %arg4[%add3A_641, %dma_wait3A_664] : memref<163840x128xf32, #tpu.memory_space<hbm>> -> memref<256x128xf32, #tpu.memory_space<hbm>>
    %dma_wait3A_666 = tpu.memref_slice %arg9[%dma_wait3A_659] : memref<2x!tpu.dma_semaphore, #tpu.memory_space<semaphore_mem>> -> memref<1x!tpu.dma_semaphore, #tpu.memory_space<semaphore_mem>>
    %dma_wait3A_667 = tpu.memref_squeeze %dma_wait3A_666 : memref<1x!tpu.dma_semaphore, #tpu.memory_space<semaphore_mem>> -> memref<!tpu.dma_semaphore, #tpu.memory_space<semaphore_mem>>
    %dma_wait3A_668 = arith.constant 0 : i32
    %dma_wait3A_669 = tpu.memref_slice %arg4[%add3A_641, %dma_wait3A_668] : memref<163840x128xf32, #tpu.memory_space<hbm>> -> memref<256x128xf32, #tpu.memory_space<hbm>>
    %dma_wait3A_670 = arith.constant 0 : i32
    %dma_wait3A_671 = arith.constant 0 : i32
    %dma_wait3A_672 = tpu.memref_slice %arg6[%dma_wait3A_658, %dma_wait3A_670, %dma_wait3A_671] : memref<2x256x128xf32, #tpu.memory_space<vmem>> -> memref<1x256x128xf32, #tpu.memory_space<vmem>>
    %dma_wait3A_673 = tpu.memref_squeeze %dma_wait3A_672 : memref<1x256x128xf32, #tpu.memory_space<vmem>> -> memref<256x128xf32, #tpu.memory_space<vmem>>
    tpu.wait_dma2 semaphore(%dma_wait3A_667 : memref<!tpu.dma_semaphore, #tpu.memory_space<semaphore_mem>>) src(%dma_wait3A_673 : memref<256x128xf32, #tpu.memory_space<vmem>>) dst(%dma_wait3A_669 : memref<256x128xf32, #tpu.memory_space<hbm>>)
    %dma_start3A_674 = arith.constant 0 : i32
    %dma_start3A_675 = arith.constant 0 : i32
    %dma_start3A_676 = arith.constant 0 : i32
    %dma_start3A_677 = arith.constant 0 : i32
    %dma_start3A_678 = tpu.memref_slice %arg6[%dma_start3A_674, %dma_start3A_676, %dma_start3A_677] : memref<2x256x128xf32, #tpu.memory_space<vmem>> -> memref<1x256x128xf32, #tpu.memory_space<vmem>>
    %dma_start3A_679 = tpu.memref_squeeze %dma_start3A_678 : memref<1x256x128xf32, #tpu.memory_space<vmem>> -> memref<256x128xf32, #tpu.memory_space<vmem>>
    %dma_start3A_680 = arith.constant 3072 : i32
    %dma_start3A_681 = tpu.memref_slice %arg5[%dma_start3A_680] : memref<5120xi32, #tpu.memory_space<vmem>> -> memref<256xi32, #tpu.memory_space<vmem>>
    %dma_start3A_682 = arith.constant 0 : i32
    %dma_start3A_683 = arith.constant 0 : i32
    %dma_start3A_684 = tpu.memref_slice %arg3[%dma_start3A_682, %dma_start3A_683] : memref<100000x128xf32, #tpu.memory_space<hbm>> -> memref<100000x128xf32, #tpu.memory_space<hbm>>
    %dma_start3A_685 = tpu.memref_slice %arg8[%dma_start3A_675] : memref<2x!tpu.dma_semaphore, #tpu.memory_space<semaphore_mem>> -> memref<1x!tpu.dma_semaphore, #tpu.memory_space<semaphore_mem>>
    %dma_start3A_686 = tpu.memref_squeeze %dma_start3A_685 : memref<1x!tpu.dma_semaphore, #tpu.memory_space<semaphore_mem>> -> memref<!tpu.dma_semaphore, #tpu.memory_space<semaphore_mem>>
    tpu.enqueue_indirect_dma source(%dma_start3A_684 : memref<100000x128xf32, #tpu.memory_space<hbm>>) target(%dma_start3A_679 : memref<256x128xf32, #tpu.memory_space<vmem>>) offsets(%dma_start3A_681 : memref<256xi32, #tpu.memory_space<vmem>>) semaphore(%dma_start3A_686 : memref<!tpu.dma_semaphore, #tpu.memory_space<semaphore_mem>>)
    %dma_wait3A_687 = arith.constant 1 : i32
    %dma_wait3A_688 = arith.constant 1 : i32
    %dma_wait3A_689 = arith.constant 0 : i32
    %dma_wait3A_690 = arith.constant 0 : i32
    %dma_wait3A_691 = tpu.memref_slice %arg6[%dma_wait3A_687, %dma_wait3A_689, %dma_wait3A_690] : memref<2x256x128xf32, #tpu.memory_space<vmem>> -> memref<1x256x128xf32, #tpu.memory_space<vmem>>
    %dma_wait3A_692 = tpu.memref_squeeze %dma_wait3A_691 : memref<1x256x128xf32, #tpu.memory_space<vmem>> -> memref<256x128xf32, #tpu.memory_space<vmem>>
    %dma_wait3A_693 = arith.constant 2816 : i32
    %dma_wait3A_694 = tpu.memref_slice %arg5[%dma_wait3A_693] : memref<5120xi32, #tpu.memory_space<vmem>> -> memref<256xi32, #tpu.memory_space<vmem>>
    %dma_wait3A_695 = arith.constant 0 : i32
    %dma_wait3A_696 = arith.constant 0 : i32
    %dma_wait3A_697 = tpu.memref_slice %arg3[%dma_wait3A_695, %dma_wait3A_696] : memref<100000x128xf32, #tpu.memory_space<hbm>> -> memref<100000x128xf32, #tpu.memory_space<hbm>>
    %dma_wait3A_698 = tpu.memref_slice %arg8[%dma_wait3A_688] : memref<2x!tpu.dma_semaphore, #tpu.memory_space<semaphore_mem>> -> memref<1x!tpu.dma_semaphore, #tpu.memory_space<semaphore_mem>>
    %dma_wait3A_699 = tpu.memref_squeeze %dma_wait3A_698 : memref<1x!tpu.dma_semaphore, #tpu.memory_space<semaphore_mem>> -> memref<!tpu.dma_semaphore, #tpu.memory_space<semaphore_mem>>
    tpu.wait_indirect_dma semaphore(%dma_wait3A_699 : memref<!tpu.dma_semaphore, #tpu.memory_space<semaphore_mem>>) src(%dma_wait3A_697 : memref<100000x128xf32, #tpu.memory_space<hbm>>) dst(%dma_wait3A_692 : memref<256x128xf32, #tpu.memory_space<vmem>>)
    %add3A_700 = arith.constant 2816 : i32
    %add3A_701 = arith.addi %mul3A_2, %add3A_700 : i32
    %dma_start3A_702 = arith.constant 1 : i32
    %dma_start3A_703 = arith.constant 1 : i32
    %dma_start3A_704 = arith.constant 0 : i32
    %dma_start3A_705 = arith.constant 0 : i32
    %dma_start3A_706 = tpu.memref_slice %arg6[%dma_start3A_702, %dma_start3A_704, %dma_start3A_705] : memref<2x256x128xf32, #tpu.memory_space<vmem>> -> memref<1x256x128xf32, #tpu.memory_space<vmem>>
    %dma_start3A_707 = tpu.memref_squeeze %dma_start3A_706 : memref<1x256x128xf32, #tpu.memory_space<vmem>> -> memref<256x128xf32, #tpu.memory_space<vmem>>
    %dma_start3A_708 = arith.constant 0 : i32
    %dma_start3A_709 = tpu.memref_slice %arg4[%add3A_701, %dma_start3A_708] : memref<163840x128xf32, #tpu.memory_space<hbm>> -> memref<256x128xf32, #tpu.memory_space<hbm>>
    %dma_start3A_710 = tpu.memref_slice %arg9[%dma_start3A_703] : memref<2x!tpu.dma_semaphore, #tpu.memory_space<semaphore_mem>> -> memref<1x!tpu.dma_semaphore, #tpu.memory_space<semaphore_mem>>
    %dma_start3A_711 = tpu.memref_squeeze %dma_start3A_710 : memref<1x!tpu.dma_semaphore, #tpu.memory_space<semaphore_mem>> -> memref<!tpu.dma_semaphore, #tpu.memory_space<semaphore_mem>>
    %dma_start3A_712 = arith.constant 0 : i32
    %dma_start3A_713 = tpu.memref_slice %arg4[%add3A_701, %dma_start3A_712] : memref<163840x128xf32, #tpu.memory_space<hbm>> -> memref<256x128xf32, #tpu.memory_space<hbm>>
    %dma_start3A_714 = arith.constant 0 : i32
    %dma_start3A_715 = arith.constant 0 : i32
    %dma_start3A_716 = tpu.memref_slice %arg6[%dma_start3A_702, %dma_start3A_714, %dma_start3A_715] : memref<2x256x128xf32, #tpu.memory_space<vmem>> -> memref<1x256x128xf32, #tpu.memory_space<vmem>>
    %dma_start3A_717 = tpu.memref_squeeze %dma_start3A_716 : memref<1x256x128xf32, #tpu.memory_space<vmem>> -> memref<256x128xf32, #tpu.memory_space<vmem>>
    tpu.enqueue_dma source(%dma_start3A_717 : memref<256x128xf32, #tpu.memory_space<vmem>>) target(%dma_start3A_713 : memref<256x128xf32, #tpu.memory_space<hbm>>) target_semaphore(%dma_start3A_711 : memref<!tpu.dma_semaphore, #tpu.memory_space<semaphore_mem>>)
    %dma_wait3A_718 = arith.constant 1 : i32
    %dma_wait3A_719 = arith.constant 1 : i32
    %dma_wait3A_720 = arith.constant 0 : i32
    %dma_wait3A_721 = arith.constant 0 : i32
    %dma_wait3A_722 = tpu.memref_slice %arg6[%dma_wait3A_718, %dma_wait3A_720, %dma_wait3A_721] : memref<2x256x128xf32, #tpu.memory_space<vmem>> -> memref<1x256x128xf32, #tpu.memory_space<vmem>>
    %dma_wait3A_723 = tpu.memref_squeeze %dma_wait3A_722 : memref<1x256x128xf32, #tpu.memory_space<vmem>> -> memref<256x128xf32, #tpu.memory_space<vmem>>
    %dma_wait3A_724 = arith.constant 0 : i32
    %dma_wait3A_725 = tpu.memref_slice %arg4[%add3A_701, %dma_wait3A_724] : memref<163840x128xf32, #tpu.memory_space<hbm>> -> memref<256x128xf32, #tpu.memory_space<hbm>>
    %dma_wait3A_726 = tpu.memref_slice %arg9[%dma_wait3A_719] : memref<2x!tpu.dma_semaphore, #tpu.memory_space<semaphore_mem>> -> memref<1x!tpu.dma_semaphore, #tpu.memory_space<semaphore_mem>>
    %dma_wait3A_727 = tpu.memref_squeeze %dma_wait3A_726 : memref<1x!tpu.dma_semaphore, #tpu.memory_space<semaphore_mem>> -> memref<!tpu.dma_semaphore, #tpu.memory_space<semaphore_mem>>
    %dma_wait3A_728 = arith.constant 0 : i32
    %dma_wait3A_729 = tpu.memref_slice %arg4[%add3A_701, %dma_wait3A_728] : memref<163840x128xf32, #tpu.memory_space<hbm>> -> memref<256x128xf32, #tpu.memory_space<hbm>>
    %dma_wait3A_730 = arith.constant 0 : i32
    %dma_wait3A_731 = arith.constant 0 : i32
    %dma_wait3A_732 = tpu.memref_slice %arg6[%dma_wait3A_718, %dma_wait3A_730, %dma_wait3A_731] : memref<2x256x128xf32, #tpu.memory_space<vmem>> -> memref<1x256x128xf32, #tpu.memory_space<vmem>>
    %dma_wait3A_733 = tpu.memref_squeeze %dma_wait3A_732 : memref<1x256x128xf32, #tpu.memory_space<vmem>> -> memref<256x128xf32, #tpu.memory_space<vmem>>
    tpu.wait_dma2 semaphore(%dma_wait3A_727 : memref<!tpu.dma_semaphore, #tpu.memory_space<semaphore_mem>>) src(%dma_wait3A_733 : memref<256x128xf32, #tpu.memory_space<vmem>>) dst(%dma_wait3A_729 : memref<256x128xf32, #tpu.memory_space<hbm>>)
    %dma_start3A_734 = arith.constant 1 : i32
    %dma_start3A_735 = arith.constant 1 : i32
    %dma_start3A_736 = arith.constant 0 : i32
    %dma_start3A_737 = arith.constant 0 : i32
    %dma_start3A_738 = tpu.memref_slice %arg6[%dma_start3A_734, %dma_start3A_736, %dma_start3A_737] : memref<2x256x128xf32, #tpu.memory_space<vmem>> -> memref<1x256x128xf32, #tpu.memory_space<vmem>>
    %dma_start3A_739 = tpu.memref_squeeze %dma_start3A_738 : memref<1x256x128xf32, #tpu.memory_space<vmem>> -> memref<256x128xf32, #tpu.memory_space<vmem>>
    %dma_start3A_740 = arith.constant 3328 : i32
    %dma_start3A_741 = tpu.memref_slice %arg5[%dma_start3A_740] : memref<5120xi32, #tpu.memory_space<vmem>> -> memref<256xi32, #tpu.memory_space<vmem>>
    %dma_start3A_742 = arith.constant 0 : i32
    %dma_start3A_743 = arith.constant 0 : i32
    %dma_start3A_744 = tpu.memref_slice %arg3[%dma_start3A_742, %dma_start3A_743] : memref<100000x128xf32, #tpu.memory_space<hbm>> -> memref<100000x128xf32, #tpu.memory_space<hbm>>
    %dma_start3A_745 = tpu.memref_slice %arg8[%dma_start3A_735] : memref<2x!tpu.dma_semaphore, #tpu.memory_space<semaphore_mem>> -> memref<1x!tpu.dma_semaphore, #tpu.memory_space<semaphore_mem>>
    %dma_start3A_746 = tpu.memref_squeeze %dma_start3A_745 : memref<1x!tpu.dma_semaphore, #tpu.memory_space<semaphore_mem>> -> memref<!tpu.dma_semaphore, #tpu.memory_space<semaphore_mem>>
    tpu.enqueue_indirect_dma source(%dma_start3A_744 : memref<100000x128xf32, #tpu.memory_space<hbm>>) target(%dma_start3A_739 : memref<256x128xf32, #tpu.memory_space<vmem>>) offsets(%dma_start3A_741 : memref<256xi32, #tpu.memory_space<vmem>>) semaphore(%dma_start3A_746 : memref<!tpu.dma_semaphore, #tpu.memory_space<semaphore_mem>>)
    %dma_wait3A_747 = arith.constant 0 : i32
    %dma_wait3A_748 = arith.constant 0 : i32
    %dma_wait3A_749 = arith.constant 0 : i32
    %dma_wait3A_750 = arith.constant 0 : i32
    %dma_wait3A_751 = tpu.memref_slice %arg6[%dma_wait3A_747, %dma_wait3A_749, %dma_wait3A_750] : memref<2x256x128xf32, #tpu.memory_space<vmem>> -> memref<1x256x128xf32, #tpu.memory_space<vmem>>
    %dma_wait3A_752 = tpu.memref_squeeze %dma_wait3A_751 : memref<1x256x128xf32, #tpu.memory_space<vmem>> -> memref<256x128xf32, #tpu.memory_space<vmem>>
    %dma_wait3A_753 = arith.constant 3072 : i32
    %dma_wait3A_754 = tpu.memref_slice %arg5[%dma_wait3A_753] : memref<5120xi32, #tpu.memory_space<vmem>> -> memref<256xi32, #tpu.memory_space<vmem>>
    %dma_wait3A_755 = arith.constant 0 : i32
    %dma_wait3A_756 = arith.constant 0 : i32
    %dma_wait3A_757 = tpu.memref_slice %arg3[%dma_wait3A_755, %dma_wait3A_756] : memref<100000x128xf32, #tpu.memory_space<hbm>> -> memref<100000x128xf32, #tpu.memory_space<hbm>>
    %dma_wait3A_758 = tpu.memref_slice %arg8[%dma_wait3A_748] : memref<2x!tpu.dma_semaphore, #tpu.memory_space<semaphore_mem>> -> memref<1x!tpu.dma_semaphore, #tpu.memory_space<semaphore_mem>>
    %dma_wait3A_759 = tpu.memref_squeeze %dma_wait3A_758 : memref<1x!tpu.dma_semaphore, #tpu.memory_space<semaphore_mem>> -> memref<!tpu.dma_semaphore, #tpu.memory_space<semaphore_mem>>
    tpu.wait_indirect_dma semaphore(%dma_wait3A_759 : memref<!tpu.dma_semaphore, #tpu.memory_space<semaphore_mem>>) src(%dma_wait3A_757 : memref<100000x128xf32, #tpu.memory_space<hbm>>) dst(%dma_wait3A_752 : memref<256x128xf32, #tpu.memory_space<vmem>>)
    %add3A_760 = arith.constant 3072 : i32
    %add3A_761 = arith.addi %mul3A_2, %add3A_760 : i32
    %dma_start3A_762 = arith.constant 0 : i32
    %dma_start3A_763 = arith.constant 0 : i32
    %dma_start3A_764 = arith.constant 0 : i32
    %dma_start3A_765 = arith.constant 0 : i32
    %dma_start3A_766 = tpu.memref_slice %arg6[%dma_start3A_762, %dma_start3A_764, %dma_start3A_765] : memref<2x256x128xf32, #tpu.memory_space<vmem>> -> memref<1x256x128xf32, #tpu.memory_space<vmem>>
    %dma_start3A_767 = tpu.memref_squeeze %dma_start3A_766 : memref<1x256x128xf32, #tpu.memory_space<vmem>> -> memref<256x128xf32, #tpu.memory_space<vmem>>
    %dma_start3A_768 = arith.constant 0 : i32
    %dma_start3A_769 = tpu.memref_slice %arg4[%add3A_761, %dma_start3A_768] : memref<163840x128xf32, #tpu.memory_space<hbm>> -> memref<256x128xf32, #tpu.memory_space<hbm>>
    %dma_start3A_770 = tpu.memref_slice %arg9[%dma_start3A_763] : memref<2x!tpu.dma_semaphore, #tpu.memory_space<semaphore_mem>> -> memref<1x!tpu.dma_semaphore, #tpu.memory_space<semaphore_mem>>
    %dma_start3A_771 = tpu.memref_squeeze %dma_start3A_770 : memref<1x!tpu.dma_semaphore, #tpu.memory_space<semaphore_mem>> -> memref<!tpu.dma_semaphore, #tpu.memory_space<semaphore_mem>>
    %dma_start3A_772 = arith.constant 0 : i32
    %dma_start3A_773 = tpu.memref_slice %arg4[%add3A_761, %dma_start3A_772] : memref<163840x128xf32, #tpu.memory_space<hbm>> -> memref<256x128xf32, #tpu.memory_space<hbm>>
    %dma_start3A_774 = arith.constant 0 : i32
    %dma_start3A_775 = arith.constant 0 : i32
    %dma_start3A_776 = tpu.memref_slice %arg6[%dma_start3A_762, %dma_start3A_774, %dma_start3A_775] : memref<2x256x128xf32, #tpu.memory_space<vmem>> -> memref<1x256x128xf32, #tpu.memory_space<vmem>>
    %dma_start3A_777 = tpu.memref_squeeze %dma_start3A_776 : memref<1x256x128xf32, #tpu.memory_space<vmem>> -> memref<256x128xf32, #tpu.memory_space<vmem>>
    tpu.enqueue_dma source(%dma_start3A_777 : memref<256x128xf32, #tpu.memory_space<vmem>>) target(%dma_start3A_773 : memref<256x128xf32, #tpu.memory_space<hbm>>) target_semaphore(%dma_start3A_771 : memref<!tpu.dma_semaphore, #tpu.memory_space<semaphore_mem>>)
    %dma_wait3A_778 = arith.constant 0 : i32
    %dma_wait3A_779 = arith.constant 0 : i32
    %dma_wait3A_780 = arith.constant 0 : i32
    %dma_wait3A_781 = arith.constant 0 : i32
    %dma_wait3A_782 = tpu.memref_slice %arg6[%dma_wait3A_778, %dma_wait3A_780, %dma_wait3A_781] : memref<2x256x128xf32, #tpu.memory_space<vmem>> -> memref<1x256x128xf32, #tpu.memory_space<vmem>>
    %dma_wait3A_783 = tpu.memref_squeeze %dma_wait3A_782 : memref<1x256x128xf32, #tpu.memory_space<vmem>> -> memref<256x128xf32, #tpu.memory_space<vmem>>
    %dma_wait3A_784 = arith.constant 0 : i32
    %dma_wait3A_785 = tpu.memref_slice %arg4[%add3A_761, %dma_wait3A_784] : memref<163840x128xf32, #tpu.memory_space<hbm>> -> memref<256x128xf32, #tpu.memory_space<hbm>>
    %dma_wait3A_786 = tpu.memref_slice %arg9[%dma_wait3A_779] : memref<2x!tpu.dma_semaphore, #tpu.memory_space<semaphore_mem>> -> memref<1x!tpu.dma_semaphore, #tpu.memory_space<semaphore_mem>>
    %dma_wait3A_787 = tpu.memref_squeeze %dma_wait3A_786 : memref<1x!tpu.dma_semaphore, #tpu.memory_space<semaphore_mem>> -> memref<!tpu.dma_semaphore, #tpu.memory_space<semaphore_mem>>
    %dma_wait3A_788 = arith.constant 0 : i32
    %dma_wait3A_789 = tpu.memref_slice %arg4[%add3A_761, %dma_wait3A_788] : memref<163840x128xf32, #tpu.memory_space<hbm>> -> memref<256x128xf32, #tpu.memory_space<hbm>>
    %dma_wait3A_790 = arith.constant 0 : i32
    %dma_wait3A_791 = arith.constant 0 : i32
    %dma_wait3A_792 = tpu.memref_slice %arg6[%dma_wait3A_778, %dma_wait3A_790, %dma_wait3A_791] : memref<2x256x128xf32, #tpu.memory_space<vmem>> -> memref<1x256x128xf32, #tpu.memory_space<vmem>>
    %dma_wait3A_793 = tpu.memref_squeeze %dma_wait3A_792 : memref<1x256x128xf32, #tpu.memory_space<vmem>> -> memref<256x128xf32, #tpu.memory_space<vmem>>
    tpu.wait_dma2 semaphore(%dma_wait3A_787 : memref<!tpu.dma_semaphore, #tpu.memory_space<semaphore_mem>>) src(%dma_wait3A_793 : memref<256x128xf32, #tpu.memory_space<vmem>>) dst(%dma_wait3A_789 : memref<256x128xf32, #tpu.memory_space<hbm>>)
    %dma_start3A_794 = arith.constant 0 : i32
    %dma_start3A_795 = arith.constant 0 : i32
    %dma_start3A_796 = arith.constant 0 : i32
    %dma_start3A_797 = arith.constant 0 : i32
    %dma_start3A_798 = tpu.memref_slice %arg6[%dma_start3A_794, %dma_start3A_796, %dma_start3A_797] : memref<2x256x128xf32, #tpu.memory_space<vmem>> -> memref<1x256x128xf32, #tpu.memory_space<vmem>>
    %dma_start3A_799 = tpu.memref_squeeze %dma_start3A_798 : memref<1x256x128xf32, #tpu.memory_space<vmem>> -> memref<256x128xf32, #tpu.memory_space<vmem>>
    %dma_start3A_800 = arith.constant 3584 : i32
    %dma_start3A_801 = tpu.memref_slice %arg5[%dma_start3A_800] : memref<5120xi32, #tpu.memory_space<vmem>> -> memref<256xi32, #tpu.memory_space<vmem>>
    %dma_start3A_802 = arith.constant 0 : i32
    %dma_start3A_803 = arith.constant 0 : i32
    %dma_start3A_804 = tpu.memref_slice %arg3[%dma_start3A_802, %dma_start3A_803] : memref<100000x128xf32, #tpu.memory_space<hbm>> -> memref<100000x128xf32, #tpu.memory_space<hbm>>
    %dma_start3A_805 = tpu.memref_slice %arg8[%dma_start3A_795] : memref<2x!tpu.dma_semaphore, #tpu.memory_space<semaphore_mem>> -> memref<1x!tpu.dma_semaphore, #tpu.memory_space<semaphore_mem>>
    %dma_start3A_806 = tpu.memref_squeeze %dma_start3A_805 : memref<1x!tpu.dma_semaphore, #tpu.memory_space<semaphore_mem>> -> memref<!tpu.dma_semaphore, #tpu.memory_space<semaphore_mem>>
    tpu.enqueue_indirect_dma source(%dma_start3A_804 : memref<100000x128xf32, #tpu.memory_space<hbm>>) target(%dma_start3A_799 : memref<256x128xf32, #tpu.memory_space<vmem>>) offsets(%dma_start3A_801 : memref<256xi32, #tpu.memory_space<vmem>>) semaphore(%dma_start3A_806 : memref<!tpu.dma_semaphore, #tpu.memory_space<semaphore_mem>>)
    %dma_wait3A_807 = arith.constant 1 : i32
    %dma_wait3A_808 = arith.constant 1 : i32
    %dma_wait3A_809 = arith.constant 0 : i32
    %dma_wait3A_810 = arith.constant 0 : i32
    %dma_wait3A_811 = tpu.memref_slice %arg6[%dma_wait3A_807, %dma_wait3A_809, %dma_wait3A_810] : memref<2x256x128xf32, #tpu.memory_space<vmem>> -> memref<1x256x128xf32, #tpu.memory_space<vmem>>
    %dma_wait3A_812 = tpu.memref_squeeze %dma_wait3A_811 : memref<1x256x128xf32, #tpu.memory_space<vmem>> -> memref<256x128xf32, #tpu.memory_space<vmem>>
    %dma_wait3A_813 = arith.constant 3328 : i32
    %dma_wait3A_814 = tpu.memref_slice %arg5[%dma_wait3A_813] : memref<5120xi32, #tpu.memory_space<vmem>> -> memref<256xi32, #tpu.memory_space<vmem>>
    %dma_wait3A_815 = arith.constant 0 : i32
    %dma_wait3A_816 = arith.constant 0 : i32
    %dma_wait3A_817 = tpu.memref_slice %arg3[%dma_wait3A_815, %dma_wait3A_816] : memref<100000x128xf32, #tpu.memory_space<hbm>> -> memref<100000x128xf32, #tpu.memory_space<hbm>>
    %dma_wait3A_818 = tpu.memref_slice %arg8[%dma_wait3A_808] : memref<2x!tpu.dma_semaphore, #tpu.memory_space<semaphore_mem>> -> memref<1x!tpu.dma_semaphore, #tpu.memory_space<semaphore_mem>>
    %dma_wait3A_819 = tpu.memref_squeeze %dma_wait3A_818 : memref<1x!tpu.dma_semaphore, #tpu.memory_space<semaphore_mem>> -> memref<!tpu.dma_semaphore, #tpu.memory_space<semaphore_mem>>
    tpu.wait_indirect_dma semaphore(%dma_wait3A_819 : memref<!tpu.dma_semaphore, #tpu.memory_space<semaphore_mem>>) src(%dma_wait3A_817 : memref<100000x128xf32, #tpu.memory_space<hbm>>) dst(%dma_wait3A_812 : memref<256x128xf32, #tpu.memory_space<vmem>>)
    %add3A_820 = arith.constant 3328 : i32
    %add3A_821 = arith.addi %mul3A_2, %add3A_820 : i32
    %dma_start3A_822 = arith.constant 1 : i32
    %dma_start3A_823 = arith.constant 1 : i32
    %dma_start3A_824 = arith.constant 0 : i32
    %dma_start3A_825 = arith.constant 0 : i32
    %dma_start3A_826 = tpu.memref_slice %arg6[%dma_start3A_822, %dma_start3A_824, %dma_start3A_825] : memref<2x256x128xf32, #tpu.memory_space<vmem>> -> memref<1x256x128xf32, #tpu.memory_space<vmem>>
    %dma_start3A_827 = tpu.memref_squeeze %dma_start3A_826 : memref<1x256x128xf32, #tpu.memory_space<vmem>> -> memref<256x128xf32, #tpu.memory_space<vmem>>
    %dma_start3A_828 = arith.constant 0 : i32
    %dma_start3A_829 = tpu.memref_slice %arg4[%add3A_821, %dma_start3A_828] : memref<163840x128xf32, #tpu.memory_space<hbm>> -> memref<256x128xf32, #tpu.memory_space<hbm>>
    %dma_start3A_830 = tpu.memref_slice %arg9[%dma_start3A_823] : memref<2x!tpu.dma_semaphore, #tpu.memory_space<semaphore_mem>> -> memref<1x!tpu.dma_semaphore, #tpu.memory_space<semaphore_mem>>
    %dma_start3A_831 = tpu.memref_squeeze %dma_start3A_830 : memref<1x!tpu.dma_semaphore, #tpu.memory_space<semaphore_mem>> -> memref<!tpu.dma_semaphore, #tpu.memory_space<semaphore_mem>>
    %dma_start3A_832 = arith.constant 0 : i32
    %dma_start3A_833 = tpu.memref_slice %arg4[%add3A_821, %dma_start3A_832] : memref<163840x128xf32, #tpu.memory_space<hbm>> -> memref<256x128xf32, #tpu.memory_space<hbm>>
    %dma_start3A_834 = arith.constant 0 : i32
    %dma_start3A_835 = arith.constant 0 : i32
    %dma_start3A_836 = tpu.memref_slice %arg6[%dma_start3A_822, %dma_start3A_834, %dma_start3A_835] : memref<2x256x128xf32, #tpu.memory_space<vmem>> -> memref<1x256x128xf32, #tpu.memory_space<vmem>>
    %dma_start3A_837 = tpu.memref_squeeze %dma_start3A_836 : memref<1x256x128xf32, #tpu.memory_space<vmem>> -> memref<256x128xf32, #tpu.memory_space<vmem>>
    tpu.enqueue_dma source(%dma_start3A_837 : memref<256x128xf32, #tpu.memory_space<vmem>>) target(%dma_start3A_833 : memref<256x128xf32, #tpu.memory_space<hbm>>) target_semaphore(%dma_start3A_831 : memref<!tpu.dma_semaphore, #tpu.memory_space<semaphore_mem>>)
    %dma_wait3A_838 = arith.constant 1 : i32
    %dma_wait3A_839 = arith.constant 1 : i32
    %dma_wait3A_840 = arith.constant 0 : i32
    %dma_wait3A_841 = arith.constant 0 : i32
    %dma_wait3A_842 = tpu.memref_slice %arg6[%dma_wait3A_838, %dma_wait3A_840, %dma_wait3A_841] : memref<2x256x128xf32, #tpu.memory_space<vmem>> -> memref<1x256x128xf32, #tpu.memory_space<vmem>>
    %dma_wait3A_843 = tpu.memref_squeeze %dma_wait3A_842 : memref<1x256x128xf32, #tpu.memory_space<vmem>> -> memref<256x128xf32, #tpu.memory_space<vmem>>
    %dma_wait3A_844 = arith.constant 0 : i32
    %dma_wait3A_845 = tpu.memref_slice %arg4[%add3A_821, %dma_wait3A_844] : memref<163840x128xf32, #tpu.memory_space<hbm>> -> memref<256x128xf32, #tpu.memory_space<hbm>>
    %dma_wait3A_846 = tpu.memref_slice %arg9[%dma_wait3A_839] : memref<2x!tpu.dma_semaphore, #tpu.memory_space<semaphore_mem>> -> memref<1x!tpu.dma_semaphore, #tpu.memory_space<semaphore_mem>>
    %dma_wait3A_847 = tpu.memref_squeeze %dma_wait3A_846 : memref<1x!tpu.dma_semaphore, #tpu.memory_space<semaphore_mem>> -> memref<!tpu.dma_semaphore, #tpu.memory_space<semaphore_mem>>
    %dma_wait3A_848 = arith.constant 0 : i32
    %dma_wait3A_849 = tpu.memref_slice %arg4[%add3A_821, %dma_wait3A_848] : memref<163840x128xf32, #tpu.memory_space<hbm>> -> memref<256x128xf32, #tpu.memory_space<hbm>>
    %dma_wait3A_850 = arith.constant 0 : i32
    %dma_wait3A_851 = arith.constant 0 : i32
    %dma_wait3A_852 = tpu.memref_slice %arg6[%dma_wait3A_838, %dma_wait3A_850, %dma_wait3A_851] : memref<2x256x128xf32, #tpu.memory_space<vmem>> -> memref<1x256x128xf32, #tpu.memory_space<vmem>>
    %dma_wait3A_853 = tpu.memref_squeeze %dma_wait3A_852 : memref<1x256x128xf32, #tpu.memory_space<vmem>> -> memref<256x128xf32, #tpu.memory_space<vmem>>
    tpu.wait_dma2 semaphore(%dma_wait3A_847 : memref<!tpu.dma_semaphore, #tpu.memory_space<semaphore_mem>>) src(%dma_wait3A_853 : memref<256x128xf32, #tpu.memory_space<vmem>>) dst(%dma_wait3A_849 : memref<256x128xf32, #tpu.memory_space<hbm>>)
    %dma_start3A_854 = arith.constant 1 : i32
    %dma_start3A_855 = arith.constant 1 : i32
    %dma_start3A_856 = arith.constant 0 : i32
    %dma_start3A_857 = arith.constant 0 : i32
    %dma_start3A_858 = tpu.memref_slice %arg6[%dma_start3A_854, %dma_start3A_856, %dma_start3A_857] : memref<2x256x128xf32, #tpu.memory_space<vmem>> -> memref<1x256x128xf32, #tpu.memory_space<vmem>>
    %dma_start3A_859 = tpu.memref_squeeze %dma_start3A_858 : memref<1x256x128xf32, #tpu.memory_space<vmem>> -> memref<256x128xf32, #tpu.memory_space<vmem>>
    %dma_start3A_860 = arith.constant 3840 : i32
    %dma_start3A_861 = tpu.memref_slice %arg5[%dma_start3A_860] : memref<5120xi32, #tpu.memory_space<vmem>> -> memref<256xi32, #tpu.memory_space<vmem>>
    %dma_start3A_862 = arith.constant 0 : i32
    %dma_start3A_863 = arith.constant 0 : i32
    %dma_start3A_864 = tpu.memref_slice %arg3[%dma_start3A_862, %dma_start3A_863] : memref<100000x128xf32, #tpu.memory_space<hbm>> -> memref<100000x128xf32, #tpu.memory_space<hbm>>
    %dma_start3A_865 = tpu.memref_slice %arg8[%dma_start3A_855] : memref<2x!tpu.dma_semaphore, #tpu.memory_space<semaphore_mem>> -> memref<1x!tpu.dma_semaphore, #tpu.memory_space<semaphore_mem>>
    %dma_start3A_866 = tpu.memref_squeeze %dma_start3A_865 : memref<1x!tpu.dma_semaphore, #tpu.memory_space<semaphore_mem>> -> memref<!tpu.dma_semaphore, #tpu.memory_space<semaphore_mem>>
    tpu.enqueue_indirect_dma source(%dma_start3A_864 : memref<100000x128xf32, #tpu.memory_space<hbm>>) target(%dma_start3A_859 : memref<256x128xf32, #tpu.memory_space<vmem>>) offsets(%dma_start3A_861 : memref<256xi32, #tpu.memory_space<vmem>>) semaphore(%dma_start3A_866 : memref<!tpu.dma_semaphore, #tpu.memory_space<semaphore_mem>>)
    %dma_wait3A_867 = arith.constant 0 : i32
    %dma_wait3A_868 = arith.constant 0 : i32
    %dma_wait3A_869 = arith.constant 0 : i32
    %dma_wait3A_870 = arith.constant 0 : i32
    %dma_wait3A_871 = tpu.memref_slice %arg6[%dma_wait3A_867, %dma_wait3A_869, %dma_wait3A_870] : memref<2x256x128xf32, #tpu.memory_space<vmem>> -> memref<1x256x128xf32, #tpu.memory_space<vmem>>
    %dma_wait3A_872 = tpu.memref_squeeze %dma_wait3A_871 : memref<1x256x128xf32, #tpu.memory_space<vmem>> -> memref<256x128xf32, #tpu.memory_space<vmem>>
    %dma_wait3A_873 = arith.constant 3584 : i32
    %dma_wait3A_874 = tpu.memref_slice %arg5[%dma_wait3A_873] : memref<5120xi32, #tpu.memory_space<vmem>> -> memref<256xi32, #tpu.memory_space<vmem>>
    %dma_wait3A_875 = arith.constant 0 : i32
    %dma_wait3A_876 = arith.constant 0 : i32
    %dma_wait3A_877 = tpu.memref_slice %arg3[%dma_wait3A_875, %dma_wait3A_876] : memref<100000x128xf32, #tpu.memory_space<hbm>> -> memref<100000x128xf32, #tpu.memory_space<hbm>>
    %dma_wait3A_878 = tpu.memref_slice %arg8[%dma_wait3A_868] : memref<2x!tpu.dma_semaphore, #tpu.memory_space<semaphore_mem>> -> memref<1x!tpu.dma_semaphore, #tpu.memory_space<semaphore_mem>>
    %dma_wait3A_879 = tpu.memref_squeeze %dma_wait3A_878 : memref<1x!tpu.dma_semaphore, #tpu.memory_space<semaphore_mem>> -> memref<!tpu.dma_semaphore, #tpu.memory_space<semaphore_mem>>
    tpu.wait_indirect_dma semaphore(%dma_wait3A_879 : memref<!tpu.dma_semaphore, #tpu.memory_space<semaphore_mem>>) src(%dma_wait3A_877 : memref<100000x128xf32, #tpu.memory_space<hbm>>) dst(%dma_wait3A_872 : memref<256x128xf32, #tpu.memory_space<vmem>>)
    %add3A_880 = arith.constant 3584 : i32
    %add3A_881 = arith.addi %mul3A_2, %add3A_880 : i32
    %dma_start3A_882 = arith.constant 0 : i32
    %dma_start3A_883 = arith.constant 0 : i32
    %dma_start3A_884 = arith.constant 0 : i32
    %dma_start3A_885 = arith.constant 0 : i32
    %dma_start3A_886 = tpu.memref_slice %arg6[%dma_start3A_882, %dma_start3A_884, %dma_start3A_885] : memref<2x256x128xf32, #tpu.memory_space<vmem>> -> memref<1x256x128xf32, #tpu.memory_space<vmem>>
    %dma_start3A_887 = tpu.memref_squeeze %dma_start3A_886 : memref<1x256x128xf32, #tpu.memory_space<vmem>> -> memref<256x128xf32, #tpu.memory_space<vmem>>
    %dma_start3A_888 = arith.constant 0 : i32
    %dma_start3A_889 = tpu.memref_slice %arg4[%add3A_881, %dma_start3A_888] : memref<163840x128xf32, #tpu.memory_space<hbm>> -> memref<256x128xf32, #tpu.memory_space<hbm>>
    %dma_start3A_890 = tpu.memref_slice %arg9[%dma_start3A_883] : memref<2x!tpu.dma_semaphore, #tpu.memory_space<semaphore_mem>> -> memref<1x!tpu.dma_semaphore, #tpu.memory_space<semaphore_mem>>
    %dma_start3A_891 = tpu.memref_squeeze %dma_start3A_890 : memref<1x!tpu.dma_semaphore, #tpu.memory_space<semaphore_mem>> -> memref<!tpu.dma_semaphore, #tpu.memory_space<semaphore_mem>>
    %dma_start3A_892 = arith.constant 0 : i32
    %dma_start3A_893 = tpu.memref_slice %arg4[%add3A_881, %dma_start3A_892] : memref<163840x128xf32, #tpu.memory_space<hbm>> -> memref<256x128xf32, #tpu.memory_space<hbm>>
    %dma_start3A_894 = arith.constant 0 : i32
    %dma_start3A_895 = arith.constant 0 : i32
    %dma_start3A_896 = tpu.memref_slice %arg6[%dma_start3A_882, %dma_start3A_894, %dma_start3A_895] : memref<2x256x128xf32, #tpu.memory_space<vmem>> -> memref<1x256x128xf32, #tpu.memory_space<vmem>>
    %dma_start3A_897 = tpu.memref_squeeze %dma_start3A_896 : memref<1x256x128xf32, #tpu.memory_space<vmem>> -> memref<256x128xf32, #tpu.memory_space<vmem>>
    tpu.enqueue_dma source(%dma_start3A_897 : memref<256x128xf32, #tpu.memory_space<vmem>>) target(%dma_start3A_893 : memref<256x128xf32, #tpu.memory_space<hbm>>) target_semaphore(%dma_start3A_891 : memref<!tpu.dma_semaphore, #tpu.memory_space<semaphore_mem>>)
    %dma_wait3A_898 = arith.constant 0 : i32
    %dma_wait3A_899 = arith.constant 0 : i32
    %dma_wait3A_900 = arith.constant 0 : i32
    %dma_wait3A_901 = arith.constant 0 : i32
    %dma_wait3A_902 = tpu.memref_slice %arg6[%dma_wait3A_898, %dma_wait3A_900, %dma_wait3A_901] : memref<2x256x128xf32, #tpu.memory_space<vmem>> -> memref<1x256x128xf32, #tpu.memory_space<vmem>>
    %dma_wait3A_903 = tpu.memref_squeeze %dma_wait3A_902 : memref<1x256x128xf32, #tpu.memory_space<vmem>> -> memref<256x128xf32, #tpu.memory_space<vmem>>
    %dma_wait3A_904 = arith.constant 0 : i32
    %dma_wait3A_905 = tpu.memref_slice %arg4[%add3A_881, %dma_wait3A_904] : memref<163840x128xf32, #tpu.memory_space<hbm>> -> memref<256x128xf32, #tpu.memory_space<hbm>>
    %dma_wait3A_906 = tpu.memref_slice %arg9[%dma_wait3A_899] : memref<2x!tpu.dma_semaphore, #tpu.memory_space<semaphore_mem>> -> memref<1x!tpu.dma_semaphore, #tpu.memory_space<semaphore_mem>>
    %dma_wait3A_907 = tpu.memref_squeeze %dma_wait3A_906 : memref<1x!tpu.dma_semaphore, #tpu.memory_space<semaphore_mem>> -> memref<!tpu.dma_semaphore, #tpu.memory_space<semaphore_mem>>
    %dma_wait3A_908 = arith.constant 0 : i32
    %dma_wait3A_909 = tpu.memref_slice %arg4[%add3A_881, %dma_wait3A_908] : memref<163840x128xf32, #tpu.memory_space<hbm>> -> memref<256x128xf32, #tpu.memory_space<hbm>>
    %dma_wait3A_910 = arith.constant 0 : i32
    %dma_wait3A_911 = arith.constant 0 : i32
    %dma_wait3A_912 = tpu.memref_slice %arg6[%dma_wait3A_898, %dma_wait3A_910, %dma_wait3A_911] : memref<2x256x128xf32, #tpu.memory_space<vmem>> -> memref<1x256x128xf32, #tpu.memory_space<vmem>>
    %dma_wait3A_913 = tpu.memref_squeeze %dma_wait3A_912 : memref<1x256x128xf32, #tpu.memory_space<vmem>> -> memref<256x128xf32, #tpu.memory_space<vmem>>
    tpu.wait_dma2 semaphore(%dma_wait3A_907 : memref<!tpu.dma_semaphore, #tpu.memory_space<semaphore_mem>>) src(%dma_wait3A_913 : memref<256x128xf32, #tpu.memory_space<vmem>>) dst(%dma_wait3A_909 : memref<256x128xf32, #tpu.memory_space<hbm>>)
    %dma_start3A_914 = arith.constant 0 : i32
    %dma_start3A_915 = arith.constant 0 : i32
    %dma_start3A_916 = arith.constant 0 : i32
    %dma_start3A_917 = arith.constant 0 : i32
    %dma_start3A_918 = tpu.memref_slice %arg6[%dma_start3A_914, %dma_start3A_916, %dma_start3A_917] : memref<2x256x128xf32, #tpu.memory_space<vmem>> -> memref<1x256x128xf32, #tpu.memory_space<vmem>>
    %dma_start3A_919 = tpu.memref_squeeze %dma_start3A_918 : memref<1x256x128xf32, #tpu.memory_space<vmem>> -> memref<256x128xf32, #tpu.memory_space<vmem>>
    %dma_start3A_920 = arith.constant 4096 : i32
    %dma_start3A_921 = tpu.memref_slice %arg5[%dma_start3A_920] : memref<5120xi32, #tpu.memory_space<vmem>> -> memref<256xi32, #tpu.memory_space<vmem>>
    %dma_start3A_922 = arith.constant 0 : i32
    %dma_start3A_923 = arith.constant 0 : i32
    %dma_start3A_924 = tpu.memref_slice %arg3[%dma_start3A_922, %dma_start3A_923] : memref<100000x128xf32, #tpu.memory_space<hbm>> -> memref<100000x128xf32, #tpu.memory_space<hbm>>
    %dma_start3A_925 = tpu.memref_slice %arg8[%dma_start3A_915] : memref<2x!tpu.dma_semaphore, #tpu.memory_space<semaphore_mem>> -> memref<1x!tpu.dma_semaphore, #tpu.memory_space<semaphore_mem>>
    %dma_start3A_926 = tpu.memref_squeeze %dma_start3A_925 : memref<1x!tpu.dma_semaphore, #tpu.memory_space<semaphore_mem>> -> memref<!tpu.dma_semaphore, #tpu.memory_space<semaphore_mem>>
    tpu.enqueue_indirect_dma source(%dma_start3A_924 : memref<100000x128xf32, #tpu.memory_space<hbm>>) target(%dma_start3A_919 : memref<256x128xf32, #tpu.memory_space<vmem>>) offsets(%dma_start3A_921 : memref<256xi32, #tpu.memory_space<vmem>>) semaphore(%dma_start3A_926 : memref<!tpu.dma_semaphore, #tpu.memory_space<semaphore_mem>>)
    %dma_wait3A_927 = arith.constant 1 : i32
    %dma_wait3A_928 = arith.constant 1 : i32
    %dma_wait3A_929 = arith.constant 0 : i32
    %dma_wait3A_930 = arith.constant 0 : i32
    %dma_wait3A_931 = tpu.memref_slice %arg6[%dma_wait3A_927, %dma_wait3A_929, %dma_wait3A_930] : memref<2x256x128xf32, #tpu.memory_space<vmem>> -> memref<1x256x128xf32, #tpu.memory_space<vmem>>
    %dma_wait3A_932 = tpu.memref_squeeze %dma_wait3A_931 : memref<1x256x128xf32, #tpu.memory_space<vmem>> -> memref<256x128xf32, #tpu.memory_space<vmem>>
    %dma_wait3A_933 = arith.constant 3840 : i32
    %dma_wait3A_934 = tpu.memref_slice %arg5[%dma_wait3A_933] : memref<5120xi32, #tpu.memory_space<vmem>> -> memref<256xi32, #tpu.memory_space<vmem>>
    %dma_wait3A_935 = arith.constant 0 : i32
    %dma_wait3A_936 = arith.constant 0 : i32
    %dma_wait3A_937 = tpu.memref_slice %arg3[%dma_wait3A_935, %dma_wait3A_936] : memref<100000x128xf32, #tpu.memory_space<hbm>> -> memref<100000x128xf32, #tpu.memory_space<hbm>>
    %dma_wait3A_938 = tpu.memref_slice %arg8[%dma_wait3A_928] : memref<2x!tpu.dma_semaphore, #tpu.memory_space<semaphore_mem>> -> memref<1x!tpu.dma_semaphore, #tpu.memory_space<semaphore_mem>>
    %dma_wait3A_939 = tpu.memref_squeeze %dma_wait3A_938 : memref<1x!tpu.dma_semaphore, #tpu.memory_space<semaphore_mem>> -> memref<!tpu.dma_semaphore, #tpu.memory_space<semaphore_mem>>
    tpu.wait_indirect_dma semaphore(%dma_wait3A_939 : memref<!tpu.dma_semaphore, #tpu.memory_space<semaphore_mem>>) src(%dma_wait3A_937 : memref<100000x128xf32, #tpu.memory_space<hbm>>) dst(%dma_wait3A_932 : memref<256x128xf32, #tpu.memory_space<vmem>>)
    %add3A_940 = arith.constant 3840 : i32
    %add3A_941 = arith.addi %mul3A_2, %add3A_940 : i32
    %dma_start3A_942 = arith.constant 1 : i32
    %dma_start3A_943 = arith.constant 1 : i32
    %dma_start3A_944 = arith.constant 0 : i32
    %dma_start3A_945 = arith.constant 0 : i32
    %dma_start3A_946 = tpu.memref_slice %arg6[%dma_start3A_942, %dma_start3A_944, %dma_start3A_945] : memref<2x256x128xf32, #tpu.memory_space<vmem>> -> memref<1x256x128xf32, #tpu.memory_space<vmem>>
    %dma_start3A_947 = tpu.memref_squeeze %dma_start3A_946 : memref<1x256x128xf32, #tpu.memory_space<vmem>> -> memref<256x128xf32, #tpu.memory_space<vmem>>
    %dma_start3A_948 = arith.constant 0 : i32
    %dma_start3A_949 = tpu.memref_slice %arg4[%add3A_941, %dma_start3A_948] : memref<163840x128xf32, #tpu.memory_space<hbm>> -> memref<256x128xf32, #tpu.memory_space<hbm>>
    %dma_start3A_950 = tpu.memref_slice %arg9[%dma_start3A_943] : memref<2x!tpu.dma_semaphore, #tpu.memory_space<semaphore_mem>> -> memref<1x!tpu.dma_semaphore, #tpu.memory_space<semaphore_mem>>
    %dma_start3A_951 = tpu.memref_squeeze %dma_start3A_950 : memref<1x!tpu.dma_semaphore, #tpu.memory_space<semaphore_mem>> -> memref<!tpu.dma_semaphore, #tpu.memory_space<semaphore_mem>>
    %dma_start3A_952 = arith.constant 0 : i32
    %dma_start3A_953 = tpu.memref_slice %arg4[%add3A_941, %dma_start3A_952] : memref<163840x128xf32, #tpu.memory_space<hbm>> -> memref<256x128xf32, #tpu.memory_space<hbm>>
    %dma_start3A_954 = arith.constant 0 : i32
    %dma_start3A_955 = arith.constant 0 : i32
    %dma_start3A_956 = tpu.memref_slice %arg6[%dma_start3A_942, %dma_start3A_954, %dma_start3A_955] : memref<2x256x128xf32, #tpu.memory_space<vmem>> -> memref<1x256x128xf32, #tpu.memory_space<vmem>>
    %dma_start3A_957 = tpu.memref_squeeze %dma_start3A_956 : memref<1x256x128xf32, #tpu.memory_space<vmem>> -> memref<256x128xf32, #tpu.memory_space<vmem>>
    tpu.enqueue_dma source(%dma_start3A_957 : memref<256x128xf32, #tpu.memory_space<vmem>>) target(%dma_start3A_953 : memref<256x128xf32, #tpu.memory_space<hbm>>) target_semaphore(%dma_start3A_951 : memref<!tpu.dma_semaphore, #tpu.memory_space<semaphore_mem>>)
    %dma_wait3A_958 = arith.constant 1 : i32
    %dma_wait3A_959 = arith.constant 1 : i32
    %dma_wait3A_960 = arith.constant 0 : i32
    %dma_wait3A_961 = arith.constant 0 : i32
    %dma_wait3A_962 = tpu.memref_slice %arg6[%dma_wait3A_958, %dma_wait3A_960, %dma_wait3A_961] : memref<2x256x128xf32, #tpu.memory_space<vmem>> -> memref<1x256x128xf32, #tpu.memory_space<vmem>>
    %dma_wait3A_963 = tpu.memref_squeeze %dma_wait3A_962 : memref<1x256x128xf32, #tpu.memory_space<vmem>> -> memref<256x128xf32, #tpu.memory_space<vmem>>
    %dma_wait3A_964 = arith.constant 0 : i32
    %dma_wait3A_965 = tpu.memref_slice %arg4[%add3A_941, %dma_wait3A_964] : memref<163840x128xf32, #tpu.memory_space<hbm>> -> memref<256x128xf32, #tpu.memory_space<hbm>>
    %dma_wait3A_966 = tpu.memref_slice %arg9[%dma_wait3A_959] : memref<2x!tpu.dma_semaphore, #tpu.memory_space<semaphore_mem>> -> memref<1x!tpu.dma_semaphore, #tpu.memory_space<semaphore_mem>>
    %dma_wait3A_967 = tpu.memref_squeeze %dma_wait3A_966 : memref<1x!tpu.dma_semaphore, #tpu.memory_space<semaphore_mem>> -> memref<!tpu.dma_semaphore, #tpu.memory_space<semaphore_mem>>
    %dma_wait3A_968 = arith.constant 0 : i32
    %dma_wait3A_969 = tpu.memref_slice %arg4[%add3A_941, %dma_wait3A_968] : memref<163840x128xf32, #tpu.memory_space<hbm>> -> memref<256x128xf32, #tpu.memory_space<hbm>>
    %dma_wait3A_970 = arith.constant 0 : i32
    %dma_wait3A_971 = arith.constant 0 : i32
    %dma_wait3A_972 = tpu.memref_slice %arg6[%dma_wait3A_958, %dma_wait3A_970, %dma_wait3A_971] : memref<2x256x128xf32, #tpu.memory_space<vmem>> -> memref<1x256x128xf32, #tpu.memory_space<vmem>>
    %dma_wait3A_973 = tpu.memref_squeeze %dma_wait3A_972 : memref<1x256x128xf32, #tpu.memory_space<vmem>> -> memref<256x128xf32, #tpu.memory_space<vmem>>
    tpu.wait_dma2 semaphore(%dma_wait3A_967 : memref<!tpu.dma_semaphore, #tpu.memory_space<semaphore_mem>>) src(%dma_wait3A_973 : memref<256x128xf32, #tpu.memory_space<vmem>>) dst(%dma_wait3A_969 : memref<256x128xf32, #tpu.memory_space<hbm>>)
    %dma_start3A_974 = arith.constant 1 : i32
    %dma_start3A_975 = arith.constant 1 : i32
    %dma_start3A_976 = arith.constant 0 : i32
    %dma_start3A_977 = arith.constant 0 : i32
    %dma_start3A_978 = tpu.memref_slice %arg6[%dma_start3A_974, %dma_start3A_976, %dma_start3A_977] : memref<2x256x128xf32, #tpu.memory_space<vmem>> -> memref<1x256x128xf32, #tpu.memory_space<vmem>>
    %dma_start3A_979 = tpu.memref_squeeze %dma_start3A_978 : memref<1x256x128xf32, #tpu.memory_space<vmem>> -> memref<256x128xf32, #tpu.memory_space<vmem>>
    %dma_start3A_980 = arith.constant 4352 : i32
    %dma_start3A_981 = tpu.memref_slice %arg5[%dma_start3A_980] : memref<5120xi32, #tpu.memory_space<vmem>> -> memref<256xi32, #tpu.memory_space<vmem>>
    %dma_start3A_982 = arith.constant 0 : i32
    %dma_start3A_983 = arith.constant 0 : i32
    %dma_start3A_984 = tpu.memref_slice %arg3[%dma_start3A_982, %dma_start3A_983] : memref<100000x128xf32, #tpu.memory_space<hbm>> -> memref<100000x128xf32, #tpu.memory_space<hbm>>
    %dma_start3A_985 = tpu.memref_slice %arg8[%dma_start3A_975] : memref<2x!tpu.dma_semaphore, #tpu.memory_space<semaphore_mem>> -> memref<1x!tpu.dma_semaphore, #tpu.memory_space<semaphore_mem>>
    %dma_start3A_986 = tpu.memref_squeeze %dma_start3A_985 : memref<1x!tpu.dma_semaphore, #tpu.memory_space<semaphore_mem>> -> memref<!tpu.dma_semaphore, #tpu.memory_space<semaphore_mem>>
    tpu.enqueue_indirect_dma source(%dma_start3A_984 : memref<100000x128xf32, #tpu.memory_space<hbm>>) target(%dma_start3A_979 : memref<256x128xf32, #tpu.memory_space<vmem>>) offsets(%dma_start3A_981 : memref<256xi32, #tpu.memory_space<vmem>>) semaphore(%dma_start3A_986 : memref<!tpu.dma_semaphore, #tpu.memory_space<semaphore_mem>>)
    %dma_wait3A_987 = arith.constant 0 : i32
    %dma_wait3A_988 = arith.constant 0 : i32
    %dma_wait3A_989 = arith.constant 0 : i32
    %dma_wait3A_990 = arith.constant 0 : i32
    %dma_wait3A_991 = tpu.memref_slice %arg6[%dma_wait3A_987, %dma_wait3A_989, %dma_wait3A_990] : memref<2x256x128xf32, #tpu.memory_space<vmem>> -> memref<1x256x128xf32, #tpu.memory_space<vmem>>
    %dma_wait3A_992 = tpu.memref_squeeze %dma_wait3A_991 : memref<1x256x128xf32, #tpu.memory_space<vmem>> -> memref<256x128xf32, #tpu.memory_space<vmem>>
    %dma_wait3A_993 = arith.constant 4096 : i32
    %dma_wait3A_994 = tpu.memref_slice %arg5[%dma_wait3A_993] : memref<5120xi32, #tpu.memory_space<vmem>> -> memref<256xi32, #tpu.memory_space<vmem>>
    %dma_wait3A_995 = arith.constant 0 : i32
    %dma_wait3A_996 = arith.constant 0 : i32
    %dma_wait3A_997 = tpu.memref_slice %arg3[%dma_wait3A_995, %dma_wait3A_996] : memref<100000x128xf32, #tpu.memory_space<hbm>> -> memref<100000x128xf32, #tpu.memory_space<hbm>>
    %dma_wait3A_998 = tpu.memref_slice %arg8[%dma_wait3A_988] : memref<2x!tpu.dma_semaphore, #tpu.memory_space<semaphore_mem>> -> memref<1x!tpu.dma_semaphore, #tpu.memory_space<semaphore_mem>>
    %dma_wait3A_999 = tpu.memref_squeeze %dma_wait3A_998 : memref<1x!tpu.dma_semaphore, #tpu.memory_space<semaphore_mem>> -> memref<!tpu.dma_semaphore, #tpu.memory_space<semaphore_mem>>
    tpu.wait_indirect_dma semaphore(%dma_wait3A_999 : memref<!tpu.dma_semaphore, #tpu.memory_space<semaphore_mem>>) src(%dma_wait3A_997 : memref<100000x128xf32, #tpu.memory_space<hbm>>) dst(%dma_wait3A_992 : memref<256x128xf32, #tpu.memory_space<vmem>>)
    %add3A_1000 = arith.constant 4096 : i32
    %add3A_1001 = arith.addi %mul3A_2, %add3A_1000 : i32
    %dma_start3A_1002 = arith.constant 0 : i32
    %dma_start3A_1003 = arith.constant 0 : i32
    %dma_start3A_1004 = arith.constant 0 : i32
    %dma_start3A_1005 = arith.constant 0 : i32
    %dma_start3A_1006 = tpu.memref_slice %arg6[%dma_start3A_1002, %dma_start3A_1004, %dma_start3A_1005] : memref<2x256x128xf32, #tpu.memory_space<vmem>> -> memref<1x256x128xf32, #tpu.memory_space<vmem>>
    %dma_start3A_1007 = tpu.memref_squeeze %dma_start3A_1006 : memref<1x256x128xf32, #tpu.memory_space<vmem>> -> memref<256x128xf32, #tpu.memory_space<vmem>>
    %dma_start3A_1008 = arith.constant 0 : i32
    %dma_start3A_1009 = tpu.memref_slice %arg4[%add3A_1001, %dma_start3A_1008] : memref<163840x128xf32, #tpu.memory_space<hbm>> -> memref<256x128xf32, #tpu.memory_space<hbm>>
    %dma_start3A_1010 = tpu.memref_slice %arg9[%dma_start3A_1003] : memref<2x!tpu.dma_semaphore, #tpu.memory_space<semaphore_mem>> -> memref<1x!tpu.dma_semaphore, #tpu.memory_space<semaphore_mem>>
    %dma_start3A_1011 = tpu.memref_squeeze %dma_start3A_1010 : memref<1x!tpu.dma_semaphore, #tpu.memory_space<semaphore_mem>> -> memref<!tpu.dma_semaphore, #tpu.memory_space<semaphore_mem>>
    %dma_start3A_1012 = arith.constant 0 : i32
    %dma_start3A_1013 = tpu.memref_slice %arg4[%add3A_1001, %dma_start3A_1012] : memref<163840x128xf32, #tpu.memory_space<hbm>> -> memref<256x128xf32, #tpu.memory_space<hbm>>
    %dma_start3A_1014 = arith.constant 0 : i32
    %dma_start3A_1015 = arith.constant 0 : i32
    %dma_start3A_1016 = tpu.memref_slice %arg6[%dma_start3A_1002, %dma_start3A_1014, %dma_start3A_1015] : memref<2x256x128xf32, #tpu.memory_space<vmem>> -> memref<1x256x128xf32, #tpu.memory_space<vmem>>
    %dma_start3A_1017 = tpu.memref_squeeze %dma_start3A_1016 : memref<1x256x128xf32, #tpu.memory_space<vmem>> -> memref<256x128xf32, #tpu.memory_space<vmem>>
    tpu.enqueue_dma source(%dma_start3A_1017 : memref<256x128xf32, #tpu.memory_space<vmem>>) target(%dma_start3A_1013 : memref<256x128xf32, #tpu.memory_space<hbm>>) target_semaphore(%dma_start3A_1011 : memref<!tpu.dma_semaphore, #tpu.memory_space<semaphore_mem>>)
    %dma_wait3A_1018 = arith.constant 0 : i32
    %dma_wait3A_1019 = arith.constant 0 : i32
    %dma_wait3A_1020 = arith.constant 0 : i32
    %dma_wait3A_1021 = arith.constant 0 : i32
    %dma_wait3A_1022 = tpu.memref_slice %arg6[%dma_wait3A_1018, %dma_wait3A_1020, %dma_wait3A_1021] : memref<2x256x128xf32, #tpu.memory_space<vmem>> -> memref<1x256x128xf32, #tpu.memory_space<vmem>>
    %dma_wait3A_1023 = tpu.memref_squeeze %dma_wait3A_1022 : memref<1x256x128xf32, #tpu.memory_space<vmem>> -> memref<256x128xf32, #tpu.memory_space<vmem>>
    %dma_wait3A_1024 = arith.constant 0 : i32
    %dma_wait3A_1025 = tpu.memref_slice %arg4[%add3A_1001, %dma_wait3A_1024] : memref<163840x128xf32, #tpu.memory_space<hbm>> -> memref<256x128xf32, #tpu.memory_space<hbm>>
    %dma_wait3A_1026 = tpu.memref_slice %arg9[%dma_wait3A_1019] : memref<2x!tpu.dma_semaphore, #tpu.memory_space<semaphore_mem>> -> memref<1x!tpu.dma_semaphore, #tpu.memory_space<semaphore_mem>>
    %dma_wait3A_1027 = tpu.memref_squeeze %dma_wait3A_1026 : memref<1x!tpu.dma_semaphore, #tpu.memory_space<semaphore_mem>> -> memref<!tpu.dma_semaphore, #tpu.memory_space<semaphore_mem>>
    %dma_wait3A_1028 = arith.constant 0 : i32
    %dma_wait3A_1029 = tpu.memref_slice %arg4[%add3A_1001, %dma_wait3A_1028] : memref<163840x128xf32, #tpu.memory_space<hbm>> -> memref<256x128xf32, #tpu.memory_space<hbm>>
    %dma_wait3A_1030 = arith.constant 0 : i32
    %dma_wait3A_1031 = arith.constant 0 : i32
    %dma_wait3A_1032 = tpu.memref_slice %arg6[%dma_wait3A_1018, %dma_wait3A_1030, %dma_wait3A_1031] : memref<2x256x128xf32, #tpu.memory_space<vmem>> -> memref<1x256x128xf32, #tpu.memory_space<vmem>>
    %dma_wait3A_1033 = tpu.memref_squeeze %dma_wait3A_1032 : memref<1x256x128xf32, #tpu.memory_space<vmem>> -> memref<256x128xf32, #tpu.memory_space<vmem>>
    tpu.wait_dma2 semaphore(%dma_wait3A_1027 : memref<!tpu.dma_semaphore, #tpu.memory_space<semaphore_mem>>) src(%dma_wait3A_1033 : memref<256x128xf32, #tpu.memory_space<vmem>>) dst(%dma_wait3A_1029 : memref<256x128xf32, #tpu.memory_space<hbm>>)
    %dma_start3A_1034 = arith.constant 0 : i32
    %dma_start3A_1035 = arith.constant 0 : i32
    %dma_start3A_1036 = arith.constant 0 : i32
    %dma_start3A_1037 = arith.constant 0 : i32
    %dma_start3A_1038 = tpu.memref_slice %arg6[%dma_start3A_1034, %dma_start3A_1036, %dma_start3A_1037] : memref<2x256x128xf32, #tpu.memory_space<vmem>> -> memref<1x256x128xf32, #tpu.memory_space<vmem>>
    %dma_start3A_1039 = tpu.memref_squeeze %dma_start3A_1038 : memref<1x256x128xf32, #tpu.memory_space<vmem>> -> memref<256x128xf32, #tpu.memory_space<vmem>>
    %dma_start3A_1040 = arith.constant 4608 : i32
    %dma_start3A_1041 = tpu.memref_slice %arg5[%dma_start3A_1040] : memref<5120xi32, #tpu.memory_space<vmem>> -> memref<256xi32, #tpu.memory_space<vmem>>
    %dma_start3A_1042 = arith.constant 0 : i32
    %dma_start3A_1043 = arith.constant 0 : i32
    %dma_start3A_1044 = tpu.memref_slice %arg3[%dma_start3A_1042, %dma_start3A_1043] : memref<100000x128xf32, #tpu.memory_space<hbm>> -> memref<100000x128xf32, #tpu.memory_space<hbm>>
    %dma_start3A_1045 = tpu.memref_slice %arg8[%dma_start3A_1035] : memref<2x!tpu.dma_semaphore, #tpu.memory_space<semaphore_mem>> -> memref<1x!tpu.dma_semaphore, #tpu.memory_space<semaphore_mem>>
    %dma_start3A_1046 = tpu.memref_squeeze %dma_start3A_1045 : memref<1x!tpu.dma_semaphore, #tpu.memory_space<semaphore_mem>> -> memref<!tpu.dma_semaphore, #tpu.memory_space<semaphore_mem>>
    tpu.enqueue_indirect_dma source(%dma_start3A_1044 : memref<100000x128xf32, #tpu.memory_space<hbm>>) target(%dma_start3A_1039 : memref<256x128xf32, #tpu.memory_space<vmem>>) offsets(%dma_start3A_1041 : memref<256xi32, #tpu.memory_space<vmem>>) semaphore(%dma_start3A_1046 : memref<!tpu.dma_semaphore, #tpu.memory_space<semaphore_mem>>)
    %dma_wait3A_1047 = arith.constant 1 : i32
    %dma_wait3A_1048 = arith.constant 1 : i32
    %dma_wait3A_1049 = arith.constant 0 : i32
    %dma_wait3A_1050 = arith.constant 0 : i32
    %dma_wait3A_1051 = tpu.memref_slice %arg6[%dma_wait3A_1047, %dma_wait3A_1049, %dma_wait3A_1050] : memref<2x256x128xf32, #tpu.memory_space<vmem>> -> memref<1x256x128xf32, #tpu.memory_space<vmem>>
    %dma_wait3A_1052 = tpu.memref_squeeze %dma_wait3A_1051 : memref<1x256x128xf32, #tpu.memory_space<vmem>> -> memref<256x128xf32, #tpu.memory_space<vmem>>
    %dma_wait3A_1053 = arith.constant 4352 : i32
    %dma_wait3A_1054 = tpu.memref_slice %arg5[%dma_wait3A_1053] : memref<5120xi32, #tpu.memory_space<vmem>> -> memref<256xi32, #tpu.memory_space<vmem>>
    %dma_wait3A_1055 = arith.constant 0 : i32
    %dma_wait3A_1056 = arith.constant 0 : i32
    %dma_wait3A_1057 = tpu.memref_slice %arg3[%dma_wait3A_1055, %dma_wait3A_1056] : memref<100000x128xf32, #tpu.memory_space<hbm>> -> memref<100000x128xf32, #tpu.memory_space<hbm>>
    %dma_wait3A_1058 = tpu.memref_slice %arg8[%dma_wait3A_1048] : memref<2x!tpu.dma_semaphore, #tpu.memory_space<semaphore_mem>> -> memref<1x!tpu.dma_semaphore, #tpu.memory_space<semaphore_mem>>
    %dma_wait3A_1059 = tpu.memref_squeeze %dma_wait3A_1058 : memref<1x!tpu.dma_semaphore, #tpu.memory_space<semaphore_mem>> -> memref<!tpu.dma_semaphore, #tpu.memory_space<semaphore_mem>>
    tpu.wait_indirect_dma semaphore(%dma_wait3A_1059 : memref<!tpu.dma_semaphore, #tpu.memory_space<semaphore_mem>>) src(%dma_wait3A_1057 : memref<100000x128xf32, #tpu.memory_space<hbm>>) dst(%dma_wait3A_1052 : memref<256x128xf32, #tpu.memory_space<vmem>>)
    %add3A_1060 = arith.constant 4352 : i32
    %add3A_1061 = arith.addi %mul3A_2, %add3A_1060 : i32
    %dma_start3A_1062 = arith.constant 1 : i32
    %dma_start3A_1063 = arith.constant 1 : i32
    %dma_start3A_1064 = arith.constant 0 : i32
    %dma_start3A_1065 = arith.constant 0 : i32
    %dma_start3A_1066 = tpu.memref_slice %arg6[%dma_start3A_1062, %dma_start3A_1064, %dma_start3A_1065] : memref<2x256x128xf32, #tpu.memory_space<vmem>> -> memref<1x256x128xf32, #tpu.memory_space<vmem>>
    %dma_start3A_1067 = tpu.memref_squeeze %dma_start3A_1066 : memref<1x256x128xf32, #tpu.memory_space<vmem>> -> memref<256x128xf32, #tpu.memory_space<vmem>>
    %dma_start3A_1068 = arith.constant 0 : i32
    %dma_start3A_1069 = tpu.memref_slice %arg4[%add3A_1061, %dma_start3A_1068] : memref<163840x128xf32, #tpu.memory_space<hbm>> -> memref<256x128xf32, #tpu.memory_space<hbm>>
    %dma_start3A_1070 = tpu.memref_slice %arg9[%dma_start3A_1063] : memref<2x!tpu.dma_semaphore, #tpu.memory_space<semaphore_mem>> -> memref<1x!tpu.dma_semaphore, #tpu.memory_space<semaphore_mem>>
    %dma_start3A_1071 = tpu.memref_squeeze %dma_start3A_1070 : memref<1x!tpu.dma_semaphore, #tpu.memory_space<semaphore_mem>> -> memref<!tpu.dma_semaphore, #tpu.memory_space<semaphore_mem>>
    %dma_start3A_1072 = arith.constant 0 : i32
    %dma_start3A_1073 = tpu.memref_slice %arg4[%add3A_1061, %dma_start3A_1072] : memref<163840x128xf32, #tpu.memory_space<hbm>> -> memref<256x128xf32, #tpu.memory_space<hbm>>
    %dma_start3A_1074 = arith.constant 0 : i32
    %dma_start3A_1075 = arith.constant 0 : i32
    %dma_start3A_1076 = tpu.memref_slice %arg6[%dma_start3A_1062, %dma_start3A_1074, %dma_start3A_1075] : memref<2x256x128xf32, #tpu.memory_space<vmem>> -> memref<1x256x128xf32, #tpu.memory_space<vmem>>
    %dma_start3A_1077 = tpu.memref_squeeze %dma_start3A_1076 : memref<1x256x128xf32, #tpu.memory_space<vmem>> -> memref<256x128xf32, #tpu.memory_space<vmem>>
    tpu.enqueue_dma source(%dma_start3A_1077 : memref<256x128xf32, #tpu.memory_space<vmem>>) target(%dma_start3A_1073 : memref<256x128xf32, #tpu.memory_space<hbm>>) target_semaphore(%dma_start3A_1071 : memref<!tpu.dma_semaphore, #tpu.memory_space<semaphore_mem>>)
    %dma_wait3A_1078 = arith.constant 1 : i32
    %dma_wait3A_1079 = arith.constant 1 : i32
    %dma_wait3A_1080 = arith.constant 0 : i32
    %dma_wait3A_1081 = arith.constant 0 : i32
    %dma_wait3A_1082 = tpu.memref_slice %arg6[%dma_wait3A_1078, %dma_wait3A_1080, %dma_wait3A_1081] : memref<2x256x128xf32, #tpu.memory_space<vmem>> -> memref<1x256x128xf32, #tpu.memory_space<vmem>>
    %dma_wait3A_1083 = tpu.memref_squeeze %dma_wait3A_1082 : memref<1x256x128xf32, #tpu.memory_space<vmem>> -> memref<256x128xf32, #tpu.memory_space<vmem>>
    %dma_wait3A_1084 = arith.constant 0 : i32
    %dma_wait3A_1085 = tpu.memref_slice %arg4[%add3A_1061, %dma_wait3A_1084] : memref<163840x128xf32, #tpu.memory_space<hbm>> -> memref<256x128xf32, #tpu.memory_space<hbm>>
    %dma_wait3A_1086 = tpu.memref_slice %arg9[%dma_wait3A_1079] : memref<2x!tpu.dma_semaphore, #tpu.memory_space<semaphore_mem>> -> memref<1x!tpu.dma_semaphore, #tpu.memory_space<semaphore_mem>>
    %dma_wait3A_1087 = tpu.memref_squeeze %dma_wait3A_1086 : memref<1x!tpu.dma_semaphore, #tpu.memory_space<semaphore_mem>> -> memref<!tpu.dma_semaphore, #tpu.memory_space<semaphore_mem>>
    %dma_wait3A_1088 = arith.constant 0 : i32
    %dma_wait3A_1089 = tpu.memref_slice %arg4[%add3A_1061, %dma_wait3A_1088] : memref<163840x128xf32, #tpu.memory_space<hbm>> -> memref<256x128xf32, #tpu.memory_space<hbm>>
    %dma_wait3A_1090 = arith.constant 0 : i32
    %dma_wait3A_1091 = arith.constant 0 : i32
    %dma_wait3A_1092 = tpu.memref_slice %arg6[%dma_wait3A_1078, %dma_wait3A_1090, %dma_wait3A_1091] : memref<2x256x128xf32, #tpu.memory_space<vmem>> -> memref<1x256x128xf32, #tpu.memory_space<vmem>>
    %dma_wait3A_1093 = tpu.memref_squeeze %dma_wait3A_1092 : memref<1x256x128xf32, #tpu.memory_space<vmem>> -> memref<256x128xf32, #tpu.memory_space<vmem>>
    tpu.wait_dma2 semaphore(%dma_wait3A_1087 : memref<!tpu.dma_semaphore, #tpu.memory_space<semaphore_mem>>) src(%dma_wait3A_1093 : memref<256x128xf32, #tpu.memory_space<vmem>>) dst(%dma_wait3A_1089 : memref<256x128xf32, #tpu.memory_space<hbm>>)
    %dma_start3A_1094 = arith.constant 1 : i32
    %dma_start3A_1095 = arith.constant 1 : i32
    %dma_start3A_1096 = arith.constant 0 : i32
    %dma_start3A_1097 = arith.constant 0 : i32
    %dma_start3A_1098 = tpu.memref_slice %arg6[%dma_start3A_1094, %dma_start3A_1096, %dma_start3A_1097] : memref<2x256x128xf32, #tpu.memory_space<vmem>> -> memref<1x256x128xf32, #tpu.memory_space<vmem>>
    %dma_start3A_1099 = tpu.memref_squeeze %dma_start3A_1098 : memref<1x256x128xf32, #tpu.memory_space<vmem>> -> memref<256x128xf32, #tpu.memory_space<vmem>>
    %dma_start3A_1100 = arith.constant 4864 : i32
    %dma_start3A_1101 = tpu.memref_slice %arg5[%dma_start3A_1100] : memref<5120xi32, #tpu.memory_space<vmem>> -> memref<256xi32, #tpu.memory_space<vmem>>
    %dma_start3A_1102 = arith.constant 0 : i32
    %dma_start3A_1103 = arith.constant 0 : i32
    %dma_start3A_1104 = tpu.memref_slice %arg3[%dma_start3A_1102, %dma_start3A_1103] : memref<100000x128xf32, #tpu.memory_space<hbm>> -> memref<100000x128xf32, #tpu.memory_space<hbm>>
    %dma_start3A_1105 = tpu.memref_slice %arg8[%dma_start3A_1095] : memref<2x!tpu.dma_semaphore, #tpu.memory_space<semaphore_mem>> -> memref<1x!tpu.dma_semaphore, #tpu.memory_space<semaphore_mem>>
    %dma_start3A_1106 = tpu.memref_squeeze %dma_start3A_1105 : memref<1x!tpu.dma_semaphore, #tpu.memory_space<semaphore_mem>> -> memref<!tpu.dma_semaphore, #tpu.memory_space<semaphore_mem>>
    tpu.enqueue_indirect_dma source(%dma_start3A_1104 : memref<100000x128xf32, #tpu.memory_space<hbm>>) target(%dma_start3A_1099 : memref<256x128xf32, #tpu.memory_space<vmem>>) offsets(%dma_start3A_1101 : memref<256xi32, #tpu.memory_space<vmem>>) semaphore(%dma_start3A_1106 : memref<!tpu.dma_semaphore, #tpu.memory_space<semaphore_mem>>)
    %dma_wait3A_1107 = arith.constant 0 : i32
    %dma_wait3A_1108 = arith.constant 0 : i32
    %dma_wait3A_1109 = arith.constant 0 : i32
    %dma_wait3A_1110 = arith.constant 0 : i32
    %dma_wait3A_1111 = tpu.memref_slice %arg6[%dma_wait3A_1107, %dma_wait3A_1109, %dma_wait3A_1110] : memref<2x256x128xf32, #tpu.memory_space<vmem>> -> memref<1x256x128xf32, #tpu.memory_space<vmem>>
    %dma_wait3A_1112 = tpu.memref_squeeze %dma_wait3A_1111 : memref<1x256x128xf32, #tpu.memory_space<vmem>> -> memref<256x128xf32, #tpu.memory_space<vmem>>
    %dma_wait3A_1113 = arith.constant 4608 : i32
    %dma_wait3A_1114 = tpu.memref_slice %arg5[%dma_wait3A_1113] : memref<5120xi32, #tpu.memory_space<vmem>> -> memref<256xi32, #tpu.memory_space<vmem>>
    %dma_wait3A_1115 = arith.constant 0 : i32
    %dma_wait3A_1116 = arith.constant 0 : i32
    %dma_wait3A_1117 = tpu.memref_slice %arg3[%dma_wait3A_1115, %dma_wait3A_1116] : memref<100000x128xf32, #tpu.memory_space<hbm>> -> memref<100000x128xf32, #tpu.memory_space<hbm>>
    %dma_wait3A_1118 = tpu.memref_slice %arg8[%dma_wait3A_1108] : memref<2x!tpu.dma_semaphore, #tpu.memory_space<semaphore_mem>> -> memref<1x!tpu.dma_semaphore, #tpu.memory_space<semaphore_mem>>
    %dma_wait3A_1119 = tpu.memref_squeeze %dma_wait3A_1118 : memref<1x!tpu.dma_semaphore, #tpu.memory_space<semaphore_mem>> -> memref<!tpu.dma_semaphore, #tpu.memory_space<semaphore_mem>>
    tpu.wait_indirect_dma semaphore(%dma_wait3A_1119 : memref<!tpu.dma_semaphore, #tpu.memory_space<semaphore_mem>>) src(%dma_wait3A_1117 : memref<100000x128xf32, #tpu.memory_space<hbm>>) dst(%dma_wait3A_1112 : memref<256x128xf32, #tpu.memory_space<vmem>>)
    %add3A_1120 = arith.constant 4608 : i32
    %add3A_1121 = arith.addi %mul3A_2, %add3A_1120 : i32
    %dma_start3A_1122 = arith.constant 0 : i32
    %dma_start3A_1123 = arith.constant 0 : i32
    %dma_start3A_1124 = arith.constant 0 : i32
    %dma_start3A_1125 = arith.constant 0 : i32
    %dma_start3A_1126 = tpu.memref_slice %arg6[%dma_start3A_1122, %dma_start3A_1124, %dma_start3A_1125] : memref<2x256x128xf32, #tpu.memory_space<vmem>> -> memref<1x256x128xf32, #tpu.memory_space<vmem>>
    %dma_start3A_1127 = tpu.memref_squeeze %dma_start3A_1126 : memref<1x256x128xf32, #tpu.memory_space<vmem>> -> memref<256x128xf32, #tpu.memory_space<vmem>>
    %dma_start3A_1128 = arith.constant 0 : i32
    %dma_start3A_1129 = tpu.memref_slice %arg4[%add3A_1121, %dma_start3A_1128] : memref<163840x128xf32, #tpu.memory_space<hbm>> -> memref<256x128xf32, #tpu.memory_space<hbm>>
    %dma_start3A_1130 = tpu.memref_slice %arg9[%dma_start3A_1123] : memref<2x!tpu.dma_semaphore, #tpu.memory_space<semaphore_mem>> -> memref<1x!tpu.dma_semaphore, #tpu.memory_space<semaphore_mem>>
    %dma_start3A_1131 = tpu.memref_squeeze %dma_start3A_1130 : memref<1x!tpu.dma_semaphore, #tpu.memory_space<semaphore_mem>> -> memref<!tpu.dma_semaphore, #tpu.memory_space<semaphore_mem>>
    %dma_start3A_1132 = arith.constant 0 : i32
    %dma_start3A_1133 = tpu.memref_slice %arg4[%add3A_1121, %dma_start3A_1132] : memref<163840x128xf32, #tpu.memory_space<hbm>> -> memref<256x128xf32, #tpu.memory_space<hbm>>
    %dma_start3A_1134 = arith.constant 0 : i32
    %dma_start3A_1135 = arith.constant 0 : i32
    %dma_start3A_1136 = tpu.memref_slice %arg6[%dma_start3A_1122, %dma_start3A_1134, %dma_start3A_1135] : memref<2x256x128xf32, #tpu.memory_space<vmem>> -> memref<1x256x128xf32, #tpu.memory_space<vmem>>
    %dma_start3A_1137 = tpu.memref_squeeze %dma_start3A_1136 : memref<1x256x128xf32, #tpu.memory_space<vmem>> -> memref<256x128xf32, #tpu.memory_space<vmem>>
    tpu.enqueue_dma source(%dma_start3A_1137 : memref<256x128xf32, #tpu.memory_space<vmem>>) target(%dma_start3A_1133 : memref<256x128xf32, #tpu.memory_space<hbm>>) target_semaphore(%dma_start3A_1131 : memref<!tpu.dma_semaphore, #tpu.memory_space<semaphore_mem>>)
    %dma_wait3A_1138 = arith.constant 1 : i32
    %dma_wait3A_1139 = arith.constant 1 : i32
    %dma_wait3A_1140 = arith.constant 0 : i32
    %dma_wait3A_1141 = arith.constant 0 : i32
    %dma_wait3A_1142 = tpu.memref_slice %arg6[%dma_wait3A_1138, %dma_wait3A_1140, %dma_wait3A_1141] : memref<2x256x128xf32, #tpu.memory_space<vmem>> -> memref<1x256x128xf32, #tpu.memory_space<vmem>>
    %dma_wait3A_1143 = tpu.memref_squeeze %dma_wait3A_1142 : memref<1x256x128xf32, #tpu.memory_space<vmem>> -> memref<256x128xf32, #tpu.memory_space<vmem>>
    %dma_wait3A_1144 = arith.constant 4864 : i32
    %dma_wait3A_1145 = tpu.memref_slice %arg5[%dma_wait3A_1144] : memref<5120xi32, #tpu.memory_space<vmem>> -> memref<256xi32, #tpu.memory_space<vmem>>
    %dma_wait3A_1146 = arith.constant 0 : i32
    %dma_wait3A_1147 = arith.constant 0 : i32
    %dma_wait3A_1148 = tpu.memref_slice %arg3[%dma_wait3A_1146, %dma_wait3A_1147] : memref<100000x128xf32, #tpu.memory_space<hbm>> -> memref<100000x128xf32, #tpu.memory_space<hbm>>
    %dma_wait3A_1149 = tpu.memref_slice %arg8[%dma_wait3A_1139] : memref<2x!tpu.dma_semaphore, #tpu.memory_space<semaphore_mem>> -> memref<1x!tpu.dma_semaphore, #tpu.memory_space<semaphore_mem>>
    %dma_wait3A_1150 = tpu.memref_squeeze %dma_wait3A_1149 : memref<1x!tpu.dma_semaphore, #tpu.memory_space<semaphore_mem>> -> memref<!tpu.dma_semaphore, #tpu.memory_space<semaphore_mem>>
    tpu.wait_indirect_dma semaphore(%dma_wait3A_1150 : memref<!tpu.dma_semaphore, #tpu.memory_space<semaphore_mem>>) src(%dma_wait3A_1148 : memref<100000x128xf32, #tpu.memory_space<hbm>>) dst(%dma_wait3A_1143 : memref<256x128xf32, #tpu.memory_space<vmem>>)
    %add3A_1151 = arith.constant 4864 : i32
    %add3A_1152 = arith.addi %mul3A_2, %add3A_1151 : i32
    %dma_start3A_1153 = arith.constant 1 : i32
    %dma_start3A_1154 = arith.constant 1 : i32
    %dma_start3A_1155 = arith.constant 0 : i32
    %dma_start3A_1156 = arith.constant 0 : i32
    %dma_start3A_1157 = tpu.memref_slice %arg6[%dma_start3A_1153, %dma_start3A_1155, %dma_start3A_1156] : memref<2x256x128xf32, #tpu.memory_space<vmem>> -> memref<1x256x128xf32, #tpu.memory_space<vmem>>
    %dma_start3A_1158 = tpu.memref_squeeze %dma_start3A_1157 : memref<1x256x128xf32, #tpu.memory_space<vmem>> -> memref<256x128xf32, #tpu.memory_space<vmem>>
    %dma_start3A_1159 = arith.constant 0 : i32
    %dma_start3A_1160 = tpu.memref_slice %arg4[%add3A_1152, %dma_start3A_1159] : memref<163840x128xf32, #tpu.memory_space<hbm>> -> memref<256x128xf32, #tpu.memory_space<hbm>>
    %dma_start3A_1161 = tpu.memref_slice %arg9[%dma_start3A_1154] : memref<2x!tpu.dma_semaphore, #tpu.memory_space<semaphore_mem>> -> memref<1x!tpu.dma_semaphore, #tpu.memory_space<semaphore_mem>>
    %dma_start3A_1162 = tpu.memref_squeeze %dma_start3A_1161 : memref<1x!tpu.dma_semaphore, #tpu.memory_space<semaphore_mem>> -> memref<!tpu.dma_semaphore, #tpu.memory_space<semaphore_mem>>
    %dma_start3A_1163 = arith.constant 0 : i32
    %dma_start3A_1164 = tpu.memref_slice %arg4[%add3A_1152, %dma_start3A_1163] : memref<163840x128xf32, #tpu.memory_space<hbm>> -> memref<256x128xf32, #tpu.memory_space<hbm>>
    %dma_start3A_1165 = arith.constant 0 : i32
    %dma_start3A_1166 = arith.constant 0 : i32
    %dma_start3A_1167 = tpu.memref_slice %arg6[%dma_start3A_1153, %dma_start3A_1165, %dma_start3A_1166] : memref<2x256x128xf32, #tpu.memory_space<vmem>> -> memref<1x256x128xf32, #tpu.memory_space<vmem>>
    %dma_start3A_1168 = tpu.memref_squeeze %dma_start3A_1167 : memref<1x256x128xf32, #tpu.memory_space<vmem>> -> memref<256x128xf32, #tpu.memory_space<vmem>>
    tpu.enqueue_dma source(%dma_start3A_1168 : memref<256x128xf32, #tpu.memory_space<vmem>>) target(%dma_start3A_1164 : memref<256x128xf32, #tpu.memory_space<hbm>>) target_semaphore(%dma_start3A_1162 : memref<!tpu.dma_semaphore, #tpu.memory_space<semaphore_mem>>)
    %dma_wait3A_1169 = arith.constant 0 : i32
    %dma_wait3A_1170 = arith.constant 0 : i32
    %dma_wait3A_1171 = arith.constant 0 : i32
    %dma_wait3A_1172 = arith.constant 0 : i32
    %dma_wait3A_1173 = tpu.memref_slice %arg6[%dma_wait3A_1169, %dma_wait3A_1171, %dma_wait3A_1172] : memref<2x256x128xf32, #tpu.memory_space<vmem>> -> memref<1x256x128xf32, #tpu.memory_space<vmem>>
    %dma_wait3A_1174 = tpu.memref_squeeze %dma_wait3A_1173 : memref<1x256x128xf32, #tpu.memory_space<vmem>> -> memref<256x128xf32, #tpu.memory_space<vmem>>
    %dma_wait3A_1175 = arith.constant 0 : i32
    %dma_wait3A_1176 = tpu.memref_slice %arg4[%add3A_1121, %dma_wait3A_1175] : memref<163840x128xf32, #tpu.memory_space<hbm>> -> memref<256x128xf32, #tpu.memory_space<hbm>>
    %dma_wait3A_1177 = tpu.memref_slice %arg9[%dma_wait3A_1170] : memref<2x!tpu.dma_semaphore, #tpu.memory_space<semaphore_mem>> -> memref<1x!tpu.dma_semaphore, #tpu.memory_space<semaphore_mem>>
    %dma_wait3A_1178 = tpu.memref_squeeze %dma_wait3A_1177 : memref<1x!tpu.dma_semaphore, #tpu.memory_space<semaphore_mem>> -> memref<!tpu.dma_semaphore, #tpu.memory_space<semaphore_mem>>
    %dma_wait3A_1179 = arith.constant 0 : i32
    %dma_wait3A_1180 = tpu.memref_slice %arg4[%add3A_1121, %dma_wait3A_1179] : memref<163840x128xf32, #tpu.memory_space<hbm>> -> memref<256x128xf32, #tpu.memory_space<hbm>>
    %dma_wait3A_1181 = arith.constant 0 : i32
    %dma_wait3A_1182 = arith.constant 0 : i32
    %dma_wait3A_1183 = tpu.memref_slice %arg6[%dma_wait3A_1169, %dma_wait3A_1181, %dma_wait3A_1182] : memref<2x256x128xf32, #tpu.memory_space<vmem>> -> memref<1x256x128xf32, #tpu.memory_space<vmem>>
    %dma_wait3A_1184 = tpu.memref_squeeze %dma_wait3A_1183 : memref<1x256x128xf32, #tpu.memory_space<vmem>> -> memref<256x128xf32, #tpu.memory_space<vmem>>
    tpu.wait_dma2 semaphore(%dma_wait3A_1178 : memref<!tpu.dma_semaphore, #tpu.memory_space<semaphore_mem>>) src(%dma_wait3A_1184 : memref<256x128xf32, #tpu.memory_space<vmem>>) dst(%dma_wait3A_1180 : memref<256x128xf32, #tpu.memory_space<hbm>>)
    %dma_wait3A_1185 = arith.constant 1 : i32
    %dma_wait3A_1186 = arith.constant 1 : i32
    %dma_wait3A_1187 = arith.constant 0 : i32
    %dma_wait3A_1188 = arith.constant 0 : i32
    %dma_wait3A_1189 = tpu.memref_slice %arg6[%dma_wait3A_1185, %dma_wait3A_1187, %dma_wait3A_1188] : memref<2x256x128xf32, #tpu.memory_space<vmem>> -> memref<1x256x128xf32, #tpu.memory_space<vmem>>
    %dma_wait3A_1190 = tpu.memref_squeeze %dma_wait3A_1189 : memref<1x256x128xf32, #tpu.memory_space<vmem>> -> memref<256x128xf32, #tpu.memory_space<vmem>>
    %dma_wait3A_1191 = arith.constant 0 : i32
    %dma_wait3A_1192 = tpu.memref_slice %arg4[%add3A_1152, %dma_wait3A_1191] : memref<163840x128xf32, #tpu.memory_space<hbm>> -> memref<256x128xf32, #tpu.memory_space<hbm>>
    %dma_wait3A_1193 = tpu.memref_slice %arg9[%dma_wait3A_1186] : memref<2x!tpu.dma_semaphore, #tpu.memory_space<semaphore_mem>> -> memref<1x!tpu.dma_semaphore, #tpu.memory_space<semaphore_mem>>
    %dma_wait3A_1194 = tpu.memref_squeeze %dma_wait3A_1193 : memref<1x!tpu.dma_semaphore, #tpu.memory_space<semaphore_mem>> -> memref<!tpu.dma_semaphore, #tpu.memory_space<semaphore_mem>>
    %dma_wait3A_1195 = arith.constant 0 : i32
    %dma_wait3A_1196 = tpu.memref_slice %arg4[%add3A_1152, %dma_wait3A_1195] : memref<163840x128xf32, #tpu.memory_space<hbm>> -> memref<256x128xf32, #tpu.memory_space<hbm>>
    %dma_wait3A_1197 = arith.constant 0 : i32
    %dma_wait3A_1198 = arith.constant 0 : i32
    %dma_wait3A_1199 = tpu.memref_slice %arg6[%dma_wait3A_1185, %dma_wait3A_1197, %dma_wait3A_1198] : memref<2x256x128xf32, #tpu.memory_space<vmem>> -> memref<1x256x128xf32, #tpu.memory_space<vmem>>
    %dma_wait3A_1200 = tpu.memref_squeeze %dma_wait3A_1199 : memref<1x256x128xf32, #tpu.memory_space<vmem>> -> memref<256x128xf32, #tpu.memory_space<vmem>>
    tpu.wait_dma2 semaphore(%dma_wait3A_1194 : memref<!tpu.dma_semaphore, #tpu.memory_space<semaphore_mem>>) src(%dma_wait3A_1200 : memref<256x128xf32, #tpu.memory_space<vmem>>) dst(%dma_wait3A_1196 : memref<256x128xf32, #tpu.memory_space<hbm>>)
    return
  }
}

#map = affine_map<(d0, d1) -> (0)>
module attributes {stable_mosaic.version = 14 : i64} {
  func.func @k(%arg0: i32, %arg1: i32, %arg2: memref<327680xi32, #tpu.memory_space<hbm>>, %arg3: memref<400000xi32, #tpu.memory_space<hbm>>, %arg4: memref<327680xi32, #tpu.memory_space<hbm>>, %arg5: memref<327680xf32, #tpu.memory_space<hbm>>, %arg6: memref<10240xi32, #tpu.memory_space<vmem>>, %arg7: memref<10240xi32, #tpu.memory_space<vmem>>, %arg8: memref<10240xf32, #tpu.memory_space<vmem>>, %arg9: memref<!tpu.dma_semaphore, #tpu.memory_space<semaphore_mem>>) attributes {dimension_semantics = [#tpu.dimension_semantics<core_parallel>, #tpu.dimension_semantics<subcore_parallel>], iteration_bounds = array<i64: 2, 16>, scalar_prefetch = 0 : i64, scratch_operands = 4 : i64, tpu.core_type = #tpu.core_type<sc_vector_subcore>, window_params = [{transform_indices = #map}, {transform_indices = #map}, {transform_indices = #map}, {transform_indices = #map}]} {
    %mul3A = arith.constant 2 : i32
    %mul3A_0 = arith.muli %arg1, %mul3A : i32
    %add3A = arith.addi %mul3A_0, %arg0 : i32
    %mul3A_1 = arith.constant 10240 : i32
    %mul3A_2 = arith.muli %add3A, %mul3A_1 : i32
    "tpu.region"() ({
      %run_scoped3A = tpu.sem_alloc : memref<!tpu.dma_semaphore, #tpu.memory_space<semaphore_mem>>
      %dma_start3A_9 = tpu.memref_slice %arg2[%mul3A_2] : memref<327680xi32, #tpu.memory_space<hbm>> -> memref<10240xi32, #tpu.memory_space<hbm>>
      %dma_start3A_10 = tpu.memref_slice %arg2[%mul3A_2] : memref<327680xi32, #tpu.memory_space<hbm>> -> memref<10240xi32, #tpu.memory_space<hbm>>
      tpu.enqueue_dma source(%dma_start3A_10 : memref<10240xi32, #tpu.memory_space<hbm>>) target(%arg6 : memref<10240xi32, #tpu.memory_space<vmem>>) target_semaphore(%run_scoped3A : memref<!tpu.dma_semaphore, #tpu.memory_space<semaphore_mem>>)
      %dma_wait3A_11 = tpu.memref_slice %arg2[%mul3A_2] : memref<327680xi32, #tpu.memory_space<hbm>> -> memref<10240xi32, #tpu.memory_space<hbm>>
      %dma_wait3A_12 = tpu.memref_slice %arg2[%mul3A_2] : memref<327680xi32, #tpu.memory_space<hbm>> -> memref<10240xi32, #tpu.memory_space<hbm>>
      tpu.wait_dma2 semaphore(%run_scoped3A : memref<!tpu.dma_semaphore, #tpu.memory_space<semaphore_mem>>) src(%dma_wait3A_12 : memref<10240xi32, #tpu.memory_space<hbm>>) dst(%arg6 : memref<10240xi32, #tpu.memory_space<vmem>>)
      tpu.yield
    }) : () -> ()
    %dma_start3A = arith.constant 0 : i32
    %dma_start3A_3 = tpu.memref_slice %arg3[%dma_start3A] : memref<400000xi32, #tpu.memory_space<hbm>> -> memref<400000xi32, #tpu.memory_space<hbm>>
    tpu.enqueue_indirect_dma source(%dma_start3A_3 : memref<400000xi32, #tpu.memory_space<hbm>>) target(%arg7 : memref<10240xi32, #tpu.memory_space<vmem>>) offsets(%arg6 : memref<10240xi32, #tpu.memory_space<vmem>>) semaphore(%arg9 : memref<!tpu.dma_semaphore, #tpu.memory_space<semaphore_mem>>)
    %dma_wait3A = arith.constant 0 : i32
    %dma_wait3A_4 = tpu.memref_slice %arg3[%dma_wait3A] : memref<400000xi32, #tpu.memory_space<hbm>> -> memref<400000xi32, #tpu.memory_space<hbm>>
    tpu.wait_indirect_dma semaphore(%arg9 : memref<!tpu.dma_semaphore, #tpu.memory_space<semaphore_mem>>) src(%dma_wait3A_4 : memref<400000xi32, #tpu.memory_space<hbm>>) dst(%arg7 : memref<10240xi32, #tpu.memory_space<vmem>>)
    %scan3A = arith.constant 0 : i32
    %scan3A_5 = arith.constant 640 : i32
    %scan3A_6 = arith.addi %scan3A, %scan3A_5 : i32
    %scan3A_7 = arith.constant 1 : i32
    scf.for %scan3A_9 = %scan3A to %scan3A_6 step %scan3A_7  : i32 {
      %mul3A_10 = arith.constant 1 : i32
      %mul3A_11 = arith.muli %scan3A_9, %mul3A_10 : i32
      %add3A_12 = arith.constant 0 : i32
      %add3A_13 = arith.addi %add3A_12, %mul3A_11 : i32
      %mul3A_14 = arith.constant 16 : i32
      %mul3A_15 = arith.muli %add3A_13, %mul3A_14 : i32
      %multiple_of3A = tpu.assume_multiple %mul3A_15, 16 : i32
      %get3A = arith.index_cast %multiple_of3A : i32 to index
      %get3A_16 = tpu.vector_load %arg7[%get3A] {strides = array<i32>} : memref<10240xi32, #tpu.memory_space<vmem>>, vector<16xi32>,
      %get3A_17 = vector.shape_cast %get3A_16 : vector<16xi32> to vector<16xi32>
      %gt3A = arith.constant 0 : i32
      %gt3A_18 = vector.broadcast %gt3A : i32 to vector<16xi32>
      %gt3A_19 = arith.cmpi sgt, %get3A_17, %gt3A_18 : vector<16xi32>
      %jit3A = arith.constant 1.000000e+00 : f32
      %jit3A_20 = arith.constant 0.000000e+00 : f32
      %broadcast_in_dim3A = vector.broadcast %jit3A : f32 to vector<16xf32>
      %broadcast_in_dim3A_21 = vector.broadcast %jit3A_20 : f32 to vector<16xf32>
      %select_n3A = arith.select %gt3A_19, %broadcast_in_dim3A, %broadcast_in_dim3A_21 : vector<16xi1>, vector<16xf32>
      %swap3A = arith.index_cast %multiple_of3A : i32 to index
      %swap3A_22 = tpu.vector_load %arg8[%swap3A] {strides = array<i32>} : memref<10240xf32, #tpu.memory_space<vmem>>, vector<16xf32>,
      %swap3A_23 = vector.shape_cast %swap3A_22 : vector<16xf32> to vector<16xf32>
      %swap3A_24 = vector.shape_cast %select_n3A : vector<16xf32> to vector<16xf32>
      tpu.vector_store %arg8[%swap3A], %swap3A_24 {strides = array<i32>} : memref<10240xf32, #tpu.memory_space<vmem>>, vector<16xf32>,
    }
    %scan3A_8 = arith.constant 640 : i32
    "tpu.region"() ({
      %run_scoped3A = tpu.sem_alloc : memref<!tpu.dma_semaphore, #tpu.memory_space<semaphore_mem>>
      %dma_start3A_9 = tpu.memref_slice %arg4[%mul3A_2] : memref<327680xi32, #tpu.memory_space<hbm>> -> memref<10240xi32, #tpu.memory_space<hbm>>
      %dma_start3A_10 = tpu.memref_slice %arg4[%mul3A_2] : memref<327680xi32, #tpu.memory_space<hbm>> -> memref<10240xi32, #tpu.memory_space<hbm>>
      tpu.enqueue_dma source(%arg7 : memref<10240xi32, #tpu.memory_space<vmem>>) target(%dma_start3A_10 : memref<10240xi32, #tpu.memory_space<hbm>>) target_semaphore(%run_scoped3A : memref<!tpu.dma_semaphore, #tpu.memory_space<semaphore_mem>>)
      %dma_wait3A_11 = tpu.memref_slice %arg4[%mul3A_2] : memref<327680xi32, #tpu.memory_space<hbm>> -> memref<10240xi32, #tpu.memory_space<hbm>>
      %dma_wait3A_12 = tpu.memref_slice %arg4[%mul3A_2] : memref<327680xi32, #tpu.memory_space<hbm>> -> memref<10240xi32, #tpu.memory_space<hbm>>
      tpu.wait_dma2 semaphore(%run_scoped3A : memref<!tpu.dma_semaphore, #tpu.memory_space<semaphore_mem>>) src(%arg7 : memref<10240xi32, #tpu.memory_space<vmem>>) dst(%dma_wait3A_12 : memref<10240xi32, #tpu.memory_space<hbm>>)
      tpu.yield
    }) : () -> ()
    "tpu.region"() ({
      %run_scoped3A = tpu.sem_alloc : memref<!tpu.dma_semaphore, #tpu.memory_space<semaphore_mem>>
      %dma_start3A_9 = tpu.memref_slice %arg5[%mul3A_2] : memref<327680xf32, #tpu.memory_space<hbm>> -> memref<10240xf32, #tpu.memory_space<hbm>>
      %dma_start3A_10 = tpu.memref_slice %arg5[%mul3A_2] : memref<327680xf32, #tpu.memory_space<hbm>> -> memref<10240xf32, #tpu.memory_space<hbm>>
      tpu.enqueue_dma source(%arg8 : memref<10240xf32, #tpu.memory_space<vmem>>) target(%dma_start3A_10 : memref<10240xf32, #tpu.memory_space<hbm>>) target_semaphore(%run_scoped3A : memref<!tpu.dma_semaphore, #tpu.memory_space<semaphore_mem>>)
      %dma_wait3A_11 = tpu.memref_slice %arg5[%mul3A_2] : memref<327680xf32, #tpu.memory_space<hbm>> -> memref<10240xf32, #tpu.memory_space<hbm>>
      %dma_wait3A_12 = tpu.memref_slice %arg5[%mul3A_2] : memref<327680xf32, #tpu.memory_space<hbm>> -> memref<10240xf32, #tpu.memory_space<hbm>>
      tpu.wait_dma2 semaphore(%run_scoped3A : memref<!tpu.dma_semaphore, #tpu.memory_space<semaphore_mem>>) src(%arg8 : memref<10240xf32, #tpu.memory_space<vmem>>) dst(%dma_wait3A_12 : memref<10240xf32, #tpu.memory_space<hbm>>)
      tpu.yield
    }) : () -> ()
    return
  }
}

#map = affine_map<(d0, d1) -> (0)>
#map1 = affine_map<(d0, d1) -> (0, 0)>
module attributes {stable_mosaic.version = 14 : i64} {
  func.func @k(%arg0: i32, %arg1: i32, %arg2: memref<163840xi32, #tpu.memory_space<hbm>>, %arg3: memref<100000x128xf32, #tpu.memory_space<hbm>>, %arg4: memref<163840x128xf32, #tpu.memory_space<hbm>>, %arg5: memref<5120xi32, #tpu.memory_space<vmem>>, %arg6: memref<2x256x128xf32, #tpu.memory_space<vmem>>, %arg7: memref<!tpu.dma_semaphore, #tpu.memory_space<semaphore_mem>>, %arg8: memref<2x!tpu.dma_semaphore, #tpu.memory_space<semaphore_mem>>, %arg9: memref<2x!tpu.dma_semaphore, #tpu.memory_space<semaphore_mem>>) attributes {dimension_semantics = [#tpu.dimension_semantics<core_parallel>, #tpu.dimension_semantics<subcore_parallel>], iteration_bounds = array<i64: 2, 16>, scalar_prefetch = 0 : i64, scratch_operands = 5 : i64, tpu.core_type = #tpu.core_type<sc_vector_subcore>, window_params = [{transform_indices = #map}, {transform_indices = #map1}, {transform_indices = #map1}]} {
    %mul3A = arith.constant 2 : i32
    %mul3A_0 = arith.muli %arg1, %mul3A : i32
    %add3A = arith.addi %mul3A_0, %arg0 : i32
    %mul3A_1 = arith.constant 5120 : i32
    %mul3A_2 = arith.muli %add3A, %mul3A_1 : i32
    "tpu.region"() ({
      %run_scoped3A = tpu.sem_alloc : memref<!tpu.dma_semaphore, #tpu.memory_space<semaphore_mem>>
      %dma_start3A_1201 = tpu.memref_slice %arg2[%mul3A_2] : memref<163840xi32, #tpu.memory_space<hbm>> -> memref<5120xi32, #tpu.memory_space<hbm>>
      %dma_start3A_1202 = tpu.memref_slice %arg2[%mul3A_2] : memref<163840xi32, #tpu.memory_space<hbm>> -> memref<5120xi32, #tpu.memory_space<hbm>>
      tpu.enqueue_dma source(%dma_start3A_1202 : memref<5120xi32, #tpu.memory_space<hbm>>) target(%arg5 : memref<5120xi32, #tpu.memory_space<vmem>>) target_semaphore(%run_scoped3A : memref<!tpu.dma_semaphore, #tpu.memory_space<semaphore_mem>>)
      %dma_wait3A_1203 = tpu.memref_slice %arg2[%mul3A_2] : memref<163840xi32, #tpu.memory_space<hbm>> -> memref<5120xi32, #tpu.memory_space<hbm>>
      %dma_wait3A_1204 = tpu.memref_slice %arg2[%mul3A_2] : memref<163840xi32, #tpu.memory_space<hbm>> -> memref<5120xi32, #tpu.memory_space<hbm>>
      tpu.wait_dma2 semaphore(%run_scoped3A : memref<!tpu.dma_semaphore, #tpu.memory_space<semaphore_mem>>) src(%dma_wait3A_1204 : memref<5120xi32, #tpu.memory_space<hbm>>) dst(%arg5 : memref<5120xi32, #tpu.memory_space<vmem>>)
      tpu.yield
    }) : () -> ()
    %dma_start3A = arith.constant 0 : i32
    %dma_start3A_3 = arith.constant 0 : i32
    %dma_start3A_4 = arith.constant 0 : i32
    %dma_start3A_5 = arith.constant 0 : i32
    %dma_start3A_6 = tpu.memref_slice %arg6[%dma_start3A, %dma_start3A_4, %dma_start3A_5] : memref<2x256x128xf32, #tpu.memory_space<vmem>> -> memref<1x256x128xf32, #tpu.memory_space<vmem>>
    %dma_start3A_7 = tpu.memref_squeeze %dma_start3A_6 : memref<1x256x128xf32, #tpu.memory_space<vmem>> -> memref<256x128xf32, #tpu.memory_space<vmem>>
    %dma_start3A_8 = arith.constant 0 : i32
    %dma_start3A_9 = tpu.memref_slice %arg5[%dma_start3A_8] : memref<5120xi32, #tpu.memory_space<vmem>> -> memref<256xi32, #tpu.memory_space<vmem>>
    %dma_start3A_10 = arith.constant 0 : i32
    %dma_start3A_11 = arith.constant 0 : i32
    %dma_start3A_12 = tpu.memref_slice %arg3[%dma_start3A_10, %dma_start3A_11] : memref<100000x128xf32, #tpu.memory_space<hbm>> -> memref<100000x128xf32, #tpu.memory_space<hbm>>
    %dma_start3A_13 = tpu.memref_slice %arg8[%dma_start3A_3] : memref<2x!tpu.dma_semaphore, #tpu.memory_space<semaphore_mem>> -> memref<1x!tpu.dma_semaphore, #tpu.memory_space<semaphore_mem>>
    %dma_start3A_14 = tpu.memref_squeeze %dma_start3A_13 : memref<1x!tpu.dma_semaphore, #tpu.memory_space<semaphore_mem>> -> memref<!tpu.dma_semaphore, #tpu.memory_space<semaphore_mem>>
    tpu.enqueue_indirect_dma source(%dma_start3A_12 : memref<100000x128xf32, #tpu.memory_space<hbm>>) target(%dma_start3A_7 : memref<256x128xf32, #tpu.memory_space<vmem>>) offsets(%dma_start3A_9 : memref<256xi32, #tpu.memory_space<vmem>>) semaphore(%dma_start3A_14 : memref<!tpu.dma_semaphore, #tpu.memory_space<semaphore_mem>>)
    %dma_start3A_15 = arith.constant 1 : i32
    %dma_start3A_16 = arith.constant 1 : i32
    %dma_start3A_17 = arith.constant 0 : i32
    %dma_start3A_18 = arith.constant 0 : i32
    %dma_start3A_19 = tpu.memref_slice %arg6[%dma_start3A_15, %dma_start3A_17, %dma_start3A_18] : memref<2x256x128xf32, #tpu.memory_space<vmem>> -> memref<1x256x128xf32, #tpu.memory_space<vmem>>
    %dma_start3A_20 = tpu.memref_squeeze %dma_start3A_19 : memref<1x256x128xf32, #tpu.memory_space<vmem>> -> memref<256x128xf32, #tpu.memory_space<vmem>>
    %dma_start3A_21 = arith.constant 256 : i32
    %dma_start3A_22 = tpu.memref_slice %arg5[%dma_start3A_21] : memref<5120xi32, #tpu.memory_space<vmem>> -> memref<256xi32, #tpu.memory_space<vmem>>
    %dma_start3A_23 = arith.constant 0 : i32
    %dma_start3A_24 = arith.constant 0 : i32
    %dma_start3A_25 = tpu.memref_slice %arg3[%dma_start3A_23, %dma_start3A_24] : memref<100000x128xf32, #tpu.memory_space<hbm>> -> memref<100000x128xf32, #tpu.memory_space<hbm>>
    %dma_start3A_26 = tpu.memref_slice %arg8[%dma_start3A_16] : memref<2x!tpu.dma_semaphore, #tpu.memory_space<semaphore_mem>> -> memref<1x!tpu.dma_semaphore, #tpu.memory_space<semaphore_mem>>
    %dma_start3A_27 = tpu.memref_squeeze %dma_start3A_26 : memref<1x!tpu.dma_semaphore, #tpu.memory_space<semaphore_mem>> -> memref<!tpu.dma_semaphore, #tpu.memory_space<semaphore_mem>>
    tpu.enqueue_indirect_dma source(%dma_start3A_25 : memref<100000x128xf32, #tpu.memory_space<hbm>>) target(%dma_start3A_20 : memref<256x128xf32, #tpu.memory_space<vmem>>) offsets(%dma_start3A_22 : memref<256xi32, #tpu.memory_space<vmem>>) semaphore(%dma_start3A_27 : memref<!tpu.dma_semaphore, #tpu.memory_space<semaphore_mem>>)
    %dma_wait3A = arith.constant 0 : i32
    %dma_wait3A_28 = arith.constant 0 : i32
    %dma_wait3A_29 = arith.constant 0 : i32
    %dma_wait3A_30 = arith.constant 0 : i32
    %dma_wait3A_31 = tpu.memref_slice %arg6[%dma_wait3A, %dma_wait3A_29, %dma_wait3A_30] : memref<2x256x128xf32, #tpu.memory_space<vmem>> -> memref<1x256x128xf32, #tpu.memory_space<vmem>>
    %dma_wait3A_32 = tpu.memref_squeeze %dma_wait3A_31 : memref<1x256x128xf32, #tpu.memory_space<vmem>> -> memref<256x128xf32, #tpu.memory_space<vmem>>
    %dma_wait3A_33 = arith.constant 0 : i32
    %dma_wait3A_34 = tpu.memref_slice %arg5[%dma_wait3A_33] : memref<5120xi32, #tpu.memory_space<vmem>> -> memref<256xi32, #tpu.memory_space<vmem>>
    %dma_wait3A_35 = arith.constant 0 : i32
    %dma_wait3A_36 = arith.constant 0 : i32
    %dma_wait3A_37 = tpu.memref_slice %arg3[%dma_wait3A_35, %dma_wait3A_36] : memref<100000x128xf32, #tpu.memory_space<hbm>> -> memref<100000x128xf32, #tpu.memory_space<hbm>>
    %dma_wait3A_38 = tpu.memref_slice %arg8[%dma_wait3A_28] : memref<2x!tpu.dma_semaphore, #tpu.memory_space<semaphore_mem>> -> memref<1x!tpu.dma_semaphore, #tpu.memory_space<semaphore_mem>>
    %dma_wait3A_39 = tpu.memref_squeeze %dma_wait3A_38 : memref<1x!tpu.dma_semaphore, #tpu.memory_space<semaphore_mem>> -> memref<!tpu.dma_semaphore, #tpu.memory_space<semaphore_mem>>
    tpu.wait_indirect_dma semaphore(%dma_wait3A_39 : memref<!tpu.dma_semaphore, #tpu.memory_space<semaphore_mem>>) src(%dma_wait3A_37 : memref<100000x128xf32, #tpu.memory_space<hbm>>) dst(%dma_wait3A_32 : memref<256x128xf32, #tpu.memory_space<vmem>>)
    %add3A_40 = arith.constant 0 : i32
    %add3A_41 = arith.addi %mul3A_2, %add3A_40 : i32
    %dma_start3A_42 = arith.constant 0 : i32
    %dma_start3A_43 = arith.constant 0 : i32
    %dma_start3A_44 = arith.constant 0 : i32
    %dma_start3A_45 = arith.constant 0 : i32
    %dma_start3A_46 = tpu.memref_slice %arg6[%dma_start3A_42, %dma_start3A_44, %dma_start3A_45] : memref<2x256x128xf32, #tpu.memory_space<vmem>> -> memref<1x256x128xf32, #tpu.memory_space<vmem>>
    %dma_start3A_47 = tpu.memref_squeeze %dma_start3A_46 : memref<1x256x128xf32, #tpu.memory_space<vmem>> -> memref<256x128xf32, #tpu.memory_space<vmem>>
    %dma_start3A_48 = arith.constant 0 : i32
    %dma_start3A_49 = tpu.memref_slice %arg4[%add3A_41, %dma_start3A_48] : memref<163840x128xf32, #tpu.memory_space<hbm>> -> memref<256x128xf32, #tpu.memory_space<hbm>>
    %dma_start3A_50 = tpu.memref_slice %arg9[%dma_start3A_43] : memref<2x!tpu.dma_semaphore, #tpu.memory_space<semaphore_mem>> -> memref<1x!tpu.dma_semaphore, #tpu.memory_space<semaphore_mem>>
    %dma_start3A_51 = tpu.memref_squeeze %dma_start3A_50 : memref<1x!tpu.dma_semaphore, #tpu.memory_space<semaphore_mem>> -> memref<!tpu.dma_semaphore, #tpu.memory_space<semaphore_mem>>
    %dma_start3A_52 = arith.constant 0 : i32
    %dma_start3A_53 = tpu.memref_slice %arg4[%add3A_41, %dma_start3A_52] : memref<163840x128xf32, #tpu.memory_space<hbm>> -> memref<256x128xf32, #tpu.memory_space<hbm>>
    %dma_start3A_54 = arith.constant 0 : i32
    %dma_start3A_55 = arith.constant 0 : i32
    %dma_start3A_56 = tpu.memref_slice %arg6[%dma_start3A_42, %dma_start3A_54, %dma_start3A_55] : memref<2x256x128xf32, #tpu.memory_space<vmem>> -> memref<1x256x128xf32, #tpu.memory_space<vmem>>
    %dma_start3A_57 = tpu.memref_squeeze %dma_start3A_56 : memref<1x256x128xf32, #tpu.memory_space<vmem>> -> memref<256x128xf32, #tpu.memory_space<vmem>>
    tpu.enqueue_dma source(%dma_start3A_57 : memref<256x128xf32, #tpu.memory_space<vmem>>) target(%dma_start3A_53 : memref<256x128xf32, #tpu.memory_space<hbm>>) target_semaphore(%dma_start3A_51 : memref<!tpu.dma_semaphore, #tpu.memory_space<semaphore_mem>>)
    %dma_wait3A_58 = arith.constant 0 : i32
    %dma_wait3A_59 = arith.constant 0 : i32
    %dma_wait3A_60 = arith.constant 0 : i32
    %dma_wait3A_61 = arith.constant 0 : i32
    %dma_wait3A_62 = tpu.memref_slice %arg6[%dma_wait3A_58, %dma_wait3A_60, %dma_wait3A_61] : memref<2x256x128xf32, #tpu.memory_space<vmem>> -> memref<1x256x128xf32, #tpu.memory_space<vmem>>
    %dma_wait3A_63 = tpu.memref_squeeze %dma_wait3A_62 : memref<1x256x128xf32, #tpu.memory_space<vmem>> -> memref<256x128xf32, #tpu.memory_space<vmem>>
    %dma_wait3A_64 = arith.constant 0 : i32
    %dma_wait3A_65 = tpu.memref_slice %arg4[%add3A_41, %dma_wait3A_64] : memref<163840x128xf32, #tpu.memory_space<hbm>> -> memref<256x128xf32, #tpu.memory_space<hbm>>
    %dma_wait3A_66 = tpu.memref_slice %arg9[%dma_wait3A_59] : memref<2x!tpu.dma_semaphore, #tpu.memory_space<semaphore_mem>> -> memref<1x!tpu.dma_semaphore, #tpu.memory_space<semaphore_mem>>
    %dma_wait3A_67 = tpu.memref_squeeze %dma_wait3A_66 : memref<1x!tpu.dma_semaphore, #tpu.memory_space<semaphore_mem>> -> memref<!tpu.dma_semaphore, #tpu.memory_space<semaphore_mem>>
    %dma_wait3A_68 = arith.constant 0 : i32
    %dma_wait3A_69 = tpu.memref_slice %arg4[%add3A_41, %dma_wait3A_68] : memref<163840x128xf32, #tpu.memory_space<hbm>> -> memref<256x128xf32, #tpu.memory_space<hbm>>
    %dma_wait3A_70 = arith.constant 0 : i32
    %dma_wait3A_71 = arith.constant 0 : i32
    %dma_wait3A_72 = tpu.memref_slice %arg6[%dma_wait3A_58, %dma_wait3A_70, %dma_wait3A_71] : memref<2x256x128xf32, #tpu.memory_space<vmem>> -> memref<1x256x128xf32, #tpu.memory_space<vmem>>
    %dma_wait3A_73 = tpu.memref_squeeze %dma_wait3A_72 : memref<1x256x128xf32, #tpu.memory_space<vmem>> -> memref<256x128xf32, #tpu.memory_space<vmem>>
    tpu.wait_dma2 semaphore(%dma_wait3A_67 : memref<!tpu.dma_semaphore, #tpu.memory_space<semaphore_mem>>) src(%dma_wait3A_73 : memref<256x128xf32, #tpu.memory_space<vmem>>) dst(%dma_wait3A_69 : memref<256x128xf32, #tpu.memory_space<hbm>>)
    %dma_start3A_74 = arith.constant 0 : i32
    %dma_start3A_75 = arith.constant 0 : i32
    %dma_start3A_76 = arith.constant 0 : i32
    %dma_start3A_77 = arith.constant 0 : i32
    %dma_start3A_78 = tpu.memref_slice %arg6[%dma_start3A_74, %dma_start3A_76, %dma_start3A_77] : memref<2x256x128xf32, #tpu.memory_space<vmem>> -> memref<1x256x128xf32, #tpu.memory_space<vmem>>
    %dma_start3A_79 = tpu.memref_squeeze %dma_start3A_78 : memref<1x256x128xf32, #tpu.memory_space<vmem>> -> memref<256x128xf32, #tpu.memory_space<vmem>>
    %dma_start3A_80 = arith.constant 512 : i32
    %dma_start3A_81 = tpu.memref_slice %arg5[%dma_start3A_80] : memref<5120xi32, #tpu.memory_space<vmem>> -> memref<256xi32, #tpu.memory_space<vmem>>
    %dma_start3A_82 = arith.constant 0 : i32
    %dma_start3A_83 = arith.constant 0 : i32
    %dma_start3A_84 = tpu.memref_slice %arg3[%dma_start3A_82, %dma_start3A_83] : memref<100000x128xf32, #tpu.memory_space<hbm>> -> memref<100000x128xf32, #tpu.memory_space<hbm>>
    %dma_start3A_85 = tpu.memref_slice %arg8[%dma_start3A_75] : memref<2x!tpu.dma_semaphore, #tpu.memory_space<semaphore_mem>> -> memref<1x!tpu.dma_semaphore, #tpu.memory_space<semaphore_mem>>
    %dma_start3A_86 = tpu.memref_squeeze %dma_start3A_85 : memref<1x!tpu.dma_semaphore, #tpu.memory_space<semaphore_mem>> -> memref<!tpu.dma_semaphore, #tpu.memory_space<semaphore_mem>>
    tpu.enqueue_indirect_dma source(%dma_start3A_84 : memref<100000x128xf32, #tpu.memory_space<hbm>>) target(%dma_start3A_79 : memref<256x128xf32, #tpu.memory_space<vmem>>) offsets(%dma_start3A_81 : memref<256xi32, #tpu.memory_space<vmem>>) semaphore(%dma_start3A_86 : memref<!tpu.dma_semaphore, #tpu.memory_space<semaphore_mem>>)
    %dma_wait3A_87 = arith.constant 1 : i32
    %dma_wait3A_88 = arith.constant 1 : i32
    %dma_wait3A_89 = arith.constant 0 : i32
    %dma_wait3A_90 = arith.constant 0 : i32
    %dma_wait3A_91 = tpu.memref_slice %arg6[%dma_wait3A_87, %dma_wait3A_89, %dma_wait3A_90] : memref<2x256x128xf32, #tpu.memory_space<vmem>> -> memref<1x256x128xf32, #tpu.memory_space<vmem>>
    %dma_wait3A_92 = tpu.memref_squeeze %dma_wait3A_91 : memref<1x256x128xf32, #tpu.memory_space<vmem>> -> memref<256x128xf32, #tpu.memory_space<vmem>>
    %dma_wait3A_93 = arith.constant 256 : i32
    %dma_wait3A_94 = tpu.memref_slice %arg5[%dma_wait3A_93] : memref<5120xi32, #tpu.memory_space<vmem>> -> memref<256xi32, #tpu.memory_space<vmem>>
    %dma_wait3A_95 = arith.constant 0 : i32
    %dma_wait3A_96 = arith.constant 0 : i32
    %dma_wait3A_97 = tpu.memref_slice %arg3[%dma_wait3A_95, %dma_wait3A_96] : memref<100000x128xf32, #tpu.memory_space<hbm>> -> memref<100000x128xf32, #tpu.memory_space<hbm>>
    %dma_wait3A_98 = tpu.memref_slice %arg8[%dma_wait3A_88] : memref<2x!tpu.dma_semaphore, #tpu.memory_space<semaphore_mem>> -> memref<1x!tpu.dma_semaphore, #tpu.memory_space<semaphore_mem>>
    %dma_wait3A_99 = tpu.memref_squeeze %dma_wait3A_98 : memref<1x!tpu.dma_semaphore, #tpu.memory_space<semaphore_mem>> -> memref<!tpu.dma_semaphore, #tpu.memory_space<semaphore_mem>>
    tpu.wait_indirect_dma semaphore(%dma_wait3A_99 : memref<!tpu.dma_semaphore, #tpu.memory_space<semaphore_mem>>) src(%dma_wait3A_97 : memref<100000x128xf32, #tpu.memory_space<hbm>>) dst(%dma_wait3A_92 : memref<256x128xf32, #tpu.memory_space<vmem>>)
    %add3A_100 = arith.constant 256 : i32
    %add3A_101 = arith.addi %mul3A_2, %add3A_100 : i32
    %dma_start3A_102 = arith.constant 1 : i32
    %dma_start3A_103 = arith.constant 1 : i32
    %dma_start3A_104 = arith.constant 0 : i32
    %dma_start3A_105 = arith.constant 0 : i32
    %dma_start3A_106 = tpu.memref_slice %arg6[%dma_start3A_102, %dma_start3A_104, %dma_start3A_105] : memref<2x256x128xf32, #tpu.memory_space<vmem>> -> memref<1x256x128xf32, #tpu.memory_space<vmem>>
    %dma_start3A_107 = tpu.memref_squeeze %dma_start3A_106 : memref<1x256x128xf32, #tpu.memory_space<vmem>> -> memref<256x128xf32, #tpu.memory_space<vmem>>
    %dma_start3A_108 = arith.constant 0 : i32
    %dma_start3A_109 = tpu.memref_slice %arg4[%add3A_101, %dma_start3A_108] : memref<163840x128xf32, #tpu.memory_space<hbm>> -> memref<256x128xf32, #tpu.memory_space<hbm>>
    %dma_start3A_110 = tpu.memref_slice %arg9[%dma_start3A_103] : memref<2x!tpu.dma_semaphore, #tpu.memory_space<semaphore_mem>> -> memref<1x!tpu.dma_semaphore, #tpu.memory_space<semaphore_mem>>
    %dma_start3A_111 = tpu.memref_squeeze %dma_start3A_110 : memref<1x!tpu.dma_semaphore, #tpu.memory_space<semaphore_mem>> -> memref<!tpu.dma_semaphore, #tpu.memory_space<semaphore_mem>>
    %dma_start3A_112 = arith.constant 0 : i32
    %dma_start3A_113 = tpu.memref_slice %arg4[%add3A_101, %dma_start3A_112] : memref<163840x128xf32, #tpu.memory_space<hbm>> -> memref<256x128xf32, #tpu.memory_space<hbm>>
    %dma_start3A_114 = arith.constant 0 : i32
    %dma_start3A_115 = arith.constant 0 : i32
    %dma_start3A_116 = tpu.memref_slice %arg6[%dma_start3A_102, %dma_start3A_114, %dma_start3A_115] : memref<2x256x128xf32, #tpu.memory_space<vmem>> -> memref<1x256x128xf32, #tpu.memory_space<vmem>>
    %dma_start3A_117 = tpu.memref_squeeze %dma_start3A_116 : memref<1x256x128xf32, #tpu.memory_space<vmem>> -> memref<256x128xf32, #tpu.memory_space<vmem>>
    tpu.enqueue_dma source(%dma_start3A_117 : memref<256x128xf32, #tpu.memory_space<vmem>>) target(%dma_start3A_113 : memref<256x128xf32, #tpu.memory_space<hbm>>) target_semaphore(%dma_start3A_111 : memref<!tpu.dma_semaphore, #tpu.memory_space<semaphore_mem>>)
    %dma_wait3A_118 = arith.constant 1 : i32
    %dma_wait3A_119 = arith.constant 1 : i32
    %dma_wait3A_120 = arith.constant 0 : i32
    %dma_wait3A_121 = arith.constant 0 : i32
    %dma_wait3A_122 = tpu.memref_slice %arg6[%dma_wait3A_118, %dma_wait3A_120, %dma_wait3A_121] : memref<2x256x128xf32, #tpu.memory_space<vmem>> -> memref<1x256x128xf32, #tpu.memory_space<vmem>>
    %dma_wait3A_123 = tpu.memref_squeeze %dma_wait3A_122 : memref<1x256x128xf32, #tpu.memory_space<vmem>> -> memref<256x128xf32, #tpu.memory_space<vmem>>
    %dma_wait3A_124 = arith.constant 0 : i32
    %dma_wait3A_125 = tpu.memref_slice %arg4[%add3A_101, %dma_wait3A_124] : memref<163840x128xf32, #tpu.memory_space<hbm>> -> memref<256x128xf32, #tpu.memory_space<hbm>>
    %dma_wait3A_126 = tpu.memref_slice %arg9[%dma_wait3A_119] : memref<2x!tpu.dma_semaphore, #tpu.memory_space<semaphore_mem>> -> memref<1x!tpu.dma_semaphore, #tpu.memory_space<semaphore_mem>>
    %dma_wait3A_127 = tpu.memref_squeeze %dma_wait3A_126 : memref<1x!tpu.dma_semaphore, #tpu.memory_space<semaphore_mem>> -> memref<!tpu.dma_semaphore, #tpu.memory_space<semaphore_mem>>
    %dma_wait3A_128 = arith.constant 0 : i32
    %dma_wait3A_129 = tpu.memref_slice %arg4[%add3A_101, %dma_wait3A_128] : memref<163840x128xf32, #tpu.memory_space<hbm>> -> memref<256x128xf32, #tpu.memory_space<hbm>>
    %dma_wait3A_130 = arith.constant 0 : i32
    %dma_wait3A_131 = arith.constant 0 : i32
    %dma_wait3A_132 = tpu.memref_slice %arg6[%dma_wait3A_118, %dma_wait3A_130, %dma_wait3A_131] : memref<2x256x128xf32, #tpu.memory_space<vmem>> -> memref<1x256x128xf32, #tpu.memory_space<vmem>>
    %dma_wait3A_133 = tpu.memref_squeeze %dma_wait3A_132 : memref<1x256x128xf32, #tpu.memory_space<vmem>> -> memref<256x128xf32, #tpu.memory_space<vmem>>
    tpu.wait_dma2 semaphore(%dma_wait3A_127 : memref<!tpu.dma_semaphore, #tpu.memory_space<semaphore_mem>>) src(%dma_wait3A_133 : memref<256x128xf32, #tpu.memory_space<vmem>>) dst(%dma_wait3A_129 : memref<256x128xf32, #tpu.memory_space<hbm>>)
    %dma_start3A_134 = arith.constant 1 : i32
    %dma_start3A_135 = arith.constant 1 : i32
    %dma_start3A_136 = arith.constant 0 : i32
    %dma_start3A_137 = arith.constant 0 : i32
    %dma_start3A_138 = tpu.memref_slice %arg6[%dma_start3A_134, %dma_start3A_136, %dma_start3A_137] : memref<2x256x128xf32, #tpu.memory_space<vmem>> -> memref<1x256x128xf32, #tpu.memory_space<vmem>>
    %dma_start3A_139 = tpu.memref_squeeze %dma_start3A_138 : memref<1x256x128xf32, #tpu.memory_space<vmem>> -> memref<256x128xf32, #tpu.memory_space<vmem>>
    %dma_start3A_140 = arith.constant 768 : i32
    %dma_start3A_141 = tpu.memref_slice %arg5[%dma_start3A_140] : memref<5120xi32, #tpu.memory_space<vmem>> -> memref<256xi32, #tpu.memory_space<vmem>>
    %dma_start3A_142 = arith.constant 0 : i32
    %dma_start3A_143 = arith.constant 0 : i32
    %dma_start3A_144 = tpu.memref_slice %arg3[%dma_start3A_142, %dma_start3A_143] : memref<100000x128xf32, #tpu.memory_space<hbm>> -> memref<100000x128xf32, #tpu.memory_space<hbm>>
    %dma_start3A_145 = tpu.memref_slice %arg8[%dma_start3A_135] : memref<2x!tpu.dma_semaphore, #tpu.memory_space<semaphore_mem>> -> memref<1x!tpu.dma_semaphore, #tpu.memory_space<semaphore_mem>>
    %dma_start3A_146 = tpu.memref_squeeze %dma_start3A_145 : memref<1x!tpu.dma_semaphore, #tpu.memory_space<semaphore_mem>> -> memref<!tpu.dma_semaphore, #tpu.memory_space<semaphore_mem>>
    tpu.enqueue_indirect_dma source(%dma_start3A_144 : memref<100000x128xf32, #tpu.memory_space<hbm>>) target(%dma_start3A_139 : memref<256x128xf32, #tpu.memory_space<vmem>>) offsets(%dma_start3A_141 : memref<256xi32, #tpu.memory_space<vmem>>) semaphore(%dma_start3A_146 : memref<!tpu.dma_semaphore, #tpu.memory_space<semaphore_mem>>)
    %dma_wait3A_147 = arith.constant 0 : i32
    %dma_wait3A_148 = arith.constant 0 : i32
    %dma_wait3A_149 = arith.constant 0 : i32
    %dma_wait3A_150 = arith.constant 0 : i32
    %dma_wait3A_151 = tpu.memref_slice %arg6[%dma_wait3A_147, %dma_wait3A_149, %dma_wait3A_150] : memref<2x256x128xf32, #tpu.memory_space<vmem>> -> memref<1x256x128xf32, #tpu.memory_space<vmem>>
    %dma_wait3A_152 = tpu.memref_squeeze %dma_wait3A_151 : memref<1x256x128xf32, #tpu.memory_space<vmem>> -> memref<256x128xf32, #tpu.memory_space<vmem>>
    %dma_wait3A_153 = arith.constant 512 : i32
    %dma_wait3A_154 = tpu.memref_slice %arg5[%dma_wait3A_153] : memref<5120xi32, #tpu.memory_space<vmem>> -> memref<256xi32, #tpu.memory_space<vmem>>
    %dma_wait3A_155 = arith.constant 0 : i32
    %dma_wait3A_156 = arith.constant 0 : i32
    %dma_wait3A_157 = tpu.memref_slice %arg3[%dma_wait3A_155, %dma_wait3A_156] : memref<100000x128xf32, #tpu.memory_space<hbm>> -> memref<100000x128xf32, #tpu.memory_space<hbm>>
    %dma_wait3A_158 = tpu.memref_slice %arg8[%dma_wait3A_148] : memref<2x!tpu.dma_semaphore, #tpu.memory_space<semaphore_mem>> -> memref<1x!tpu.dma_semaphore, #tpu.memory_space<semaphore_mem>>
    %dma_wait3A_159 = tpu.memref_squeeze %dma_wait3A_158 : memref<1x!tpu.dma_semaphore, #tpu.memory_space<semaphore_mem>> -> memref<!tpu.dma_semaphore, #tpu.memory_space<semaphore_mem>>
    tpu.wait_indirect_dma semaphore(%dma_wait3A_159 : memref<!tpu.dma_semaphore, #tpu.memory_space<semaphore_mem>>) src(%dma_wait3A_157 : memref<100000x128xf32, #tpu.memory_space<hbm>>) dst(%dma_wait3A_152 : memref<256x128xf32, #tpu.memory_space<vmem>>)
    %add3A_160 = arith.constant 512 : i32
    %add3A_161 = arith.addi %mul3A_2, %add3A_160 : i32
    %dma_start3A_162 = arith.constant 0 : i32
    %dma_start3A_163 = arith.constant 0 : i32
    %dma_start3A_164 = arith.constant 0 : i32
    %dma_start3A_165 = arith.constant 0 : i32
    %dma_start3A_166 = tpu.memref_slice %arg6[%dma_start3A_162, %dma_start3A_164, %dma_start3A_165] : memref<2x256x128xf32, #tpu.memory_space<vmem>> -> memref<1x256x128xf32, #tpu.memory_space<vmem>>
    %dma_start3A_167 = tpu.memref_squeeze %dma_start3A_166 : memref<1x256x128xf32, #tpu.memory_space<vmem>> -> memref<256x128xf32, #tpu.memory_space<vmem>>
    %dma_start3A_168 = arith.constant 0 : i32
    %dma_start3A_169 = tpu.memref_slice %arg4[%add3A_161, %dma_start3A_168] : memref<163840x128xf32, #tpu.memory_space<hbm>> -> memref<256x128xf32, #tpu.memory_space<hbm>>
    %dma_start3A_170 = tpu.memref_slice %arg9[%dma_start3A_163] : memref<2x!tpu.dma_semaphore, #tpu.memory_space<semaphore_mem>> -> memref<1x!tpu.dma_semaphore, #tpu.memory_space<semaphore_mem>>
    %dma_start3A_171 = tpu.memref_squeeze %dma_start3A_170 : memref<1x!tpu.dma_semaphore, #tpu.memory_space<semaphore_mem>> -> memref<!tpu.dma_semaphore, #tpu.memory_space<semaphore_mem>>
    %dma_start3A_172 = arith.constant 0 : i32
    %dma_start3A_173 = tpu.memref_slice %arg4[%add3A_161, %dma_start3A_172] : memref<163840x128xf32, #tpu.memory_space<hbm>> -> memref<256x128xf32, #tpu.memory_space<hbm>>
    %dma_start3A_174 = arith.constant 0 : i32
    %dma_start3A_175 = arith.constant 0 : i32
    %dma_start3A_176 = tpu.memref_slice %arg6[%dma_start3A_162, %dma_start3A_174, %dma_start3A_175] : memref<2x256x128xf32, #tpu.memory_space<vmem>> -> memref<1x256x128xf32, #tpu.memory_space<vmem>>
    %dma_start3A_177 = tpu.memref_squeeze %dma_start3A_176 : memref<1x256x128xf32, #tpu.memory_space<vmem>> -> memref<256x128xf32, #tpu.memory_space<vmem>>
    tpu.enqueue_dma source(%dma_start3A_177 : memref<256x128xf32, #tpu.memory_space<vmem>>) target(%dma_start3A_173 : memref<256x128xf32, #tpu.memory_space<hbm>>) target_semaphore(%dma_start3A_171 : memref<!tpu.dma_semaphore, #tpu.memory_space<semaphore_mem>>)
    %dma_wait3A_178 = arith.constant 0 : i32
    %dma_wait3A_179 = arith.constant 0 : i32
    %dma_wait3A_180 = arith.constant 0 : i32
    %dma_wait3A_181 = arith.constant 0 : i32
    %dma_wait3A_182 = tpu.memref_slice %arg6[%dma_wait3A_178, %dma_wait3A_180, %dma_wait3A_181] : memref<2x256x128xf32, #tpu.memory_space<vmem>> -> memref<1x256x128xf32, #tpu.memory_space<vmem>>
    %dma_wait3A_183 = tpu.memref_squeeze %dma_wait3A_182 : memref<1x256x128xf32, #tpu.memory_space<vmem>> -> memref<256x128xf32, #tpu.memory_space<vmem>>
    %dma_wait3A_184 = arith.constant 0 : i32
    %dma_wait3A_185 = tpu.memref_slice %arg4[%add3A_161, %dma_wait3A_184] : memref<163840x128xf32, #tpu.memory_space<hbm>> -> memref<256x128xf32, #tpu.memory_space<hbm>>
    %dma_wait3A_186 = tpu.memref_slice %arg9[%dma_wait3A_179] : memref<2x!tpu.dma_semaphore, #tpu.memory_space<semaphore_mem>> -> memref<1x!tpu.dma_semaphore, #tpu.memory_space<semaphore_mem>>
    %dma_wait3A_187 = tpu.memref_squeeze %dma_wait3A_186 : memref<1x!tpu.dma_semaphore, #tpu.memory_space<semaphore_mem>> -> memref<!tpu.dma_semaphore, #tpu.memory_space<semaphore_mem>>
    %dma_wait3A_188 = arith.constant 0 : i32
    %dma_wait3A_189 = tpu.memref_slice %arg4[%add3A_161, %dma_wait3A_188] : memref<163840x128xf32, #tpu.memory_space<hbm>> -> memref<256x128xf32, #tpu.memory_space<hbm>>
    %dma_wait3A_190 = arith.constant 0 : i32
    %dma_wait3A_191 = arith.constant 0 : i32
    %dma_wait3A_192 = tpu.memref_slice %arg6[%dma_wait3A_178, %dma_wait3A_190, %dma_wait3A_191] : memref<2x256x128xf32, #tpu.memory_space<vmem>> -> memref<1x256x128xf32, #tpu.memory_space<vmem>>
    %dma_wait3A_193 = tpu.memref_squeeze %dma_wait3A_192 : memref<1x256x128xf32, #tpu.memory_space<vmem>> -> memref<256x128xf32, #tpu.memory_space<vmem>>
    tpu.wait_dma2 semaphore(%dma_wait3A_187 : memref<!tpu.dma_semaphore, #tpu.memory_space<semaphore_mem>>) src(%dma_wait3A_193 : memref<256x128xf32, #tpu.memory_space<vmem>>) dst(%dma_wait3A_189 : memref<256x128xf32, #tpu.memory_space<hbm>>)
    %dma_start3A_194 = arith.constant 0 : i32
    %dma_start3A_195 = arith.constant 0 : i32
    %dma_start3A_196 = arith.constant 0 : i32
    %dma_start3A_197 = arith.constant 0 : i32
    %dma_start3A_198 = tpu.memref_slice %arg6[%dma_start3A_194, %dma_start3A_196, %dma_start3A_197] : memref<2x256x128xf32, #tpu.memory_space<vmem>> -> memref<1x256x128xf32, #tpu.memory_space<vmem>>
    %dma_start3A_199 = tpu.memref_squeeze %dma_start3A_198 : memref<1x256x128xf32, #tpu.memory_space<vmem>> -> memref<256x128xf32, #tpu.memory_space<vmem>>
    %dma_start3A_200 = arith.constant 1024 : i32
    %dma_start3A_201 = tpu.memref_slice %arg5[%dma_start3A_200] : memref<5120xi32, #tpu.memory_space<vmem>> -> memref<256xi32, #tpu.memory_space<vmem>>
    %dma_start3A_202 = arith.constant 0 : i32
    %dma_start3A_203 = arith.constant 0 : i32
    %dma_start3A_204 = tpu.memref_slice %arg3[%dma_start3A_202, %dma_start3A_203] : memref<100000x128xf32, #tpu.memory_space<hbm>> -> memref<100000x128xf32, #tpu.memory_space<hbm>>
    %dma_start3A_205 = tpu.memref_slice %arg8[%dma_start3A_195] : memref<2x!tpu.dma_semaphore, #tpu.memory_space<semaphore_mem>> -> memref<1x!tpu.dma_semaphore, #tpu.memory_space<semaphore_mem>>
    %dma_start3A_206 = tpu.memref_squeeze %dma_start3A_205 : memref<1x!tpu.dma_semaphore, #tpu.memory_space<semaphore_mem>> -> memref<!tpu.dma_semaphore, #tpu.memory_space<semaphore_mem>>
    tpu.enqueue_indirect_dma source(%dma_start3A_204 : memref<100000x128xf32, #tpu.memory_space<hbm>>) target(%dma_start3A_199 : memref<256x128xf32, #tpu.memory_space<vmem>>) offsets(%dma_start3A_201 : memref<256xi32, #tpu.memory_space<vmem>>) semaphore(%dma_start3A_206 : memref<!tpu.dma_semaphore, #tpu.memory_space<semaphore_mem>>)
    %dma_wait3A_207 = arith.constant 1 : i32
    %dma_wait3A_208 = arith.constant 1 : i32
    %dma_wait3A_209 = arith.constant 0 : i32
    %dma_wait3A_210 = arith.constant 0 : i32
    %dma_wait3A_211 = tpu.memref_slice %arg6[%dma_wait3A_207, %dma_wait3A_209, %dma_wait3A_210] : memref<2x256x128xf32, #tpu.memory_space<vmem>> -> memref<1x256x128xf32, #tpu.memory_space<vmem>>
    %dma_wait3A_212 = tpu.memref_squeeze %dma_wait3A_211 : memref<1x256x128xf32, #tpu.memory_space<vmem>> -> memref<256x128xf32, #tpu.memory_space<vmem>>
    %dma_wait3A_213 = arith.constant 768 : i32
    %dma_wait3A_214 = tpu.memref_slice %arg5[%dma_wait3A_213] : memref<5120xi32, #tpu.memory_space<vmem>> -> memref<256xi32, #tpu.memory_space<vmem>>
    %dma_wait3A_215 = arith.constant 0 : i32
    %dma_wait3A_216 = arith.constant 0 : i32
    %dma_wait3A_217 = tpu.memref_slice %arg3[%dma_wait3A_215, %dma_wait3A_216] : memref<100000x128xf32, #tpu.memory_space<hbm>> -> memref<100000x128xf32, #tpu.memory_space<hbm>>
    %dma_wait3A_218 = tpu.memref_slice %arg8[%dma_wait3A_208] : memref<2x!tpu.dma_semaphore, #tpu.memory_space<semaphore_mem>> -> memref<1x!tpu.dma_semaphore, #tpu.memory_space<semaphore_mem>>
    %dma_wait3A_219 = tpu.memref_squeeze %dma_wait3A_218 : memref<1x!tpu.dma_semaphore, #tpu.memory_space<semaphore_mem>> -> memref<!tpu.dma_semaphore, #tpu.memory_space<semaphore_mem>>
    tpu.wait_indirect_dma semaphore(%dma_wait3A_219 : memref<!tpu.dma_semaphore, #tpu.memory_space<semaphore_mem>>) src(%dma_wait3A_217 : memref<100000x128xf32, #tpu.memory_space<hbm>>) dst(%dma_wait3A_212 : memref<256x128xf32, #tpu.memory_space<vmem>>)
    %add3A_220 = arith.constant 768 : i32
    %add3A_221 = arith.addi %mul3A_2, %add3A_220 : i32
    %dma_start3A_222 = arith.constant 1 : i32
    %dma_start3A_223 = arith.constant 1 : i32
    %dma_start3A_224 = arith.constant 0 : i32
    %dma_start3A_225 = arith.constant 0 : i32
    %dma_start3A_226 = tpu.memref_slice %arg6[%dma_start3A_222, %dma_start3A_224, %dma_start3A_225] : memref<2x256x128xf32, #tpu.memory_space<vmem>> -> memref<1x256x128xf32, #tpu.memory_space<vmem>>
    %dma_start3A_227 = tpu.memref_squeeze %dma_start3A_226 : memref<1x256x128xf32, #tpu.memory_space<vmem>> -> memref<256x128xf32, #tpu.memory_space<vmem>>
    %dma_start3A_228 = arith.constant 0 : i32
    %dma_start3A_229 = tpu.memref_slice %arg4[%add3A_221, %dma_start3A_228] : memref<163840x128xf32, #tpu.memory_space<hbm>> -> memref<256x128xf32, #tpu.memory_space<hbm>>
    %dma_start3A_230 = tpu.memref_slice %arg9[%dma_start3A_223] : memref<2x!tpu.dma_semaphore, #tpu.memory_space<semaphore_mem>> -> memref<1x!tpu.dma_semaphore, #tpu.memory_space<semaphore_mem>>
    %dma_start3A_231 = tpu.memref_squeeze %dma_start3A_230 : memref<1x!tpu.dma_semaphore, #tpu.memory_space<semaphore_mem>> -> memref<!tpu.dma_semaphore, #tpu.memory_space<semaphore_mem>>
    %dma_start3A_232 = arith.constant 0 : i32
    %dma_start3A_233 = tpu.memref_slice %arg4[%add3A_221, %dma_start3A_232] : memref<163840x128xf32, #tpu.memory_space<hbm>> -> memref<256x128xf32, #tpu.memory_space<hbm>>
    %dma_start3A_234 = arith.constant 0 : i32
    %dma_start3A_235 = arith.constant 0 : i32
    %dma_start3A_236 = tpu.memref_slice %arg6[%dma_start3A_222, %dma_start3A_234, %dma_start3A_235] : memref<2x256x128xf32, #tpu.memory_space<vmem>> -> memref<1x256x128xf32, #tpu.memory_space<vmem>>
    %dma_start3A_237 = tpu.memref_squeeze %dma_start3A_236 : memref<1x256x128xf32, #tpu.memory_space<vmem>> -> memref<256x128xf32, #tpu.memory_space<vmem>>
    tpu.enqueue_dma source(%dma_start3A_237 : memref<256x128xf32, #tpu.memory_space<vmem>>) target(%dma_start3A_233 : memref<256x128xf32, #tpu.memory_space<hbm>>) target_semaphore(%dma_start3A_231 : memref<!tpu.dma_semaphore, #tpu.memory_space<semaphore_mem>>)
    %dma_wait3A_238 = arith.constant 1 : i32
    %dma_wait3A_239 = arith.constant 1 : i32
    %dma_wait3A_240 = arith.constant 0 : i32
    %dma_wait3A_241 = arith.constant 0 : i32
    %dma_wait3A_242 = tpu.memref_slice %arg6[%dma_wait3A_238, %dma_wait3A_240, %dma_wait3A_241] : memref<2x256x128xf32, #tpu.memory_space<vmem>> -> memref<1x256x128xf32, #tpu.memory_space<vmem>>
    %dma_wait3A_243 = tpu.memref_squeeze %dma_wait3A_242 : memref<1x256x128xf32, #tpu.memory_space<vmem>> -> memref<256x128xf32, #tpu.memory_space<vmem>>
    %dma_wait3A_244 = arith.constant 0 : i32
    %dma_wait3A_245 = tpu.memref_slice %arg4[%add3A_221, %dma_wait3A_244] : memref<163840x128xf32, #tpu.memory_space<hbm>> -> memref<256x128xf32, #tpu.memory_space<hbm>>
    %dma_wait3A_246 = tpu.memref_slice %arg9[%dma_wait3A_239] : memref<2x!tpu.dma_semaphore, #tpu.memory_space<semaphore_mem>> -> memref<1x!tpu.dma_semaphore, #tpu.memory_space<semaphore_mem>>
    %dma_wait3A_247 = tpu.memref_squeeze %dma_wait3A_246 : memref<1x!tpu.dma_semaphore, #tpu.memory_space<semaphore_mem>> -> memref<!tpu.dma_semaphore, #tpu.memory_space<semaphore_mem>>
    %dma_wait3A_248 = arith.constant 0 : i32
    %dma_wait3A_249 = tpu.memref_slice %arg4[%add3A_221, %dma_wait3A_248] : memref<163840x128xf32, #tpu.memory_space<hbm>> -> memref<256x128xf32, #tpu.memory_space<hbm>>
    %dma_wait3A_250 = arith.constant 0 : i32
    %dma_wait3A_251 = arith.constant 0 : i32
    %dma_wait3A_252 = tpu.memref_slice %arg6[%dma_wait3A_238, %dma_wait3A_250, %dma_wait3A_251] : memref<2x256x128xf32, #tpu.memory_space<vmem>> -> memref<1x256x128xf32, #tpu.memory_space<vmem>>
    %dma_wait3A_253 = tpu.memref_squeeze %dma_wait3A_252 : memref<1x256x128xf32, #tpu.memory_space<vmem>> -> memref<256x128xf32, #tpu.memory_space<vmem>>
    tpu.wait_dma2 semaphore(%dma_wait3A_247 : memref<!tpu.dma_semaphore, #tpu.memory_space<semaphore_mem>>) src(%dma_wait3A_253 : memref<256x128xf32, #tpu.memory_space<vmem>>) dst(%dma_wait3A_249 : memref<256x128xf32, #tpu.memory_space<hbm>>)
    %dma_start3A_254 = arith.constant 1 : i32
    %dma_start3A_255 = arith.constant 1 : i32
    %dma_start3A_256 = arith.constant 0 : i32
    %dma_start3A_257 = arith.constant 0 : i32
    %dma_start3A_258 = tpu.memref_slice %arg6[%dma_start3A_254, %dma_start3A_256, %dma_start3A_257] : memref<2x256x128xf32, #tpu.memory_space<vmem>> -> memref<1x256x128xf32, #tpu.memory_space<vmem>>
    %dma_start3A_259 = tpu.memref_squeeze %dma_start3A_258 : memref<1x256x128xf32, #tpu.memory_space<vmem>> -> memref<256x128xf32, #tpu.memory_space<vmem>>
    %dma_start3A_260 = arith.constant 1280 : i32
    %dma_start3A_261 = tpu.memref_slice %arg5[%dma_start3A_260] : memref<5120xi32, #tpu.memory_space<vmem>> -> memref<256xi32, #tpu.memory_space<vmem>>
    %dma_start3A_262 = arith.constant 0 : i32
    %dma_start3A_263 = arith.constant 0 : i32
    %dma_start3A_264 = tpu.memref_slice %arg3[%dma_start3A_262, %dma_start3A_263] : memref<100000x128xf32, #tpu.memory_space<hbm>> -> memref<100000x128xf32, #tpu.memory_space<hbm>>
    %dma_start3A_265 = tpu.memref_slice %arg8[%dma_start3A_255] : memref<2x!tpu.dma_semaphore, #tpu.memory_space<semaphore_mem>> -> memref<1x!tpu.dma_semaphore, #tpu.memory_space<semaphore_mem>>
    %dma_start3A_266 = tpu.memref_squeeze %dma_start3A_265 : memref<1x!tpu.dma_semaphore, #tpu.memory_space<semaphore_mem>> -> memref<!tpu.dma_semaphore, #tpu.memory_space<semaphore_mem>>
    tpu.enqueue_indirect_dma source(%dma_start3A_264 : memref<100000x128xf32, #tpu.memory_space<hbm>>) target(%dma_start3A_259 : memref<256x128xf32, #tpu.memory_space<vmem>>) offsets(%dma_start3A_261 : memref<256xi32, #tpu.memory_space<vmem>>) semaphore(%dma_start3A_266 : memref<!tpu.dma_semaphore, #tpu.memory_space<semaphore_mem>>)
    %dma_wait3A_267 = arith.constant 0 : i32
    %dma_wait3A_268 = arith.constant 0 : i32
    %dma_wait3A_269 = arith.constant 0 : i32
    %dma_wait3A_270 = arith.constant 0 : i32
    %dma_wait3A_271 = tpu.memref_slice %arg6[%dma_wait3A_267, %dma_wait3A_269, %dma_wait3A_270] : memref<2x256x128xf32, #tpu.memory_space<vmem>> -> memref<1x256x128xf32, #tpu.memory_space<vmem>>
    %dma_wait3A_272 = tpu.memref_squeeze %dma_wait3A_271 : memref<1x256x128xf32, #tpu.memory_space<vmem>> -> memref<256x128xf32, #tpu.memory_space<vmem>>
    %dma_wait3A_273 = arith.constant 1024 : i32
    %dma_wait3A_274 = tpu.memref_slice %arg5[%dma_wait3A_273] : memref<5120xi32, #tpu.memory_space<vmem>> -> memref<256xi32, #tpu.memory_space<vmem>>
    %dma_wait3A_275 = arith.constant 0 : i32
    %dma_wait3A_276 = arith.constant 0 : i32
    %dma_wait3A_277 = tpu.memref_slice %arg3[%dma_wait3A_275, %dma_wait3A_276] : memref<100000x128xf32, #tpu.memory_space<hbm>> -> memref<100000x128xf32, #tpu.memory_space<hbm>>
    %dma_wait3A_278 = tpu.memref_slice %arg8[%dma_wait3A_268] : memref<2x!tpu.dma_semaphore, #tpu.memory_space<semaphore_mem>> -> memref<1x!tpu.dma_semaphore, #tpu.memory_space<semaphore_mem>>
    %dma_wait3A_279 = tpu.memref_squeeze %dma_wait3A_278 : memref<1x!tpu.dma_semaphore, #tpu.memory_space<semaphore_mem>> -> memref<!tpu.dma_semaphore, #tpu.memory_space<semaphore_mem>>
    tpu.wait_indirect_dma semaphore(%dma_wait3A_279 : memref<!tpu.dma_semaphore, #tpu.memory_space<semaphore_mem>>) src(%dma_wait3A_277 : memref<100000x128xf32, #tpu.memory_space<hbm>>) dst(%dma_wait3A_272 : memref<256x128xf32, #tpu.memory_space<vmem>>)
    %add3A_280 = arith.constant 1024 : i32
    %add3A_281 = arith.addi %mul3A_2, %add3A_280 : i32
    %dma_start3A_282 = arith.constant 0 : i32
    %dma_start3A_283 = arith.constant 0 : i32
    %dma_start3A_284 = arith.constant 0 : i32
    %dma_start3A_285 = arith.constant 0 : i32
    %dma_start3A_286 = tpu.memref_slice %arg6[%dma_start3A_282, %dma_start3A_284, %dma_start3A_285] : memref<2x256x128xf32, #tpu.memory_space<vmem>> -> memref<1x256x128xf32, #tpu.memory_space<vmem>>
    %dma_start3A_287 = tpu.memref_squeeze %dma_start3A_286 : memref<1x256x128xf32, #tpu.memory_space<vmem>> -> memref<256x128xf32, #tpu.memory_space<vmem>>
    %dma_start3A_288 = arith.constant 0 : i32
    %dma_start3A_289 = tpu.memref_slice %arg4[%add3A_281, %dma_start3A_288] : memref<163840x128xf32, #tpu.memory_space<hbm>> -> memref<256x128xf32, #tpu.memory_space<hbm>>
    %dma_start3A_290 = tpu.memref_slice %arg9[%dma_start3A_283] : memref<2x!tpu.dma_semaphore, #tpu.memory_space<semaphore_mem>> -> memref<1x!tpu.dma_semaphore, #tpu.memory_space<semaphore_mem>>
    %dma_start3A_291 = tpu.memref_squeeze %dma_start3A_290 : memref<1x!tpu.dma_semaphore, #tpu.memory_space<semaphore_mem>> -> memref<!tpu.dma_semaphore, #tpu.memory_space<semaphore_mem>>
    %dma_start3A_292 = arith.constant 0 : i32
    %dma_start3A_293 = tpu.memref_slice %arg4[%add3A_281, %dma_start3A_292] : memref<163840x128xf32, #tpu.memory_space<hbm>> -> memref<256x128xf32, #tpu.memory_space<hbm>>
    %dma_start3A_294 = arith.constant 0 : i32
    %dma_start3A_295 = arith.constant 0 : i32
    %dma_start3A_296 = tpu.memref_slice %arg6[%dma_start3A_282, %dma_start3A_294, %dma_start3A_295] : memref<2x256x128xf32, #tpu.memory_space<vmem>> -> memref<1x256x128xf32, #tpu.memory_space<vmem>>
    %dma_start3A_297 = tpu.memref_squeeze %dma_start3A_296 : memref<1x256x128xf32, #tpu.memory_space<vmem>> -> memref<256x128xf32, #tpu.memory_space<vmem>>
    tpu.enqueue_dma source(%dma_start3A_297 : memref<256x128xf32, #tpu.memory_space<vmem>>) target(%dma_start3A_293 : memref<256x128xf32, #tpu.memory_space<hbm>>) target_semaphore(%dma_start3A_291 : memref<!tpu.dma_semaphore, #tpu.memory_space<semaphore_mem>>)
    %dma_wait3A_298 = arith.constant 0 : i32
    %dma_wait3A_299 = arith.constant 0 : i32
    %dma_wait3A_300 = arith.constant 0 : i32
    %dma_wait3A_301 = arith.constant 0 : i32
    %dma_wait3A_302 = tpu.memref_slice %arg6[%dma_wait3A_298, %dma_wait3A_300, %dma_wait3A_301] : memref<2x256x128xf32, #tpu.memory_space<vmem>> -> memref<1x256x128xf32, #tpu.memory_space<vmem>>
    %dma_wait3A_303 = tpu.memref_squeeze %dma_wait3A_302 : memref<1x256x128xf32, #tpu.memory_space<vmem>> -> memref<256x128xf32, #tpu.memory_space<vmem>>
    %dma_wait3A_304 = arith.constant 0 : i32
    %dma_wait3A_305 = tpu.memref_slice %arg4[%add3A_281, %dma_wait3A_304] : memref<163840x128xf32, #tpu.memory_space<hbm>> -> memref<256x128xf32, #tpu.memory_space<hbm>>
    %dma_wait3A_306 = tpu.memref_slice %arg9[%dma_wait3A_299] : memref<2x!tpu.dma_semaphore, #tpu.memory_space<semaphore_mem>> -> memref<1x!tpu.dma_semaphore, #tpu.memory_space<semaphore_mem>>
    %dma_wait3A_307 = tpu.memref_squeeze %dma_wait3A_306 : memref<1x!tpu.dma_semaphore, #tpu.memory_space<semaphore_mem>> -> memref<!tpu.dma_semaphore, #tpu.memory_space<semaphore_mem>>
    %dma_wait3A_308 = arith.constant 0 : i32
    %dma_wait3A_309 = tpu.memref_slice %arg4[%add3A_281, %dma_wait3A_308] : memref<163840x128xf32, #tpu.memory_space<hbm>> -> memref<256x128xf32, #tpu.memory_space<hbm>>
    %dma_wait3A_310 = arith.constant 0 : i32
    %dma_wait3A_311 = arith.constant 0 : i32
    %dma_wait3A_312 = tpu.memref_slice %arg6[%dma_wait3A_298, %dma_wait3A_310, %dma_wait3A_311] : memref<2x256x128xf32, #tpu.memory_space<vmem>> -> memref<1x256x128xf32, #tpu.memory_space<vmem>>
    %dma_wait3A_313 = tpu.memref_squeeze %dma_wait3A_312 : memref<1x256x128xf32, #tpu.memory_space<vmem>> -> memref<256x128xf32, #tpu.memory_space<vmem>>
    tpu.wait_dma2 semaphore(%dma_wait3A_307 : memref<!tpu.dma_semaphore, #tpu.memory_space<semaphore_mem>>) src(%dma_wait3A_313 : memref<256x128xf32, #tpu.memory_space<vmem>>) dst(%dma_wait3A_309 : memref<256x128xf32, #tpu.memory_space<hbm>>)
    %dma_start3A_314 = arith.constant 0 : i32
    %dma_start3A_315 = arith.constant 0 : i32
    %dma_start3A_316 = arith.constant 0 : i32
    %dma_start3A_317 = arith.constant 0 : i32
    %dma_start3A_318 = tpu.memref_slice %arg6[%dma_start3A_314, %dma_start3A_316, %dma_start3A_317] : memref<2x256x128xf32, #tpu.memory_space<vmem>> -> memref<1x256x128xf32, #tpu.memory_space<vmem>>
    %dma_start3A_319 = tpu.memref_squeeze %dma_start3A_318 : memref<1x256x128xf32, #tpu.memory_space<vmem>> -> memref<256x128xf32, #tpu.memory_space<vmem>>
    %dma_start3A_320 = arith.constant 1536 : i32
    %dma_start3A_321 = tpu.memref_slice %arg5[%dma_start3A_320] : memref<5120xi32, #tpu.memory_space<vmem>> -> memref<256xi32, #tpu.memory_space<vmem>>
    %dma_start3A_322 = arith.constant 0 : i32
    %dma_start3A_323 = arith.constant 0 : i32
    %dma_start3A_324 = tpu.memref_slice %arg3[%dma_start3A_322, %dma_start3A_323] : memref<100000x128xf32, #tpu.memory_space<hbm>> -> memref<100000x128xf32, #tpu.memory_space<hbm>>
    %dma_start3A_325 = tpu.memref_slice %arg8[%dma_start3A_315] : memref<2x!tpu.dma_semaphore, #tpu.memory_space<semaphore_mem>> -> memref<1x!tpu.dma_semaphore, #tpu.memory_space<semaphore_mem>>
    %dma_start3A_326 = tpu.memref_squeeze %dma_start3A_325 : memref<1x!tpu.dma_semaphore, #tpu.memory_space<semaphore_mem>> -> memref<!tpu.dma_semaphore, #tpu.memory_space<semaphore_mem>>
    tpu.enqueue_indirect_dma source(%dma_start3A_324 : memref<100000x128xf32, #tpu.memory_space<hbm>>) target(%dma_start3A_319 : memref<256x128xf32, #tpu.memory_space<vmem>>) offsets(%dma_start3A_321 : memref<256xi32, #tpu.memory_space<vmem>>) semaphore(%dma_start3A_326 : memref<!tpu.dma_semaphore, #tpu.memory_space<semaphore_mem>>)
    %dma_wait3A_327 = arith.constant 1 : i32
    %dma_wait3A_328 = arith.constant 1 : i32
    %dma_wait3A_329 = arith.constant 0 : i32
    %dma_wait3A_330 = arith.constant 0 : i32
    %dma_wait3A_331 = tpu.memref_slice %arg6[%dma_wait3A_327, %dma_wait3A_329, %dma_wait3A_330] : memref<2x256x128xf32, #tpu.memory_space<vmem>> -> memref<1x256x128xf32, #tpu.memory_space<vmem>>
    %dma_wait3A_332 = tpu.memref_squeeze %dma_wait3A_331 : memref<1x256x128xf32, #tpu.memory_space<vmem>> -> memref<256x128xf32, #tpu.memory_space<vmem>>
    %dma_wait3A_333 = arith.constant 1280 : i32
    %dma_wait3A_334 = tpu.memref_slice %arg5[%dma_wait3A_333] : memref<5120xi32, #tpu.memory_space<vmem>> -> memref<256xi32, #tpu.memory_space<vmem>>
    %dma_wait3A_335 = arith.constant 0 : i32
    %dma_wait3A_336 = arith.constant 0 : i32
    %dma_wait3A_337 = tpu.memref_slice %arg3[%dma_wait3A_335, %dma_wait3A_336] : memref<100000x128xf32, #tpu.memory_space<hbm>> -> memref<100000x128xf32, #tpu.memory_space<hbm>>
    %dma_wait3A_338 = tpu.memref_slice %arg8[%dma_wait3A_328] : memref<2x!tpu.dma_semaphore, #tpu.memory_space<semaphore_mem>> -> memref<1x!tpu.dma_semaphore, #tpu.memory_space<semaphore_mem>>
    %dma_wait3A_339 = tpu.memref_squeeze %dma_wait3A_338 : memref<1x!tpu.dma_semaphore, #tpu.memory_space<semaphore_mem>> -> memref<!tpu.dma_semaphore, #tpu.memory_space<semaphore_mem>>
    tpu.wait_indirect_dma semaphore(%dma_wait3A_339 : memref<!tpu.dma_semaphore, #tpu.memory_space<semaphore_mem>>) src(%dma_wait3A_337 : memref<100000x128xf32, #tpu.memory_space<hbm>>) dst(%dma_wait3A_332 : memref<256x128xf32, #tpu.memory_space<vmem>>)
    %add3A_340 = arith.constant 1280 : i32
    %add3A_341 = arith.addi %mul3A_2, %add3A_340 : i32
    %dma_start3A_342 = arith.constant 1 : i32
    %dma_start3A_343 = arith.constant 1 : i32
    %dma_start3A_344 = arith.constant 0 : i32
    %dma_start3A_345 = arith.constant 0 : i32
    %dma_start3A_346 = tpu.memref_slice %arg6[%dma_start3A_342, %dma_start3A_344, %dma_start3A_345] : memref<2x256x128xf32, #tpu.memory_space<vmem>> -> memref<1x256x128xf32, #tpu.memory_space<vmem>>
    %dma_start3A_347 = tpu.memref_squeeze %dma_start3A_346 : memref<1x256x128xf32, #tpu.memory_space<vmem>> -> memref<256x128xf32, #tpu.memory_space<vmem>>
    %dma_start3A_348 = arith.constant 0 : i32
    %dma_start3A_349 = tpu.memref_slice %arg4[%add3A_341, %dma_start3A_348] : memref<163840x128xf32, #tpu.memory_space<hbm>> -> memref<256x128xf32, #tpu.memory_space<hbm>>
    %dma_start3A_350 = tpu.memref_slice %arg9[%dma_start3A_343] : memref<2x!tpu.dma_semaphore, #tpu.memory_space<semaphore_mem>> -> memref<1x!tpu.dma_semaphore, #tpu.memory_space<semaphore_mem>>
    %dma_start3A_351 = tpu.memref_squeeze %dma_start3A_350 : memref<1x!tpu.dma_semaphore, #tpu.memory_space<semaphore_mem>> -> memref<!tpu.dma_semaphore, #tpu.memory_space<semaphore_mem>>
    %dma_start3A_352 = arith.constant 0 : i32
    %dma_start3A_353 = tpu.memref_slice %arg4[%add3A_341, %dma_start3A_352] : memref<163840x128xf32, #tpu.memory_space<hbm>> -> memref<256x128xf32, #tpu.memory_space<hbm>>
    %dma_start3A_354 = arith.constant 0 : i32
    %dma_start3A_355 = arith.constant 0 : i32
    %dma_start3A_356 = tpu.memref_slice %arg6[%dma_start3A_342, %dma_start3A_354, %dma_start3A_355] : memref<2x256x128xf32, #tpu.memory_space<vmem>> -> memref<1x256x128xf32, #tpu.memory_space<vmem>>
    %dma_start3A_357 = tpu.memref_squeeze %dma_start3A_356 : memref<1x256x128xf32, #tpu.memory_space<vmem>> -> memref<256x128xf32, #tpu.memory_space<vmem>>
    tpu.enqueue_dma source(%dma_start3A_357 : memref<256x128xf32, #tpu.memory_space<vmem>>) target(%dma_start3A_353 : memref<256x128xf32, #tpu.memory_space<hbm>>) target_semaphore(%dma_start3A_351 : memref<!tpu.dma_semaphore, #tpu.memory_space<semaphore_mem>>)
    %dma_wait3A_358 = arith.constant 1 : i32
    %dma_wait3A_359 = arith.constant 1 : i32
    %dma_wait3A_360 = arith.constant 0 : i32
    %dma_wait3A_361 = arith.constant 0 : i32
    %dma_wait3A_362 = tpu.memref_slice %arg6[%dma_wait3A_358, %dma_wait3A_360, %dma_wait3A_361] : memref<2x256x128xf32, #tpu.memory_space<vmem>> -> memref<1x256x128xf32, #tpu.memory_space<vmem>>
    %dma_wait3A_363 = tpu.memref_squeeze %dma_wait3A_362 : memref<1x256x128xf32, #tpu.memory_space<vmem>> -> memref<256x128xf32, #tpu.memory_space<vmem>>
    %dma_wait3A_364 = arith.constant 0 : i32
    %dma_wait3A_365 = tpu.memref_slice %arg4[%add3A_341, %dma_wait3A_364] : memref<163840x128xf32, #tpu.memory_space<hbm>> -> memref<256x128xf32, #tpu.memory_space<hbm>>
    %dma_wait3A_366 = tpu.memref_slice %arg9[%dma_wait3A_359] : memref<2x!tpu.dma_semaphore, #tpu.memory_space<semaphore_mem>> -> memref<1x!tpu.dma_semaphore, #tpu.memory_space<semaphore_mem>>
    %dma_wait3A_367 = tpu.memref_squeeze %dma_wait3A_366 : memref<1x!tpu.dma_semaphore, #tpu.memory_space<semaphore_mem>> -> memref<!tpu.dma_semaphore, #tpu.memory_space<semaphore_mem>>
    %dma_wait3A_368 = arith.constant 0 : i32
    %dma_wait3A_369 = tpu.memref_slice %arg4[%add3A_341, %dma_wait3A_368] : memref<163840x128xf32, #tpu.memory_space<hbm>> -> memref<256x128xf32, #tpu.memory_space<hbm>>
    %dma_wait3A_370 = arith.constant 0 : i32
    %dma_wait3A_371 = arith.constant 0 : i32
    %dma_wait3A_372 = tpu.memref_slice %arg6[%dma_wait3A_358, %dma_wait3A_370, %dma_wait3A_371] : memref<2x256x128xf32, #tpu.memory_space<vmem>> -> memref<1x256x128xf32, #tpu.memory_space<vmem>>
    %dma_wait3A_373 = tpu.memref_squeeze %dma_wait3A_372 : memref<1x256x128xf32, #tpu.memory_space<vmem>> -> memref<256x128xf32, #tpu.memory_space<vmem>>
    tpu.wait_dma2 semaphore(%dma_wait3A_367 : memref<!tpu.dma_semaphore, #tpu.memory_space<semaphore_mem>>) src(%dma_wait3A_373 : memref<256x128xf32, #tpu.memory_space<vmem>>) dst(%dma_wait3A_369 : memref<256x128xf32, #tpu.memory_space<hbm>>)
    %dma_start3A_374 = arith.constant 1 : i32
    %dma_start3A_375 = arith.constant 1 : i32
    %dma_start3A_376 = arith.constant 0 : i32
    %dma_start3A_377 = arith.constant 0 : i32
    %dma_start3A_378 = tpu.memref_slice %arg6[%dma_start3A_374, %dma_start3A_376, %dma_start3A_377] : memref<2x256x128xf32, #tpu.memory_space<vmem>> -> memref<1x256x128xf32, #tpu.memory_space<vmem>>
    %dma_start3A_379 = tpu.memref_squeeze %dma_start3A_378 : memref<1x256x128xf32, #tpu.memory_space<vmem>> -> memref<256x128xf32, #tpu.memory_space<vmem>>
    %dma_start3A_380 = arith.constant 1792 : i32
    %dma_start3A_381 = tpu.memref_slice %arg5[%dma_start3A_380] : memref<5120xi32, #tpu.memory_space<vmem>> -> memref<256xi32, #tpu.memory_space<vmem>>
    %dma_start3A_382 = arith.constant 0 : i32
    %dma_start3A_383 = arith.constant 0 : i32
    %dma_start3A_384 = tpu.memref_slice %arg3[%dma_start3A_382, %dma_start3A_383] : memref<100000x128xf32, #tpu.memory_space<hbm>> -> memref<100000x128xf32, #tpu.memory_space<hbm>>
    %dma_start3A_385 = tpu.memref_slice %arg8[%dma_start3A_375] : memref<2x!tpu.dma_semaphore, #tpu.memory_space<semaphore_mem>> -> memref<1x!tpu.dma_semaphore, #tpu.memory_space<semaphore_mem>>
    %dma_start3A_386 = tpu.memref_squeeze %dma_start3A_385 : memref<1x!tpu.dma_semaphore, #tpu.memory_space<semaphore_mem>> -> memref<!tpu.dma_semaphore, #tpu.memory_space<semaphore_mem>>
    tpu.enqueue_indirect_dma source(%dma_start3A_384 : memref<100000x128xf32, #tpu.memory_space<hbm>>) target(%dma_start3A_379 : memref<256x128xf32, #tpu.memory_space<vmem>>) offsets(%dma_start3A_381 : memref<256xi32, #tpu.memory_space<vmem>>) semaphore(%dma_start3A_386 : memref<!tpu.dma_semaphore, #tpu.memory_space<semaphore_mem>>)
    %dma_wait3A_387 = arith.constant 0 : i32
    %dma_wait3A_388 = arith.constant 0 : i32
    %dma_wait3A_389 = arith.constant 0 : i32
    %dma_wait3A_390 = arith.constant 0 : i32
    %dma_wait3A_391 = tpu.memref_slice %arg6[%dma_wait3A_387, %dma_wait3A_389, %dma_wait3A_390] : memref<2x256x128xf32, #tpu.memory_space<vmem>> -> memref<1x256x128xf32, #tpu.memory_space<vmem>>
    %dma_wait3A_392 = tpu.memref_squeeze %dma_wait3A_391 : memref<1x256x128xf32, #tpu.memory_space<vmem>> -> memref<256x128xf32, #tpu.memory_space<vmem>>
    %dma_wait3A_393 = arith.constant 1536 : i32
    %dma_wait3A_394 = tpu.memref_slice %arg5[%dma_wait3A_393] : memref<5120xi32, #tpu.memory_space<vmem>> -> memref<256xi32, #tpu.memory_space<vmem>>
    %dma_wait3A_395 = arith.constant 0 : i32
    %dma_wait3A_396 = arith.constant 0 : i32
    %dma_wait3A_397 = tpu.memref_slice %arg3[%dma_wait3A_395, %dma_wait3A_396] : memref<100000x128xf32, #tpu.memory_space<hbm>> -> memref<100000x128xf32, #tpu.memory_space<hbm>>
    %dma_wait3A_398 = tpu.memref_slice %arg8[%dma_wait3A_388] : memref<2x!tpu.dma_semaphore, #tpu.memory_space<semaphore_mem>> -> memref<1x!tpu.dma_semaphore, #tpu.memory_space<semaphore_mem>>
    %dma_wait3A_399 = tpu.memref_squeeze %dma_wait3A_398 : memref<1x!tpu.dma_semaphore, #tpu.memory_space<semaphore_mem>> -> memref<!tpu.dma_semaphore, #tpu.memory_space<semaphore_mem>>
    tpu.wait_indirect_dma semaphore(%dma_wait3A_399 : memref<!tpu.dma_semaphore, #tpu.memory_space<semaphore_mem>>) src(%dma_wait3A_397 : memref<100000x128xf32, #tpu.memory_space<hbm>>) dst(%dma_wait3A_392 : memref<256x128xf32, #tpu.memory_space<vmem>>)
    %add3A_400 = arith.constant 1536 : i32
    %add3A_401 = arith.addi %mul3A_2, %add3A_400 : i32
    %dma_start3A_402 = arith.constant 0 : i32
    %dma_start3A_403 = arith.constant 0 : i32
    %dma_start3A_404 = arith.constant 0 : i32
    %dma_start3A_405 = arith.constant 0 : i32
    %dma_start3A_406 = tpu.memref_slice %arg6[%dma_start3A_402, %dma_start3A_404, %dma_start3A_405] : memref<2x256x128xf32, #tpu.memory_space<vmem>> -> memref<1x256x128xf32, #tpu.memory_space<vmem>>
    %dma_start3A_407 = tpu.memref_squeeze %dma_start3A_406 : memref<1x256x128xf32, #tpu.memory_space<vmem>> -> memref<256x128xf32, #tpu.memory_space<vmem>>
    %dma_start3A_408 = arith.constant 0 : i32
    %dma_start3A_409 = tpu.memref_slice %arg4[%add3A_401, %dma_start3A_408] : memref<163840x128xf32, #tpu.memory_space<hbm>> -> memref<256x128xf32, #tpu.memory_space<hbm>>
    %dma_start3A_410 = tpu.memref_slice %arg9[%dma_start3A_403] : memref<2x!tpu.dma_semaphore, #tpu.memory_space<semaphore_mem>> -> memref<1x!tpu.dma_semaphore, #tpu.memory_space<semaphore_mem>>
    %dma_start3A_411 = tpu.memref_squeeze %dma_start3A_410 : memref<1x!tpu.dma_semaphore, #tpu.memory_space<semaphore_mem>> -> memref<!tpu.dma_semaphore, #tpu.memory_space<semaphore_mem>>
    %dma_start3A_412 = arith.constant 0 : i32
    %dma_start3A_413 = tpu.memref_slice %arg4[%add3A_401, %dma_start3A_412] : memref<163840x128xf32, #tpu.memory_space<hbm>> -> memref<256x128xf32, #tpu.memory_space<hbm>>
    %dma_start3A_414 = arith.constant 0 : i32
    %dma_start3A_415 = arith.constant 0 : i32
    %dma_start3A_416 = tpu.memref_slice %arg6[%dma_start3A_402, %dma_start3A_414, %dma_start3A_415] : memref<2x256x128xf32, #tpu.memory_space<vmem>> -> memref<1x256x128xf32, #tpu.memory_space<vmem>>
    %dma_start3A_417 = tpu.memref_squeeze %dma_start3A_416 : memref<1x256x128xf32, #tpu.memory_space<vmem>> -> memref<256x128xf32, #tpu.memory_space<vmem>>
    tpu.enqueue_dma source(%dma_start3A_417 : memref<256x128xf32, #tpu.memory_space<vmem>>) target(%dma_start3A_413 : memref<256x128xf32, #tpu.memory_space<hbm>>) target_semaphore(%dma_start3A_411 : memref<!tpu.dma_semaphore, #tpu.memory_space<semaphore_mem>>)
    %dma_wait3A_418 = arith.constant 0 : i32
    %dma_wait3A_419 = arith.constant 0 : i32
    %dma_wait3A_420 = arith.constant 0 : i32
    %dma_wait3A_421 = arith.constant 0 : i32
    %dma_wait3A_422 = tpu.memref_slice %arg6[%dma_wait3A_418, %dma_wait3A_420, %dma_wait3A_421] : memref<2x256x128xf32, #tpu.memory_space<vmem>> -> memref<1x256x128xf32, #tpu.memory_space<vmem>>
    %dma_wait3A_423 = tpu.memref_squeeze %dma_wait3A_422 : memref<1x256x128xf32, #tpu.memory_space<vmem>> -> memref<256x128xf32, #tpu.memory_space<vmem>>
    %dma_wait3A_424 = arith.constant 0 : i32
    %dma_wait3A_425 = tpu.memref_slice %arg4[%add3A_401, %dma_wait3A_424] : memref<163840x128xf32, #tpu.memory_space<hbm>> -> memref<256x128xf32, #tpu.memory_space<hbm>>
    %dma_wait3A_426 = tpu.memref_slice %arg9[%dma_wait3A_419] : memref<2x!tpu.dma_semaphore, #tpu.memory_space<semaphore_mem>> -> memref<1x!tpu.dma_semaphore, #tpu.memory_space<semaphore_mem>>
    %dma_wait3A_427 = tpu.memref_squeeze %dma_wait3A_426 : memref<1x!tpu.dma_semaphore, #tpu.memory_space<semaphore_mem>> -> memref<!tpu.dma_semaphore, #tpu.memory_space<semaphore_mem>>
    %dma_wait3A_428 = arith.constant 0 : i32
    %dma_wait3A_429 = tpu.memref_slice %arg4[%add3A_401, %dma_wait3A_428] : memref<163840x128xf32, #tpu.memory_space<hbm>> -> memref<256x128xf32, #tpu.memory_space<hbm>>
    %dma_wait3A_430 = arith.constant 0 : i32
    %dma_wait3A_431 = arith.constant 0 : i32
    %dma_wait3A_432 = tpu.memref_slice %arg6[%dma_wait3A_418, %dma_wait3A_430, %dma_wait3A_431] : memref<2x256x128xf32, #tpu.memory_space<vmem>> -> memref<1x256x128xf32, #tpu.memory_space<vmem>>
    %dma_wait3A_433 = tpu.memref_squeeze %dma_wait3A_432 : memref<1x256x128xf32, #tpu.memory_space<vmem>> -> memref<256x128xf32, #tpu.memory_space<vmem>>
    tpu.wait_dma2 semaphore(%dma_wait3A_427 : memref<!tpu.dma_semaphore, #tpu.memory_space<semaphore_mem>>) src(%dma_wait3A_433 : memref<256x128xf32, #tpu.memory_space<vmem>>) dst(%dma_wait3A_429 : memref<256x128xf32, #tpu.memory_space<hbm>>)
    %dma_start3A_434 = arith.constant 0 : i32
    %dma_start3A_435 = arith.constant 0 : i32
    %dma_start3A_436 = arith.constant 0 : i32
    %dma_start3A_437 = arith.constant 0 : i32
    %dma_start3A_438 = tpu.memref_slice %arg6[%dma_start3A_434, %dma_start3A_436, %dma_start3A_437] : memref<2x256x128xf32, #tpu.memory_space<vmem>> -> memref<1x256x128xf32, #tpu.memory_space<vmem>>
    %dma_start3A_439 = tpu.memref_squeeze %dma_start3A_438 : memref<1x256x128xf32, #tpu.memory_space<vmem>> -> memref<256x128xf32, #tpu.memory_space<vmem>>
    %dma_start3A_440 = arith.constant 2048 : i32
    %dma_start3A_441 = tpu.memref_slice %arg5[%dma_start3A_440] : memref<5120xi32, #tpu.memory_space<vmem>> -> memref<256xi32, #tpu.memory_space<vmem>>
    %dma_start3A_442 = arith.constant 0 : i32
    %dma_start3A_443 = arith.constant 0 : i32
    %dma_start3A_444 = tpu.memref_slice %arg3[%dma_start3A_442, %dma_start3A_443] : memref<100000x128xf32, #tpu.memory_space<hbm>> -> memref<100000x128xf32, #tpu.memory_space<hbm>>
    %dma_start3A_445 = tpu.memref_slice %arg8[%dma_start3A_435] : memref<2x!tpu.dma_semaphore, #tpu.memory_space<semaphore_mem>> -> memref<1x!tpu.dma_semaphore, #tpu.memory_space<semaphore_mem>>
    %dma_start3A_446 = tpu.memref_squeeze %dma_start3A_445 : memref<1x!tpu.dma_semaphore, #tpu.memory_space<semaphore_mem>> -> memref<!tpu.dma_semaphore, #tpu.memory_space<semaphore_mem>>
    tpu.enqueue_indirect_dma source(%dma_start3A_444 : memref<100000x128xf32, #tpu.memory_space<hbm>>) target(%dma_start3A_439 : memref<256x128xf32, #tpu.memory_space<vmem>>) offsets(%dma_start3A_441 : memref<256xi32, #tpu.memory_space<vmem>>) semaphore(%dma_start3A_446 : memref<!tpu.dma_semaphore, #tpu.memory_space<semaphore_mem>>)
    %dma_wait3A_447 = arith.constant 1 : i32
    %dma_wait3A_448 = arith.constant 1 : i32
    %dma_wait3A_449 = arith.constant 0 : i32
    %dma_wait3A_450 = arith.constant 0 : i32
    %dma_wait3A_451 = tpu.memref_slice %arg6[%dma_wait3A_447, %dma_wait3A_449, %dma_wait3A_450] : memref<2x256x128xf32, #tpu.memory_space<vmem>> -> memref<1x256x128xf32, #tpu.memory_space<vmem>>
    %dma_wait3A_452 = tpu.memref_squeeze %dma_wait3A_451 : memref<1x256x128xf32, #tpu.memory_space<vmem>> -> memref<256x128xf32, #tpu.memory_space<vmem>>
    %dma_wait3A_453 = arith.constant 1792 : i32
    %dma_wait3A_454 = tpu.memref_slice %arg5[%dma_wait3A_453] : memref<5120xi32, #tpu.memory_space<vmem>> -> memref<256xi32, #tpu.memory_space<vmem>>
    %dma_wait3A_455 = arith.constant 0 : i32
    %dma_wait3A_456 = arith.constant 0 : i32
    %dma_wait3A_457 = tpu.memref_slice %arg3[%dma_wait3A_455, %dma_wait3A_456] : memref<100000x128xf32, #tpu.memory_space<hbm>> -> memref<100000x128xf32, #tpu.memory_space<hbm>>
    %dma_wait3A_458 = tpu.memref_slice %arg8[%dma_wait3A_448] : memref<2x!tpu.dma_semaphore, #tpu.memory_space<semaphore_mem>> -> memref<1x!tpu.dma_semaphore, #tpu.memory_space<semaphore_mem>>
    %dma_wait3A_459 = tpu.memref_squeeze %dma_wait3A_458 : memref<1x!tpu.dma_semaphore, #tpu.memory_space<semaphore_mem>> -> memref<!tpu.dma_semaphore, #tpu.memory_space<semaphore_mem>>
    tpu.wait_indirect_dma semaphore(%dma_wait3A_459 : memref<!tpu.dma_semaphore, #tpu.memory_space<semaphore_mem>>) src(%dma_wait3A_457 : memref<100000x128xf32, #tpu.memory_space<hbm>>) dst(%dma_wait3A_452 : memref<256x128xf32, #tpu.memory_space<vmem>>)
    %add3A_460 = arith.constant 1792 : i32
    %add3A_461 = arith.addi %mul3A_2, %add3A_460 : i32
    %dma_start3A_462 = arith.constant 1 : i32
    %dma_start3A_463 = arith.constant 1 : i32
    %dma_start3A_464 = arith.constant 0 : i32
    %dma_start3A_465 = arith.constant 0 : i32
    %dma_start3A_466 = tpu.memref_slice %arg6[%dma_start3A_462, %dma_start3A_464, %dma_start3A_465] : memref<2x256x128xf32, #tpu.memory_space<vmem>> -> memref<1x256x128xf32, #tpu.memory_space<vmem>>
    %dma_start3A_467 = tpu.memref_squeeze %dma_start3A_466 : memref<1x256x128xf32, #tpu.memory_space<vmem>> -> memref<256x128xf32, #tpu.memory_space<vmem>>
    %dma_start3A_468 = arith.constant 0 : i32
    %dma_start3A_469 = tpu.memref_slice %arg4[%add3A_461, %dma_start3A_468] : memref<163840x128xf32, #tpu.memory_space<hbm>> -> memref<256x128xf32, #tpu.memory_space<hbm>>
    %dma_start3A_470 = tpu.memref_slice %arg9[%dma_start3A_463] : memref<2x!tpu.dma_semaphore, #tpu.memory_space<semaphore_mem>> -> memref<1x!tpu.dma_semaphore, #tpu.memory_space<semaphore_mem>>
    %dma_start3A_471 = tpu.memref_squeeze %dma_start3A_470 : memref<1x!tpu.dma_semaphore, #tpu.memory_space<semaphore_mem>> -> memref<!tpu.dma_semaphore, #tpu.memory_space<semaphore_mem>>
    %dma_start3A_472 = arith.constant 0 : i32
    %dma_start3A_473 = tpu.memref_slice %arg4[%add3A_461, %dma_start3A_472] : memref<163840x128xf32, #tpu.memory_space<hbm>> -> memref<256x128xf32, #tpu.memory_space<hbm>>
    %dma_start3A_474 = arith.constant 0 : i32
    %dma_start3A_475 = arith.constant 0 : i32
    %dma_start3A_476 = tpu.memref_slice %arg6[%dma_start3A_462, %dma_start3A_474, %dma_start3A_475] : memref<2x256x128xf32, #tpu.memory_space<vmem>> -> memref<1x256x128xf32, #tpu.memory_space<vmem>>
    %dma_start3A_477 = tpu.memref_squeeze %dma_start3A_476 : memref<1x256x128xf32, #tpu.memory_space<vmem>> -> memref<256x128xf32, #tpu.memory_space<vmem>>
    tpu.enqueue_dma source(%dma_start3A_477 : memref<256x128xf32, #tpu.memory_space<vmem>>) target(%dma_start3A_473 : memref<256x128xf32, #tpu.memory_space<hbm>>) target_semaphore(%dma_start3A_471 : memref<!tpu.dma_semaphore, #tpu.memory_space<semaphore_mem>>)
    %dma_wait3A_478 = arith.constant 1 : i32
    %dma_wait3A_479 = arith.constant 1 : i32
    %dma_wait3A_480 = arith.constant 0 : i32
    %dma_wait3A_481 = arith.constant 0 : i32
    %dma_wait3A_482 = tpu.memref_slice %arg6[%dma_wait3A_478, %dma_wait3A_480, %dma_wait3A_481] : memref<2x256x128xf32, #tpu.memory_space<vmem>> -> memref<1x256x128xf32, #tpu.memory_space<vmem>>
    %dma_wait3A_483 = tpu.memref_squeeze %dma_wait3A_482 : memref<1x256x128xf32, #tpu.memory_space<vmem>> -> memref<256x128xf32, #tpu.memory_space<vmem>>
    %dma_wait3A_484 = arith.constant 0 : i32
    %dma_wait3A_485 = tpu.memref_slice %arg4[%add3A_461, %dma_wait3A_484] : memref<163840x128xf32, #tpu.memory_space<hbm>> -> memref<256x128xf32, #tpu.memory_space<hbm>>
    %dma_wait3A_486 = tpu.memref_slice %arg9[%dma_wait3A_479] : memref<2x!tpu.dma_semaphore, #tpu.memory_space<semaphore_mem>> -> memref<1x!tpu.dma_semaphore, #tpu.memory_space<semaphore_mem>>
    %dma_wait3A_487 = tpu.memref_squeeze %dma_wait3A_486 : memref<1x!tpu.dma_semaphore, #tpu.memory_space<semaphore_mem>> -> memref<!tpu.dma_semaphore, #tpu.memory_space<semaphore_mem>>
    %dma_wait3A_488 = arith.constant 0 : i32
    %dma_wait3A_489 = tpu.memref_slice %arg4[%add3A_461, %dma_wait3A_488] : memref<163840x128xf32, #tpu.memory_space<hbm>> -> memref<256x128xf32, #tpu.memory_space<hbm>>
    %dma_wait3A_490 = arith.constant 0 : i32
    %dma_wait3A_491 = arith.constant 0 : i32
    %dma_wait3A_492 = tpu.memref_slice %arg6[%dma_wait3A_478, %dma_wait3A_490, %dma_wait3A_491] : memref<2x256x128xf32, #tpu.memory_space<vmem>> -> memref<1x256x128xf32, #tpu.memory_space<vmem>>
    %dma_wait3A_493 = tpu.memref_squeeze %dma_wait3A_492 : memref<1x256x128xf32, #tpu.memory_space<vmem>> -> memref<256x128xf32, #tpu.memory_space<vmem>>
    tpu.wait_dma2 semaphore(%dma_wait3A_487 : memref<!tpu.dma_semaphore, #tpu.memory_space<semaphore_mem>>) src(%dma_wait3A_493 : memref<256x128xf32, #tpu.memory_space<vmem>>) dst(%dma_wait3A_489 : memref<256x128xf32, #tpu.memory_space<hbm>>)
    %dma_start3A_494 = arith.constant 1 : i32
    %dma_start3A_495 = arith.constant 1 : i32
    %dma_start3A_496 = arith.constant 0 : i32
    %dma_start3A_497 = arith.constant 0 : i32
    %dma_start3A_498 = tpu.memref_slice %arg6[%dma_start3A_494, %dma_start3A_496, %dma_start3A_497] : memref<2x256x128xf32, #tpu.memory_space<vmem>> -> memref<1x256x128xf32, #tpu.memory_space<vmem>>
    %dma_start3A_499 = tpu.memref_squeeze %dma_start3A_498 : memref<1x256x128xf32, #tpu.memory_space<vmem>> -> memref<256x128xf32, #tpu.memory_space<vmem>>
    %dma_start3A_500 = arith.constant 2304 : i32
    %dma_start3A_501 = tpu.memref_slice %arg5[%dma_start3A_500] : memref<5120xi32, #tpu.memory_space<vmem>> -> memref<256xi32, #tpu.memory_space<vmem>>
    %dma_start3A_502 = arith.constant 0 : i32
    %dma_start3A_503 = arith.constant 0 : i32
    %dma_start3A_504 = tpu.memref_slice %arg3[%dma_start3A_502, %dma_start3A_503] : memref<100000x128xf32, #tpu.memory_space<hbm>> -> memref<100000x128xf32, #tpu.memory_space<hbm>>
    %dma_start3A_505 = tpu.memref_slice %arg8[%dma_start3A_495] : memref<2x!tpu.dma_semaphore, #tpu.memory_space<semaphore_mem>> -> memref<1x!tpu.dma_semaphore, #tpu.memory_space<semaphore_mem>>
    %dma_start3A_506 = tpu.memref_squeeze %dma_start3A_505 : memref<1x!tpu.dma_semaphore, #tpu.memory_space<semaphore_mem>> -> memref<!tpu.dma_semaphore, #tpu.memory_space<semaphore_mem>>
    tpu.enqueue_indirect_dma source(%dma_start3A_504 : memref<100000x128xf32, #tpu.memory_space<hbm>>) target(%dma_start3A_499 : memref<256x128xf32, #tpu.memory_space<vmem>>) offsets(%dma_start3A_501 : memref<256xi32, #tpu.memory_space<vmem>>) semaphore(%dma_start3A_506 : memref<!tpu.dma_semaphore, #tpu.memory_space<semaphore_mem>>)
    %dma_wait3A_507 = arith.constant 0 : i32
    %dma_wait3A_508 = arith.constant 0 : i32
    %dma_wait3A_509 = arith.constant 0 : i32
    %dma_wait3A_510 = arith.constant 0 : i32
    %dma_wait3A_511 = tpu.memref_slice %arg6[%dma_wait3A_507, %dma_wait3A_509, %dma_wait3A_510] : memref<2x256x128xf32, #tpu.memory_space<vmem>> -> memref<1x256x128xf32, #tpu.memory_space<vmem>>
    %dma_wait3A_512 = tpu.memref_squeeze %dma_wait3A_511 : memref<1x256x128xf32, #tpu.memory_space<vmem>> -> memref<256x128xf32, #tpu.memory_space<vmem>>
    %dma_wait3A_513 = arith.constant 2048 : i32
    %dma_wait3A_514 = tpu.memref_slice %arg5[%dma_wait3A_513] : memref<5120xi32, #tpu.memory_space<vmem>> -> memref<256xi32, #tpu.memory_space<vmem>>
    %dma_wait3A_515 = arith.constant 0 : i32
    %dma_wait3A_516 = arith.constant 0 : i32
    %dma_wait3A_517 = tpu.memref_slice %arg3[%dma_wait3A_515, %dma_wait3A_516] : memref<100000x128xf32, #tpu.memory_space<hbm>> -> memref<100000x128xf32, #tpu.memory_space<hbm>>
    %dma_wait3A_518 = tpu.memref_slice %arg8[%dma_wait3A_508] : memref<2x!tpu.dma_semaphore, #tpu.memory_space<semaphore_mem>> -> memref<1x!tpu.dma_semaphore, #tpu.memory_space<semaphore_mem>>
    %dma_wait3A_519 = tpu.memref_squeeze %dma_wait3A_518 : memref<1x!tpu.dma_semaphore, #tpu.memory_space<semaphore_mem>> -> memref<!tpu.dma_semaphore, #tpu.memory_space<semaphore_mem>>
    tpu.wait_indirect_dma semaphore(%dma_wait3A_519 : memref<!tpu.dma_semaphore, #tpu.memory_space<semaphore_mem>>) src(%dma_wait3A_517 : memref<100000x128xf32, #tpu.memory_space<hbm>>) dst(%dma_wait3A_512 : memref<256x128xf32, #tpu.memory_space<vmem>>)
    %add3A_520 = arith.constant 2048 : i32
    %add3A_521 = arith.addi %mul3A_2, %add3A_520 : i32
    %dma_start3A_522 = arith.constant 0 : i32
    %dma_start3A_523 = arith.constant 0 : i32
    %dma_start3A_524 = arith.constant 0 : i32
    %dma_start3A_525 = arith.constant 0 : i32
    %dma_start3A_526 = tpu.memref_slice %arg6[%dma_start3A_522, %dma_start3A_524, %dma_start3A_525] : memref<2x256x128xf32, #tpu.memory_space<vmem>> -> memref<1x256x128xf32, #tpu.memory_space<vmem>>
    %dma_start3A_527 = tpu.memref_squeeze %dma_start3A_526 : memref<1x256x128xf32, #tpu.memory_space<vmem>> -> memref<256x128xf32, #tpu.memory_space<vmem>>
    %dma_start3A_528 = arith.constant 0 : i32
    %dma_start3A_529 = tpu.memref_slice %arg4[%add3A_521, %dma_start3A_528] : memref<163840x128xf32, #tpu.memory_space<hbm>> -> memref<256x128xf32, #tpu.memory_space<hbm>>
    %dma_start3A_530 = tpu.memref_slice %arg9[%dma_start3A_523] : memref<2x!tpu.dma_semaphore, #tpu.memory_space<semaphore_mem>> -> memref<1x!tpu.dma_semaphore, #tpu.memory_space<semaphore_mem>>
    %dma_start3A_531 = tpu.memref_squeeze %dma_start3A_530 : memref<1x!tpu.dma_semaphore, #tpu.memory_space<semaphore_mem>> -> memref<!tpu.dma_semaphore, #tpu.memory_space<semaphore_mem>>
    %dma_start3A_532 = arith.constant 0 : i32
    %dma_start3A_533 = tpu.memref_slice %arg4[%add3A_521, %dma_start3A_532] : memref<163840x128xf32, #tpu.memory_space<hbm>> -> memref<256x128xf32, #tpu.memory_space<hbm>>
    %dma_start3A_534 = arith.constant 0 : i32
    %dma_start3A_535 = arith.constant 0 : i32
    %dma_start3A_536 = tpu.memref_slice %arg6[%dma_start3A_522, %dma_start3A_534, %dma_start3A_535] : memref<2x256x128xf32, #tpu.memory_space<vmem>> -> memref<1x256x128xf32, #tpu.memory_space<vmem>>
    %dma_start3A_537 = tpu.memref_squeeze %dma_start3A_536 : memref<1x256x128xf32, #tpu.memory_space<vmem>> -> memref<256x128xf32, #tpu.memory_space<vmem>>
    tpu.enqueue_dma source(%dma_start3A_537 : memref<256x128xf32, #tpu.memory_space<vmem>>) target(%dma_start3A_533 : memref<256x128xf32, #tpu.memory_space<hbm>>) target_semaphore(%dma_start3A_531 : memref<!tpu.dma_semaphore, #tpu.memory_space<semaphore_mem>>)
    %dma_wait3A_538 = arith.constant 0 : i32
    %dma_wait3A_539 = arith.constant 0 : i32
    %dma_wait3A_540 = arith.constant 0 : i32
    %dma_wait3A_541 = arith.constant 0 : i32
    %dma_wait3A_542 = tpu.memref_slice %arg6[%dma_wait3A_538, %dma_wait3A_540, %dma_wait3A_541] : memref<2x256x128xf32, #tpu.memory_space<vmem>> -> memref<1x256x128xf32, #tpu.memory_space<vmem>>
    %dma_wait3A_543 = tpu.memref_squeeze %dma_wait3A_542 : memref<1x256x128xf32, #tpu.memory_space<vmem>> -> memref<256x128xf32, #tpu.memory_space<vmem>>
    %dma_wait3A_544 = arith.constant 0 : i32
    %dma_wait3A_545 = tpu.memref_slice %arg4[%add3A_521, %dma_wait3A_544] : memref<163840x128xf32, #tpu.memory_space<hbm>> -> memref<256x128xf32, #tpu.memory_space<hbm>>
    %dma_wait3A_546 = tpu.memref_slice %arg9[%dma_wait3A_539] : memref<2x!tpu.dma_semaphore, #tpu.memory_space<semaphore_mem>> -> memref<1x!tpu.dma_semaphore, #tpu.memory_space<semaphore_mem>>
    %dma_wait3A_547 = tpu.memref_squeeze %dma_wait3A_546 : memref<1x!tpu.dma_semaphore, #tpu.memory_space<semaphore_mem>> -> memref<!tpu.dma_semaphore, #tpu.memory_space<semaphore_mem>>
    %dma_wait3A_548 = arith.constant 0 : i32
    %dma_wait3A_549 = tpu.memref_slice %arg4[%add3A_521, %dma_wait3A_548] : memref<163840x128xf32, #tpu.memory_space<hbm>> -> memref<256x128xf32, #tpu.memory_space<hbm>>
    %dma_wait3A_550 = arith.constant 0 : i32
    %dma_wait3A_551 = arith.constant 0 : i32
    %dma_wait3A_552 = tpu.memref_slice %arg6[%dma_wait3A_538, %dma_wait3A_550, %dma_wait3A_551] : memref<2x256x128xf32, #tpu.memory_space<vmem>> -> memref<1x256x128xf32, #tpu.memory_space<vmem>>
    %dma_wait3A_553 = tpu.memref_squeeze %dma_wait3A_552 : memref<1x256x128xf32, #tpu.memory_space<vmem>> -> memref<256x128xf32, #tpu.memory_space<vmem>>
    tpu.wait_dma2 semaphore(%dma_wait3A_547 : memref<!tpu.dma_semaphore, #tpu.memory_space<semaphore_mem>>) src(%dma_wait3A_553 : memref<256x128xf32, #tpu.memory_space<vmem>>) dst(%dma_wait3A_549 : memref<256x128xf32, #tpu.memory_space<hbm>>)
    %dma_start3A_554 = arith.constant 0 : i32
    %dma_start3A_555 = arith.constant 0 : i32
    %dma_start3A_556 = arith.constant 0 : i32
    %dma_start3A_557 = arith.constant 0 : i32
    %dma_start3A_558 = tpu.memref_slice %arg6[%dma_start3A_554, %dma_start3A_556, %dma_start3A_557] : memref<2x256x128xf32, #tpu.memory_space<vmem>> -> memref<1x256x128xf32, #tpu.memory_space<vmem>>
    %dma_start3A_559 = tpu.memref_squeeze %dma_start3A_558 : memref<1x256x128xf32, #tpu.memory_space<vmem>> -> memref<256x128xf32, #tpu.memory_space<vmem>>
    %dma_start3A_560 = arith.constant 2560 : i32
    %dma_start3A_561 = tpu.memref_slice %arg5[%dma_start3A_560] : memref<5120xi32, #tpu.memory_space<vmem>> -> memref<256xi32, #tpu.memory_space<vmem>>
    %dma_start3A_562 = arith.constant 0 : i32
    %dma_start3A_563 = arith.constant 0 : i32
    %dma_start3A_564 = tpu.memref_slice %arg3[%dma_start3A_562, %dma_start3A_563] : memref<100000x128xf32, #tpu.memory_space<hbm>> -> memref<100000x128xf32, #tpu.memory_space<hbm>>
    %dma_start3A_565 = tpu.memref_slice %arg8[%dma_start3A_555] : memref<2x!tpu.dma_semaphore, #tpu.memory_space<semaphore_mem>> -> memref<1x!tpu.dma_semaphore, #tpu.memory_space<semaphore_mem>>
    %dma_start3A_566 = tpu.memref_squeeze %dma_start3A_565 : memref<1x!tpu.dma_semaphore, #tpu.memory_space<semaphore_mem>> -> memref<!tpu.dma_semaphore, #tpu.memory_space<semaphore_mem>>
    tpu.enqueue_indirect_dma source(%dma_start3A_564 : memref<100000x128xf32, #tpu.memory_space<hbm>>) target(%dma_start3A_559 : memref<256x128xf32, #tpu.memory_space<vmem>>) offsets(%dma_start3A_561 : memref<256xi32, #tpu.memory_space<vmem>>) semaphore(%dma_start3A_566 : memref<!tpu.dma_semaphore, #tpu.memory_space<semaphore_mem>>)
    %dma_wait3A_567 = arith.constant 1 : i32
    %dma_wait3A_568 = arith.constant 1 : i32
    %dma_wait3A_569 = arith.constant 0 : i32
    %dma_wait3A_570 = arith.constant 0 : i32
    %dma_wait3A_571 = tpu.memref_slice %arg6[%dma_wait3A_567, %dma_wait3A_569, %dma_wait3A_570] : memref<2x256x128xf32, #tpu.memory_space<vmem>> -> memref<1x256x128xf32, #tpu.memory_space<vmem>>
    %dma_wait3A_572 = tpu.memref_squeeze %dma_wait3A_571 : memref<1x256x128xf32, #tpu.memory_space<vmem>> -> memref<256x128xf32, #tpu.memory_space<vmem>>
    %dma_wait3A_573 = arith.constant 2304 : i32
    %dma_wait3A_574 = tpu.memref_slice %arg5[%dma_wait3A_573] : memref<5120xi32, #tpu.memory_space<vmem>> -> memref<256xi32, #tpu.memory_space<vmem>>
    %dma_wait3A_575 = arith.constant 0 : i32
    %dma_wait3A_576 = arith.constant 0 : i32
    %dma_wait3A_577 = tpu.memref_slice %arg3[%dma_wait3A_575, %dma_wait3A_576] : memref<100000x128xf32, #tpu.memory_space<hbm>> -> memref<100000x128xf32, #tpu.memory_space<hbm>>
    %dma_wait3A_578 = tpu.memref_slice %arg8[%dma_wait3A_568] : memref<2x!tpu.dma_semaphore, #tpu.memory_space<semaphore_mem>> -> memref<1x!tpu.dma_semaphore, #tpu.memory_space<semaphore_mem>>
    %dma_wait3A_579 = tpu.memref_squeeze %dma_wait3A_578 : memref<1x!tpu.dma_semaphore, #tpu.memory_space<semaphore_mem>> -> memref<!tpu.dma_semaphore, #tpu.memory_space<semaphore_mem>>
    tpu.wait_indirect_dma semaphore(%dma_wait3A_579 : memref<!tpu.dma_semaphore, #tpu.memory_space<semaphore_mem>>) src(%dma_wait3A_577 : memref<100000x128xf32, #tpu.memory_space<hbm>>) dst(%dma_wait3A_572 : memref<256x128xf32, #tpu.memory_space<vmem>>)
    %add3A_580 = arith.constant 2304 : i32
    %add3A_581 = arith.addi %mul3A_2, %add3A_580 : i32
    %dma_start3A_582 = arith.constant 1 : i32
    %dma_start3A_583 = arith.constant 1 : i32
    %dma_start3A_584 = arith.constant 0 : i32
    %dma_start3A_585 = arith.constant 0 : i32
    %dma_start3A_586 = tpu.memref_slice %arg6[%dma_start3A_582, %dma_start3A_584, %dma_start3A_585] : memref<2x256x128xf32, #tpu.memory_space<vmem>> -> memref<1x256x128xf32, #tpu.memory_space<vmem>>
    %dma_start3A_587 = tpu.memref_squeeze %dma_start3A_586 : memref<1x256x128xf32, #tpu.memory_space<vmem>> -> memref<256x128xf32, #tpu.memory_space<vmem>>
    %dma_start3A_588 = arith.constant 0 : i32
    %dma_start3A_589 = tpu.memref_slice %arg4[%add3A_581, %dma_start3A_588] : memref<163840x128xf32, #tpu.memory_space<hbm>> -> memref<256x128xf32, #tpu.memory_space<hbm>>
    %dma_start3A_590 = tpu.memref_slice %arg9[%dma_start3A_583] : memref<2x!tpu.dma_semaphore, #tpu.memory_space<semaphore_mem>> -> memref<1x!tpu.dma_semaphore, #tpu.memory_space<semaphore_mem>>
    %dma_start3A_591 = tpu.memref_squeeze %dma_start3A_590 : memref<1x!tpu.dma_semaphore, #tpu.memory_space<semaphore_mem>> -> memref<!tpu.dma_semaphore, #tpu.memory_space<semaphore_mem>>
    %dma_start3A_592 = arith.constant 0 : i32
    %dma_start3A_593 = tpu.memref_slice %arg4[%add3A_581, %dma_start3A_592] : memref<163840x128xf32, #tpu.memory_space<hbm>> -> memref<256x128xf32, #tpu.memory_space<hbm>>
    %dma_start3A_594 = arith.constant 0 : i32
    %dma_start3A_595 = arith.constant 0 : i32
    %dma_start3A_596 = tpu.memref_slice %arg6[%dma_start3A_582, %dma_start3A_594, %dma_start3A_595] : memref<2x256x128xf32, #tpu.memory_space<vmem>> -> memref<1x256x128xf32, #tpu.memory_space<vmem>>
    %dma_start3A_597 = tpu.memref_squeeze %dma_start3A_596 : memref<1x256x128xf32, #tpu.memory_space<vmem>> -> memref<256x128xf32, #tpu.memory_space<vmem>>
    tpu.enqueue_dma source(%dma_start3A_597 : memref<256x128xf32, #tpu.memory_space<vmem>>) target(%dma_start3A_593 : memref<256x128xf32, #tpu.memory_space<hbm>>) target_semaphore(%dma_start3A_591 : memref<!tpu.dma_semaphore, #tpu.memory_space<semaphore_mem>>)
    %dma_wait3A_598 = arith.constant 1 : i32
    %dma_wait3A_599 = arith.constant 1 : i32
    %dma_wait3A_600 = arith.constant 0 : i32
    %dma_wait3A_601 = arith.constant 0 : i32
    %dma_wait3A_602 = tpu.memref_slice %arg6[%dma_wait3A_598, %dma_wait3A_600, %dma_wait3A_601] : memref<2x256x128xf32, #tpu.memory_space<vmem>> -> memref<1x256x128xf32, #tpu.memory_space<vmem>>
    %dma_wait3A_603 = tpu.memref_squeeze %dma_wait3A_602 : memref<1x256x128xf32, #tpu.memory_space<vmem>> -> memref<256x128xf32, #tpu.memory_space<vmem>>
    %dma_wait3A_604 = arith.constant 0 : i32
    %dma_wait3A_605 = tpu.memref_slice %arg4[%add3A_581, %dma_wait3A_604] : memref<163840x128xf32, #tpu.memory_space<hbm>> -> memref<256x128xf32, #tpu.memory_space<hbm>>
    %dma_wait3A_606 = tpu.memref_slice %arg9[%dma_wait3A_599] : memref<2x!tpu.dma_semaphore, #tpu.memory_space<semaphore_mem>> -> memref<1x!tpu.dma_semaphore, #tpu.memory_space<semaphore_mem>>
    %dma_wait3A_607 = tpu.memref_squeeze %dma_wait3A_606 : memref<1x!tpu.dma_semaphore, #tpu.memory_space<semaphore_mem>> -> memref<!tpu.dma_semaphore, #tpu.memory_space<semaphore_mem>>
    %dma_wait3A_608 = arith.constant 0 : i32
    %dma_wait3A_609 = tpu.memref_slice %arg4[%add3A_581, %dma_wait3A_608] : memref<163840x128xf32, #tpu.memory_space<hbm>> -> memref<256x128xf32, #tpu.memory_space<hbm>>
    %dma_wait3A_610 = arith.constant 0 : i32
    %dma_wait3A_611 = arith.constant 0 : i32
    %dma_wait3A_612 = tpu.memref_slice %arg6[%dma_wait3A_598, %dma_wait3A_610, %dma_wait3A_611] : memref<2x256x128xf32, #tpu.memory_space<vmem>> -> memref<1x256x128xf32, #tpu.memory_space<vmem>>
    %dma_wait3A_613 = tpu.memref_squeeze %dma_wait3A_612 : memref<1x256x128xf32, #tpu.memory_space<vmem>> -> memref<256x128xf32, #tpu.memory_space<vmem>>
    tpu.wait_dma2 semaphore(%dma_wait3A_607 : memref<!tpu.dma_semaphore, #tpu.memory_space<semaphore_mem>>) src(%dma_wait3A_613 : memref<256x128xf32, #tpu.memory_space<vmem>>) dst(%dma_wait3A_609 : memref<256x128xf32, #tpu.memory_space<hbm>>)
    %dma_start3A_614 = arith.constant 1 : i32
    %dma_start3A_615 = arith.constant 1 : i32
    %dma_start3A_616 = arith.constant 0 : i32
    %dma_start3A_617 = arith.constant 0 : i32
    %dma_start3A_618 = tpu.memref_slice %arg6[%dma_start3A_614, %dma_start3A_616, %dma_start3A_617] : memref<2x256x128xf32, #tpu.memory_space<vmem>> -> memref<1x256x128xf32, #tpu.memory_space<vmem>>
    %dma_start3A_619 = tpu.memref_squeeze %dma_start3A_618 : memref<1x256x128xf32, #tpu.memory_space<vmem>> -> memref<256x128xf32, #tpu.memory_space<vmem>>
    %dma_start3A_620 = arith.constant 2816 : i32
    %dma_start3A_621 = tpu.memref_slice %arg5[%dma_start3A_620] : memref<5120xi32, #tpu.memory_space<vmem>> -> memref<256xi32, #tpu.memory_space<vmem>>
    %dma_start3A_622 = arith.constant 0 : i32
    %dma_start3A_623 = arith.constant 0 : i32
    %dma_start3A_624 = tpu.memref_slice %arg3[%dma_start3A_622, %dma_start3A_623] : memref<100000x128xf32, #tpu.memory_space<hbm>> -> memref<100000x128xf32, #tpu.memory_space<hbm>>
    %dma_start3A_625 = tpu.memref_slice %arg8[%dma_start3A_615] : memref<2x!tpu.dma_semaphore, #tpu.memory_space<semaphore_mem>> -> memref<1x!tpu.dma_semaphore, #tpu.memory_space<semaphore_mem>>
    %dma_start3A_626 = tpu.memref_squeeze %dma_start3A_625 : memref<1x!tpu.dma_semaphore, #tpu.memory_space<semaphore_mem>> -> memref<!tpu.dma_semaphore, #tpu.memory_space<semaphore_mem>>
    tpu.enqueue_indirect_dma source(%dma_start3A_624 : memref<100000x128xf32, #tpu.memory_space<hbm>>) target(%dma_start3A_619 : memref<256x128xf32, #tpu.memory_space<vmem>>) offsets(%dma_start3A_621 : memref<256xi32, #tpu.memory_space<vmem>>) semaphore(%dma_start3A_626 : memref<!tpu.dma_semaphore, #tpu.memory_space<semaphore_mem>>)
    %dma_wait3A_627 = arith.constant 0 : i32
    %dma_wait3A_628 = arith.constant 0 : i32
    %dma_wait3A_629 = arith.constant 0 : i32
    %dma_wait3A_630 = arith.constant 0 : i32
    %dma_wait3A_631 = tpu.memref_slice %arg6[%dma_wait3A_627, %dma_wait3A_629, %dma_wait3A_630] : memref<2x256x128xf32, #tpu.memory_space<vmem>> -> memref<1x256x128xf32, #tpu.memory_space<vmem>>
    %dma_wait3A_632 = tpu.memref_squeeze %dma_wait3A_631 : memref<1x256x128xf32, #tpu.memory_space<vmem>> -> memref<256x128xf32, #tpu.memory_space<vmem>>
    %dma_wait3A_633 = arith.constant 2560 : i32
    %dma_wait3A_634 = tpu.memref_slice %arg5[%dma_wait3A_633] : memref<5120xi32, #tpu.memory_space<vmem>> -> memref<256xi32, #tpu.memory_space<vmem>>
    %dma_wait3A_635 = arith.constant 0 : i32
    %dma_wait3A_636 = arith.constant 0 : i32
    %dma_wait3A_637 = tpu.memref_slice %arg3[%dma_wait3A_635, %dma_wait3A_636] : memref<100000x128xf32, #tpu.memory_space<hbm>> -> memref<100000x128xf32, #tpu.memory_space<hbm>>
    %dma_wait3A_638 = tpu.memref_slice %arg8[%dma_wait3A_628] : memref<2x!tpu.dma_semaphore, #tpu.memory_space<semaphore_mem>> -> memref<1x!tpu.dma_semaphore, #tpu.memory_space<semaphore_mem>>
    %dma_wait3A_639 = tpu.memref_squeeze %dma_wait3A_638 : memref<1x!tpu.dma_semaphore, #tpu.memory_space<semaphore_mem>> -> memref<!tpu.dma_semaphore, #tpu.memory_space<semaphore_mem>>
    tpu.wait_indirect_dma semaphore(%dma_wait3A_639 : memref<!tpu.dma_semaphore, #tpu.memory_space<semaphore_mem>>) src(%dma_wait3A_637 : memref<100000x128xf32, #tpu.memory_space<hbm>>) dst(%dma_wait3A_632 : memref<256x128xf32, #tpu.memory_space<vmem>>)
    %add3A_640 = arith.constant 2560 : i32
    %add3A_641 = arith.addi %mul3A_2, %add3A_640 : i32
    %dma_start3A_642 = arith.constant 0 : i32
    %dma_start3A_643 = arith.constant 0 : i32
    %dma_start3A_644 = arith.constant 0 : i32
    %dma_start3A_645 = arith.constant 0 : i32
    %dma_start3A_646 = tpu.memref_slice %arg6[%dma_start3A_642, %dma_start3A_644, %dma_start3A_645] : memref<2x256x128xf32, #tpu.memory_space<vmem>> -> memref<1x256x128xf32, #tpu.memory_space<vmem>>
    %dma_start3A_647 = tpu.memref_squeeze %dma_start3A_646 : memref<1x256x128xf32, #tpu.memory_space<vmem>> -> memref<256x128xf32, #tpu.memory_space<vmem>>
    %dma_start3A_648 = arith.constant 0 : i32
    %dma_start3A_649 = tpu.memref_slice %arg4[%add3A_641, %dma_start3A_648] : memref<163840x128xf32, #tpu.memory_space<hbm>> -> memref<256x128xf32, #tpu.memory_space<hbm>>
    %dma_start3A_650 = tpu.memref_slice %arg9[%dma_start3A_643] : memref<2x!tpu.dma_semaphore, #tpu.memory_space<semaphore_mem>> -> memref<1x!tpu.dma_semaphore, #tpu.memory_space<semaphore_mem>>
    %dma_start3A_651 = tpu.memref_squeeze %dma_start3A_650 : memref<1x!tpu.dma_semaphore, #tpu.memory_space<semaphore_mem>> -> memref<!tpu.dma_semaphore, #tpu.memory_space<semaphore_mem>>
    %dma_start3A_652 = arith.constant 0 : i32
    %dma_start3A_653 = tpu.memref_slice %arg4[%add3A_641, %dma_start3A_652] : memref<163840x128xf32, #tpu.memory_space<hbm>> -> memref<256x128xf32, #tpu.memory_space<hbm>>
    %dma_start3A_654 = arith.constant 0 : i32
    %dma_start3A_655 = arith.constant 0 : i32
    %dma_start3A_656 = tpu.memref_slice %arg6[%dma_start3A_642, %dma_start3A_654, %dma_start3A_655] : memref<2x256x128xf32, #tpu.memory_space<vmem>> -> memref<1x256x128xf32, #tpu.memory_space<vmem>>
    %dma_start3A_657 = tpu.memref_squeeze %dma_start3A_656 : memref<1x256x128xf32, #tpu.memory_space<vmem>> -> memref<256x128xf32, #tpu.memory_space<vmem>>
    tpu.enqueue_dma source(%dma_start3A_657 : memref<256x128xf32, #tpu.memory_space<vmem>>) target(%dma_start3A_653 : memref<256x128xf32, #tpu.memory_space<hbm>>) target_semaphore(%dma_start3A_651 : memref<!tpu.dma_semaphore, #tpu.memory_space<semaphore_mem>>)
    %dma_wait3A_658 = arith.constant 0 : i32
    %dma_wait3A_659 = arith.constant 0 : i32
    %dma_wait3A_660 = arith.constant 0 : i32
    %dma_wait3A_661 = arith.constant 0 : i32
    %dma_wait3A_662 = tpu.memref_slice %arg6[%dma_wait3A_658, %dma_wait3A_660, %dma_wait3A_661] : memref<2x256x128xf32, #tpu.memory_space<vmem>> -> memref<1x256x128xf32, #tpu.memory_space<vmem>>
    %dma_wait3A_663 = tpu.memref_squeeze %dma_wait3A_662 : memref<1x256x128xf32, #tpu.memory_space<vmem>> -> memref<256x128xf32, #tpu.memory_space<vmem>>
    %dma_wait3A_664 = arith.constant 0 : i32
    %dma_wait3A_665 = tpu.memref_slice %arg4[%add3A_641, %dma_wait3A_664] : memref<163840x128xf32, #tpu.memory_space<hbm>> -> memref<256x128xf32, #tpu.memory_space<hbm>>
    %dma_wait3A_666 = tpu.memref_slice %arg9[%dma_wait3A_659] : memref<2x!tpu.dma_semaphore, #tpu.memory_space<semaphore_mem>> -> memref<1x!tpu.dma_semaphore, #tpu.memory_space<semaphore_mem>>
    %dma_wait3A_667 = tpu.memref_squeeze %dma_wait3A_666 : memref<1x!tpu.dma_semaphore, #tpu.memory_space<semaphore_mem>> -> memref<!tpu.dma_semaphore, #tpu.memory_space<semaphore_mem>>
    %dma_wait3A_668 = arith.constant 0 : i32
    %dma_wait3A_669 = tpu.memref_slice %arg4[%add3A_641, %dma_wait3A_668] : memref<163840x128xf32, #tpu.memory_space<hbm>> -> memref<256x128xf32, #tpu.memory_space<hbm>>
    %dma_wait3A_670 = arith.constant 0 : i32
    %dma_wait3A_671 = arith.constant 0 : i32
    %dma_wait3A_672 = tpu.memref_slice %arg6[%dma_wait3A_658, %dma_wait3A_670, %dma_wait3A_671] : memref<2x256x128xf32, #tpu.memory_space<vmem>> -> memref<1x256x128xf32, #tpu.memory_space<vmem>>
    %dma_wait3A_673 = tpu.memref_squeeze %dma_wait3A_672 : memref<1x256x128xf32, #tpu.memory_space<vmem>> -> memref<256x128xf32, #tpu.memory_space<vmem>>
    tpu.wait_dma2 semaphore(%dma_wait3A_667 : memref<!tpu.dma_semaphore, #tpu.memory_space<semaphore_mem>>) src(%dma_wait3A_673 : memref<256x128xf32, #tpu.memory_space<vmem>>) dst(%dma_wait3A_669 : memref<256x128xf32, #tpu.memory_space<hbm>>)
    %dma_start3A_674 = arith.constant 0 : i32
    %dma_start3A_675 = arith.constant 0 : i32
    %dma_start3A_676 = arith.constant 0 : i32
    %dma_start3A_677 = arith.constant 0 : i32
    %dma_start3A_678 = tpu.memref_slice %arg6[%dma_start3A_674, %dma_start3A_676, %dma_start3A_677] : memref<2x256x128xf32, #tpu.memory_space<vmem>> -> memref<1x256x128xf32, #tpu.memory_space<vmem>>
    %dma_start3A_679 = tpu.memref_squeeze %dma_start3A_678 : memref<1x256x128xf32, #tpu.memory_space<vmem>> -> memref<256x128xf32, #tpu.memory_space<vmem>>
    %dma_start3A_680 = arith.constant 3072 : i32
    %dma_start3A_681 = tpu.memref_slice %arg5[%dma_start3A_680] : memref<5120xi32, #tpu.memory_space<vmem>> -> memref<256xi32, #tpu.memory_space<vmem>>
    %dma_start3A_682 = arith.constant 0 : i32
    %dma_start3A_683 = arith.constant 0 : i32
    %dma_start3A_684 = tpu.memref_slice %arg3[%dma_start3A_682, %dma_start3A_683] : memref<100000x128xf32, #tpu.memory_space<hbm>> -> memref<100000x128xf32, #tpu.memory_space<hbm>>
    %dma_start3A_685 = tpu.memref_slice %arg8[%dma_start3A_675] : memref<2x!tpu.dma_semaphore, #tpu.memory_space<semaphore_mem>> -> memref<1x!tpu.dma_semaphore, #tpu.memory_space<semaphore_mem>>
    %dma_start3A_686 = tpu.memref_squeeze %dma_start3A_685 : memref<1x!tpu.dma_semaphore, #tpu.memory_space<semaphore_mem>> -> memref<!tpu.dma_semaphore, #tpu.memory_space<semaphore_mem>>
    tpu.enqueue_indirect_dma source(%dma_start3A_684 : memref<100000x128xf32, #tpu.memory_space<hbm>>) target(%dma_start3A_679 : memref<256x128xf32, #tpu.memory_space<vmem>>) offsets(%dma_start3A_681 : memref<256xi32, #tpu.memory_space<vmem>>) semaphore(%dma_start3A_686 : memref<!tpu.dma_semaphore, #tpu.memory_space<semaphore_mem>>)
    %dma_wait3A_687 = arith.constant 1 : i32
    %dma_wait3A_688 = arith.constant 1 : i32
    %dma_wait3A_689 = arith.constant 0 : i32
    %dma_wait3A_690 = arith.constant 0 : i32
    %dma_wait3A_691 = tpu.memref_slice %arg6[%dma_wait3A_687, %dma_wait3A_689, %dma_wait3A_690] : memref<2x256x128xf32, #tpu.memory_space<vmem>> -> memref<1x256x128xf32, #tpu.memory_space<vmem>>
    %dma_wait3A_692 = tpu.memref_squeeze %dma_wait3A_691 : memref<1x256x128xf32, #tpu.memory_space<vmem>> -> memref<256x128xf32, #tpu.memory_space<vmem>>
    %dma_wait3A_693 = arith.constant 2816 : i32
    %dma_wait3A_694 = tpu.memref_slice %arg5[%dma_wait3A_693] : memref<5120xi32, #tpu.memory_space<vmem>> -> memref<256xi32, #tpu.memory_space<vmem>>
    %dma_wait3A_695 = arith.constant 0 : i32
    %dma_wait3A_696 = arith.constant 0 : i32
    %dma_wait3A_697 = tpu.memref_slice %arg3[%dma_wait3A_695, %dma_wait3A_696] : memref<100000x128xf32, #tpu.memory_space<hbm>> -> memref<100000x128xf32, #tpu.memory_space<hbm>>
    %dma_wait3A_698 = tpu.memref_slice %arg8[%dma_wait3A_688] : memref<2x!tpu.dma_semaphore, #tpu.memory_space<semaphore_mem>> -> memref<1x!tpu.dma_semaphore, #tpu.memory_space<semaphore_mem>>
    %dma_wait3A_699 = tpu.memref_squeeze %dma_wait3A_698 : memref<1x!tpu.dma_semaphore, #tpu.memory_space<semaphore_mem>> -> memref<!tpu.dma_semaphore, #tpu.memory_space<semaphore_mem>>
    tpu.wait_indirect_dma semaphore(%dma_wait3A_699 : memref<!tpu.dma_semaphore, #tpu.memory_space<semaphore_mem>>) src(%dma_wait3A_697 : memref<100000x128xf32, #tpu.memory_space<hbm>>) dst(%dma_wait3A_692 : memref<256x128xf32, #tpu.memory_space<vmem>>)
    %add3A_700 = arith.constant 2816 : i32
    %add3A_701 = arith.addi %mul3A_2, %add3A_700 : i32
    %dma_start3A_702 = arith.constant 1 : i32
    %dma_start3A_703 = arith.constant 1 : i32
    %dma_start3A_704 = arith.constant 0 : i32
    %dma_start3A_705 = arith.constant 0 : i32
    %dma_start3A_706 = tpu.memref_slice %arg6[%dma_start3A_702, %dma_start3A_704, %dma_start3A_705] : memref<2x256x128xf32, #tpu.memory_space<vmem>> -> memref<1x256x128xf32, #tpu.memory_space<vmem>>
    %dma_start3A_707 = tpu.memref_squeeze %dma_start3A_706 : memref<1x256x128xf32, #tpu.memory_space<vmem>> -> memref<256x128xf32, #tpu.memory_space<vmem>>
    %dma_start3A_708 = arith.constant 0 : i32
    %dma_start3A_709 = tpu.memref_slice %arg4[%add3A_701, %dma_start3A_708] : memref<163840x128xf32, #tpu.memory_space<hbm>> -> memref<256x128xf32, #tpu.memory_space<hbm>>
    %dma_start3A_710 = tpu.memref_slice %arg9[%dma_start3A_703] : memref<2x!tpu.dma_semaphore, #tpu.memory_space<semaphore_mem>> -> memref<1x!tpu.dma_semaphore, #tpu.memory_space<semaphore_mem>>
    %dma_start3A_711 = tpu.memref_squeeze %dma_start3A_710 : memref<1x!tpu.dma_semaphore, #tpu.memory_space<semaphore_mem>> -> memref<!tpu.dma_semaphore, #tpu.memory_space<semaphore_mem>>
    %dma_start3A_712 = arith.constant 0 : i32
    %dma_start3A_713 = tpu.memref_slice %arg4[%add3A_701, %dma_start3A_712] : memref<163840x128xf32, #tpu.memory_space<hbm>> -> memref<256x128xf32, #tpu.memory_space<hbm>>
    %dma_start3A_714 = arith.constant 0 : i32
    %dma_start3A_715 = arith.constant 0 : i32
    %dma_start3A_716 = tpu.memref_slice %arg6[%dma_start3A_702, %dma_start3A_714, %dma_start3A_715] : memref<2x256x128xf32, #tpu.memory_space<vmem>> -> memref<1x256x128xf32, #tpu.memory_space<vmem>>
    %dma_start3A_717 = tpu.memref_squeeze %dma_start3A_716 : memref<1x256x128xf32, #tpu.memory_space<vmem>> -> memref<256x128xf32, #tpu.memory_space<vmem>>
    tpu.enqueue_dma source(%dma_start3A_717 : memref<256x128xf32, #tpu.memory_space<vmem>>) target(%dma_start3A_713 : memref<256x128xf32, #tpu.memory_space<hbm>>) target_semaphore(%dma_start3A_711 : memref<!tpu.dma_semaphore, #tpu.memory_space<semaphore_mem>>)
    %dma_wait3A_718 = arith.constant 1 : i32
    %dma_wait3A_719 = arith.constant 1 : i32
    %dma_wait3A_720 = arith.constant 0 : i32
    %dma_wait3A_721 = arith.constant 0 : i32
    %dma_wait3A_722 = tpu.memref_slice %arg6[%dma_wait3A_718, %dma_wait3A_720, %dma_wait3A_721] : memref<2x256x128xf32, #tpu.memory_space<vmem>> -> memref<1x256x128xf32, #tpu.memory_space<vmem>>
    %dma_wait3A_723 = tpu.memref_squeeze %dma_wait3A_722 : memref<1x256x128xf32, #tpu.memory_space<vmem>> -> memref<256x128xf32, #tpu.memory_space<vmem>>
    %dma_wait3A_724 = arith.constant 0 : i32
    %dma_wait3A_725 = tpu.memref_slice %arg4[%add3A_701, %dma_wait3A_724] : memref<163840x128xf32, #tpu.memory_space<hbm>> -> memref<256x128xf32, #tpu.memory_space<hbm>>
    %dma_wait3A_726 = tpu.memref_slice %arg9[%dma_wait3A_719] : memref<2x!tpu.dma_semaphore, #tpu.memory_space<semaphore_mem>> -> memref<1x!tpu.dma_semaphore, #tpu.memory_space<semaphore_mem>>
    %dma_wait3A_727 = tpu.memref_squeeze %dma_wait3A_726 : memref<1x!tpu.dma_semaphore, #tpu.memory_space<semaphore_mem>> -> memref<!tpu.dma_semaphore, #tpu.memory_space<semaphore_mem>>
    %dma_wait3A_728 = arith.constant 0 : i32
    %dma_wait3A_729 = tpu.memref_slice %arg4[%add3A_701, %dma_wait3A_728] : memref<163840x128xf32, #tpu.memory_space<hbm>> -> memref<256x128xf32, #tpu.memory_space<hbm>>
    %dma_wait3A_730 = arith.constant 0 : i32
    %dma_wait3A_731 = arith.constant 0 : i32
    %dma_wait3A_732 = tpu.memref_slice %arg6[%dma_wait3A_718, %dma_wait3A_730, %dma_wait3A_731] : memref<2x256x128xf32, #tpu.memory_space<vmem>> -> memref<1x256x128xf32, #tpu.memory_space<vmem>>
    %dma_wait3A_733 = tpu.memref_squeeze %dma_wait3A_732 : memref<1x256x128xf32, #tpu.memory_space<vmem>> -> memref<256x128xf32, #tpu.memory_space<vmem>>
    tpu.wait_dma2 semaphore(%dma_wait3A_727 : memref<!tpu.dma_semaphore, #tpu.memory_space<semaphore_mem>>) src(%dma_wait3A_733 : memref<256x128xf32, #tpu.memory_space<vmem>>) dst(%dma_wait3A_729 : memref<256x128xf32, #tpu.memory_space<hbm>>)
    %dma_start3A_734 = arith.constant 1 : i32
    %dma_start3A_735 = arith.constant 1 : i32
    %dma_start3A_736 = arith.constant 0 : i32
    %dma_start3A_737 = arith.constant 0 : i32
    %dma_start3A_738 = tpu.memref_slice %arg6[%dma_start3A_734, %dma_start3A_736, %dma_start3A_737] : memref<2x256x128xf32, #tpu.memory_space<vmem>> -> memref<1x256x128xf32, #tpu.memory_space<vmem>>
    %dma_start3A_739 = tpu.memref_squeeze %dma_start3A_738 : memref<1x256x128xf32, #tpu.memory_space<vmem>> -> memref<256x128xf32, #tpu.memory_space<vmem>>
    %dma_start3A_740 = arith.constant 3328 : i32
    %dma_start3A_741 = tpu.memref_slice %arg5[%dma_start3A_740] : memref<5120xi32, #tpu.memory_space<vmem>> -> memref<256xi32, #tpu.memory_space<vmem>>
    %dma_start3A_742 = arith.constant 0 : i32
    %dma_start3A_743 = arith.constant 0 : i32
    %dma_start3A_744 = tpu.memref_slice %arg3[%dma_start3A_742, %dma_start3A_743] : memref<100000x128xf32, #tpu.memory_space<hbm>> -> memref<100000x128xf32, #tpu.memory_space<hbm>>
    %dma_start3A_745 = tpu.memref_slice %arg8[%dma_start3A_735] : memref<2x!tpu.dma_semaphore, #tpu.memory_space<semaphore_mem>> -> memref<1x!tpu.dma_semaphore, #tpu.memory_space<semaphore_mem>>
    %dma_start3A_746 = tpu.memref_squeeze %dma_start3A_745 : memref<1x!tpu.dma_semaphore, #tpu.memory_space<semaphore_mem>> -> memref<!tpu.dma_semaphore, #tpu.memory_space<semaphore_mem>>
    tpu.enqueue_indirect_dma source(%dma_start3A_744 : memref<100000x128xf32, #tpu.memory_space<hbm>>) target(%dma_start3A_739 : memref<256x128xf32, #tpu.memory_space<vmem>>) offsets(%dma_start3A_741 : memref<256xi32, #tpu.memory_space<vmem>>) semaphore(%dma_start3A_746 : memref<!tpu.dma_semaphore, #tpu.memory_space<semaphore_mem>>)
    %dma_wait3A_747 = arith.constant 0 : i32
    %dma_wait3A_748 = arith.constant 0 : i32
    %dma_wait3A_749 = arith.constant 0 : i32
    %dma_wait3A_750 = arith.constant 0 : i32
    %dma_wait3A_751 = tpu.memref_slice %arg6[%dma_wait3A_747, %dma_wait3A_749, %dma_wait3A_750] : memref<2x256x128xf32, #tpu.memory_space<vmem>> -> memref<1x256x128xf32, #tpu.memory_space<vmem>>
    %dma_wait3A_752 = tpu.memref_squeeze %dma_wait3A_751 : memref<1x256x128xf32, #tpu.memory_space<vmem>> -> memref<256x128xf32, #tpu.memory_space<vmem>>
    %dma_wait3A_753 = arith.constant 3072 : i32
    %dma_wait3A_754 = tpu.memref_slice %arg5[%dma_wait3A_753] : memref<5120xi32, #tpu.memory_space<vmem>> -> memref<256xi32, #tpu.memory_space<vmem>>
    %dma_wait3A_755 = arith.constant 0 : i32
    %dma_wait3A_756 = arith.constant 0 : i32
    %dma_wait3A_757 = tpu.memref_slice %arg3[%dma_wait3A_755, %dma_wait3A_756] : memref<100000x128xf32, #tpu.memory_space<hbm>> -> memref<100000x128xf32, #tpu.memory_space<hbm>>
    %dma_wait3A_758 = tpu.memref_slice %arg8[%dma_wait3A_748] : memref<2x!tpu.dma_semaphore, #tpu.memory_space<semaphore_mem>> -> memref<1x!tpu.dma_semaphore, #tpu.memory_space<semaphore_mem>>
    %dma_wait3A_759 = tpu.memref_squeeze %dma_wait3A_758 : memref<1x!tpu.dma_semaphore, #tpu.memory_space<semaphore_mem>> -> memref<!tpu.dma_semaphore, #tpu.memory_space<semaphore_mem>>
    tpu.wait_indirect_dma semaphore(%dma_wait3A_759 : memref<!tpu.dma_semaphore, #tpu.memory_space<semaphore_mem>>) src(%dma_wait3A_757 : memref<100000x128xf32, #tpu.memory_space<hbm>>) dst(%dma_wait3A_752 : memref<256x128xf32, #tpu.memory_space<vmem>>)
    %add3A_760 = arith.constant 3072 : i32
    %add3A_761 = arith.addi %mul3A_2, %add3A_760 : i32
    %dma_start3A_762 = arith.constant 0 : i32
    %dma_start3A_763 = arith.constant 0 : i32
    %dma_start3A_764 = arith.constant 0 : i32
    %dma_start3A_765 = arith.constant 0 : i32
    %dma_start3A_766 = tpu.memref_slice %arg6[%dma_start3A_762, %dma_start3A_764, %dma_start3A_765] : memref<2x256x128xf32, #tpu.memory_space<vmem>> -> memref<1x256x128xf32, #tpu.memory_space<vmem>>
    %dma_start3A_767 = tpu.memref_squeeze %dma_start3A_766 : memref<1x256x128xf32, #tpu.memory_space<vmem>> -> memref<256x128xf32, #tpu.memory_space<vmem>>
    %dma_start3A_768 = arith.constant 0 : i32
    %dma_start3A_769 = tpu.memref_slice %arg4[%add3A_761, %dma_start3A_768] : memref<163840x128xf32, #tpu.memory_space<hbm>> -> memref<256x128xf32, #tpu.memory_space<hbm>>
    %dma_start3A_770 = tpu.memref_slice %arg9[%dma_start3A_763] : memref<2x!tpu.dma_semaphore, #tpu.memory_space<semaphore_mem>> -> memref<1x!tpu.dma_semaphore, #tpu.memory_space<semaphore_mem>>
    %dma_start3A_771 = tpu.memref_squeeze %dma_start3A_770 : memref<1x!tpu.dma_semaphore, #tpu.memory_space<semaphore_mem>> -> memref<!tpu.dma_semaphore, #tpu.memory_space<semaphore_mem>>
    %dma_start3A_772 = arith.constant 0 : i32
    %dma_start3A_773 = tpu.memref_slice %arg4[%add3A_761, %dma_start3A_772] : memref<163840x128xf32, #tpu.memory_space<hbm>> -> memref<256x128xf32, #tpu.memory_space<hbm>>
    %dma_start3A_774 = arith.constant 0 : i32
    %dma_start3A_775 = arith.constant 0 : i32
    %dma_start3A_776 = tpu.memref_slice %arg6[%dma_start3A_762, %dma_start3A_774, %dma_start3A_775] : memref<2x256x128xf32, #tpu.memory_space<vmem>> -> memref<1x256x128xf32, #tpu.memory_space<vmem>>
    %dma_start3A_777 = tpu.memref_squeeze %dma_start3A_776 : memref<1x256x128xf32, #tpu.memory_space<vmem>> -> memref<256x128xf32, #tpu.memory_space<vmem>>
    tpu.enqueue_dma source(%dma_start3A_777 : memref<256x128xf32, #tpu.memory_space<vmem>>) target(%dma_start3A_773 : memref<256x128xf32, #tpu.memory_space<hbm>>) target_semaphore(%dma_start3A_771 : memref<!tpu.dma_semaphore, #tpu.memory_space<semaphore_mem>>)
    %dma_wait3A_778 = arith.constant 0 : i32
    %dma_wait3A_779 = arith.constant 0 : i32
    %dma_wait3A_780 = arith.constant 0 : i32
    %dma_wait3A_781 = arith.constant 0 : i32
    %dma_wait3A_782 = tpu.memref_slice %arg6[%dma_wait3A_778, %dma_wait3A_780, %dma_wait3A_781] : memref<2x256x128xf32, #tpu.memory_space<vmem>> -> memref<1x256x128xf32, #tpu.memory_space<vmem>>
    %dma_wait3A_783 = tpu.memref_squeeze %dma_wait3A_782 : memref<1x256x128xf32, #tpu.memory_space<vmem>> -> memref<256x128xf32, #tpu.memory_space<vmem>>
    %dma_wait3A_784 = arith.constant 0 : i32
    %dma_wait3A_785 = tpu.memref_slice %arg4[%add3A_761, %dma_wait3A_784] : memref<163840x128xf32, #tpu.memory_space<hbm>> -> memref<256x128xf32, #tpu.memory_space<hbm>>
    %dma_wait3A_786 = tpu.memref_slice %arg9[%dma_wait3A_779] : memref<2x!tpu.dma_semaphore, #tpu.memory_space<semaphore_mem>> -> memref<1x!tpu.dma_semaphore, #tpu.memory_space<semaphore_mem>>
    %dma_wait3A_787 = tpu.memref_squeeze %dma_wait3A_786 : memref<1x!tpu.dma_semaphore, #tpu.memory_space<semaphore_mem>> -> memref<!tpu.dma_semaphore, #tpu.memory_space<semaphore_mem>>
    %dma_wait3A_788 = arith.constant 0 : i32
    %dma_wait3A_789 = tpu.memref_slice %arg4[%add3A_761, %dma_wait3A_788] : memref<163840x128xf32, #tpu.memory_space<hbm>> -> memref<256x128xf32, #tpu.memory_space<hbm>>
    %dma_wait3A_790 = arith.constant 0 : i32
    %dma_wait3A_791 = arith.constant 0 : i32
    %dma_wait3A_792 = tpu.memref_slice %arg6[%dma_wait3A_778, %dma_wait3A_790, %dma_wait3A_791] : memref<2x256x128xf32, #tpu.memory_space<vmem>> -> memref<1x256x128xf32, #tpu.memory_space<vmem>>
    %dma_wait3A_793 = tpu.memref_squeeze %dma_wait3A_792 : memref<1x256x128xf32, #tpu.memory_space<vmem>> -> memref<256x128xf32, #tpu.memory_space<vmem>>
    tpu.wait_dma2 semaphore(%dma_wait3A_787 : memref<!tpu.dma_semaphore, #tpu.memory_space<semaphore_mem>>) src(%dma_wait3A_793 : memref<256x128xf32, #tpu.memory_space<vmem>>) dst(%dma_wait3A_789 : memref<256x128xf32, #tpu.memory_space<hbm>>)
    %dma_start3A_794 = arith.constant 0 : i32
    %dma_start3A_795 = arith.constant 0 : i32
    %dma_start3A_796 = arith.constant 0 : i32
    %dma_start3A_797 = arith.constant 0 : i32
    %dma_start3A_798 = tpu.memref_slice %arg6[%dma_start3A_794, %dma_start3A_796, %dma_start3A_797] : memref<2x256x128xf32, #tpu.memory_space<vmem>> -> memref<1x256x128xf32, #tpu.memory_space<vmem>>
    %dma_start3A_799 = tpu.memref_squeeze %dma_start3A_798 : memref<1x256x128xf32, #tpu.memory_space<vmem>> -> memref<256x128xf32, #tpu.memory_space<vmem>>
    %dma_start3A_800 = arith.constant 3584 : i32
    %dma_start3A_801 = tpu.memref_slice %arg5[%dma_start3A_800] : memref<5120xi32, #tpu.memory_space<vmem>> -> memref<256xi32, #tpu.memory_space<vmem>>
    %dma_start3A_802 = arith.constant 0 : i32
    %dma_start3A_803 = arith.constant 0 : i32
    %dma_start3A_804 = tpu.memref_slice %arg3[%dma_start3A_802, %dma_start3A_803] : memref<100000x128xf32, #tpu.memory_space<hbm>> -> memref<100000x128xf32, #tpu.memory_space<hbm>>
    %dma_start3A_805 = tpu.memref_slice %arg8[%dma_start3A_795] : memref<2x!tpu.dma_semaphore, #tpu.memory_space<semaphore_mem>> -> memref<1x!tpu.dma_semaphore, #tpu.memory_space<semaphore_mem>>
    %dma_start3A_806 = tpu.memref_squeeze %dma_start3A_805 : memref<1x!tpu.dma_semaphore, #tpu.memory_space<semaphore_mem>> -> memref<!tpu.dma_semaphore, #tpu.memory_space<semaphore_mem>>
    tpu.enqueue_indirect_dma source(%dma_start3A_804 : memref<100000x128xf32, #tpu.memory_space<hbm>>) target(%dma_start3A_799 : memref<256x128xf32, #tpu.memory_space<vmem>>) offsets(%dma_start3A_801 : memref<256xi32, #tpu.memory_space<vmem>>) semaphore(%dma_start3A_806 : memref<!tpu.dma_semaphore, #tpu.memory_space<semaphore_mem>>)
    %dma_wait3A_807 = arith.constant 1 : i32
    %dma_wait3A_808 = arith.constant 1 : i32
    %dma_wait3A_809 = arith.constant 0 : i32
    %dma_wait3A_810 = arith.constant 0 : i32
    %dma_wait3A_811 = tpu.memref_slice %arg6[%dma_wait3A_807, %dma_wait3A_809, %dma_wait3A_810] : memref<2x256x128xf32, #tpu.memory_space<vmem>> -> memref<1x256x128xf32, #tpu.memory_space<vmem>>
    %dma_wait3A_812 = tpu.memref_squeeze %dma_wait3A_811 : memref<1x256x128xf32, #tpu.memory_space<vmem>> -> memref<256x128xf32, #tpu.memory_space<vmem>>
    %dma_wait3A_813 = arith.constant 3328 : i32
    %dma_wait3A_814 = tpu.memref_slice %arg5[%dma_wait3A_813] : memref<5120xi32, #tpu.memory_space<vmem>> -> memref<256xi32, #tpu.memory_space<vmem>>
    %dma_wait3A_815 = arith.constant 0 : i32
    %dma_wait3A_816 = arith.constant 0 : i32
    %dma_wait3A_817 = tpu.memref_slice %arg3[%dma_wait3A_815, %dma_wait3A_816] : memref<100000x128xf32, #tpu.memory_space<hbm>> -> memref<100000x128xf32, #tpu.memory_space<hbm>>
    %dma_wait3A_818 = tpu.memref_slice %arg8[%dma_wait3A_808] : memref<2x!tpu.dma_semaphore, #tpu.memory_space<semaphore_mem>> -> memref<1x!tpu.dma_semaphore, #tpu.memory_space<semaphore_mem>>
    %dma_wait3A_819 = tpu.memref_squeeze %dma_wait3A_818 : memref<1x!tpu.dma_semaphore, #tpu.memory_space<semaphore_mem>> -> memref<!tpu.dma_semaphore, #tpu.memory_space<semaphore_mem>>
    tpu.wait_indirect_dma semaphore(%dma_wait3A_819 : memref<!tpu.dma_semaphore, #tpu.memory_space<semaphore_mem>>) src(%dma_wait3A_817 : memref<100000x128xf32, #tpu.memory_space<hbm>>) dst(%dma_wait3A_812 : memref<256x128xf32, #tpu.memory_space<vmem>>)
    %add3A_820 = arith.constant 3328 : i32
    %add3A_821 = arith.addi %mul3A_2, %add3A_820 : i32
    %dma_start3A_822 = arith.constant 1 : i32
    %dma_start3A_823 = arith.constant 1 : i32
    %dma_start3A_824 = arith.constant 0 : i32
    %dma_start3A_825 = arith.constant 0 : i32
    %dma_start3A_826 = tpu.memref_slice %arg6[%dma_start3A_822, %dma_start3A_824, %dma_start3A_825] : memref<2x256x128xf32, #tpu.memory_space<vmem>> -> memref<1x256x128xf32, #tpu.memory_space<vmem>>
    %dma_start3A_827 = tpu.memref_squeeze %dma_start3A_826 : memref<1x256x128xf32, #tpu.memory_space<vmem>> -> memref<256x128xf32, #tpu.memory_space<vmem>>
    %dma_start3A_828 = arith.constant 0 : i32
    %dma_start3A_829 = tpu.memref_slice %arg4[%add3A_821, %dma_start3A_828] : memref<163840x128xf32, #tpu.memory_space<hbm>> -> memref<256x128xf32, #tpu.memory_space<hbm>>
    %dma_start3A_830 = tpu.memref_slice %arg9[%dma_start3A_823] : memref<2x!tpu.dma_semaphore, #tpu.memory_space<semaphore_mem>> -> memref<1x!tpu.dma_semaphore, #tpu.memory_space<semaphore_mem>>
    %dma_start3A_831 = tpu.memref_squeeze %dma_start3A_830 : memref<1x!tpu.dma_semaphore, #tpu.memory_space<semaphore_mem>> -> memref<!tpu.dma_semaphore, #tpu.memory_space<semaphore_mem>>
    %dma_start3A_832 = arith.constant 0 : i32
    %dma_start3A_833 = tpu.memref_slice %arg4[%add3A_821, %dma_start3A_832] : memref<163840x128xf32, #tpu.memory_space<hbm>> -> memref<256x128xf32, #tpu.memory_space<hbm>>
    %dma_start3A_834 = arith.constant 0 : i32
    %dma_start3A_835 = arith.constant 0 : i32
    %dma_start3A_836 = tpu.memref_slice %arg6[%dma_start3A_822, %dma_start3A_834, %dma_start3A_835] : memref<2x256x128xf32, #tpu.memory_space<vmem>> -> memref<1x256x128xf32, #tpu.memory_space<vmem>>
    %dma_start3A_837 = tpu.memref_squeeze %dma_start3A_836 : memref<1x256x128xf32, #tpu.memory_space<vmem>> -> memref<256x128xf32, #tpu.memory_space<vmem>>
    tpu.enqueue_dma source(%dma_start3A_837 : memref<256x128xf32, #tpu.memory_space<vmem>>) target(%dma_start3A_833 : memref<256x128xf32, #tpu.memory_space<hbm>>) target_semaphore(%dma_start3A_831 : memref<!tpu.dma_semaphore, #tpu.memory_space<semaphore_mem>>)
    %dma_wait3A_838 = arith.constant 1 : i32
    %dma_wait3A_839 = arith.constant 1 : i32
    %dma_wait3A_840 = arith.constant 0 : i32
    %dma_wait3A_841 = arith.constant 0 : i32
    %dma_wait3A_842 = tpu.memref_slice %arg6[%dma_wait3A_838, %dma_wait3A_840, %dma_wait3A_841] : memref<2x256x128xf32, #tpu.memory_space<vmem>> -> memref<1x256x128xf32, #tpu.memory_space<vmem>>
    %dma_wait3A_843 = tpu.memref_squeeze %dma_wait3A_842 : memref<1x256x128xf32, #tpu.memory_space<vmem>> -> memref<256x128xf32, #tpu.memory_space<vmem>>
    %dma_wait3A_844 = arith.constant 0 : i32
    %dma_wait3A_845 = tpu.memref_slice %arg4[%add3A_821, %dma_wait3A_844] : memref<163840x128xf32, #tpu.memory_space<hbm>> -> memref<256x128xf32, #tpu.memory_space<hbm>>
    %dma_wait3A_846 = tpu.memref_slice %arg9[%dma_wait3A_839] : memref<2x!tpu.dma_semaphore, #tpu.memory_space<semaphore_mem>> -> memref<1x!tpu.dma_semaphore, #tpu.memory_space<semaphore_mem>>
    %dma_wait3A_847 = tpu.memref_squeeze %dma_wait3A_846 : memref<1x!tpu.dma_semaphore, #tpu.memory_space<semaphore_mem>> -> memref<!tpu.dma_semaphore, #tpu.memory_space<semaphore_mem>>
    %dma_wait3A_848 = arith.constant 0 : i32
    %dma_wait3A_849 = tpu.memref_slice %arg4[%add3A_821, %dma_wait3A_848] : memref<163840x128xf32, #tpu.memory_space<hbm>> -> memref<256x128xf32, #tpu.memory_space<hbm>>
    %dma_wait3A_850 = arith.constant 0 : i32
    %dma_wait3A_851 = arith.constant 0 : i32
    %dma_wait3A_852 = tpu.memref_slice %arg6[%dma_wait3A_838, %dma_wait3A_850, %dma_wait3A_851] : memref<2x256x128xf32, #tpu.memory_space<vmem>> -> memref<1x256x128xf32, #tpu.memory_space<vmem>>
    %dma_wait3A_853 = tpu.memref_squeeze %dma_wait3A_852 : memref<1x256x128xf32, #tpu.memory_space<vmem>> -> memref<256x128xf32, #tpu.memory_space<vmem>>
    tpu.wait_dma2 semaphore(%dma_wait3A_847 : memref<!tpu.dma_semaphore, #tpu.memory_space<semaphore_mem>>) src(%dma_wait3A_853 : memref<256x128xf32, #tpu.memory_space<vmem>>) dst(%dma_wait3A_849 : memref<256x128xf32, #tpu.memory_space<hbm>>)
    %dma_start3A_854 = arith.constant 1 : i32
    %dma_start3A_855 = arith.constant 1 : i32
    %dma_start3A_856 = arith.constant 0 : i32
    %dma_start3A_857 = arith.constant 0 : i32
    %dma_start3A_858 = tpu.memref_slice %arg6[%dma_start3A_854, %dma_start3A_856, %dma_start3A_857] : memref<2x256x128xf32, #tpu.memory_space<vmem>> -> memref<1x256x128xf32, #tpu.memory_space<vmem>>
    %dma_start3A_859 = tpu.memref_squeeze %dma_start3A_858 : memref<1x256x128xf32, #tpu.memory_space<vmem>> -> memref<256x128xf32, #tpu.memory_space<vmem>>
    %dma_start3A_860 = arith.constant 3840 : i32
    %dma_start3A_861 = tpu.memref_slice %arg5[%dma_start3A_860] : memref<5120xi32, #tpu.memory_space<vmem>> -> memref<256xi32, #tpu.memory_space<vmem>>
    %dma_start3A_862 = arith.constant 0 : i32
    %dma_start3A_863 = arith.constant 0 : i32
    %dma_start3A_864 = tpu.memref_slice %arg3[%dma_start3A_862, %dma_start3A_863] : memref<100000x128xf32, #tpu.memory_space<hbm>> -> memref<100000x128xf32, #tpu.memory_space<hbm>>
    %dma_start3A_865 = tpu.memref_slice %arg8[%dma_start3A_855] : memref<2x!tpu.dma_semaphore, #tpu.memory_space<semaphore_mem>> -> memref<1x!tpu.dma_semaphore, #tpu.memory_space<semaphore_mem>>
    %dma_start3A_866 = tpu.memref_squeeze %dma_start3A_865 : memref<1x!tpu.dma_semaphore, #tpu.memory_space<semaphore_mem>> -> memref<!tpu.dma_semaphore, #tpu.memory_space<semaphore_mem>>
    tpu.enqueue_indirect_dma source(%dma_start3A_864 : memref<100000x128xf32, #tpu.memory_space<hbm>>) target(%dma_start3A_859 : memref<256x128xf32, #tpu.memory_space<vmem>>) offsets(%dma_start3A_861 : memref<256xi32, #tpu.memory_space<vmem>>) semaphore(%dma_start3A_866 : memref<!tpu.dma_semaphore, #tpu.memory_space<semaphore_mem>>)
    %dma_wait3A_867 = arith.constant 0 : i32
    %dma_wait3A_868 = arith.constant 0 : i32
    %dma_wait3A_869 = arith.constant 0 : i32
    %dma_wait3A_870 = arith.constant 0 : i32
    %dma_wait3A_871 = tpu.memref_slice %arg6[%dma_wait3A_867, %dma_wait3A_869, %dma_wait3A_870] : memref<2x256x128xf32, #tpu.memory_space<vmem>> -> memref<1x256x128xf32, #tpu.memory_space<vmem>>
    %dma_wait3A_872 = tpu.memref_squeeze %dma_wait3A_871 : memref<1x256x128xf32, #tpu.memory_space<vmem>> -> memref<256x128xf32, #tpu.memory_space<vmem>>
    %dma_wait3A_873 = arith.constant 3584 : i32
    %dma_wait3A_874 = tpu.memref_slice %arg5[%dma_wait3A_873] : memref<5120xi32, #tpu.memory_space<vmem>> -> memref<256xi32, #tpu.memory_space<vmem>>
    %dma_wait3A_875 = arith.constant 0 : i32
    %dma_wait3A_876 = arith.constant 0 : i32
    %dma_wait3A_877 = tpu.memref_slice %arg3[%dma_wait3A_875, %dma_wait3A_876] : memref<100000x128xf32, #tpu.memory_space<hbm>> -> memref<100000x128xf32, #tpu.memory_space<hbm>>
    %dma_wait3A_878 = tpu.memref_slice %arg8[%dma_wait3A_868] : memref<2x!tpu.dma_semaphore, #tpu.memory_space<semaphore_mem>> -> memref<1x!tpu.dma_semaphore, #tpu.memory_space<semaphore_mem>>
    %dma_wait3A_879 = tpu.memref_squeeze %dma_wait3A_878 : memref<1x!tpu.dma_semaphore, #tpu.memory_space<semaphore_mem>> -> memref<!tpu.dma_semaphore, #tpu.memory_space<semaphore_mem>>
    tpu.wait_indirect_dma semaphore(%dma_wait3A_879 : memref<!tpu.dma_semaphore, #tpu.memory_space<semaphore_mem>>) src(%dma_wait3A_877 : memref<100000x128xf32, #tpu.memory_space<hbm>>) dst(%dma_wait3A_872 : memref<256x128xf32, #tpu.memory_space<vmem>>)
    %add3A_880 = arith.constant 3584 : i32
    %add3A_881 = arith.addi %mul3A_2, %add3A_880 : i32
    %dma_start3A_882 = arith.constant 0 : i32
    %dma_start3A_883 = arith.constant 0 : i32
    %dma_start3A_884 = arith.constant 0 : i32
    %dma_start3A_885 = arith.constant 0 : i32
    %dma_start3A_886 = tpu.memref_slice %arg6[%dma_start3A_882, %dma_start3A_884, %dma_start3A_885] : memref<2x256x128xf32, #tpu.memory_space<vmem>> -> memref<1x256x128xf32, #tpu.memory_space<vmem>>
    %dma_start3A_887 = tpu.memref_squeeze %dma_start3A_886 : memref<1x256x128xf32, #tpu.memory_space<vmem>> -> memref<256x128xf32, #tpu.memory_space<vmem>>
    %dma_start3A_888 = arith.constant 0 : i32
    %dma_start3A_889 = tpu.memref_slice %arg4[%add3A_881, %dma_start3A_888] : memref<163840x128xf32, #tpu.memory_space<hbm>> -> memref<256x128xf32, #tpu.memory_space<hbm>>
    %dma_start3A_890 = tpu.memref_slice %arg9[%dma_start3A_883] : memref<2x!tpu.dma_semaphore, #tpu.memory_space<semaphore_mem>> -> memref<1x!tpu.dma_semaphore, #tpu.memory_space<semaphore_mem>>
    %dma_start3A_891 = tpu.memref_squeeze %dma_start3A_890 : memref<1x!tpu.dma_semaphore, #tpu.memory_space<semaphore_mem>> -> memref<!tpu.dma_semaphore, #tpu.memory_space<semaphore_mem>>
    %dma_start3A_892 = arith.constant 0 : i32
    %dma_start3A_893 = tpu.memref_slice %arg4[%add3A_881, %dma_start3A_892] : memref<163840x128xf32, #tpu.memory_space<hbm>> -> memref<256x128xf32, #tpu.memory_space<hbm>>
    %dma_start3A_894 = arith.constant 0 : i32
    %dma_start3A_895 = arith.constant 0 : i32
    %dma_start3A_896 = tpu.memref_slice %arg6[%dma_start3A_882, %dma_start3A_894, %dma_start3A_895] : memref<2x256x128xf32, #tpu.memory_space<vmem>> -> memref<1x256x128xf32, #tpu.memory_space<vmem>>
    %dma_start3A_897 = tpu.memref_squeeze %dma_start3A_896 : memref<1x256x128xf32, #tpu.memory_space<vmem>> -> memref<256x128xf32, #tpu.memory_space<vmem>>
    tpu.enqueue_dma source(%dma_start3A_897 : memref<256x128xf32, #tpu.memory_space<vmem>>) target(%dma_start3A_893 : memref<256x128xf32, #tpu.memory_space<hbm>>) target_semaphore(%dma_start3A_891 : memref<!tpu.dma_semaphore, #tpu.memory_space<semaphore_mem>>)
    %dma_wait3A_898 = arith.constant 0 : i32
    %dma_wait3A_899 = arith.constant 0 : i32
    %dma_wait3A_900 = arith.constant 0 : i32
    %dma_wait3A_901 = arith.constant 0 : i32
    %dma_wait3A_902 = tpu.memref_slice %arg6[%dma_wait3A_898, %dma_wait3A_900, %dma_wait3A_901] : memref<2x256x128xf32, #tpu.memory_space<vmem>> -> memref<1x256x128xf32, #tpu.memory_space<vmem>>
    %dma_wait3A_903 = tpu.memref_squeeze %dma_wait3A_902 : memref<1x256x128xf32, #tpu.memory_space<vmem>> -> memref<256x128xf32, #tpu.memory_space<vmem>>
    %dma_wait3A_904 = arith.constant 0 : i32
    %dma_wait3A_905 = tpu.memref_slice %arg4[%add3A_881, %dma_wait3A_904] : memref<163840x128xf32, #tpu.memory_space<hbm>> -> memref<256x128xf32, #tpu.memory_space<hbm>>
    %dma_wait3A_906 = tpu.memref_slice %arg9[%dma_wait3A_899] : memref<2x!tpu.dma_semaphore, #tpu.memory_space<semaphore_mem>> -> memref<1x!tpu.dma_semaphore, #tpu.memory_space<semaphore_mem>>
    %dma_wait3A_907 = tpu.memref_squeeze %dma_wait3A_906 : memref<1x!tpu.dma_semaphore, #tpu.memory_space<semaphore_mem>> -> memref<!tpu.dma_semaphore, #tpu.memory_space<semaphore_mem>>
    %dma_wait3A_908 = arith.constant 0 : i32
    %dma_wait3A_909 = tpu.memref_slice %arg4[%add3A_881, %dma_wait3A_908] : memref<163840x128xf32, #tpu.memory_space<hbm>> -> memref<256x128xf32, #tpu.memory_space<hbm>>
    %dma_wait3A_910 = arith.constant 0 : i32
    %dma_wait3A_911 = arith.constant 0 : i32
    %dma_wait3A_912 = tpu.memref_slice %arg6[%dma_wait3A_898, %dma_wait3A_910, %dma_wait3A_911] : memref<2x256x128xf32, #tpu.memory_space<vmem>> -> memref<1x256x128xf32, #tpu.memory_space<vmem>>
    %dma_wait3A_913 = tpu.memref_squeeze %dma_wait3A_912 : memref<1x256x128xf32, #tpu.memory_space<vmem>> -> memref<256x128xf32, #tpu.memory_space<vmem>>
    tpu.wait_dma2 semaphore(%dma_wait3A_907 : memref<!tpu.dma_semaphore, #tpu.memory_space<semaphore_mem>>) src(%dma_wait3A_913 : memref<256x128xf32, #tpu.memory_space<vmem>>) dst(%dma_wait3A_909 : memref<256x128xf32, #tpu.memory_space<hbm>>)
    %dma_start3A_914 = arith.constant 0 : i32
    %dma_start3A_915 = arith.constant 0 : i32
    %dma_start3A_916 = arith.constant 0 : i32
    %dma_start3A_917 = arith.constant 0 : i32
    %dma_start3A_918 = tpu.memref_slice %arg6[%dma_start3A_914, %dma_start3A_916, %dma_start3A_917] : memref<2x256x128xf32, #tpu.memory_space<vmem>> -> memref<1x256x128xf32, #tpu.memory_space<vmem>>
    %dma_start3A_919 = tpu.memref_squeeze %dma_start3A_918 : memref<1x256x128xf32, #tpu.memory_space<vmem>> -> memref<256x128xf32, #tpu.memory_space<vmem>>
    %dma_start3A_920 = arith.constant 4096 : i32
    %dma_start3A_921 = tpu.memref_slice %arg5[%dma_start3A_920] : memref<5120xi32, #tpu.memory_space<vmem>> -> memref<256xi32, #tpu.memory_space<vmem>>
    %dma_start3A_922 = arith.constant 0 : i32
    %dma_start3A_923 = arith.constant 0 : i32
    %dma_start3A_924 = tpu.memref_slice %arg3[%dma_start3A_922, %dma_start3A_923] : memref<100000x128xf32, #tpu.memory_space<hbm>> -> memref<100000x128xf32, #tpu.memory_space<hbm>>
    %dma_start3A_925 = tpu.memref_slice %arg8[%dma_start3A_915] : memref<2x!tpu.dma_semaphore, #tpu.memory_space<semaphore_mem>> -> memref<1x!tpu.dma_semaphore, #tpu.memory_space<semaphore_mem>>
    %dma_start3A_926 = tpu.memref_squeeze %dma_start3A_925 : memref<1x!tpu.dma_semaphore, #tpu.memory_space<semaphore_mem>> -> memref<!tpu.dma_semaphore, #tpu.memory_space<semaphore_mem>>
    tpu.enqueue_indirect_dma source(%dma_start3A_924 : memref<100000x128xf32, #tpu.memory_space<hbm>>) target(%dma_start3A_919 : memref<256x128xf32, #tpu.memory_space<vmem>>) offsets(%dma_start3A_921 : memref<256xi32, #tpu.memory_space<vmem>>) semaphore(%dma_start3A_926 : memref<!tpu.dma_semaphore, #tpu.memory_space<semaphore_mem>>)
    %dma_wait3A_927 = arith.constant 1 : i32
    %dma_wait3A_928 = arith.constant 1 : i32
    %dma_wait3A_929 = arith.constant 0 : i32
    %dma_wait3A_930 = arith.constant 0 : i32
    %dma_wait3A_931 = tpu.memref_slice %arg6[%dma_wait3A_927, %dma_wait3A_929, %dma_wait3A_930] : memref<2x256x128xf32, #tpu.memory_space<vmem>> -> memref<1x256x128xf32, #tpu.memory_space<vmem>>
    %dma_wait3A_932 = tpu.memref_squeeze %dma_wait3A_931 : memref<1x256x128xf32, #tpu.memory_space<vmem>> -> memref<256x128xf32, #tpu.memory_space<vmem>>
    %dma_wait3A_933 = arith.constant 3840 : i32
    %dma_wait3A_934 = tpu.memref_slice %arg5[%dma_wait3A_933] : memref<5120xi32, #tpu.memory_space<vmem>> -> memref<256xi32, #tpu.memory_space<vmem>>
    %dma_wait3A_935 = arith.constant 0 : i32
    %dma_wait3A_936 = arith.constant 0 : i32
    %dma_wait3A_937 = tpu.memref_slice %arg3[%dma_wait3A_935, %dma_wait3A_936] : memref<100000x128xf32, #tpu.memory_space<hbm>> -> memref<100000x128xf32, #tpu.memory_space<hbm>>
    %dma_wait3A_938 = tpu.memref_slice %arg8[%dma_wait3A_928] : memref<2x!tpu.dma_semaphore, #tpu.memory_space<semaphore_mem>> -> memref<1x!tpu.dma_semaphore, #tpu.memory_space<semaphore_mem>>
    %dma_wait3A_939 = tpu.memref_squeeze %dma_wait3A_938 : memref<1x!tpu.dma_semaphore, #tpu.memory_space<semaphore_mem>> -> memref<!tpu.dma_semaphore, #tpu.memory_space<semaphore_mem>>
    tpu.wait_indirect_dma semaphore(%dma_wait3A_939 : memref<!tpu.dma_semaphore, #tpu.memory_space<semaphore_mem>>) src(%dma_wait3A_937 : memref<100000x128xf32, #tpu.memory_space<hbm>>) dst(%dma_wait3A_932 : memref<256x128xf32, #tpu.memory_space<vmem>>)
    %add3A_940 = arith.constant 3840 : i32
    %add3A_941 = arith.addi %mul3A_2, %add3A_940 : i32
    %dma_start3A_942 = arith.constant 1 : i32
    %dma_start3A_943 = arith.constant 1 : i32
    %dma_start3A_944 = arith.constant 0 : i32
    %dma_start3A_945 = arith.constant 0 : i32
    %dma_start3A_946 = tpu.memref_slice %arg6[%dma_start3A_942, %dma_start3A_944, %dma_start3A_945] : memref<2x256x128xf32, #tpu.memory_space<vmem>> -> memref<1x256x128xf32, #tpu.memory_space<vmem>>
    %dma_start3A_947 = tpu.memref_squeeze %dma_start3A_946 : memref<1x256x128xf32, #tpu.memory_space<vmem>> -> memref<256x128xf32, #tpu.memory_space<vmem>>
    %dma_start3A_948 = arith.constant 0 : i32
    %dma_start3A_949 = tpu.memref_slice %arg4[%add3A_941, %dma_start3A_948] : memref<163840x128xf32, #tpu.memory_space<hbm>> -> memref<256x128xf32, #tpu.memory_space<hbm>>
    %dma_start3A_950 = tpu.memref_slice %arg9[%dma_start3A_943] : memref<2x!tpu.dma_semaphore, #tpu.memory_space<semaphore_mem>> -> memref<1x!tpu.dma_semaphore, #tpu.memory_space<semaphore_mem>>
    %dma_start3A_951 = tpu.memref_squeeze %dma_start3A_950 : memref<1x!tpu.dma_semaphore, #tpu.memory_space<semaphore_mem>> -> memref<!tpu.dma_semaphore, #tpu.memory_space<semaphore_mem>>
    %dma_start3A_952 = arith.constant 0 : i32
    %dma_start3A_953 = tpu.memref_slice %arg4[%add3A_941, %dma_start3A_952] : memref<163840x128xf32, #tpu.memory_space<hbm>> -> memref<256x128xf32, #tpu.memory_space<hbm>>
    %dma_start3A_954 = arith.constant 0 : i32
    %dma_start3A_955 = arith.constant 0 : i32
    %dma_start3A_956 = tpu.memref_slice %arg6[%dma_start3A_942, %dma_start3A_954, %dma_start3A_955] : memref<2x256x128xf32, #tpu.memory_space<vmem>> -> memref<1x256x128xf32, #tpu.memory_space<vmem>>
    %dma_start3A_957 = tpu.memref_squeeze %dma_start3A_956 : memref<1x256x128xf32, #tpu.memory_space<vmem>> -> memref<256x128xf32, #tpu.memory_space<vmem>>
    tpu.enqueue_dma source(%dma_start3A_957 : memref<256x128xf32, #tpu.memory_space<vmem>>) target(%dma_start3A_953 : memref<256x128xf32, #tpu.memory_space<hbm>>) target_semaphore(%dma_start3A_951 : memref<!tpu.dma_semaphore, #tpu.memory_space<semaphore_mem>>)
    %dma_wait3A_958 = arith.constant 1 : i32
    %dma_wait3A_959 = arith.constant 1 : i32
    %dma_wait3A_960 = arith.constant 0 : i32
    %dma_wait3A_961 = arith.constant 0 : i32
    %dma_wait3A_962 = tpu.memref_slice %arg6[%dma_wait3A_958, %dma_wait3A_960, %dma_wait3A_961] : memref<2x256x128xf32, #tpu.memory_space<vmem>> -> memref<1x256x128xf32, #tpu.memory_space<vmem>>
    %dma_wait3A_963 = tpu.memref_squeeze %dma_wait3A_962 : memref<1x256x128xf32, #tpu.memory_space<vmem>> -> memref<256x128xf32, #tpu.memory_space<vmem>>
    %dma_wait3A_964 = arith.constant 0 : i32
    %dma_wait3A_965 = tpu.memref_slice %arg4[%add3A_941, %dma_wait3A_964] : memref<163840x128xf32, #tpu.memory_space<hbm>> -> memref<256x128xf32, #tpu.memory_space<hbm>>
    %dma_wait3A_966 = tpu.memref_slice %arg9[%dma_wait3A_959] : memref<2x!tpu.dma_semaphore, #tpu.memory_space<semaphore_mem>> -> memref<1x!tpu.dma_semaphore, #tpu.memory_space<semaphore_mem>>
    %dma_wait3A_967 = tpu.memref_squeeze %dma_wait3A_966 : memref<1x!tpu.dma_semaphore, #tpu.memory_space<semaphore_mem>> -> memref<!tpu.dma_semaphore, #tpu.memory_space<semaphore_mem>>
    %dma_wait3A_968 = arith.constant 0 : i32
    %dma_wait3A_969 = tpu.memref_slice %arg4[%add3A_941, %dma_wait3A_968] : memref<163840x128xf32, #tpu.memory_space<hbm>> -> memref<256x128xf32, #tpu.memory_space<hbm>>
    %dma_wait3A_970 = arith.constant 0 : i32
    %dma_wait3A_971 = arith.constant 0 : i32
    %dma_wait3A_972 = tpu.memref_slice %arg6[%dma_wait3A_958, %dma_wait3A_970, %dma_wait3A_971] : memref<2x256x128xf32, #tpu.memory_space<vmem>> -> memref<1x256x128xf32, #tpu.memory_space<vmem>>
    %dma_wait3A_973 = tpu.memref_squeeze %dma_wait3A_972 : memref<1x256x128xf32, #tpu.memory_space<vmem>> -> memref<256x128xf32, #tpu.memory_space<vmem>>
    tpu.wait_dma2 semaphore(%dma_wait3A_967 : memref<!tpu.dma_semaphore, #tpu.memory_space<semaphore_mem>>) src(%dma_wait3A_973 : memref<256x128xf32, #tpu.memory_space<vmem>>) dst(%dma_wait3A_969 : memref<256x128xf32, #tpu.memory_space<hbm>>)
    %dma_start3A_974 = arith.constant 1 : i32
    %dma_start3A_975 = arith.constant 1 : i32
    %dma_start3A_976 = arith.constant 0 : i32
    %dma_start3A_977 = arith.constant 0 : i32
    %dma_start3A_978 = tpu.memref_slice %arg6[%dma_start3A_974, %dma_start3A_976, %dma_start3A_977] : memref<2x256x128xf32, #tpu.memory_space<vmem>> -> memref<1x256x128xf32, #tpu.memory_space<vmem>>
    %dma_start3A_979 = tpu.memref_squeeze %dma_start3A_978 : memref<1x256x128xf32, #tpu.memory_space<vmem>> -> memref<256x128xf32, #tpu.memory_space<vmem>>
    %dma_start3A_980 = arith.constant 4352 : i32
    %dma_start3A_981 = tpu.memref_slice %arg5[%dma_start3A_980] : memref<5120xi32, #tpu.memory_space<vmem>> -> memref<256xi32, #tpu.memory_space<vmem>>
    %dma_start3A_982 = arith.constant 0 : i32
    %dma_start3A_983 = arith.constant 0 : i32
    %dma_start3A_984 = tpu.memref_slice %arg3[%dma_start3A_982, %dma_start3A_983] : memref<100000x128xf32, #tpu.memory_space<hbm>> -> memref<100000x128xf32, #tpu.memory_space<hbm>>
    %dma_start3A_985 = tpu.memref_slice %arg8[%dma_start3A_975] : memref<2x!tpu.dma_semaphore, #tpu.memory_space<semaphore_mem>> -> memref<1x!tpu.dma_semaphore, #tpu.memory_space<semaphore_mem>>
    %dma_start3A_986 = tpu.memref_squeeze %dma_start3A_985 : memref<1x!tpu.dma_semaphore, #tpu.memory_space<semaphore_mem>> -> memref<!tpu.dma_semaphore, #tpu.memory_space<semaphore_mem>>
    tpu.enqueue_indirect_dma source(%dma_start3A_984 : memref<100000x128xf32, #tpu.memory_space<hbm>>) target(%dma_start3A_979 : memref<256x128xf32, #tpu.memory_space<vmem>>) offsets(%dma_start3A_981 : memref<256xi32, #tpu.memory_space<vmem>>) semaphore(%dma_start3A_986 : memref<!tpu.dma_semaphore, #tpu.memory_space<semaphore_mem>>)
    %dma_wait3A_987 = arith.constant 0 : i32
    %dma_wait3A_988 = arith.constant 0 : i32
    %dma_wait3A_989 = arith.constant 0 : i32
    %dma_wait3A_990 = arith.constant 0 : i32
    %dma_wait3A_991 = tpu.memref_slice %arg6[%dma_wait3A_987, %dma_wait3A_989, %dma_wait3A_990] : memref<2x256x128xf32, #tpu.memory_space<vmem>> -> memref<1x256x128xf32, #tpu.memory_space<vmem>>
    %dma_wait3A_992 = tpu.memref_squeeze %dma_wait3A_991 : memref<1x256x128xf32, #tpu.memory_space<vmem>> -> memref<256x128xf32, #tpu.memory_space<vmem>>
    %dma_wait3A_993 = arith.constant 4096 : i32
    %dma_wait3A_994 = tpu.memref_slice %arg5[%dma_wait3A_993] : memref<5120xi32, #tpu.memory_space<vmem>> -> memref<256xi32, #tpu.memory_space<vmem>>
    %dma_wait3A_995 = arith.constant 0 : i32
    %dma_wait3A_996 = arith.constant 0 : i32
    %dma_wait3A_997 = tpu.memref_slice %arg3[%dma_wait3A_995, %dma_wait3A_996] : memref<100000x128xf32, #tpu.memory_space<hbm>> -> memref<100000x128xf32, #tpu.memory_space<hbm>>
    %dma_wait3A_998 = tpu.memref_slice %arg8[%dma_wait3A_988] : memref<2x!tpu.dma_semaphore, #tpu.memory_space<semaphore_mem>> -> memref<1x!tpu.dma_semaphore, #tpu.memory_space<semaphore_mem>>
    %dma_wait3A_999 = tpu.memref_squeeze %dma_wait3A_998 : memref<1x!tpu.dma_semaphore, #tpu.memory_space<semaphore_mem>> -> memref<!tpu.dma_semaphore, #tpu.memory_space<semaphore_mem>>
    tpu.wait_indirect_dma semaphore(%dma_wait3A_999 : memref<!tpu.dma_semaphore, #tpu.memory_space<semaphore_mem>>) src(%dma_wait3A_997 : memref<100000x128xf32, #tpu.memory_space<hbm>>) dst(%dma_wait3A_992 : memref<256x128xf32, #tpu.memory_space<vmem>>)
    %add3A_1000 = arith.constant 4096 : i32
    %add3A_1001 = arith.addi %mul3A_2, %add3A_1000 : i32
    %dma_start3A_1002 = arith.constant 0 : i32
    %dma_start3A_1003 = arith.constant 0 : i32
    %dma_start3A_1004 = arith.constant 0 : i32
    %dma_start3A_1005 = arith.constant 0 : i32
    %dma_start3A_1006 = tpu.memref_slice %arg6[%dma_start3A_1002, %dma_start3A_1004, %dma_start3A_1005] : memref<2x256x128xf32, #tpu.memory_space<vmem>> -> memref<1x256x128xf32, #tpu.memory_space<vmem>>
    %dma_start3A_1007 = tpu.memref_squeeze %dma_start3A_1006 : memref<1x256x128xf32, #tpu.memory_space<vmem>> -> memref<256x128xf32, #tpu.memory_space<vmem>>
    %dma_start3A_1008 = arith.constant 0 : i32
    %dma_start3A_1009 = tpu.memref_slice %arg4[%add3A_1001, %dma_start3A_1008] : memref<163840x128xf32, #tpu.memory_space<hbm>> -> memref<256x128xf32, #tpu.memory_space<hbm>>
    %dma_start3A_1010 = tpu.memref_slice %arg9[%dma_start3A_1003] : memref<2x!tpu.dma_semaphore, #tpu.memory_space<semaphore_mem>> -> memref<1x!tpu.dma_semaphore, #tpu.memory_space<semaphore_mem>>
    %dma_start3A_1011 = tpu.memref_squeeze %dma_start3A_1010 : memref<1x!tpu.dma_semaphore, #tpu.memory_space<semaphore_mem>> -> memref<!tpu.dma_semaphore, #tpu.memory_space<semaphore_mem>>
    %dma_start3A_1012 = arith.constant 0 : i32
    %dma_start3A_1013 = tpu.memref_slice %arg4[%add3A_1001, %dma_start3A_1012] : memref<163840x128xf32, #tpu.memory_space<hbm>> -> memref<256x128xf32, #tpu.memory_space<hbm>>
    %dma_start3A_1014 = arith.constant 0 : i32
    %dma_start3A_1015 = arith.constant 0 : i32
    %dma_start3A_1016 = tpu.memref_slice %arg6[%dma_start3A_1002, %dma_start3A_1014, %dma_start3A_1015] : memref<2x256x128xf32, #tpu.memory_space<vmem>> -> memref<1x256x128xf32, #tpu.memory_space<vmem>>
    %dma_start3A_1017 = tpu.memref_squeeze %dma_start3A_1016 : memref<1x256x128xf32, #tpu.memory_space<vmem>> -> memref<256x128xf32, #tpu.memory_space<vmem>>
    tpu.enqueue_dma source(%dma_start3A_1017 : memref<256x128xf32, #tpu.memory_space<vmem>>) target(%dma_start3A_1013 : memref<256x128xf32, #tpu.memory_space<hbm>>) target_semaphore(%dma_start3A_1011 : memref<!tpu.dma_semaphore, #tpu.memory_space<semaphore_mem>>)
    %dma_wait3A_1018 = arith.constant 0 : i32
    %dma_wait3A_1019 = arith.constant 0 : i32
    %dma_wait3A_1020 = arith.constant 0 : i32
    %dma_wait3A_1021 = arith.constant 0 : i32
    %dma_wait3A_1022 = tpu.memref_slice %arg6[%dma_wait3A_1018, %dma_wait3A_1020, %dma_wait3A_1021] : memref<2x256x128xf32, #tpu.memory_space<vmem>> -> memref<1x256x128xf32, #tpu.memory_space<vmem>>
    %dma_wait3A_1023 = tpu.memref_squeeze %dma_wait3A_1022 : memref<1x256x128xf32, #tpu.memory_space<vmem>> -> memref<256x128xf32, #tpu.memory_space<vmem>>
    %dma_wait3A_1024 = arith.constant 0 : i32
    %dma_wait3A_1025 = tpu.memref_slice %arg4[%add3A_1001, %dma_wait3A_1024] : memref<163840x128xf32, #tpu.memory_space<hbm>> -> memref<256x128xf32, #tpu.memory_space<hbm>>
    %dma_wait3A_1026 = tpu.memref_slice %arg9[%dma_wait3A_1019] : memref<2x!tpu.dma_semaphore, #tpu.memory_space<semaphore_mem>> -> memref<1x!tpu.dma_semaphore, #tpu.memory_space<semaphore_mem>>
    %dma_wait3A_1027 = tpu.memref_squeeze %dma_wait3A_1026 : memref<1x!tpu.dma_semaphore, #tpu.memory_space<semaphore_mem>> -> memref<!tpu.dma_semaphore, #tpu.memory_space<semaphore_mem>>
    %dma_wait3A_1028 = arith.constant 0 : i32
    %dma_wait3A_1029 = tpu.memref_slice %arg4[%add3A_1001, %dma_wait3A_1028] : memref<163840x128xf32, #tpu.memory_space<hbm>> -> memref<256x128xf32, #tpu.memory_space<hbm>>
    %dma_wait3A_1030 = arith.constant 0 : i32
    %dma_wait3A_1031 = arith.constant 0 : i32
    %dma_wait3A_1032 = tpu.memref_slice %arg6[%dma_wait3A_1018, %dma_wait3A_1030, %dma_wait3A_1031] : memref<2x256x128xf32, #tpu.memory_space<vmem>> -> memref<1x256x128xf32, #tpu.memory_space<vmem>>
    %dma_wait3A_1033 = tpu.memref_squeeze %dma_wait3A_1032 : memref<1x256x128xf32, #tpu.memory_space<vmem>> -> memref<256x128xf32, #tpu.memory_space<vmem>>
    tpu.wait_dma2 semaphore(%dma_wait3A_1027 : memref<!tpu.dma_semaphore, #tpu.memory_space<semaphore_mem>>) src(%dma_wait3A_1033 : memref<256x128xf32, #tpu.memory_space<vmem>>) dst(%dma_wait3A_1029 : memref<256x128xf32, #tpu.memory_space<hbm>>)
    %dma_start3A_1034 = arith.constant 0 : i32
    %dma_start3A_1035 = arith.constant 0 : i32
    %dma_start3A_1036 = arith.constant 0 : i32
    %dma_start3A_1037 = arith.constant 0 : i32
    %dma_start3A_1038 = tpu.memref_slice %arg6[%dma_start3A_1034, %dma_start3A_1036, %dma_start3A_1037] : memref<2x256x128xf32, #tpu.memory_space<vmem>> -> memref<1x256x128xf32, #tpu.memory_space<vmem>>
    %dma_start3A_1039 = tpu.memref_squeeze %dma_start3A_1038 : memref<1x256x128xf32, #tpu.memory_space<vmem>> -> memref<256x128xf32, #tpu.memory_space<vmem>>
    %dma_start3A_1040 = arith.constant 4608 : i32
    %dma_start3A_1041 = tpu.memref_slice %arg5[%dma_start3A_1040] : memref<5120xi32, #tpu.memory_space<vmem>> -> memref<256xi32, #tpu.memory_space<vmem>>
    %dma_start3A_1042 = arith.constant 0 : i32
    %dma_start3A_1043 = arith.constant 0 : i32
    %dma_start3A_1044 = tpu.memref_slice %arg3[%dma_start3A_1042, %dma_start3A_1043] : memref<100000x128xf32, #tpu.memory_space<hbm>> -> memref<100000x128xf32, #tpu.memory_space<hbm>>
    %dma_start3A_1045 = tpu.memref_slice %arg8[%dma_start3A_1035] : memref<2x!tpu.dma_semaphore, #tpu.memory_space<semaphore_mem>> -> memref<1x!tpu.dma_semaphore, #tpu.memory_space<semaphore_mem>>
    %dma_start3A_1046 = tpu.memref_squeeze %dma_start3A_1045 : memref<1x!tpu.dma_semaphore, #tpu.memory_space<semaphore_mem>> -> memref<!tpu.dma_semaphore, #tpu.memory_space<semaphore_mem>>
    tpu.enqueue_indirect_dma source(%dma_start3A_1044 : memref<100000x128xf32, #tpu.memory_space<hbm>>) target(%dma_start3A_1039 : memref<256x128xf32, #tpu.memory_space<vmem>>) offsets(%dma_start3A_1041 : memref<256xi32, #tpu.memory_space<vmem>>) semaphore(%dma_start3A_1046 : memref<!tpu.dma_semaphore, #tpu.memory_space<semaphore_mem>>)
    %dma_wait3A_1047 = arith.constant 1 : i32
    %dma_wait3A_1048 = arith.constant 1 : i32
    %dma_wait3A_1049 = arith.constant 0 : i32
    %dma_wait3A_1050 = arith.constant 0 : i32
    %dma_wait3A_1051 = tpu.memref_slice %arg6[%dma_wait3A_1047, %dma_wait3A_1049, %dma_wait3A_1050] : memref<2x256x128xf32, #tpu.memory_space<vmem>> -> memref<1x256x128xf32, #tpu.memory_space<vmem>>
    %dma_wait3A_1052 = tpu.memref_squeeze %dma_wait3A_1051 : memref<1x256x128xf32, #tpu.memory_space<vmem>> -> memref<256x128xf32, #tpu.memory_space<vmem>>
    %dma_wait3A_1053 = arith.constant 4352 : i32
    %dma_wait3A_1054 = tpu.memref_slice %arg5[%dma_wait3A_1053] : memref<5120xi32, #tpu.memory_space<vmem>> -> memref<256xi32, #tpu.memory_space<vmem>>
    %dma_wait3A_1055 = arith.constant 0 : i32
    %dma_wait3A_1056 = arith.constant 0 : i32
    %dma_wait3A_1057 = tpu.memref_slice %arg3[%dma_wait3A_1055, %dma_wait3A_1056] : memref<100000x128xf32, #tpu.memory_space<hbm>> -> memref<100000x128xf32, #tpu.memory_space<hbm>>
    %dma_wait3A_1058 = tpu.memref_slice %arg8[%dma_wait3A_1048] : memref<2x!tpu.dma_semaphore, #tpu.memory_space<semaphore_mem>> -> memref<1x!tpu.dma_semaphore, #tpu.memory_space<semaphore_mem>>
    %dma_wait3A_1059 = tpu.memref_squeeze %dma_wait3A_1058 : memref<1x!tpu.dma_semaphore, #tpu.memory_space<semaphore_mem>> -> memref<!tpu.dma_semaphore, #tpu.memory_space<semaphore_mem>>
    tpu.wait_indirect_dma semaphore(%dma_wait3A_1059 : memref<!tpu.dma_semaphore, #tpu.memory_space<semaphore_mem>>) src(%dma_wait3A_1057 : memref<100000x128xf32, #tpu.memory_space<hbm>>) dst(%dma_wait3A_1052 : memref<256x128xf32, #tpu.memory_space<vmem>>)
    %add3A_1060 = arith.constant 4352 : i32
    %add3A_1061 = arith.addi %mul3A_2, %add3A_1060 : i32
    %dma_start3A_1062 = arith.constant 1 : i32
    %dma_start3A_1063 = arith.constant 1 : i32
    %dma_start3A_1064 = arith.constant 0 : i32
    %dma_start3A_1065 = arith.constant 0 : i32
    %dma_start3A_1066 = tpu.memref_slice %arg6[%dma_start3A_1062, %dma_start3A_1064, %dma_start3A_1065] : memref<2x256x128xf32, #tpu.memory_space<vmem>> -> memref<1x256x128xf32, #tpu.memory_space<vmem>>
    %dma_start3A_1067 = tpu.memref_squeeze %dma_start3A_1066 : memref<1x256x128xf32, #tpu.memory_space<vmem>> -> memref<256x128xf32, #tpu.memory_space<vmem>>
    %dma_start3A_1068 = arith.constant 0 : i32
    %dma_start3A_1069 = tpu.memref_slice %arg4[%add3A_1061, %dma_start3A_1068] : memref<163840x128xf32, #tpu.memory_space<hbm>> -> memref<256x128xf32, #tpu.memory_space<hbm>>
    %dma_start3A_1070 = tpu.memref_slice %arg9[%dma_start3A_1063] : memref<2x!tpu.dma_semaphore, #tpu.memory_space<semaphore_mem>> -> memref<1x!tpu.dma_semaphore, #tpu.memory_space<semaphore_mem>>
    %dma_start3A_1071 = tpu.memref_squeeze %dma_start3A_1070 : memref<1x!tpu.dma_semaphore, #tpu.memory_space<semaphore_mem>> -> memref<!tpu.dma_semaphore, #tpu.memory_space<semaphore_mem>>
    %dma_start3A_1072 = arith.constant 0 : i32
    %dma_start3A_1073 = tpu.memref_slice %arg4[%add3A_1061, %dma_start3A_1072] : memref<163840x128xf32, #tpu.memory_space<hbm>> -> memref<256x128xf32, #tpu.memory_space<hbm>>
    %dma_start3A_1074 = arith.constant 0 : i32
    %dma_start3A_1075 = arith.constant 0 : i32
    %dma_start3A_1076 = tpu.memref_slice %arg6[%dma_start3A_1062, %dma_start3A_1074, %dma_start3A_1075] : memref<2x256x128xf32, #tpu.memory_space<vmem>> -> memref<1x256x128xf32, #tpu.memory_space<vmem>>
    %dma_start3A_1077 = tpu.memref_squeeze %dma_start3A_1076 : memref<1x256x128xf32, #tpu.memory_space<vmem>> -> memref<256x128xf32, #tpu.memory_space<vmem>>
    tpu.enqueue_dma source(%dma_start3A_1077 : memref<256x128xf32, #tpu.memory_space<vmem>>) target(%dma_start3A_1073 : memref<256x128xf32, #tpu.memory_space<hbm>>) target_semaphore(%dma_start3A_1071 : memref<!tpu.dma_semaphore, #tpu.memory_space<semaphore_mem>>)
    %dma_wait3A_1078 = arith.constant 1 : i32
    %dma_wait3A_1079 = arith.constant 1 : i32
    %dma_wait3A_1080 = arith.constant 0 : i32
    %dma_wait3A_1081 = arith.constant 0 : i32
    %dma_wait3A_1082 = tpu.memref_slice %arg6[%dma_wait3A_1078, %dma_wait3A_1080, %dma_wait3A_1081] : memref<2x256x128xf32, #tpu.memory_space<vmem>> -> memref<1x256x128xf32, #tpu.memory_space<vmem>>
    %dma_wait3A_1083 = tpu.memref_squeeze %dma_wait3A_1082 : memref<1x256x128xf32, #tpu.memory_space<vmem>> -> memref<256x128xf32, #tpu.memory_space<vmem>>
    %dma_wait3A_1084 = arith.constant 0 : i32
    %dma_wait3A_1085 = tpu.memref_slice %arg4[%add3A_1061, %dma_wait3A_1084] : memref<163840x128xf32, #tpu.memory_space<hbm>> -> memref<256x128xf32, #tpu.memory_space<hbm>>
    %dma_wait3A_1086 = tpu.memref_slice %arg9[%dma_wait3A_1079] : memref<2x!tpu.dma_semaphore, #tpu.memory_space<semaphore_mem>> -> memref<1x!tpu.dma_semaphore, #tpu.memory_space<semaphore_mem>>
    %dma_wait3A_1087 = tpu.memref_squeeze %dma_wait3A_1086 : memref<1x!tpu.dma_semaphore, #tpu.memory_space<semaphore_mem>> -> memref<!tpu.dma_semaphore, #tpu.memory_space<semaphore_mem>>
    %dma_wait3A_1088 = arith.constant 0 : i32
    %dma_wait3A_1089 = tpu.memref_slice %arg4[%add3A_1061, %dma_wait3A_1088] : memref<163840x128xf32, #tpu.memory_space<hbm>> -> memref<256x128xf32, #tpu.memory_space<hbm>>
    %dma_wait3A_1090 = arith.constant 0 : i32
    %dma_wait3A_1091 = arith.constant 0 : i32
    %dma_wait3A_1092 = tpu.memref_slice %arg6[%dma_wait3A_1078, %dma_wait3A_1090, %dma_wait3A_1091] : memref<2x256x128xf32, #tpu.memory_space<vmem>> -> memref<1x256x128xf32, #tpu.memory_space<vmem>>
    %dma_wait3A_1093 = tpu.memref_squeeze %dma_wait3A_1092 : memref<1x256x128xf32, #tpu.memory_space<vmem>> -> memref<256x128xf32, #tpu.memory_space<vmem>>
    tpu.wait_dma2 semaphore(%dma_wait3A_1087 : memref<!tpu.dma_semaphore, #tpu.memory_space<semaphore_mem>>) src(%dma_wait3A_1093 : memref<256x128xf32, #tpu.memory_space<vmem>>) dst(%dma_wait3A_1089 : memref<256x128xf32, #tpu.memory_space<hbm>>)
    %dma_start3A_1094 = arith.constant 1 : i32
    %dma_start3A_1095 = arith.constant 1 : i32
    %dma_start3A_1096 = arith.constant 0 : i32
    %dma_start3A_1097 = arith.constant 0 : i32
    %dma_start3A_1098 = tpu.memref_slice %arg6[%dma_start3A_1094, %dma_start3A_1096, %dma_start3A_1097] : memref<2x256x128xf32, #tpu.memory_space<vmem>> -> memref<1x256x128xf32, #tpu.memory_space<vmem>>
    %dma_start3A_1099 = tpu.memref_squeeze %dma_start3A_1098 : memref<1x256x128xf32, #tpu.memory_space<vmem>> -> memref<256x128xf32, #tpu.memory_space<vmem>>
    %dma_start3A_1100 = arith.constant 4864 : i32
    %dma_start3A_1101 = tpu.memref_slice %arg5[%dma_start3A_1100] : memref<5120xi32, #tpu.memory_space<vmem>> -> memref<256xi32, #tpu.memory_space<vmem>>
    %dma_start3A_1102 = arith.constant 0 : i32
    %dma_start3A_1103 = arith.constant 0 : i32
    %dma_start3A_1104 = tpu.memref_slice %arg3[%dma_start3A_1102, %dma_start3A_1103] : memref<100000x128xf32, #tpu.memory_space<hbm>> -> memref<100000x128xf32, #tpu.memory_space<hbm>>
    %dma_start3A_1105 = tpu.memref_slice %arg8[%dma_start3A_1095] : memref<2x!tpu.dma_semaphore, #tpu.memory_space<semaphore_mem>> -> memref<1x!tpu.dma_semaphore, #tpu.memory_space<semaphore_mem>>
    %dma_start3A_1106 = tpu.memref_squeeze %dma_start3A_1105 : memref<1x!tpu.dma_semaphore, #tpu.memory_space<semaphore_mem>> -> memref<!tpu.dma_semaphore, #tpu.memory_space<semaphore_mem>>
    tpu.enqueue_indirect_dma source(%dma_start3A_1104 : memref<100000x128xf32, #tpu.memory_space<hbm>>) target(%dma_start3A_1099 : memref<256x128xf32, #tpu.memory_space<vmem>>) offsets(%dma_start3A_1101 : memref<256xi32, #tpu.memory_space<vmem>>) semaphore(%dma_start3A_1106 : memref<!tpu.dma_semaphore, #tpu.memory_space<semaphore_mem>>)
    %dma_wait3A_1107 = arith.constant 0 : i32
    %dma_wait3A_1108 = arith.constant 0 : i32
    %dma_wait3A_1109 = arith.constant 0 : i32
    %dma_wait3A_1110 = arith.constant 0 : i32
    %dma_wait3A_1111 = tpu.memref_slice %arg6[%dma_wait3A_1107, %dma_wait3A_1109, %dma_wait3A_1110] : memref<2x256x128xf32, #tpu.memory_space<vmem>> -> memref<1x256x128xf32, #tpu.memory_space<vmem>>
    %dma_wait3A_1112 = tpu.memref_squeeze %dma_wait3A_1111 : memref<1x256x128xf32, #tpu.memory_space<vmem>> -> memref<256x128xf32, #tpu.memory_space<vmem>>
    %dma_wait3A_1113 = arith.constant 4608 : i32
    %dma_wait3A_1114 = tpu.memref_slice %arg5[%dma_wait3A_1113] : memref<5120xi32, #tpu.memory_space<vmem>> -> memref<256xi32, #tpu.memory_space<vmem>>
    %dma_wait3A_1115 = arith.constant 0 : i32
    %dma_wait3A_1116 = arith.constant 0 : i32
    %dma_wait3A_1117 = tpu.memref_slice %arg3[%dma_wait3A_1115, %dma_wait3A_1116] : memref<100000x128xf32, #tpu.memory_space<hbm>> -> memref<100000x128xf32, #tpu.memory_space<hbm>>
    %dma_wait3A_1118 = tpu.memref_slice %arg8[%dma_wait3A_1108] : memref<2x!tpu.dma_semaphore, #tpu.memory_space<semaphore_mem>> -> memref<1x!tpu.dma_semaphore, #tpu.memory_space<semaphore_mem>>
    %dma_wait3A_1119 = tpu.memref_squeeze %dma_wait3A_1118 : memref<1x!tpu.dma_semaphore, #tpu.memory_space<semaphore_mem>> -> memref<!tpu.dma_semaphore, #tpu.memory_space<semaphore_mem>>
    tpu.wait_indirect_dma semaphore(%dma_wait3A_1119 : memref<!tpu.dma_semaphore, #tpu.memory_space<semaphore_mem>>) src(%dma_wait3A_1117 : memref<100000x128xf32, #tpu.memory_space<hbm>>) dst(%dma_wait3A_1112 : memref<256x128xf32, #tpu.memory_space<vmem>>)
    %add3A_1120 = arith.constant 4608 : i32
    %add3A_1121 = arith.addi %mul3A_2, %add3A_1120 : i32
    %dma_start3A_1122 = arith.constant 0 : i32
    %dma_start3A_1123 = arith.constant 0 : i32
    %dma_start3A_1124 = arith.constant 0 : i32
    %dma_start3A_1125 = arith.constant 0 : i32
    %dma_start3A_1126 = tpu.memref_slice %arg6[%dma_start3A_1122, %dma_start3A_1124, %dma_start3A_1125] : memref<2x256x128xf32, #tpu.memory_space<vmem>> -> memref<1x256x128xf32, #tpu.memory_space<vmem>>
    %dma_start3A_1127 = tpu.memref_squeeze %dma_start3A_1126 : memref<1x256x128xf32, #tpu.memory_space<vmem>> -> memref<256x128xf32, #tpu.memory_space<vmem>>
    %dma_start3A_1128 = arith.constant 0 : i32
    %dma_start3A_1129 = tpu.memref_slice %arg4[%add3A_1121, %dma_start3A_1128] : memref<163840x128xf32, #tpu.memory_space<hbm>> -> memref<256x128xf32, #tpu.memory_space<hbm>>
    %dma_start3A_1130 = tpu.memref_slice %arg9[%dma_start3A_1123] : memref<2x!tpu.dma_semaphore, #tpu.memory_space<semaphore_mem>> -> memref<1x!tpu.dma_semaphore, #tpu.memory_space<semaphore_mem>>
    %dma_start3A_1131 = tpu.memref_squeeze %dma_start3A_1130 : memref<1x!tpu.dma_semaphore, #tpu.memory_space<semaphore_mem>> -> memref<!tpu.dma_semaphore, #tpu.memory_space<semaphore_mem>>
    %dma_start3A_1132 = arith.constant 0 : i32
    %dma_start3A_1133 = tpu.memref_slice %arg4[%add3A_1121, %dma_start3A_1132] : memref<163840x128xf32, #tpu.memory_space<hbm>> -> memref<256x128xf32, #tpu.memory_space<hbm>>
    %dma_start3A_1134 = arith.constant 0 : i32
    %dma_start3A_1135 = arith.constant 0 : i32
    %dma_start3A_1136 = tpu.memref_slice %arg6[%dma_start3A_1122, %dma_start3A_1134, %dma_start3A_1135] : memref<2x256x128xf32, #tpu.memory_space<vmem>> -> memref<1x256x128xf32, #tpu.memory_space<vmem>>
    %dma_start3A_1137 = tpu.memref_squeeze %dma_start3A_1136 : memref<1x256x128xf32, #tpu.memory_space<vmem>> -> memref<256x128xf32, #tpu.memory_space<vmem>>
    tpu.enqueue_dma source(%dma_start3A_1137 : memref<256x128xf32, #tpu.memory_space<vmem>>) target(%dma_start3A_1133 : memref<256x128xf32, #tpu.memory_space<hbm>>) target_semaphore(%dma_start3A_1131 : memref<!tpu.dma_semaphore, #tpu.memory_space<semaphore_mem>>)
    %dma_wait3A_1138 = arith.constant 1 : i32
    %dma_wait3A_1139 = arith.constant 1 : i32
    %dma_wait3A_1140 = arith.constant 0 : i32
    %dma_wait3A_1141 = arith.constant 0 : i32
    %dma_wait3A_1142 = tpu.memref_slice %arg6[%dma_wait3A_1138, %dma_wait3A_1140, %dma_wait3A_1141] : memref<2x256x128xf32, #tpu.memory_space<vmem>> -> memref<1x256x128xf32, #tpu.memory_space<vmem>>
    %dma_wait3A_1143 = tpu.memref_squeeze %dma_wait3A_1142 : memref<1x256x128xf32, #tpu.memory_space<vmem>> -> memref<256x128xf32, #tpu.memory_space<vmem>>
    %dma_wait3A_1144 = arith.constant 4864 : i32
    %dma_wait3A_1145 = tpu.memref_slice %arg5[%dma_wait3A_1144] : memref<5120xi32, #tpu.memory_space<vmem>> -> memref<256xi32, #tpu.memory_space<vmem>>
    %dma_wait3A_1146 = arith.constant 0 : i32
    %dma_wait3A_1147 = arith.constant 0 : i32
    %dma_wait3A_1148 = tpu.memref_slice %arg3[%dma_wait3A_1146, %dma_wait3A_1147] : memref<100000x128xf32, #tpu.memory_space<hbm>> -> memref<100000x128xf32, #tpu.memory_space<hbm>>
    %dma_wait3A_1149 = tpu.memref_slice %arg8[%dma_wait3A_1139] : memref<2x!tpu.dma_semaphore, #tpu.memory_space<semaphore_mem>> -> memref<1x!tpu.dma_semaphore, #tpu.memory_space<semaphore_mem>>
    %dma_wait3A_1150 = tpu.memref_squeeze %dma_wait3A_1149 : memref<1x!tpu.dma_semaphore, #tpu.memory_space<semaphore_mem>> -> memref<!tpu.dma_semaphore, #tpu.memory_space<semaphore_mem>>
    tpu.wait_indirect_dma semaphore(%dma_wait3A_1150 : memref<!tpu.dma_semaphore, #tpu.memory_space<semaphore_mem>>) src(%dma_wait3A_1148 : memref<100000x128xf32, #tpu.memory_space<hbm>>) dst(%dma_wait3A_1143 : memref<256x128xf32, #tpu.memory_space<vmem>>)
    %add3A_1151 = arith.constant 4864 : i32
    %add3A_1152 = arith.addi %mul3A_2, %add3A_1151 : i32
    %dma_start3A_1153 = arith.constant 1 : i32
    %dma_start3A_1154 = arith.constant 1 : i32
    %dma_start3A_1155 = arith.constant 0 : i32
    %dma_start3A_1156 = arith.constant 0 : i32
    %dma_start3A_1157 = tpu.memref_slice %arg6[%dma_start3A_1153, %dma_start3A_1155, %dma_start3A_1156] : memref<2x256x128xf32, #tpu.memory_space<vmem>> -> memref<1x256x128xf32, #tpu.memory_space<vmem>>
    %dma_start3A_1158 = tpu.memref_squeeze %dma_start3A_1157 : memref<1x256x128xf32, #tpu.memory_space<vmem>> -> memref<256x128xf32, #tpu.memory_space<vmem>>
    %dma_start3A_1159 = arith.constant 0 : i32
    %dma_start3A_1160 = tpu.memref_slice %arg4[%add3A_1152, %dma_start3A_1159] : memref<163840x128xf32, #tpu.memory_space<hbm>> -> memref<256x128xf32, #tpu.memory_space<hbm>>
    %dma_start3A_1161 = tpu.memref_slice %arg9[%dma_start3A_1154] : memref<2x!tpu.dma_semaphore, #tpu.memory_space<semaphore_mem>> -> memref<1x!tpu.dma_semaphore, #tpu.memory_space<semaphore_mem>>
    %dma_start3A_1162 = tpu.memref_squeeze %dma_start3A_1161 : memref<1x!tpu.dma_semaphore, #tpu.memory_space<semaphore_mem>> -> memref<!tpu.dma_semaphore, #tpu.memory_space<semaphore_mem>>
    %dma_start3A_1163 = arith.constant 0 : i32
    %dma_start3A_1164 = tpu.memref_slice %arg4[%add3A_1152, %dma_start3A_1163] : memref<163840x128xf32, #tpu.memory_space<hbm>> -> memref<256x128xf32, #tpu.memory_space<hbm>>
    %dma_start3A_1165 = arith.constant 0 : i32
    %dma_start3A_1166 = arith.constant 0 : i32
    %dma_start3A_1167 = tpu.memref_slice %arg6[%dma_start3A_1153, %dma_start3A_1165, %dma_start3A_1166] : memref<2x256x128xf32, #tpu.memory_space<vmem>> -> memref<1x256x128xf32, #tpu.memory_space<vmem>>
    %dma_start3A_1168 = tpu.memref_squeeze %dma_start3A_1167 : memref<1x256x128xf32, #tpu.memory_space<vmem>> -> memref<256x128xf32, #tpu.memory_space<vmem>>
    tpu.enqueue_dma source(%dma_start3A_1168 : memref<256x128xf32, #tpu.memory_space<vmem>>) target(%dma_start3A_1164 : memref<256x128xf32, #tpu.memory_space<hbm>>) target_semaphore(%dma_start3A_1162 : memref<!tpu.dma_semaphore, #tpu.memory_space<semaphore_mem>>)
    %dma_wait3A_1169 = arith.constant 0 : i32
    %dma_wait3A_1170 = arith.constant 0 : i32
    %dma_wait3A_1171 = arith.constant 0 : i32
    %dma_wait3A_1172 = arith.constant 0 : i32
    %dma_wait3A_1173 = tpu.memref_slice %arg6[%dma_wait3A_1169, %dma_wait3A_1171, %dma_wait3A_1172] : memref<2x256x128xf32, #tpu.memory_space<vmem>> -> memref<1x256x128xf32, #tpu.memory_space<vmem>>
    %dma_wait3A_1174 = tpu.memref_squeeze %dma_wait3A_1173 : memref<1x256x128xf32, #tpu.memory_space<vmem>> -> memref<256x128xf32, #tpu.memory_space<vmem>>
    %dma_wait3A_1175 = arith.constant 0 : i32
    %dma_wait3A_1176 = tpu.memref_slice %arg4[%add3A_1121, %dma_wait3A_1175] : memref<163840x128xf32, #tpu.memory_space<hbm>> -> memref<256x128xf32, #tpu.memory_space<hbm>>
    %dma_wait3A_1177 = tpu.memref_slice %arg9[%dma_wait3A_1170] : memref<2x!tpu.dma_semaphore, #tpu.memory_space<semaphore_mem>> -> memref<1x!tpu.dma_semaphore, #tpu.memory_space<semaphore_mem>>
    %dma_wait3A_1178 = tpu.memref_squeeze %dma_wait3A_1177 : memref<1x!tpu.dma_semaphore, #tpu.memory_space<semaphore_mem>> -> memref<!tpu.dma_semaphore, #tpu.memory_space<semaphore_mem>>
    %dma_wait3A_1179 = arith.constant 0 : i32
    %dma_wait3A_1180 = tpu.memref_slice %arg4[%add3A_1121, %dma_wait3A_1179] : memref<163840x128xf32, #tpu.memory_space<hbm>> -> memref<256x128xf32, #tpu.memory_space<hbm>>
    %dma_wait3A_1181 = arith.constant 0 : i32
    %dma_wait3A_1182 = arith.constant 0 : i32
    %dma_wait3A_1183 = tpu.memref_slice %arg6[%dma_wait3A_1169, %dma_wait3A_1181, %dma_wait3A_1182] : memref<2x256x128xf32, #tpu.memory_space<vmem>> -> memref<1x256x128xf32, #tpu.memory_space<vmem>>
    %dma_wait3A_1184 = tpu.memref_squeeze %dma_wait3A_1183 : memref<1x256x128xf32, #tpu.memory_space<vmem>> -> memref<256x128xf32, #tpu.memory_space<vmem>>
    tpu.wait_dma2 semaphore(%dma_wait3A_1178 : memref<!tpu.dma_semaphore, #tpu.memory_space<semaphore_mem>>) src(%dma_wait3A_1184 : memref<256x128xf32, #tpu.memory_space<vmem>>) dst(%dma_wait3A_1180 : memref<256x128xf32, #tpu.memory_space<hbm>>)
    %dma_wait3A_1185 = arith.constant 1 : i32
    %dma_wait3A_1186 = arith.constant 1 : i32
    %dma_wait3A_1187 = arith.constant 0 : i32
    %dma_wait3A_1188 = arith.constant 0 : i32
    %dma_wait3A_1189 = tpu.memref_slice %arg6[%dma_wait3A_1185, %dma_wait3A_1187, %dma_wait3A_1188] : memref<2x256x128xf32, #tpu.memory_space<vmem>> -> memref<1x256x128xf32, #tpu.memory_space<vmem>>
    %dma_wait3A_1190 = tpu.memref_squeeze %dma_wait3A_1189 : memref<1x256x128xf32, #tpu.memory_space<vmem>> -> memref<256x128xf32, #tpu.memory_space<vmem>>
    %dma_wait3A_1191 = arith.constant 0 : i32
    %dma_wait3A_1192 = tpu.memref_slice %arg4[%add3A_1152, %dma_wait3A_1191] : memref<163840x128xf32, #tpu.memory_space<hbm>> -> memref<256x128xf32, #tpu.memory_space<hbm>>
    %dma_wait3A_1193 = tpu.memref_slice %arg9[%dma_wait3A_1186] : memref<2x!tpu.dma_semaphore, #tpu.memory_space<semaphore_mem>> -> memref<1x!tpu.dma_semaphore, #tpu.memory_space<semaphore_mem>>
    %dma_wait3A_1194 = tpu.memref_squeeze %dma_wait3A_1193 : memref<1x!tpu.dma_semaphore, #tpu.memory_space<semaphore_mem>> -> memref<!tpu.dma_semaphore, #tpu.memory_space<semaphore_mem>>
    %dma_wait3A_1195 = arith.constant 0 : i32
    %dma_wait3A_1196 = tpu.memref_slice %arg4[%add3A_1152, %dma_wait3A_1195] : memref<163840x128xf32, #tpu.memory_space<hbm>> -> memref<256x128xf32, #tpu.memory_space<hbm>>
    %dma_wait3A_1197 = arith.constant 0 : i32
    %dma_wait3A_1198 = arith.constant 0 : i32
    %dma_wait3A_1199 = tpu.memref_slice %arg6[%dma_wait3A_1185, %dma_wait3A_1197, %dma_wait3A_1198] : memref<2x256x128xf32, #tpu.memory_space<vmem>> -> memref<1x256x128xf32, #tpu.memory_space<vmem>>
    %dma_wait3A_1200 = tpu.memref_squeeze %dma_wait3A_1199 : memref<1x256x128xf32, #tpu.memory_space<vmem>> -> memref<256x128xf32, #tpu.memory_space<vmem>>
    tpu.wait_dma2 semaphore(%dma_wait3A_1194 : memref<!tpu.dma_semaphore, #tpu.memory_space<semaphore_mem>>) src(%dma_wait3A_1200 : memref<256x128xf32, #tpu.memory_space<vmem>>) dst(%dma_wait3A_1196 : memref<256x128xf32, #tpu.memory_space<hbm>>)
    return
  }
}

module attributes {stable_mosaic.version = 14 : i64} {
  func.func @body(%arg0: memref<16384x1xi32, #tpu.memory_space<vmem>>, %arg1: memref<16384x20xi32, #tpu.memory_space<vmem>>) attributes {dimension_semantics = [], scalar_prefetch = 0 : i64, scratch_operands = 0 : i64, tpu.core_type = #tpu.core_type<tc>} {
    %get3A = arith.constant 0 : index
    %get3A_0 = arith.constant 0 : index
    %get3A_1 = vector.load %arg0[%get3A, %get3A_0] : memref<16384x1xi32, #tpu.memory_space<vmem>>, vector<16384x1xi32>
    %mul3A = arith.constant 20 : i32
    %mul3A_2 = vector.broadcast %mul3A : i32 to vector<16384x1xi32>
    %mul3A_3 = arith.muli %get3A_1, %mul3A_2 : vector<16384x1xi32>
    %iota3A = tpu.iota {dimensions = array<i32: 1>} : vector<16384x20xi32>
    %add3A = vector.broadcast %mul3A_3 : vector<16384x1xi32> to vector<16384x20xi32>
    %add3A_4 = arith.addi %add3A, %iota3A : vector<16384x20xi32>
    %swap3A = arith.constant 0 : index
    %swap3A_5 = arith.constant 0 : index
    %swap3A_6 = vector.load %arg1[%swap3A, %swap3A_5] : memref<16384x20xi32, #tpu.memory_space<vmem>>, vector<16384x20xi32>
    tpu.vector_store %arg1[%swap3A, %swap3A_5], %add3A_4 {strides = array<i32>} : memref<16384x20xi32, #tpu.memory_space<vmem>>, vector<16384x20xi32>,
    return
  }
}

module attributes {stable_mosaic.version = 14 : i64} {
  func.func @_mm_body(%arg0: i32, %arg1: memref<1000x2048xf32, #tpu.memory_space<vmem>>, %arg2: memref<128x2048xf32, #tpu.memory_space<vmem>>, %arg3: memref<1000x128xf32, #tpu.memory_space<vmem>>) attributes {dimension_semantics = [#tpu.dimension_semantics<arbitrary>], iteration_bounds = array<i64: 100>, scalar_prefetch = 0 : i64, scratch_operands = 0 : i64, tpu.core_type = #tpu.core_type<tc>, window_params = [{transform_indices = @transform_0, window_bounds = array<i64: 1000, 2048>}, {pipeline_mode = #tpu.pipeline_mode<synchronous>, transform_indices = @transform_1, window_bounds = array<i64: 128, 2048>}, {transform_indices = @transform_2, window_bounds = array<i64: 1000, 128>}]} {
    %get3A = arith.constant 0 : index
    %get3A_0 = arith.constant 0 : index
    %get3A_1 = vector.load %arg1[%get3A, %get3A_0] : memref<1000x2048xf32, #tpu.memory_space<vmem>>, vector<1000x2048xf32>
    %get3A_2 = arith.constant 0 : index
    %get3A_3 = arith.constant 0 : index
    %get3A_4 = vector.load %arg2[%get3A_2, %get3A_3] : memref<128x2048xf32, #tpu.memory_space<vmem>>, vector<128x2048xf32>
    %dot_general3A = arith.constant dense<0.000000e+00> : vector<1000x128xf32>
    %dot_general3A_5 = tpu.matmul %get3A_1, %get3A_4, %dot_general3A {dimension_numbers = #tpu.dot_dimension_numbers<[1], [1], [0], [0], [0, 0, 1, 0], [], []>, transpose_lhs_hint = false} : vector<1000x2048xf32>, vector<128x2048xf32>, vector<1000x128xf32> -> vector<1000x128xf32>
    %swap3A = arith.constant 0 : index
    %swap3A_6 = arith.constant 0 : index
    %swap3A_7 = vector.load %arg3[%swap3A, %swap3A_6] : memref<1000x128xf32, #tpu.memory_space<vmem>>, vector<1000x128xf32>
    tpu.vector_store %arg3[%swap3A, %swap3A_6], %dot_general3A_5 {strides = array<i32>} : memref<1000x128xf32, #tpu.memory_space<vmem>>, vector<1000x128xf32>,
    return
  }
  func.func @transform_0(%arg0: i32) -> (i32, i32) {
    %c0_i32 = arith.constant 0 : i32
    %c0_i32_0 = arith.constant 0 : i32
    return %arg0, %c0_i32 : i32, i32
  }
  func.func @transform_1(%arg0: i32) -> (i32, i32) {
    %c0_i32 = arith.constant 0 : i32
    %c0_i32_0 = arith.constant 0 : i32
    %c0_i32_1 = arith.constant 0 : i32
    return %c0_i32, %c0_i32_0 : i32, i32
  }
  func.func @transform_2(%arg0: i32) -> (i32, i32) {
    %c0_i32 = arith.constant 0 : i32
    %c0_i32_0 = arith.constant 0 : i32
    return %arg0, %c0_i32 : i32, i32
  }
}

module attributes {stable_mosaic.version = 14 : i64} {
  func.func @_pool_body(%arg0: i32, %arg1: memref<1x512x20xf32, #tpu.memory_space<vmem>>, %arg2: memref<32x512x20xf32, #tpu.memory_space<vmem>>, %arg3: memref<10240x128xf32, #tpu.memory_space<vmem>>, %arg4: memref<128x512xf32, #tpu.memory_space<vmem>>, %arg5: memref<128x512xf32, #tpu.memory_space<vmem>>, %arg6: memref<128x512xf32, #tpu.memory_space<vmem>>, %arg7: memref<1x128xf32, #tpu.memory_space<vmem>>, %arg8: memref<512x128xf32, #tpu.memory_space<vmem>>, %arg9: memref<1xf32, #tpu.memory_space<smem>>) attributes {dimension_semantics = [#tpu.dimension_semantics<arbitrary>], iteration_bounds = array<i64: 16>, scalar_prefetch = 0 : i64, scratch_operands = 1 : i64, tpu.core_type = #tpu.core_type<tc>, window_params = [{transform_indices = @transform_0, window_bounds = array<i64: 1, 512, 20>}, {pipeline_mode = #tpu.pipeline_mode<synchronous>, transform_indices = @transform_1, window_bounds = array<i64: 32, 512, 20>}, {transform_indices = @transform_2, window_bounds = array<i64: 10240, 128>}, {pipeline_mode = #tpu.pipeline_mode<synchronous>, transform_indices = @transform_3, window_bounds = array<i64: 128, 512>}, {pipeline_mode = #tpu.pipeline_mode<synchronous>, transform_indices = @transform_4, window_bounds = array<i64: 128, 512>}, {pipeline_mode = #tpu.pipeline_mode<synchronous>, transform_indices = @transform_5, window_bounds = array<i64: 128, 512>}, {pipeline_mode = #tpu.pipeline_mode<synchronous>, transform_indices = @transform_6, window_bounds = array<i64: 1, 128>}, {transform_indices = @transform_7, window_bounds = array<i64: 512, 128>}]} {
    %eq3A = arith.constant 0 : i32
    %eq3A_0 = arith.cmpi eq, %arg0, %eq3A : i32
    %convert_element_type3A = arith.extui %eq3A_0 : i1 to i32
    %cond3A = arith.constant 0 : i32
    %cond3A_1 = arith.cmpi ne, %convert_element_type3A, %cond3A : i32
    scf.if %cond3A_1 {
      %get3A_92 = arith.constant 0 : index
      %get3A_93 = arith.constant 0 : index
      %get3A_94 = arith.constant 0 : index
      %get3A_95 = vector.load %arg2[%get3A_92, %get3A_93, %get3A_94] : memref<32x512x20xf32, #tpu.memory_space<vmem>>, vector<32x512x20xf32>
      %reduce_sum3A_96 = arith.constant dense<0.000000e+00> : vector<32x512xf32>
      %reduce_sum3A_97 = vector.multi_reduction <add>, %get3A_95, %reduce_sum3A_96 [2] : vector<32x512x20xf32> to vector<32x512xf32>
      %log3A_98 = math.log %reduce_sum3A_97 : vector<32x512xf32>
      %reduce_sum3A_99 = vector.shape_cast %log3A_98 : vector<32x512xf32> to vector<1x32x512xf32>
      %reduce_sum3A_100 = arith.constant dense<0.000000e+00> : vector<1xf32>
      %reduce_sum3A_101 = vector.multi_reduction <add>, %reduce_sum3A_99, %reduce_sum3A_100 [1, 2] : vector<1x32x512xf32> to vector<1xf32>
      %reduce_sum3A_102 = vector.shape_cast %reduce_sum3A_101 : vector<1xf32> to vector<1x1x1xf32>
      %reduce_sum3A_103 = vector.extract %reduce_sum3A_102[0, 0, 0] : f32 from vector<1x1x1xf32>
      %div3A_104 = arith.constant 1.638400e+04 : f32
      %div3A_105 = arith.divf %reduce_sum3A_103, %div3A_104 : f32
      %swap3A_106 = arith.constant 0 : index
      %swap3A_107 = memref.load %arg9[%swap3A_106] : memref<1xf32, #tpu.memory_space<smem>>
      memref.store %div3A_105, %arg9[%swap3A_106] : memref<1xf32, #tpu.memory_space<smem>>
    } else {
    }
    %get3A = arith.constant 0 : index
    %get3A_2 = arith.constant 0 : index
    %get3A_3 = arith.constant 0 : index
    %get3A_4 = vector.load %arg1[%get3A, %get3A_2, %get3A_3] : memref<1x512x20xf32, #tpu.memory_space<vmem>>, vector<1x512x20xf32>
    %get3A_5 = vector.shape_cast %get3A_4 : vector<1x512x20xf32> to vector<512x20xf32>
    %broadcast_in_dim3A = vector.shape_cast %get3A_5 : vector<512x20xf32> to vector<512x20x1xf32>
    %gt3A = arith.constant 0.000000e+00 : f32
    %gt3A_6 = vector.broadcast %gt3A : f32 to vector<512x20x1xf32>
    %gt3A_7 = arith.cmpf ogt, %broadcast_in_dim3A, %gt3A_6 : vector<512x20x1xf32>
    %get3A_8 = arith.constant 0 : index
    %get3A_9 = arith.constant 0 : index
    %get3A_10 = vector.load %arg3[%get3A_8, %get3A_9] : memref<10240x128xf32, #tpu.memory_space<vmem>>, vector<10240x128xf32>
    %reshape3A = vector.shape_cast %get3A_10 : vector<10240x128xf32> to vector<512x20x128xf32>
    %jit3A = arith.constant 0.000000e+00 : f32
    %broadcast_in_dim3A_11 = vector.shape_cast %gt3A_7 : vector<512x20x1xi1> to vector<512x20x1xi1>
    %broadcast_in_dim3A_12 = vector.broadcast %broadcast_in_dim3A_11 : vector<512x20x1xi1> to vector<512x20x128xi1>
    %broadcast_in_dim3A_13 = vector.broadcast %jit3A : f32 to vector<512x20x128xf32>
    %select_n3A = arith.select %broadcast_in_dim3A_12, %reshape3A, %broadcast_in_dim3A_13 : vector<512x20x128xi1>, vector<512x20x128xf32>
    %reduce_sum3A = arith.constant dense<0.000000e+00> : vector<512x128xf32>
    %reduce_sum3A_14 = vector.multi_reduction <add>, %select_n3A, %reduce_sum3A [1] : vector<512x20x128xf32> to vector<512x128xf32>
    %mul3A = arith.mulf %select_n3A, %select_n3A : vector<512x20x128xf32>
    %reduce_sum3A_15 = arith.constant dense<0.000000e+00> : vector<512x128xf32>
    %reduce_sum3A_16 = vector.multi_reduction <add>, %mul3A, %reduce_sum3A_15 [1] : vector<512x20x128xf32> to vector<512x128xf32>
    %jit3A_17 = arith.constant -1.000000e+10 : f32
    %broadcast_in_dim3A_18 = vector.shape_cast %gt3A_7 : vector<512x20x1xi1> to vector<512x20x1xi1>
    %broadcast_in_dim3A_19 = vector.broadcast %broadcast_in_dim3A_18 : vector<512x20x1xi1> to vector<512x20x128xi1>
    %broadcast_in_dim3A_20 = vector.broadcast %jit3A_17 : f32 to vector<512x20x128xf32>
    %select_n3A_21 = arith.select %broadcast_in_dim3A_19, %reshape3A, %broadcast_in_dim3A_20 : vector<512x20x128xi1>, vector<512x20x128xf32>
    %reduce_max3A = arith.constant dense<0xFF800000> : vector<512x128xf32>
    %reduce_max3A_22 = vector.multi_reduction <maximumf>, %select_n3A_21, %reduce_max3A [1] : vector<512x20x128xf32> to vector<512x128xf32>
    %jit3A_23 = arith.constant 1.000000e+10 : f32
    %broadcast_in_dim3A_24 = vector.shape_cast %gt3A_7 : vector<512x20x1xi1> to vector<512x20x1xi1>
    %broadcast_in_dim3A_25 = vector.broadcast %broadcast_in_dim3A_24 : vector<512x20x1xi1> to vector<512x20x128xi1>
    %broadcast_in_dim3A_26 = vector.broadcast %jit3A_23 : f32 to vector<512x20x128xf32>
    %select_n3A_27 = arith.select %broadcast_in_dim3A_25, %reshape3A, %broadcast_in_dim3A_26 : vector<512x20x128xi1>, vector<512x20x128xf32>
    %reduce_min3A = arith.constant dense<0x7F800000> : vector<512x128xf32>
    %reduce_min3A_28 = vector.multi_reduction <minimumf>, %select_n3A_27, %reduce_min3A [1] : vector<512x20x128xf32> to vector<512x128xf32>
    %reduce_sum3A_29 = arith.constant dense<0.000000e+00> : vector<512xf32>
    %reduce_sum3A_30 = vector.multi_reduction <add>, %get3A_5, %reduce_sum3A_29 [1] : vector<512x20xf32> to vector<512xf32>
    %broadcast_in_dim3A_31 = vector.shape_cast %reduce_sum3A_30 : vector<512xf32> to vector<512x1xf32>
    %add3A = arith.constant 1.000000e-10 : f32
    %add3A_32 = vector.broadcast %add3A : f32 to vector<512x1xf32>
    %add3A_33 = arith.addf %broadcast_in_dim3A_31, %add3A_32 : vector<512x1xf32>
    %div3A = vector.broadcast %add3A_33 : vector<512x1xf32> to vector<512x128xf32>
    %div3A_34 = arith.divf %reduce_sum3A_14, %div3A : vector<512x128xf32>
    %add3A_35 = arith.constant 1.000000e-10 : f32
    %add3A_36 = vector.broadcast %add3A_35 : f32 to vector<512x1xf32>
    %add3A_37 = arith.addf %broadcast_in_dim3A_31, %add3A_36 : vector<512x1xf32>
    %div3A_38 = vector.broadcast %add3A_37 : vector<512x1xf32> to vector<512x128xf32>
    %div3A_39 = arith.divf %reduce_sum3A_16, %div3A_38 : vector<512x128xf32>
    %mul3A_40 = arith.mulf %div3A_34, %div3A_34 : vector<512x128xf32>
    %sub3A = arith.subf %div3A_39, %mul3A_40 : vector<512x128xf32>
    %jit3A_41 = arith.constant 9.99999997E-7 : f32
    %max3A = vector.broadcast %jit3A_41 : f32 to vector<512x128xf32>
    %max3A_42 = arith.maximumf %max3A, %sub3A : vector<512x128xf32>
    %sqrt3A = math.sqrt %max3A_42 : vector<512x128xf32>
    %concatenate3A = tpu.concatenate %div3A_34, %reduce_max3A_22, %reduce_min3A_28, %sqrt3A in 1 : vector<512x128xf32>, vector<512x128xf32>, vector<512x128xf32>, vector<512x128xf32> -> vector<512x512xf32>
    %get3A_43 = arith.constant 0 : index
    %get3A_44 = memref.load %arg9[%get3A_43] : memref<1xf32, #tpu.memory_space<smem>>
    %log3A = math.log %broadcast_in_dim3A_31 : vector<512x1xf32>
    %add3A_45 = arith.constant 1.000000e-10 : f32
    %add3A_46 = arith.addf %get3A_44, %add3A_45 : f32
    %div3A_47 = vector.broadcast %add3A_46 : f32 to vector<512x1xf32>
    %div3A_48 = arith.divf %log3A, %div3A_47 : vector<512x1xf32>
    %jit3A_49 = arith.constant 0.00999999977 : f32
    %max3A_50 = vector.broadcast %jit3A_49 : f32 to vector<512x1xf32>
    %max3A_51 = arith.maximumf %max3A_50, %div3A_48 : vector<512x1xf32>
    %div3A_52 = arith.constant 1.000000e+00 : f32
    %div3A_53 = vector.broadcast %div3A_52 : f32 to vector<512x1xf32>
    %div3A_54 = arith.divf %div3A_53, %max3A_51 : vector<512x1xf32>
    %get3A_55 = arith.constant 0 : index
    %get3A_56 = arith.constant 0 : index
    %get3A_57 = vector.load %arg4[%get3A_55, %get3A_56] : memref<128x512xf32, #tpu.memory_space<vmem>>, vector<128x512xf32>
    %dot_general3A = arith.constant dense<0.000000e+00> : vector<512x128xf32>
    %dot_general3A_58 = tpu.matmul %concatenate3A, %get3A_57, %dot_general3A {dimension_numbers = #tpu.dot_dimension_numbers<[1], [1], [0], [0], [0, 0, 1, 0], [], []>, transpose_lhs_hint = false} : vector<512x512xf32>, vector<128x512xf32>, vector<512x128xf32> -> vector<512x128xf32>
    %get3A_59 = arith.constant 0 : index
    %get3A_60 = arith.constant 0 : index
    %get3A_61 = vector.load %arg5[%get3A_59, %get3A_60] : memref<128x512xf32, #tpu.memory_space<vmem>>, vector<128x512xf32>
    %dot_general3A_62 = arith.constant dense<0.000000e+00> : vector<512x128xf32>
    %dot_general3A_63 = tpu.matmul %concatenate3A, %get3A_61, %dot_general3A_62 {dimension_numbers = #tpu.dot_dimension_numbers<[1], [1], [0], [0], [0, 0, 1, 0], [], []>, transpose_lhs_hint = false} : vector<512x512xf32>, vector<128x512xf32>, vector<512x128xf32> -> vector<512x128xf32>
    %get3A_64 = arith.constant 0 : index
    %get3A_65 = arith.constant 0 : index
    %get3A_66 = vector.load %arg6[%get3A_64, %get3A_65] : memref<128x512xf32, #tpu.memory_space<vmem>>, vector<128x512xf32>
    %dot_general3A_67 = arith.constant dense<0.000000e+00> : vector<512x128xf32>
    %dot_general3A_68 = tpu.matmul %concatenate3A, %get3A_66, %dot_general3A_67 {dimension_numbers = #tpu.dot_dimension_numbers<[1], [1], [0], [0], [0, 0, 1, 0], [], []>, transpose_lhs_hint = false} : vector<512x512xf32>, vector<128x512xf32>, vector<512x128xf32> -> vector<512x128xf32>
    %mul3A_69 = vector.broadcast %div3A_48 : vector<512x1xf32> to vector<512x128xf32>
    %mul3A_70 = arith.mulf %mul3A_69, %dot_general3A_63 : vector<512x128xf32>
    %add3A_71 = arith.addf %dot_general3A_58, %mul3A_70 : vector<512x128xf32>
    %mul3A_72 = vector.broadcast %div3A_54 : vector<512x1xf32> to vector<512x128xf32>
    %mul3A_73 = arith.mulf %mul3A_72, %dot_general3A_68 : vector<512x128xf32>
    %add3A_74 = arith.addf %add3A_71, %mul3A_73 : vector<512x128xf32>
    %get3A_75 = arith.constant 0 : index
    %get3A_76 = arith.constant 0 : index
    %get3A_77 = vector.load %arg7[%get3A_75, %get3A_76] : memref<1x128xf32, #tpu.memory_space<vmem>>, vector<1x128xf32>
    %add3A_78 = vector.broadcast %get3A_77 : vector<1x128xf32> to vector<512x128xf32>
    %add3A_79 = arith.addf %add3A_74, %add3A_78 : vector<512x128xf32>
    %mul3A_80 = arith.mulf %add3A_79, %add3A_79 : vector<512x128xf32>
    %reduce_sum3A_81 = arith.constant dense<0.000000e+00> : vector<512xf32>
    %reduce_sum3A_82 = vector.multi_reduction <add>, %mul3A_80, %reduce_sum3A_81 [1] : vector<512x128xf32> to vector<512xf32>
    %broadcast_in_dim3A_83 = vector.shape_cast %reduce_sum3A_82 : vector<512xf32> to vector<512x1xf32>
    %sqrt3A_84 = math.sqrt %broadcast_in_dim3A_83 : vector<512x1xf32>
    %jit3A_85 = arith.constant 9.99999996E-13 : f32
    %max3A_86 = vector.broadcast %jit3A_85 : f32 to vector<512x1xf32>
    %max3A_87 = arith.maximumf %max3A_86, %sqrt3A_84 : vector<512x1xf32>
    %div3A_88 = vector.broadcast %max3A_87 : vector<512x1xf32> to vector<512x128xf32>
    %div3A_89 = arith.divf %add3A_79, %div3A_88 : vector<512x128xf32>
    %swap3A = arith.constant 0 : index
    %swap3A_90 = arith.constant 0 : index
    %swap3A_91 = vector.load %arg8[%swap3A, %swap3A_90] : memref<512x128xf32, #tpu.memory_space<vmem>>, vector<512x128xf32>
    tpu.vector_store %arg8[%swap3A, %swap3A_90], %div3A_89 {strides = array<i32>} : memref<512x128xf32, #tpu.memory_space<vmem>>, vector<512x128xf32>,
    return
  }
  func.func @transform_0(%arg0: i32) -> (i32, i32, i32) {
    %c0_i32 = arith.constant 0 : i32
    %c0_i32_0 = arith.constant 0 : i32
    %c0_i32_1 = arith.constant 0 : i32
    return %arg0, %c0_i32, %c0_i32_0 : i32, i32, i32
  }
  func.func @transform_1(%arg0: i32) -> (i32, i32, i32) {
    %c0_i32 = arith.constant 0 : i32
    %c0_i32_0 = arith.constant 0 : i32
    %c0_i32_1 = arith.constant 0 : i32
    %c0_i32_2 = arith.constant 0 : i32
    return %c0_i32, %c0_i32_0, %c0_i32_1 : i32, i32, i32
  }
  func.func @transform_2(%arg0: i32) -> (i32, i32) {
    %c0_i32 = arith.constant 0 : i32
    %c0_i32_0 = arith.constant 0 : i32
    return %arg0, %c0_i32 : i32, i32
  }
  func.func @transform_3(%arg0: i32) -> (i32, i32) {
    %c0_i32 = arith.constant 0 : i32
    %c0_i32_0 = arith.constant 0 : i32
    %c0_i32_1 = arith.constant 0 : i32
    return %c0_i32, %c0_i32_0 : i32, i32
  }
  func.func @transform_4(%arg0: i32) -> (i32, i32) {
    %c0_i32 = arith.constant 0 : i32
    %c0_i32_0 = arith.constant 0 : i32
    %c0_i32_1 = arith.constant 0 : i32
    return %c0_i32, %c0_i32_0 : i32, i32
  }
  func.func @transform_5(%arg0: i32) -> (i32, i32) {
    %c0_i32 = arith.constant 0 : i32
    %c0_i32_0 = arith.constant 0 : i32
    %c0_i32_1 = arith.constant 0 : i32
    return %c0_i32, %c0_i32_0 : i32, i32
  }
  func.func @transform_6(%arg0: i32) -> (i32, i32) {
    %c0_i32 = arith.constant 0 : i32
    %c0_i32_0 = arith.constant 0 : i32
    %c0_i32_1 = arith.constant 0 : i32
    return %c0_i32, %c0_i32_0 : i32, i32
  }
  func.func @transform_7(%arg0: i32) -> (i32, i32) {
    %c0_i32 = arith.constant 0 : i32
    %c0_i32_0 = arith.constant 0 : i32
    return %arg0, %c0_i32 : i32, i32
  }
}

</mosaic_0001>

<sc_bundles>
// kernel: kernel.12.cloned.1.call-start
scs
__scs_entry_jumppad:
0x0: {  	(pc) =	sbr.rel $0x88, $3  }
0x1: {  	(tag) =	ssettag $0x0;
	lr =	simm.s32 $0x1  }
0x2: {  	[smem:$0x3F9B] =	sst lr;
	_ =	strace $0xD0000000  }
0x3: {  	_ = 	snop  }
0x4: {  	_ = 	snop  }
0x5: {  	_ = 	snop  }
0x6: {  	_ = 	snop  }
0x7: {  	_ = 	snop  }
__scs_overlays_trampoline_lowered:
0x8: {  	[smem:$0x3FAA] =	sst s0  }
0x9: {  	[smem:$0x3FAB] =	sst s1  }
0xa: {  	[smem:$0x3FAC] =	sst s2  }
0xb: {  	[smem:$0x3FAD] =	sst s3  }
0xc: {  	[smem:$0x3FAE] =	sst s4  }
0xd: {  	[smem:$0x3FAF] =	sst s5  }
0xe: {  	[smem:$0x3FB0] =	sst s6  }
0xf: {  	[smem:$0x3FB1] =	sst s7  }
0x10: {  	[smem:$0x3FB2] =	sst s8  }
0x11: {  	[smem:$0x3FB3] =	sst s9;
	s0 =	simm.s32 @!p0 $0x0  }
0x12: {  	s1 =	sld [smem:$0x3F99];
	s0 =	simm.s32 @p0 $0x1  }
0x13: {  	[smem:$0x3FB4] =	sst s0;
	s0 =	simm.s32 @!p1 $0x0  }
0x14: {  	s2 =	sld [smem:$0x3F98];
	s0 =	simm.s32 @p1 $0x1  }
0x15: {  	[smem:$0x3FB5] =	sst s0;
	s0 =	simm.s32 @!p2 $0x0  }
0x16: {  	s3 =	sld [smem:$0x3FDB];
	s0 =	simm.s32 @p2 $0x1  }
0x17: {  	s4 =	simm.s32 $0x1BF5;
	[smem:$0x3FB7] =	sst s0  }
0x18: {  	s0 =	sld [smem:$0x3F9A];
	_ =	swait.ge [sflag:s4], $0x0  }
0x19: {  	s7 =	sld [smem:$0x3F9B]  }
0x1a: {  	s8 =	sadd.s32 $0xFFFFE003, lr  }
0x1b: {  	s9 =	sadd.s32 $0xFFFFFEF7, lr;
	s5 =	simm.s32 $0xFFFFFFFF;
	p2 =	slt.u32 s8, $0xFFFFF086  }
0x1c: {  	p1 =	slt.u32 s9, $0xF7A;
	s5 =	simm.s32 @!p2 $0x0  }
0x1d: {  	s5 =	simm.s32 @p1 $0x1;
	p0 =	seq.s32 s7, s2  }
0x1e: {  	s7 =	smul.u32 @!p0 $0xF7A, s2;
	p2 =	seq.s32 @!p0 s5, $0x0  }
0x1f: {  	s9 =	smul.u32 $0xF7A, s1;
	s8 =	simm.s32 @!p0 $0x1BF5;
	p2 =	por !p2, p0  }
0x20: {  	[sflag:s8] =	ssyncset.s32 @!p0 $0xFFFFF086;
	s6 =	sadd.s32 @!p0 s3, s7;
	s7 =	simm.s32 @!p0 $0x108  }
0x21: {  	s3 =	sadd.s32 s3, s9;
	s6 =	sadd.s32 @!p0 $0x88, s6;
	s7 =	simm.s32 @p2 $0x1082  }
0x22: {  	[simem:s7], [sflag:s8] =	dma.local @!p0 [hbm:s6], $0xF7A  }
0x23: {  	s9 =	sor.u32 $0xD0000000, s2;
	s6 =	simm.s32 $0x108;
	_ =	swait.ge @!p0 [sflag:s8], $0x0  }
0x24: {  	s3 =	sadd.s32 $0x88, s3;
	s6 =	simm.s32 @!p1 $0x1082;
	[sflag:s4] =	ssyncset.s32 $0xFFFFF086  }
0x25: {  	[simem:s6], [sflag:s4] =	dma.local [hbm:s3], $0xF7A  }
0x26: {  	[smem:$0x3F9B] =	sst s1;
	(tag) =	ssettag s2;
	_ =	strace s9  }
0x27: {  	s1 =	sld [smem:$0x3FAB]  }
0x28: {  	s2 =	sld [smem:$0x3FAC]  }
0x29: {  	s4 =	sld [smem:$0x3FAE]  }
0x2a: {  	p0 =	seq.s32 s5, $0x0;
	s5 =	sld [smem:$0x3FAF]  }
0x2b: {  	s6 =	sld [smem:$0x3FB0]  }
0x2c: {  	s7 =	sld [smem:$0x3FB1]  }
0x2d: {  	s3 =	simm.s32 $0x108;
	s8 =	sld [smem:$0x3FB2]  }
0x2e: {  	s3 =	simm.s32 @!p0 $0x1082;
	s9 =	sld [smem:$0x3FB3]  }
0x2f: {  	lr =	sadd.s32 s0, s3;
	s0 =	sld [smem:$0x3FAA]  }
0x30: {  	s3 =	sld [smem:$0x3FAD]  }
0x31: {  	[smem:$0x3FB6] =	sst s10  }
0x32: {  	s10 =	sld [smem:$0x3FB4];
	_ =	sdelay $0x3  }
0x33: {  	p0 =	seq.s32 s10, $0x1;
	s10 =	sld [smem:$0x3FB6];
	_ =	sdelay $0x3  }
0x34: {  	[smem:$0x3FB6] =	sst s10  }
0x35: {  	s10 =	sld [smem:$0x3FB5];
	_ =	sdelay $0x3  }
0x36: {  	p1 =	seq.s32 s10, $0x1;
	s10 =	sld [smem:$0x3FB6];
	_ =	sdelay $0x3  }
0x37: {  	[smem:$0x3FB6] =	sst s10  }
0x38: {  	s10 =	sld [smem:$0x3FB7]  }
0x39: {  	_ = 	snop;
	(pc) =	sbr.ind lr, $3  }
0x3a: {  	_ = 	snop  }
0x3b: {  	_ = 	snop  }
0x3c: {  	p2 =	seq.s32 s10, $0x1;
	s10 =	sld [smem:$0x3FB6]  }
0x3d: {  	_ =	shalt  }
0x3e: {  	_ =	shalt  }
0x3f: {  	_ =	shalt  }
0x40: {  	_ =	shalt  }
0x41: {  	_ =	shalt  }
0x42: {  	_ =	shalt  }
0x43: {  	_ =	shalt  }
0x44: {  	_ =	shalt  }
0x45: {  	_ =	shalt  }
0x46: {  	_ =	shalt  }
0x47: {  	_ =	shalt  }
0x48: {  	_ =	shalt  }
0x49: {  	_ =	shalt  }
0x4a: {  	_ =	shalt  }
0x4b: {  	_ =	shalt  }
0x4c: {  	_ =	shalt  }
0x4d: {  	_ =	shalt  }
0x4e: {  	_ =	shalt  }
0x4f: {  	_ =	shalt  }
0x50: {  	_ =	shalt  }
0x51: {  	_ =	shalt  }
0x52: {  	_ =	shalt  }
0x53: {  	_ =	shalt  }
0x54: {  	_ =	shalt  }
0x55: {  	_ =	shalt  }
0x56: {  	_ =	shalt  }
0x57: {  	_ =	shalt  }
0x58: {  	_ =	shalt  }
0x59: {  	_ =	shalt  }
0x5a: {  	_ =	shalt  }
0x5b: {  	_ =	shalt  }
0x5c: {  	_ =	shalt  }
0x5d: {  	_ =	shalt  }
0x5e: {  	_ =	shalt  }
0x5f: {  	_ =	shalt  }
0x60: {  	_ =	shalt  }
0x61: {  	_ =	shalt  }
0x62: {  	_ =	shalt  }
0x63: {  	_ =	shalt  }
0x64: {  	_ =	shalt  }
0x65: {  	_ =	shalt  }
0x66: {  	_ =	shalt  }
0x67: {  	_ =	shalt  }
0x68: {  	_ =	shalt  }
0x69: {  	_ =	shalt  }
0x6a: {  	_ =	shalt  }
0x6b: {  	_ =	shalt  }
0x6c: {  	_ =	shalt  }
0x6d: {  	_ =	shalt  }
0x6e: {  	_ =	shalt  }
0x6f: {  	_ =	shalt  }
0x70: {  	_ =	shalt  }
0x71: {  	_ =	shalt  }
0x72: {  	_ =	shalt  }
0x73: {  	_ =	shalt  }
0x74: {  	_ =	shalt  }
0x75: {  	_ =	shalt  }
0x76: {  	_ =	shalt  }
0x77: {  	_ =	shalt  }
0x78: {  	_ =	shalt  }
0x79: {  	_ =	shalt  }
0x7a: {  	_ =	shalt  }
0x7b: {  	_ =	shalt  }
0x7c: {  	_ =	shalt  }
0x7d: {  	_ =	shalt  }
0x7e: {  	_ =	shalt  }
0x7f: {  	_ =	shalt  }
0x80: {  	_ =	shalt  }
0x81: {  	_ =	shalt  }
0x82: {  	_ =	shalt  }
0x83: {  	_ =	shalt  }
0x84: {  	_ =	shalt  }
0x85: {  	_ =	shalt  }
0x86: {  	_ =	shalt  }
0x87: {  	_ =	shalt  }
.Lfunc_end0:
.L_simem_size_0:
called_computation.1_lowered:
.L_overlay_start_0:
0x88: {  	s2 =	sld [smem:$0x3FD9]  }
0x89: {  	s3 =	sld [smem:$0x3FFE];
	_ =	sdelay $0x1  }
0x8a: {  	s1 =	srdreg.scid  }
0x8b: {  	s0 =	sand.u32 $0x1, s1  }
0x8c: {  	s17 =	sshll.u32 s0, $0xA;
	s2 =	sadd.s32 s3, s2  }
0x8d: {  	s2 =	sadd.s32 s2, s17  }
0x8e: {  	[smem:$0x3FC2] =	sst s2  }
0x8f: {  	_ = 	snop  }
0x90: {  	s18 =	sld [smem:$0x3FD0];
	(tm) =	ssettm $0x1  }
0x91: {  	s19 =	sld [smem:$0x3FFB];
	_ =	sdelay $0x3  }
0x92: {  	_ =	strace s19  }
0x93: {  	s2 =	sld [smem:$0x3FFC];
	_ =	sdelay $0x3  }
0x94: {  	_ =	strace s2  }
0x95: {  	s2 =	sld [smem:$0x3FFD];
	_ =	sdelay $0x3  }
0x96: {  	_ =	strace s2  }
0x97: {  	_ =	strace $0x8FFFFFFF  }
0x98: {  	s20 =	sld [smem:$0x3FDB];
	_ =	sdelay $0x1  }
0x99: {  	s4 =	simm.s32 $_scs_section_size  }
0x9a: {  	s5 =	simm.s32 $_size__tile_overlayer_lowered;
	s6 =	simm.s32 $_tile_overlayer_lowered  }
0x9b: {  	s7 =	simm.s32 $0x1BFF;
	s21 =	sshll.u32 s6, $0x1;
	s4 =	sadd.s32 s4, s20  }
0x9c: {  	s22 =	simm.s32 $0x0;
	s5 =	sshll.u32 s5, $0x1;
	s6 =	sadd.s32 s21, s4  }
0x9d: {  	[timem:s22], [sflag:s7] =	dma.local [hbm:s6], s5  }
0x9e: {  	_ =	swait.ge [sflag:s7], s5  }
0x9f: {  	s5 =	ssub.s32 $0x0, s5;
	[sflag:s7] =	ssyncset.done $0x0  }
0xa0: {  	[sflag:s7] =	ssyncadd.s32 s5;
	_ =	sdelay $0x1  }
0xa1: {  	s23 =	simm.s32 $0x1B8B  }
0xa2: {  	_ =	swait.ge [sflag:s23], $0x1  }
0xa3: {  	[sflag:s23] =	ssyncset.done $0x0  }
0xa4: {  	[sflag:s23] =	ssyncadd.s32 $0xFFFFFFFF  }
0xa5: {  	s5 =	sld [smem:$0x0]  }
0xa6: {  	s6 =	sand.u32 $0xFFFFFFFE, s1  }
0xa7: {  	p0 =	sne.s32 s1, s6  }
0xa8: {  	s6 =	sshll.u32 @p0 s6, $0xE  }
0xa9: {  	s6 =	sadd.s32 @p0 $0x11B8D, s6;
	s7 =	sshll.u32 @p0 s5, $0x11  }
0xaa: {  	s6 =	sor.u32 @p0 s7, s6  }
0xab: {  	[sflag:s6] =	ssyncadd.remote.s32 @p0 $0x1;
	_ =	sdelay $0x1  }
0xac: {  	s6 =	simm.s32 @p0 $0x1B8D  }
0xad: {  	_ =	swait.eq @p0 [sflag:s6], $0x1  }
0xae: {  	[sflag:s6] =	ssyncadd.s32 @p0 $0xFFFFFFFF  }
0xaf: {  	s7 =	sshll.u32 @!p0 s1, $0xE  }
0xb0: {  	s7 =	sor.u32 @!p0 $0x4000, s7;
	s6 =	simm.s32 @!p0 $0x1B8D  }
0xb1: {  	s5 =	sshll.u32 @!p0 s5, $0x11;
	s7 =	sadd.s32 @!p0 $0x11B8D, s7;
	_ =	swait.eq @!p0 [sflag:s6], $0x1  }
0xb2: {  	s5 =	sor.u32 @!p0 s5, s7;
	[sflag:s6] =	ssyncadd.s32 @!p0 $0xFFFFFFFF  }
0xb3: {  	s25 =	simm.s32 $0x1B8E;
	s24 =	sld [smem:$0x3FFE];
	[sflag:s5] =	ssyncadd.remote.s32 @!p0 $0x1  }
0xb4: {  	s26 =	simm.s32 $execute0_lowered;
	[smem:$0x3FD2] =	sst s25  }
0xb5: {  	s6 =	sshll.u32 s26, $0x1;
	_ =	strace $0x8000004C;
	[dreg:$0x1] =	wrdreg $0xFFFFFFFF  }
0xb6: {  	s28 =	simm.s32 $_size_execute0_lowered;
	s4 =	sadd.s32 s4, s6;
	[dreg:$0x0] =	wrdreg $0x0  }
0xb7: {  	s6 =	sshll.u32 s28, $0x1;
	[dreg:$0x2] =	wrdreg s4  }
0xb8: {  	[dreg:$0x3] =	wrdreg s6  }
0xb9: {  	[dreg:$0x4] =	wrdreg $0xC0  }
0xba: {  	_ =	task [dreg:s22], $0x5FFFF  }
0xbb: {  	[dreg:$0x1] =	wrdreg $0xFFFFFFFF  }
0xbc: {  	[dreg:$0x0] =	wrdreg $0x60  }
0xbd: {  	[dreg:$0x2] =	wrdreg s18  }
0xbe: {  	[dreg:$0x3] =	wrdreg s24  }
0xbf: {  	[dreg:$0x4] =	wrdreg $0x9  }
0xc0: {  	_ =	task.clear_ibuf [dreg:s22], $0x5FFFF;
	_ =	strace $0x9000004C  }
0xc1: {  	s29 =	simm.s32 $0x9;
	_ =	strace $0x8000004E  }
0xc2: {  	_ =	swait.ge [sflag:s29], $0x1  }
0xc3: {  	[sflag:s29] =	ssyncadd.s32 $0xFFFFFFFF  }
0xc4: {  	_ =	strace $0x9000004E  }
0xc5: {  	_ =	sfence  }
0xc6: {  	s30 =	sld [smem:$0x0];
	_ =	sdelay $0x2  }
0xc7: {  	s31 =	sshll.u32 s1, $0xD;
	s1 =	sshrl.u32 s1, $0x2  }
0xc8: {  	s4 =	sand.u32 $0x4000, s31;
	s1 =	sadd.s32 s1, s30  }
0xc9: {  	s0 =	sor.u32 s4, s0;
	s1 =	sshll.u32 s1, $0x11  }
0xca: {  	s0 =	sor.u32 s1, s0  }
0xcb: {  	s0 =	sadd.s32 $0x8F2B, s0  }
0xcc: {  	[sflag:s0] =	ssyncadd.remote.s32 $0x1  }
0xcd: {  	_ =	sfence.sel $0xFFFF  }
0xce: {  	[dreg:$0x0] =	wrdreg $0xFFFFFFFF;
	(pc) =	sbr.abs _section_cstart, $3  }
0xcf: {  	[dreg:$0x1] =	wrdreg $0xFFFFFFFF  }
0xd0: {  	_ =	task.clear_ibuf [dreg:s22], $0x2FFFF;
	_ =	strace $0x9FFFFFFF  }
0xd1: {  	(tm) =	ssettm $0x7FFFFFFF  }
tec
execute0_lowered:
.L_overlay_start_1:
0x0: {  	(tag) =	ssettag $0x1  }
0x1: {  	s0 =	srdreg.scid;
	s2 =	stileid.u32  }
0x2: {  	s0 =	sand.u32 $0x1, s0;
	s2 =	sshll.u32 s2, $0x1  }
0x3: {  	s3 =	rddreg [dreg:$0x1];
	s4 =	sor.u32 s0, s2  }
0x4: {  	s1 =	rddreg [dreg:$0x0];
	s7 =	sadd.s32 $0x426600, s3;
	s5 =	smul.u32 $0x280, s4  }
0x5: {  	s2 =	simm.s32 $0x0;
	s0 =	ssub.s32 $0x2, s0;
	s6 =	smul.u32 $0x14000, s4  }
0x6: {  	[smem:$0x7FF] =	sst s2;
	s4 =	smul.u32 $0xA0000, s4;
	s24 =	sshrl.u32 s0, $0x1  }
0x7: {  	_ =	strace $0x8000004D;
	s1 =	sadd.s32 s1, s5;
	s22 =	sadd.s32 s7, s6  }
0x8: {  	s0 =	ssub.s32 s0, s24;
	[dreg:$0x3] =	wrdreg s1;
	s5 =	sadd.s32 $0x1000, s22  }
0x9: {  	s4 =	sshrl.u32 s4, $0x3;
	s6 =	sadd.s32 $0x2000, s22;
	[dreg:$0x4] =	wrdreg s5  }
0xa: {  	s0 =	smax.u32 s0, $0x1;
	s8 =	sadd.s32 $0x3000, s22;
	[dreg:$0x5] =	wrdreg s6  }
0xb: {  	s4 =	sadd.s32 s7, s4;
	p1 =	sne.s32 s0, $0x1;
	[dreg:$0x6] =	wrdreg s8  }
0xc: {  	s1 =	sadd.s32 $0xFFFFFFFF, s0;
	s9 =	sadd.s32 $0x4000, s4;
	s0 =	rddreg [dreg:$0x3]  }
0xd: {  	s10 =	sadd.s32 $0x5000, s4;
	[dreg:$0x7] =	wrdreg s9  }
0xe: {  	s11 =	sadd.s32 $0x6000, s4;
	[dreg:$0x8] =	wrdreg s10  }
0xf: {  	s12 =	sadd.s32 $0x7000, s4;
	[dreg:$0x9] =	wrdreg s11  }
0x10: {  	s31 =	simm.s32 $0x5;
	s13 =	sadd.s32 $0x8000, s4;
	[dreg:$0xa] =	wrdreg s12  }
0x11: {  	s30 =	simm.s32 $0x200;
	s14 =	sadd.s32 $0x9000, s4;
	[dreg:$0xb] =	wrdreg s13  }
0x12: {  	s29 =	simm.s32 $0x300;
	s15 =	sadd.s32 $0xA000, s4;
	[dreg:$0xc] =	wrdreg s14  }
0x13: {  	s28 =	simm.s32 $0x400;
	s16 =	sadd.s32 $0xB000, s4;
	[dreg:$0xd] =	wrdreg s15  }
0x14: {  	p0 =	por $0x0, $0x0;
	s17 =	sadd.s32 $0xC000, s4;
	[dreg:$0xe] =	wrdreg s16  }
0x15: {  	s24 =	simm.s32 $0x700;
	s18 =	sadd.s32 $0xD000, s4;
	[dreg:$0xf] =	wrdreg s17  }
0x16: {  	s7 =	simm.s32 $0x1400;
	s19 =	sadd.s32 $0xE000, s4;
	[dreg:$0x10] =	wrdreg s18  }
0x17: {  	s20 =	sadd.s32 $0xF000, s4;
	s21 =	sadd.s32 $0x10000, s4;
	[dreg:$0x11] =	wrdreg s19  }
0x18: {  	s23 =	sadd.s32 $0x11000, s4;
	s25 =	sadd.s32 $0x12000, s4;
	[dreg:$0x12] =	wrdreg s20  }
0x19: {  	s26 =	sadd.s32 $0x13000, s4;
	s6 =	sadd.s32 $0x1FC00, s3;
	[dreg:$0x13] =	wrdreg s21  }
0x1a: {  	s5 =	simm.s32 $0x9400;
	s3 =	simm.s32 $0x3;
	[dreg:$0x14] =	wrdreg s23  }
0x1b: {  	s8 =	simm.s32 $0x2;
	s4 =	simm.s32 $0x4;
	[dreg:$0x15] =	wrdreg s25  }
0x1c: {  	[dreg:$0x16] =	wrdreg s26;
	s10 =	simm.s32 $0x100;
	s9 =	simm.s32 $0x1  }
.Ltmp0:
0x1d: {  	s26 =	simm.s32 $0x500;
	s25 =	simm.s32 $0x600;
	(pc) =	sbr.rel @!p1 .LBB2_3-.Ltmp0, $4  }
0x1e: {  	s23 =	simm.s32 $0x800;
	s21 =	simm.s32 $0x900;
	s20 =	simm.s32 $0xA00  }
0x1f: {  	s19 =	simm.s32 $0xB00;
	s18 =	simm.s32 $0xC00;
	s17 =	simm.s32 $0xD00  }
0x20: {  	s16 =	simm.s32 $0xE00;
	s15 =	simm.s32 $0xF00;
	s14 =	simm.s32 $0x1000  }
0x21: {  	s13 =	simm.s32 $0x1100;
	s12 =	simm.s32 $0x1200;
	s11 =	simm.s32 $0x1300  }
0x22: {  	[tilespmem:s2], [sflag:$0x5] =	stream.linear.gather [hbm4b:s0+s2], $0x1400, $0x38;
	[tilespmem:$0x11400] =	vst v63  }
0x23: {  	_ =	swait.ge [sflag:s31], $0x1400  }
0x24: {  	[sflag:s31] =	ssyncset.done $0x0  }
0x25: {  	[sflag:s31] =	ssyncadd.s32 $0xFFFFEC00  }
0x26: {  	[tilespmem:s7], [sflag:$0x1] =	stream.indirect.gather [hbm4b:s6+s10], $0x80, s2, s10, $0xb8;
	[tilespmem:$0x11400] =	vst v63  }
0x27: {  	_ = 	snop  }
0x28: {  	[tilespmem:s5], [sflag:$0x2] =	stream.indirect.gather [hbm4b:s6+s10], $0x80, s10, s10, $0xb8;
	[tilespmem:$0x11400] =	vst v63  }
0x29: {  	_ =	swait.ge [sflag:s9], $0x8000  }
0x2a: {  	[sflag:s9] =	ssyncset.done $0x0  }
0x2b: {  	[sflag:s9] =	ssyncadd.s32 $0xFFFF8000  }
0x2c: {  	[hbm4b:s22+s2] =	stream.linear.scatter [tilespmem:s7], [sflag:$0x3], $0x8000, $0x38;
	[tilespmem:$0x11400] =	vst v63  }
0x2d: {  	_ =	swait.ge [sflag:s3], $0x8000  }
0x2e: {  	[sflag:s3] =	ssyncset.done $0x0  }
0x2f: {  	[sflag:s3] =	ssyncadd.s32 $0xFFFF8000  }
0x30: {  	[tilespmem:s7], [sflag:$0x1] =	stream.indirect.gather [hbm4b:s6+s10], $0x80, s30, s10, $0xb8;
	[tilespmem:$0x11400] =	vst v63  }
0x31: {  	_ =	swait.ge [sflag:s8], $0x8000  }
0x32: {  	[sflag:s8] =	ssyncset.done $0x0  }
0x33: {  	s0 =	rddreg [dreg:$0x4];
	[sflag:s8] =	ssyncadd.s32 $0xFFFF8000  }
0x34: {  	[hbm4b:s0+s2] =	stream.linear.scatter [tilespmem:s5], [sflag:$0x4], $0x8000, $0x38;
	[tilespmem:$0x11400] =	vst v63  }
0x35: {  	_ =	swait.ge [sflag:s4], $0x8000  }
0x36: {  	[sflag:s4] =	ssyncset.done $0x0  }
0x37: {  	[sflag:s4] =	ssyncadd.s32 $0xFFFF8000  }
0x38: {  	[tilespmem:s5], [sflag:$0x2] =	stream.indirect.gather [hbm4b:s6+s10], $0x80, s29, s10, $0xb8;
	[tilespmem:$0x11400] =	vst v63  }
0x39: {  	_ =	swait.ge [sflag:s9], $0x8000  }
0x3a: {  	[sflag:s9] =	ssyncset.done $0x0  }
0x3b: {  	s0 =	rddreg [dreg:$0x5];
	[sflag:s9] =	ssyncadd.s32 $0xFFFF8000  }
0x3c: {  	[hbm4b:s0+s2] =	stream.linear.scatter [tilespmem:s7], [sflag:$0x3], $0x8000, $0x38;
	[tilespmem:$0x11400] =	vst v63  }
0x3d: {  	_ =	swait.ge [sflag:s3], $0x8000  }
0x3e: {  	[sflag:s3] =	ssyncset.done $0x0  }
0x3f: {  	[sflag:s3] =	ssyncadd.s32 $0xFFFF8000  }
0x40: {  	[tilespmem:s7], [sflag:$0x1] =	stream.indirect.gather [hbm4b:s6+s10], $0x80, s28, s10, $0xb8;
	[tilespmem:$0x11400] =	vst v63  }
0x41: {  	_ =	swait.ge [sflag:s8], $0x8000  }
0x42: {  	[sflag:s8] =	ssyncset.done $0x0  }
0x43: {  	s0 =	rddreg [dreg:$0x6];
	[sflag:s8] =	ssyncadd.s32 $0xFFFF8000  }
0x44: {  	[hbm4b:s0+s2] =	stream.linear.scatter [tilespmem:s5], [sflag:$0x4], $0x8000, $0x38;
	[tilespmem:$0x11400] =	vst v63  }
0x45: {  	_ =	swait.ge [sflag:s4], $0x8000  }
0x46: {  	[sflag:s4] =	ssyncset.done $0x0  }
0x47: {  	[sflag:s4] =	ssyncadd.s32 $0xFFFF8000  }
0x48: {  	[tilespmem:s5], [sflag:$0x2] =	stream.indirect.gather [hbm4b:s6+s10], $0x80, s26, s10, $0xb8;
	[tilespmem:$0x11400] =	vst v63  }
0x49: {  	_ =	swait.ge [sflag:s9], $0x8000  }
0x4a: {  	[sflag:s9] =	ssyncset.done $0x0  }
0x4b: {  	s0 =	rddreg [dreg:$0x7];
	[sflag:s9] =	ssyncadd.s32 $0xFFFF8000  }
0x4c: {  	[hbm4b:s0+s2] =	stream.linear.scatter [tilespmem:s7], [sflag:$0x3], $0x8000, $0x38;
	[tilespmem:$0x11400] =	vst v63  }
0x4d: {  	_ =	swait.ge [sflag:s3], $0x8000  }
0x4e: {  	[sflag:s3] =	ssyncset.done $0x0  }
0x4f: {  	[sflag:s3] =	ssyncadd.s32 $0xFFFF8000  }
0x50: {  	[tilespmem:s7], [sflag:$0x1] =	stream.indirect.gather [hbm4b:s6+s10], $0x80, s25, s10, $0xb8;
	[tilespmem:$0x11400] =	vst v63  }
0x51: {  	_ =	swait.ge [sflag:s8], $0x8000  }
0x52: {  	[sflag:s8] =	ssyncset.done $0x0  }
0x53: {  	s0 =	rddreg [dreg:$0x8];
	[sflag:s8] =	ssyncadd.s32 $0xFFFF8000  }
0x54: {  	[hbm4b:s0+s2] =	stream.linear.scatter [tilespmem:s5], [sflag:$0x4], $0x8000, $0x38;
	[tilespmem:$0x11400] =	vst v63  }
0x55: {  	_ =	swait.ge [sflag:s4], $0x8000  }
0x56: {  	[sflag:s4] =	ssyncset.done $0x0  }
0x57: {  	[sflag:s4] =	ssyncadd.s32 $0xFFFF8000  }
0x58: {  	[tilespmem:s5], [sflag:$0x2] =	stream.indirect.gather [hbm4b:s6+s10], $0x80, s24, s10, $0xb8;
	[tilespmem:$0x11400] =	vst v63  }
0x59: {  	_ =	swait.ge [sflag:s9], $0x8000  }
0x5a: {  	[sflag:s9] =	ssyncset.done $0x0  }
0x5b: {  	s0 =	rddreg [dreg:$0x9];
	[sflag:s9] =	ssyncadd.s32 $0xFFFF8000  }
0x5c: {  	[hbm4b:s0+s2] =	stream.linear.scatter [tilespmem:s7], [sflag:$0x3], $0x8000, $0x38;
	[tilespmem:$0x11400] =	vst v63  }
0x5d: {  	_ =	swait.ge [sflag:s3], $0x8000  }
0x5e: {  	[sflag:s3] =	ssyncset.done $0x0  }
0x5f: {  	[sflag:s3] =	ssyncadd.s32 $0xFFFF8000  }
0x60: {  	[tilespmem:s7], [sflag:$0x1] =	stream.indirect.gather [hbm4b:s6+s10], $0x80, s23, s10, $0xb8;
	[tilespmem:$0x11400] =	vst v63  }
0x61: {  	_ =	swait.ge [sflag:s8], $0x8000  }
0x62: {  	[sflag:s8] =	ssyncset.done $0x0  }
0x63: {  	s0 =	rddreg [dreg:$0xa];
	[sflag:s8] =	ssyncadd.s32 $0xFFFF8000  }
0x64: {  	[hbm4b:s0+s2] =	stream.linear.scatter [tilespmem:s5], [sflag:$0x4], $0x8000, $0x38;
	[tilespmem:$0x11400] =	vst v63  }
0x65: {  	_ =	swait.ge [sflag:s4], $0x8000  }
0x66: {  	[sflag:s4] =	ssyncset.done $0x0  }
0x67: {  	[sflag:s4] =	ssyncadd.s32 $0xFFFF8000  }
0x68: {  	[tilespmem:s5], [sflag:$0x2] =	stream.indirect.gather [hbm4b:s6+s10], $0x80, s21, s10, $0xb8;
	[tilespmem:$0x11400] =	vst v63  }
0x69: {  	_ =	swait.ge [sflag:s9], $0x8000  }
0x6a: {  	[sflag:s9] =	ssyncset.done $0x0  }
0x6b: {  	s0 =	rddreg [dreg:$0xb];
	[sflag:s9] =	ssyncadd.s32 $0xFFFF8000  }
0x6c: {  	[hbm4b:s0+s2] =	stream.linear.scatter [tilespmem:s7], [sflag:$0x3], $0x8000, $0x38;
	[tilespmem:$0x11400] =	vst v63  }
0x6d: {  	_ =	swait.ge [sflag:s3], $0x8000  }
0x6e: {  	[sflag:s3] =	ssyncset.done $0x0  }
0x6f: {  	[sflag:s3] =	ssyncadd.s32 $0xFFFF8000  }
0x70: {  	[tilespmem:s7], [sflag:$0x1] =	stream.indirect.gather [hbm4b:s6+s10], $0x80, s20, s10, $0xb8;
	[tilespmem:$0x11400] =	vst v63  }
0x71: {  	_ =	swait.ge [sflag:s8], $0x8000  }
0x72: {  	[sflag:s8] =	ssyncset.done $0x0  }
0x73: {  	s0 =	rddreg [dreg:$0xc];
	[sflag:s8] =	ssyncadd.s32 $0xFFFF8000  }
0x74: {  	[hbm4b:s0+s2] =	stream.linear.scatter [tilespmem:s5], [sflag:$0x4], $0x8000, $0x38;
	[tilespmem:$0x11400] =	vst v63  }
0x75: {  	_ =	swait.ge [sflag:s4], $0x8000  }
0x76: {  	[sflag:s4] =	ssyncset.done $0x0  }
0x77: {  	[sflag:s4] =	ssyncadd.s32 $0xFFFF8000  }
0x78: {  	[tilespmem:s5], [sflag:$0x2] =	stream.indirect.gather [hbm4b:s6+s10], $0x80, s19, s10, $0xb8;
	[tilespmem:$0x11400] =	vst v63  }
0x79: {  	_ =	swait.ge [sflag:s9], $0x8000  }
0x7a: {  	[sflag:s9] =	ssyncset.done $0x0  }
0x7b: {  	s0 =	rddreg [dreg:$0xd];
	[sflag:s9] =	ssyncadd.s32 $0xFFFF8000  }
0x7c: {  	[hbm4b:s0+s2] =	stream.linear.scatter [tilespmem:s7], [sflag:$0x3], $0x8000, $0x38;
	[tilespmem:$0x11400] =	vst v63  }
0x7d: {  	_ =	swait.ge [sflag:s3], $0x8000  }
0x7e: {  	[sflag:s3] =	ssyncset.done $0x0  }
0x7f: {  	[sflag:s3] =	ssyncadd.s32 $0xFFFF8000  }
0x80: {  	[tilespmem:s7], [sflag:$0x1] =	stream.indirect.gather [hbm4b:s6+s10], $0x80, s18, s10, $0xb8;
	[tilespmem:$0x11400] =	vst v63  }
0x81: {  	_ =	swait.ge [sflag:s8], $0x8000  }
0x82: {  	[sflag:s8] =	ssyncset.done $0x0  }
0x83: {  	s0 =	rddreg [dreg:$0xe];
	[sflag:s8] =	ssyncadd.s32 $0xFFFF8000  }
0x84: {  	[hbm4b:s0+s2] =	stream.linear.scatter [tilespmem:s5], [sflag:$0x4], $0x8000, $0x38;
	[tilespmem:$0x11400] =	vst v63  }
0x85: {  	_ =	swait.ge [sflag:s4], $0x8000  }
0x86: {  	[sflag:s4] =	ssyncset.done $0x0  }
0x87: {  	[sflag:s4] =	ssyncadd.s32 $0xFFFF8000  }
0x88: {  	[tilespmem:s5], [sflag:$0x2] =	stream.indirect.gather [hbm4b:s6+s10], $0x80, s17, s10, $0xb8;
	[tilespmem:$0x11400] =	vst v63  }
0x89: {  	_ =	swait.ge [sflag:s9], $0x8000  }
0x8a: {  	[sflag:s9] =	ssyncset.done $0x0  }
0x8b: {  	s0 =	rddreg [dreg:$0xf];
	[sflag:s9] =	ssyncadd.s32 $0xFFFF8000  }
0x8c: {  	[hbm4b:s0+s2] =	stream.linear.scatter [tilespmem:s7], [sflag:$0x3], $0x8000, $0x38;
	[tilespmem:$0x11400] =	vst v63  }
0x8d: {  	_ =	swait.ge [sflag:s3], $0x8000  }
0x8e: {  	[sflag:s3] =	ssyncset.done $0x0  }
0x8f: {  	[sflag:s3] =	ssyncadd.s32 $0xFFFF8000  }
0x90: {  	[tilespmem:s7], [sflag:$0x1] =	stream.indirect.gather [hbm4b:s6+s10], $0x80, s16, s10, $0xb8;
	[tilespmem:$0x11400] =	vst v63  }
0x91: {  	_ =	swait.ge [sflag:s8], $0x8000  }
0x92: {  	[sflag:s8] =	ssyncset.done $0x0  }
0x93: {  	s0 =	rddreg [dreg:$0x10];
	[sflag:s8] =	ssyncadd.s32 $0xFFFF8000  }
0x94: {  	[hbm4b:s0+s2] =	stream.linear.scatter [tilespmem:s5], [sflag:$0x4], $0x8000, $0x38;
	[tilespmem:$0x11400] =	vst v63  }
0x95: {  	_ =	swait.ge [sflag:s4], $0x8000  }
0x96: {  	[sflag:s4] =	ssyncset.done $0x0  }
0x97: {  	[sflag:s4] =	ssyncadd.s32 $0xFFFF8000  }
0x98: {  	[tilespmem:s5], [sflag:$0x2] =	stream.indirect.gather [hbm4b:s6+s10], $0x80, s15, s10, $0xb8;
	[tilespmem:$0x11400] =	vst v63  }
0x99: {  	_ =	swait.ge [sflag:s9], $0x8000  }
0x9a: {  	[sflag:s9] =	ssyncset.done $0x0  }
0x9b: {  	s0 =	rddreg [dreg:$0x11];
	[sflag:s9] =	ssyncadd.s32 $0xFFFF8000  }
0x9c: {  	[hbm4b:s0+s2] =	stream.linear.scatter [tilespmem:s7], [sflag:$0x3], $0x8000, $0x38;
	[tilespmem:$0x11400] =	vst v63  }
0x9d: {  	_ =	swait.ge [sflag:s3], $0x8000  }
0x9e: {  	[sflag:s3] =	ssyncset.done $0x0  }
0x9f: {  	[sflag:s3] =	ssyncadd.s32 $0xFFFF8000  }
0xa0: {  	[tilespmem:s7], [sflag:$0x1] =	stream.indirect.gather [hbm4b:s6+s10], $0x80, s14, s10, $0xb8;
	[tilespmem:$0x11400] =	vst v63  }
0xa1: {  	_ =	swait.ge [sflag:s8], $0x8000  }
0xa2: {  	[sflag:s8] =	ssyncset.done $0x0  }
0xa3: {  	s0 =	rddreg [dreg:$0x12];
	[sflag:s8] =	ssyncadd.s32 $0xFFFF8000  }
0xa4: {  	[hbm4b:s0+s2] =	stream.linear.scatter [tilespmem:s5], [sflag:$0x4], $0x8000, $0x38;
	[tilespmem:$0x11400] =	vst v63  }
0xa5: {  	_ =	swait.ge [sflag:s4], $0x8000  }
0xa6: {  	[sflag:s4] =	ssyncset.done $0x0  }
0xa7: {  	[sflag:s4] =	ssyncadd.s32 $0xFFFF8000  }
0xa8: {  	[tilespmem:s5], [sflag:$0x2] =	stream.indirect.gather [hbm4b:s6+s10], $0x80, s13, s10, $0xb8;
	[tilespmem:$0x11400] =	vst v63  }
0xa9: {  	_ =	swait.ge [sflag:s9], $0x8000  }
0xaa: {  	[sflag:s9] =	ssyncset.done $0x0  }
0xab: {  	s0 =	rddreg [dreg:$0x13];
	[sflag:s9] =	ssyncadd.s32 $0xFFFF8000  }
0xac: {  	[hbm4b:s0+s2] =	stream.linear.scatter [tilespmem:s7], [sflag:$0x3], $0x8000, $0x38;
	[tilespmem:$0x11400] =	vst v63  }
0xad: {  	_ =	swait.ge [sflag:s3], $0x8000  }
0xae: {  	[sflag:s3] =	ssyncset.done $0x0  }
0xaf: {  	[sflag:s3] =	ssyncadd.s32 $0xFFFF8000  }
0xb0: {  	[tilespmem:s7], [sflag:$0x1] =	stream.indirect.gather [hbm4b:s6+s10], $0x80, s12, s10, $0xb8;
	[tilespmem:$0x11400] =	vst v63  }
0xb1: {  	_ =	swait.ge [sflag:s8], $0x8000  }
0xb2: {  	[sflag:s8] =	ssyncset.done $0x0  }
0xb3: {  	s0 =	rddreg [dreg:$0x14];
	[sflag:s8] =	ssyncadd.s32 $0xFFFF8000  }
0xb4: {  	[hbm4b:s0+s2] =	stream.linear.scatter [tilespmem:s5], [sflag:$0x4], $0x8000, $0x38;
	[tilespmem:$0x11400] =	vst v63  }
0xb5: {  	_ =	swait.ge [sflag:s4], $0x8000  }
0xb6: {  	[sflag:s4] =	ssyncset.done $0x0  }
0xb7: {  	[sflag:s4] =	ssyncadd.s32 $0xFFFF8000  }
0xb8: {  	[tilespmem:s5], [sflag:$0x2] =	stream.indirect.gather [hbm4b:s6+s10], $0x80, s11, s10, $0xb8;
	[tilespmem:$0x11400] =	vst v63  }
0xb9: {  	_ =	swait.ge [sflag:s9], $0x8000  }
0xba: {  	[sflag:s9] =	ssyncset.done $0x0  }
0xbb: {  	s0 =	rddreg [dreg:$0x15];
	[sflag:s9] =	ssyncadd.s32 $0xFFFF8000  }
0xbc: {  	[hbm4b:s0+s2] =	stream.linear.scatter [tilespmem:s7], [sflag:$0x3], $0x8000, $0x38;
	[tilespmem:$0x11400] =	vst v63  }
0xbd: {  	_ =	swait.ge [sflag:s8], $0x8000  }
0xbe: {  	[sflag:s8] =	ssyncset.done $0x0  }
0xbf: {  	p1 =	sne.s32 s1, $0x1;
	s0 =	rddreg [dreg:$0x16];
	[sflag:s8] =	ssyncadd.s32 $0xFFFF8000  }
0xc0: {  	[hbm4b:s0+s2] =	stream.linear.scatter [tilespmem:s5], [sflag:$0x4], $0x8000, $0x38;
	[tilespmem:$0x11400] =	vst v63  }
.Ltmp1:
0xc1: {  	_ =	swait.ge [sflag:s3], $0x8000;
	(pc) =	sbr.rel @!p1 .LBB2_3-.Ltmp1, $4  }
0xc2: {  	[sflag:s3] =	ssyncset.done $0x0  }
0xc3: {  	[sflag:s3] =	ssyncadd.s32 $0xFFFF8000  }
0xc4: {  	s1 =	sadd.s32 $0xFFFFFFFF, s1;
	_ =	swait.ge [sflag:s4], $0x8000  }
0xc5: {  	p0 =	por $0x1, $0x1;
	s0 =	rddreg [dreg:$0x3];
	[sflag:s4] =	ssyncset.done $0x0  }
.LBB2_2:
0xc6: {  	[sflag:s4] =	ssyncadd.s32 $0xFFFF8000  }
0xc7: {  	[tilespmem:s2], [sflag:$0x5] =	stream.linear.gather [hbm4b:s0+s2], $0x1400, $0x38;
	[tilespmem:$0x11400] =	vst v63  }
0xc8: {  	_ =	swait.ge [sflag:s31], $0x1400  }
0xc9: {  	[sflag:s31] =	ssyncset.done $0x0  }
0xca: {  	[sflag:s31] =	ssyncadd.s32 $0xFFFFEC00  }
0xcb: {  	[tilespmem:s7], [sflag:$0x1] =	stream.indirect.gather [hbm4b:s6+s10], $0x80, s2, s10, $0xb8;
	[tilespmem:$0x11400] =	vst v63  }
0xcc: {  	_ = 	snop  }
0xcd: {  	[tilespmem:s5], [sflag:$0x2] =	stream.indirect.gather [hbm4b:s6+s10], $0x80, s10, s10, $0xb8;
	[tilespmem:$0x11400] =	vst v63  }
0xce: {  	_ =	swait.ge [sflag:s9], $0x8000  }
0xcf: {  	[sflag:s9] =	ssyncset.done $0x0  }
0xd0: {  	[sflag:s9] =	ssyncadd.s32 $0xFFFF8000  }
0xd1: {  	[hbm4b:s22+s2] =	stream.linear.scatter [tilespmem:s7], [sflag:$0x3], $0x8000, $0x38;
	[tilespmem:$0x11400] =	vst v63  }
0xd2: {  	_ =	swait.ge [sflag:s3], $0x8000  }
0xd3: {  	[sflag:s3] =	ssyncset.done $0x0  }
0xd4: {  	[sflag:s3] =	ssyncadd.s32 $0xFFFF8000  }
0xd5: {  	[tilespmem:s7], [sflag:$0x1] =	stream.indirect.gather [hbm4b:s6+s10], $0x80, s30, s10, $0xb8;
	[tilespmem:$0x11400] =	vst v63  }
0xd6: {  	_ =	swait.ge [sflag:s8], $0x8000  }
0xd7: {  	[sflag:s8] =	ssyncset.done $0x0  }
0xd8: {  	s0 =	rddreg [dreg:$0x4];
	[sflag:s8] =	ssyncadd.s32 $0xFFFF8000  }
0xd9: {  	[hbm4b:s0+s2] =	stream.linear.scatter [tilespmem:s5], [sflag:$0x4], $0x8000, $0x38;
	[tilespmem:$0x11400] =	vst v63  }
0xda: {  	_ =	swait.ge [sflag:s4], $0x8000  }
0xdb: {  	[sflag:s4] =	ssyncset.done $0x0  }
0xdc: {  	[sflag:s4] =	ssyncadd.s32 $0xFFFF8000  }
0xdd: {  	[tilespmem:s5], [sflag:$0x2] =	stream.indirect.gather [hbm4b:s6+s10], $0x80, s29, s10, $0xb8;
	[tilespmem:$0x11400] =	vst v63  }
0xde: {  	_ =	swait.ge [sflag:s9], $0x8000  }
0xdf: {  	[sflag:s9] =	ssyncset.done $0x0  }
0xe0: {  	s0 =	rddreg [dreg:$0x5];
	[sflag:s9] =	ssyncadd.s32 $0xFFFF8000  }
0xe1: {  	[hbm4b:s0+s2] =	stream.linear.scatter [tilespmem:s7], [sflag:$0x3], $0x8000, $0x38;
	[tilespmem:$0x11400] =	vst v63  }
0xe2: {  	_ =	swait.ge [sflag:s3], $0x8000  }
0xe3: {  	[sflag:s3] =	ssyncset.done $0x0  }
0xe4: {  	[sflag:s3] =	ssyncadd.s32 $0xFFFF8000  }
0xe5: {  	[tilespmem:s7], [sflag:$0x1] =	stream.indirect.gather [hbm4b:s6+s10], $0x80, s28, s10, $0xb8;
	[tilespmem:$0x11400] =	vst v63  }
0xe6: {  	_ =	swait.ge [sflag:s8], $0x8000  }
0xe7: {  	[sflag:s8] =	ssyncset.done $0x0  }
0xe8: {  	s0 =	rddreg [dreg:$0x6];
	[sflag:s8] =	ssyncadd.s32 $0xFFFF8000  }
0xe9: {  	[hbm4b:s0+s2] =	stream.linear.scatter [tilespmem:s5], [sflag:$0x4], $0x8000, $0x38;
	[tilespmem:$0x11400] =	vst v63  }
0xea: {  	_ =	swait.ge [sflag:s4], $0x8000  }
0xeb: {  	[sflag:s4] =	ssyncset.done $0x0  }
0xec: {  	[sflag:s4] =	ssyncadd.s32 $0xFFFF8000  }
0xed: {  	[tilespmem:s5], [sflag:$0x2] =	stream.indirect.gather [hbm4b:s6+s10], $0x80, s26, s10, $0xb8;
	[tilespmem:$0x11400] =	vst v63  }
0xee: {  	_ =	swait.ge [sflag:s9], $0x8000  }
0xef: {  	[sflag:s9] =	ssyncset.done $0x0  }
0xf0: {  	s0 =	rddreg [dreg:$0x7];
	[sflag:s9] =	ssyncadd.s32 $0xFFFF8000  }
0xf1: {  	[hbm4b:s0+s2] =	stream.linear.scatter [tilespmem:s7], [sflag:$0x3], $0x8000, $0x38;
	[tilespmem:$0x11400] =	vst v63  }
0xf2: {  	_ =	swait.ge [sflag:s3], $0x8000  }
0xf3: {  	[sflag:s3] =	ssyncset.done $0x0  }
0xf4: {  	[sflag:s3] =	ssyncadd.s32 $0xFFFF8000  }
0xf5: {  	[tilespmem:s7], [sflag:$0x1] =	stream.indirect.gather [hbm4b:s6+s10], $0x80, s25, s10, $0xb8;
	[tilespmem:$0x11400] =	vst v63  }
0xf6: {  	_ =	swait.ge [sflag:s8], $0x8000  }
0xf7: {  	[sflag:s8] =	ssyncset.done $0x0  }
0xf8: {  	s0 =	rddreg [dreg:$0x8];
	[sflag:s8] =	ssyncadd.s32 $0xFFFF8000  }
0xf9: {  	[hbm4b:s0+s2] =	stream.linear.scatter [tilespmem:s5], [sflag:$0x4], $0x8000, $0x38;
	[tilespmem:$0x11400] =	vst v63  }
0xfa: {  	_ =	swait.ge [sflag:s4], $0x8000  }
0xfb: {  	[sflag:s4] =	ssyncset.done $0x0  }
0xfc: {  	[sflag:s4] =	ssyncadd.s32 $0xFFFF8000  }
0xfd: {  	[tilespmem:s5], [sflag:$0x2] =	stream.indirect.gather [hbm4b:s6+s10], $0x80, s24, s10, $0xb8;
	[tilespmem:$0x11400] =	vst v63  }
0xfe: {  	_ =	swait.ge [sflag:s9], $0x8000  }
0xff: {  	[sflag:s9] =	ssyncset.done $0x0  }
0x100: {  	s0 =	rddreg [dreg:$0x9];
	[sflag:s9] =	ssyncadd.s32 $0xFFFF8000  }
0x101: {  	[hbm4b:s0+s2] =	stream.linear.scatter [tilespmem:s7], [sflag:$0x3], $0x8000, $0x38;
	[tilespmem:$0x11400] =	vst v63  }
0x102: {  	_ =	swait.ge [sflag:s3], $0x8000  }
0x103: {  	[sflag:s3] =	ssyncset.done $0x0  }
0x104: {  	[sflag:s3] =	ssyncadd.s32 $0xFFFF8000  }
0x105: {  	[tilespmem:s7], [sflag:$0x1] =	stream.indirect.gather [hbm4b:s6+s10], $0x80, s23, s10, $0xb8;
	[tilespmem:$0x11400] =	vst v63  }
0x106: {  	_ =	swait.ge [sflag:s8], $0x8000  }
0x107: {  	[sflag:s8] =	ssyncset.done $0x0  }
0x108: {  	s0 =	rddreg [dreg:$0xa];
	[sflag:s8] =	ssyncadd.s32 $0xFFFF8000  }
0x109: {  	[hbm4b:s0+s2] =	stream.linear.scatter [tilespmem:s5], [sflag:$0x4], $0x8000, $0x38;
	[tilespmem:$0x11400] =	vst v63  }
0x10a: {  	_ =	swait.ge [sflag:s4], $0x8000  }
0x10b: {  	[sflag:s4] =	ssyncset.done $0x0  }
0x10c: {  	[sflag:s4] =	ssyncadd.s32 $0xFFFF8000  }
0x10d: {  	[tilespmem:s5], [sflag:$0x2] =	stream.indirect.gather [hbm4b:s6+s10], $0x80, s21, s10, $0xb8;
	[tilespmem:$0x11400] =	vst v63  }
0x10e: {  	_ =	swait.ge [sflag:s9], $0x8000  }
0x10f: {  	[sflag:s9] =	ssyncset.done $0x0  }
0x110: {  	s0 =	rddreg [dreg:$0xb];
	[sflag:s9] =	ssyncadd.s32 $0xFFFF8000  }
0x111: {  	[hbm4b:s0+s2] =	stream.linear.scatter [tilespmem:s7], [sflag:$0x3], $0x8000, $0x38;
	[tilespmem:$0x11400] =	vst v63  }
0x112: {  	_ =	swait.ge [sflag:s3], $0x8000  }
0x113: {  	[sflag:s3] =	ssyncset.done $0x0  }
0x114: {  	[sflag:s3] =	ssyncadd.s32 $0xFFFF8000  }
0x115: {  	[tilespmem:s7], [sflag:$0x1] =	stream.indirect.gather [hbm4b:s6+s10], $0x80, s20, s10, $0xb8;
	[tilespmem:$0x11400] =	vst v63  }
0x116: {  	_ =	swait.ge [sflag:s8], $0x8000  }
0x117: {  	[sflag:s8] =	ssyncset.done $0x0  }
0x118: {  	s0 =	rddreg [dreg:$0xc];
	[sflag:s8] =	ssyncadd.s32 $0xFFFF8000  }
0x119: {  	[hbm4b:s0+s2] =	stream.linear.scatter [tilespmem:s5], [sflag:$0x4], $0x8000, $0x38;
	[tilespmem:$0x11400] =	vst v63  }
0x11a: {  	_ =	swait.ge [sflag:s4], $0x8000  }
0x11b: {  	[sflag:s4] =	ssyncset.done $0x0  }
0x11c: {  	[sflag:s4] =	ssyncadd.s32 $0xFFFF8000  }
0x11d: {  	[tilespmem:s5], [sflag:$0x2] =	stream.indirect.gather [hbm4b:s6+s10], $0x80, s19, s10, $0xb8;
	[tilespmem:$0x11400] =	vst v63  }
0x11e: {  	_ =	swait.ge [sflag:s9], $0x8000  }
0x11f: {  	[sflag:s9] =	ssyncset.done $0x0  }
0x120: {  	s0 =	rddreg [dreg:$0xd];
	[sflag:s9] =	ssyncadd.s32 $0xFFFF8000  }
0x121: {  	[hbm4b:s0+s2] =	stream.linear.scatter [tilespmem:s7], [sflag:$0x3], $0x8000, $0x38;
	[tilespmem:$0x11400] =	vst v63  }
0x122: {  	_ =	swait.ge [sflag:s3], $0x8000  }
0x123: {  	[sflag:s3] =	ssyncset.done $0x0  }
0x124: {  	[sflag:s3] =	ssyncadd.s32 $0xFFFF8000  }
0x125: {  	[tilespmem:s7], [sflag:$0x1] =	stream.indirect.gather [hbm4b:s6+s10], $0x80, s18, s10, $0xb8;
	[tilespmem:$0x11400] =	vst v63  }
0x126: {  	_ =	swait.ge [sflag:s8], $0x8000  }
0x127: {  	[sflag:s8] =	ssyncset.done $0x0  }
0x128: {  	s0 =	rddreg [dreg:$0xe];
	[sflag:s8] =	ssyncadd.s32 $0xFFFF8000  }
0x129: {  	[hbm4b:s0+s2] =	stream.linear.scatter [tilespmem:s5], [sflag:$0x4], $0x8000, $0x38;
	[tilespmem:$0x11400] =	vst v63  }
0x12a: {  	_ =	swait.ge [sflag:s4], $0x8000  }
0x12b: {  	[sflag:s4] =	ssyncset.done $0x0  }
0x12c: {  	[sflag:s4] =	ssyncadd.s32 $0xFFFF8000  }
0x12d: {  	[tilespmem:s5], [sflag:$0x2] =	stream.indirect.gather [hbm4b:s6+s10], $0x80, s17, s10, $0xb8;
	[tilespmem:$0x11400] =	vst v63  }
0x12e: {  	_ =	swait.ge [sflag:s9], $0x8000  }
0x12f: {  	[sflag:s9] =	ssyncset.done $0x0  }
0x130: {  	s0 =	rddreg [dreg:$0xf];
	[sflag:s9] =	ssyncadd.s32 $0xFFFF8000  }
0x131: {  	[hbm4b:s0+s2] =	stream.linear.scatter [tilespmem:s7], [sflag:$0x3], $0x8000, $0x38;
	[tilespmem:$0x11400] =	vst v63  }
0x132: {  	_ =	swait.ge [sflag:s3], $0x8000  }
0x133: {  	[sflag:s3] =	ssyncset.done $0x0  }
0x134: {  	[sflag:s3] =	ssyncadd.s32 $0xFFFF8000  }
0x135: {  	[tilespmem:s7], [sflag:$0x1] =	stream.indirect.gather [hbm4b:s6+s10], $0x80, s16, s10, $0xb8;
	[tilespmem:$0x11400] =	vst v63  }
0x136: {  	_ =	swait.ge [sflag:s8], $0x8000  }
0x137: {  	[sflag:s8] =	ssyncset.done $0x0  }
0x138: {  	s0 =	rddreg [dreg:$0x10];
	[sflag:s8] =	ssyncadd.s32 $0xFFFF8000  }
0x139: {  	[hbm4b:s0+s2] =	stream.linear.scatter [tilespmem:s5], [sflag:$0x4], $0x8000, $0x38;
	[tilespmem:$0x11400] =	vst v63  }
0x13a: {  	_ =	swait.ge [sflag:s4], $0x8000  }
0x13b: {  	[sflag:s4] =	ssyncset.done $0x0  }
0x13c: {  	[sflag:s4] =	ssyncadd.s32 $0xFFFF8000  }
0x13d: {  	[tilespmem:s5], [sflag:$0x2] =	stream.indirect.gather [hbm4b:s6+s10], $0x80, s15, s10, $0xb8;
	[tilespmem:$0x11400] =	vst v63  }
0x13e: {  	_ =	swait.ge [sflag:s9], $0x8000  }
0x13f: {  	[sflag:s9] =	ssyncset.done $0x0  }
0x140: {  	s0 =	rddreg [dreg:$0x11];
	[sflag:s9] =	ssyncadd.s32 $0xFFFF8000  }
0x141: {  	[hbm4b:s0+s2] =	stream.linear.scatter [tilespmem:s7], [sflag:$0x3], $0x8000, $0x38;
	[tilespmem:$0x11400] =	vst v63  }
0x142: {  	_ =	swait.ge [sflag:s3], $0x8000  }
0x143: {  	[sflag:s3] =	ssyncset.done $0x0  }
0x144: {  	[sflag:s3] =	ssyncadd.s32 $0xFFFF8000  }
0x145: {  	[tilespmem:s7], [sflag:$0x1] =	stream.indirect.gather [hbm4b:s6+s10], $0x80, s14, s10, $0xb8;
	[tilespmem:$0x11400] =	vst v63  }
0x146: {  	_ =	swait.ge [sflag:s8], $0x8000  }
0x147: {  	[sflag:s8] =	ssyncset.done $0x0  }
0x148: {  	s0 =	rddreg [dreg:$0x12];
	[sflag:s8] =	ssyncadd.s32 $0xFFFF8000  }
0x149: {  	[hbm4b:s0+s2] =	stream.linear.scatter [tilespmem:s5], [sflag:$0x4], $0x8000, $0x38;
	[tilespmem:$0x11400] =	vst v63  }
0x14a: {  	_ =	swait.ge [sflag:s4], $0x8000  }
0x14b: {  	[sflag:s4] =	ssyncset.done $0x0  }
0x14c: {  	[sflag:s4] =	ssyncadd.s32 $0xFFFF8000  }
0x14d: {  	[tilespmem:s5], [sflag:$0x2] =	stream.indirect.gather [hbm4b:s6+s10], $0x80, s13, s10, $0xb8;
	[tilespmem:$0x11400] =	vst v63  }
0x14e: {  	_ =	swait.ge [sflag:s9], $0x8000  }
0x14f: {  	[sflag:s9] =	ssyncset.done $0x0  }
0x150: {  	s0 =	rddreg [dreg:$0x13];
	[sflag:s9] =	ssyncadd.s32 $0xFFFF8000  }
0x151: {  	[hbm4b:s0+s2] =	stream.linear.scatter [tilespmem:s7], [sflag:$0x3], $0x8000, $0x38;
	[tilespmem:$0x11400] =	vst v63  }
0x152: {  	_ =	swait.ge [sflag:s3], $0x8000  }
0x153: {  	[sflag:s3] =	ssyncset.done $0x0  }
0x154: {  	[sflag:s3] =	ssyncadd.s32 $0xFFFF8000  }
0x155: {  	[tilespmem:s7], [sflag:$0x1] =	stream.indirect.gather [hbm4b:s6+s10], $0x80, s12, s10, $0xb8;
	[tilespmem:$0x11400] =	vst v63  }
0x156: {  	_ =	swait.ge [sflag:s8], $0x8000  }
0x157: {  	[sflag:s8] =	ssyncset.done $0x0  }
0x158: {  	s0 =	rddreg [dreg:$0x14];
	[sflag:s8] =	ssyncadd.s32 $0xFFFF8000  }
0x159: {  	[hbm4b:s0+s2] =	stream.linear.scatter [tilespmem:s5], [sflag:$0x4], $0x8000, $0x38;
	[tilespmem:$0x11400] =	vst v63  }
0x15a: {  	_ =	swait.ge [sflag:s4], $0x8000  }
0x15b: {  	[sflag:s4] =	ssyncset.done $0x0  }
0x15c: {  	[sflag:s4] =	ssyncadd.s32 $0xFFFF8000  }
0x15d: {  	[tilespmem:s5], [sflag:$0x2] =	stream.indirect.gather [hbm4b:s6+s10], $0x80, s11, s10, $0xb8;
	[tilespmem:$0x11400] =	vst v63  }
0x15e: {  	_ =	swait.ge [sflag:s9], $0x8000  }
0x15f: {  	[sflag:s9] =	ssyncset.done $0x0  }
0x160: {  	s0 =	rddreg [dreg:$0x15];
	[sflag:s9] =	ssyncadd.s32 $0xFFFF8000  }
0x161: {  	[hbm4b:s0+s2] =	stream.linear.scatter [tilespmem:s7], [sflag:$0x3], $0x8000, $0x38;
	[tilespmem:$0x11400] =	vst v63  }
0x162: {  	_ =	swait.ge [sflag:s8], $0x8000  }
0x163: {  	[sflag:s8] =	ssyncset.done $0x0  }
0x164: {  	p1 =	sne.s32 s1, $0x1;
	s0 =	rddreg [dreg:$0x16];
	[sflag:s8] =	ssyncadd.s32 $0xFFFF8000  }
0x165: {  	[hbm4b:s0+s2] =	stream.linear.scatter [tilespmem:s5], [sflag:$0x4], $0x8000, $0x38;
	[tilespmem:$0x11400] =	vst v63  }
.Ltmp2:
0x166: {  	_ =	swait.ge [sflag:s3], $0x8000;
	(pc) =	sbr.rel @p1 .LBB2_2-.Ltmp2, $4  }
0x167: {  	[sflag:s3] =	ssyncset.done $0x0  }
0x168: {  	[sflag:s3] =	ssyncadd.s32 $0xFFFF8000  }
0x169: {  	_ =	swait.ge [sflag:s4], $0x8000  }
0x16a: {  	s1 =	sadd.s32 $0xFFFFFFFF, s1;
	s0 =	rddreg [dreg:$0x3];
	[sflag:s4] =	ssyncset.done $0x0  }
.LBB2_3:
0x16b: {  	[sflag:s4] =	ssyncadd.s32 @p0 $0xFFFF8000  }
0x16c: {  	[tilespmem:s2], [sflag:$0x5] =	stream.linear.gather [hbm4b:s0+s2], $0x1400, $0x38;
	[tilespmem:$0x11400] =	vst v63  }
0x16d: {  	_ =	swait.ge [sflag:s31], $0x1400  }
0x16e: {  	[sflag:s31] =	ssyncset.done $0x0  }
0x16f: {  	[sflag:s31] =	ssyncadd.s32 $0xFFFFEC00  }
0x170: {  	[tilespmem:s7], [sflag:$0x1] =	stream.indirect.gather [hbm4b:s6+s10], $0x80, s2, s10, $0xb8;
	[tilespmem:$0x11400] =	vst v63  }
0x171: {  	_ = 	snop  }
0x172: {  	[tilespmem:s5], [sflag:$0x2] =	stream.indirect.gather [hbm4b:s6+s10], $0x80, s10, s10, $0xb8;
	[tilespmem:$0x11400] =	vst v63  }
0x173: {  	_ =	swait.ge [sflag:s9], $0x8000  }
0x174: {  	[sflag:s9] =	ssyncset.done $0x0  }
0x175: {  	[sflag:s9] =	ssyncadd.s32 $0xFFFF8000  }
0x176: {  	[hbm4b:s22+s2] =	stream.linear.scatter [tilespmem:s7], [sflag:$0x3], $0x8000, $0x38;
	[tilespmem:$0x11400] =	vst v63  }
0x177: {  	_ =	swait.ge [sflag:s3], $0x8000  }
0x178: {  	[sflag:s3] =	ssyncset.done $0x0  }
0x179: {  	[sflag:s3] =	ssyncadd.s32 $0xFFFF8000  }
0x17a: {  	[tilespmem:s7], [sflag:$0x1] =	stream.indirect.gather [hbm4b:s6+s10], $0x80, s30, s10, $0xb8;
	[tilespmem:$0x11400] =	vst v63  }
0x17b: {  	_ =	swait.ge [sflag:s8], $0x8000  }
0x17c: {  	[sflag:s8] =	ssyncset.done $0x0  }
0x17d: {  	s31 =	rddreg [dreg:$0x4];
	[sflag:s8] =	ssyncadd.s32 $0xFFFF8000  }
0x17e: {  	[hbm4b:s31+s2] =	stream.linear.scatter [tilespmem:s5], [sflag:$0x4], $0x8000, $0x38;
	[tilespmem:$0x11400] =	vst v63  }
0x17f: {  	_ =	swait.ge [sflag:s4], $0x8000  }
0x180: {  	[sflag:s4] =	ssyncset.done $0x0  }
0x181: {  	[sflag:s4] =	ssyncadd.s32 $0xFFFF8000  }
0x182: {  	[tilespmem:s5], [sflag:$0x2] =	stream.indirect.gather [hbm4b:s6+s10], $0x80, s29, s10, $0xb8;
	[tilespmem:$0x11400] =	vst v63  }
0x183: {  	_ =	swait.ge [sflag:s9], $0x8000  }
0x184: {  	[sflag:s9] =	ssyncset.done $0x0  }
0x185: {  	s1 =	rddreg [dreg:$0x5];
	[sflag:s9] =	ssyncadd.s32 $0xFFFF8000  }
0x186: {  	[hbm4b:s1+s2] =	stream.linear.scatter [tilespmem:s7], [sflag:$0x3], $0x8000, $0x38;
	[tilespmem:$0x11400] =	vst v63  }
0x187: {  	_ =	swait.ge [sflag:s3], $0x8000  }
0x188: {  	[sflag:s3] =	ssyncset.done $0x0  }
0x189: {  	[sflag:s3] =	ssyncadd.s32 $0xFFFF8000  }
0x18a: {  	[tilespmem:s7], [sflag:$0x1] =	stream.indirect.gather [hbm4b:s6+s10], $0x80, s28, s10, $0xb8;
	[tilespmem:$0x11400] =	vst v63  }
0x18b: {  	_ =	swait.ge [sflag:s8], $0x8000  }
0x18c: {  	[sflag:s8] =	ssyncset.done $0x0  }
0x18d: {  	s22 =	rddreg [dreg:$0x6];
	[sflag:s8] =	ssyncadd.s32 $0xFFFF8000  }
0x18e: {  	[hbm4b:s22+s2] =	stream.linear.scatter [tilespmem:s5], [sflag:$0x4], $0x8000, $0x38;
	[tilespmem:$0x11400] =	vst v63  }
0x18f: {  	_ =	swait.ge [sflag:s4], $0x8000  }
0x190: {  	[sflag:s4] =	ssyncset.done $0x0  }
0x191: {  	[sflag:s4] =	ssyncadd.s32 $0xFFFF8000  }
0x192: {  	[tilespmem:s5], [sflag:$0x2] =	stream.indirect.gather [hbm4b:s6+s10], $0x80, s26, s10, $0xb8;
	[tilespmem:$0x11400] =	vst v63  }
0x193: {  	_ =	swait.ge [sflag:s9], $0x8000  }
0x194: {  	[sflag:s9] =	ssyncset.done $0x0  }
0x195: {  	s26 =	rddreg [dreg:$0x7];
	[sflag:s9] =	ssyncadd.s32 $0xFFFF8000  }
0x196: {  	[hbm4b:s26+s2] =	stream.linear.scatter [tilespmem:s7], [sflag:$0x3], $0x8000, $0x38;
	[tilespmem:$0x11400] =	vst v63  }
0x197: {  	_ =	swait.ge [sflag:s3], $0x8000  }
0x198: {  	[sflag:s3] =	ssyncset.done $0x0  }
0x199: {  	[sflag:s3] =	ssyncadd.s32 $0xFFFF8000  }
0x19a: {  	[tilespmem:s7], [sflag:$0x1] =	stream.indirect.gather [hbm4b:s6+s10], $0x80, s25, s10, $0xb8;
	[tilespmem:$0x11400] =	vst v63  }
0x19b: {  	_ =	swait.ge [sflag:s8], $0x8000  }
0x19c: {  	[sflag:s8] =	ssyncset.done $0x0  }
0x19d: {  	s28 =	rddreg [dreg:$0x8];
	[sflag:s8] =	ssyncadd.s32 $0xFFFF8000  }
0x19e: {  	[hbm4b:s28+s2] =	stream.linear.scatter [tilespmem:s5], [sflag:$0x4], $0x8000, $0x38;
	[tilespmem:$0x11400] =	vst v63  }
0x19f: {  	_ =	swait.ge [sflag:s4], $0x8000  }
0x1a0: {  	[sflag:s4] =	ssyncset.done $0x0  }
0x1a1: {  	[sflag:s4] =	ssyncadd.s32 $0xFFFF8000  }
0x1a2: {  	[tilespmem:s5], [sflag:$0x2] =	stream.indirect.gather [hbm4b:s6+s10], $0x80, s24, s10, $0xb8;
	[tilespmem:$0x11400] =	vst v63  }
0x1a3: {  	_ =	swait.ge [sflag:s9], $0x8000  }
0x1a4: {  	[sflag:s9] =	ssyncset.done $0x0  }
0x1a5: {  	s29 =	rddreg [dreg:$0x9];
	[sflag:s9] =	ssyncadd.s32 $0xFFFF8000  }
0x1a6: {  	[hbm4b:s29+s2] =	stream.linear.scatter [tilespmem:s7], [sflag:$0x3], $0x8000, $0x38;
	[tilespmem:$0x11400] =	vst v63  }
0x1a7: {  	_ =	swait.ge [sflag:s3], $0x8000  }
0x1a8: {  	[sflag:s3] =	ssyncset.done $0x0  }
0x1a9: {  	[sflag:s3] =	ssyncadd.s32 $0xFFFF8000  }
0x1aa: {  	[tilespmem:s7], [sflag:$0x1] =	stream.indirect.gather [hbm4b:s6+s10], $0x80, s23, s10, $0xb8;
	[tilespmem:$0x11400] =	vst v63  }
0x1ab: {  	_ =	swait.ge [sflag:s8], $0x8000  }
0x1ac: {  	[sflag:s8] =	ssyncset.done $0x0  }
0x1ad: {  	s30 =	rddreg [dreg:$0xa];
	[sflag:s8] =	ssyncadd.s32 $0xFFFF8000  }
0x1ae: {  	[hbm4b:s30+s2] =	stream.linear.scatter [tilespmem:s5], [sflag:$0x4], $0x8000, $0x38;
	[tilespmem:$0x11400] =	vst v63  }
0x1af: {  	_ =	swait.ge [sflag:s4], $0x8000  }
0x1b0: {  	[sflag:s4] =	ssyncset.done $0x0  }
0x1b1: {  	[sflag:s4] =	ssyncadd.s32 $0xFFFF8000  }
0x1b2: {  	[tilespmem:s5], [sflag:$0x2] =	stream.indirect.gather [hbm4b:s6+s10], $0x80, s21, s10, $0xb8;
	[tilespmem:$0x11400] =	vst v63  }
0x1b3: {  	_ =	swait.ge [sflag:s9], $0x8000  }
0x1b4: {  	[sflag:s9] =	ssyncset.done $0x0  }
0x1b5: {  	s31 =	rddreg [dreg:$0xb];
	[sflag:s9] =	ssyncadd.s32 $0xFFFF8000  }
0x1b6: {  	[hbm4b:s31+s2] =	stream.linear.scatter [tilespmem:s7], [sflag:$0x3], $0x8000, $0x38;
	[tilespmem:$0x11400] =	vst v63  }
0x1b7: {  	_ =	swait.ge [sflag:s3], $0x8000  }
0x1b8: {  	[sflag:s3] =	ssyncset.done $0x0  }
0x1b9: {  	[sflag:s3] =	ssyncadd.s32 $0xFFFF8000  }
0x1ba: {  	[tilespmem:s7], [sflag:$0x1] =	stream.indirect.gather [hbm4b:s6+s10], $0x80, s20, s10, $0xb8;
	[tilespmem:$0x11400] =	vst v63  }
0x1bb: {  	_ =	swait.ge [sflag:s8], $0x8000  }
0x1bc: {  	[sflag:s8] =	ssyncset.done $0x0  }
0x1bd: {  	s1 =	rddreg [dreg:$0xc];
	[sflag:s8] =	ssyncadd.s32 $0xFFFF8000  }
0x1be: {  	[hbm4b:s1+s2] =	stream.linear.scatter [tilespmem:s5], [sflag:$0x4], $0x8000, $0x38;
	[tilespmem:$0x11400] =	vst v63  }
0x1bf: {  	_ =	swait.ge [sflag:s4], $0x8000  }
0x1c0: {  	[sflag:s4] =	ssyncset.done $0x0  }
0x1c1: {  	[sflag:s4] =	ssyncadd.s32 $0xFFFF8000  }
0x1c2: {  	[tilespmem:s5], [sflag:$0x2] =	stream.indirect.gather [hbm4b:s6+s10], $0x80, s19, s10, $0xb8;
	[tilespmem:$0x11400] =	vst v63  }
0x1c3: {  	_ =	swait.ge [sflag:s9], $0x8000  }
0x1c4: {  	[sflag:s9] =	ssyncset.done $0x0  }
0x1c5: {  	s20 =	rddreg [dreg:$0xd];
	[sflag:s9] =	ssyncadd.s32 $0xFFFF8000  }
0x1c6: {  	[hbm4b:s20+s2] =	stream.linear.scatter [tilespmem:s7], [sflag:$0x3], $0x8000, $0x38;
	[tilespmem:$0x11400] =	vst v63  }
0x1c7: {  	_ =	swait.ge [sflag:s3], $0x8000  }
0x1c8: {  	[sflag:s3] =	ssyncset.done $0x0  }
0x1c9: {  	[sflag:s3] =	ssyncadd.s32 $0xFFFF8000  }
0x1ca: {  	[tilespmem:s7], [sflag:$0x1] =	stream.indirect.gather [hbm4b:s6+s10], $0x80, s18, s10, $0xb8;
	[tilespmem:$0x11400] =	vst v63  }
0x1cb: {  	_ =	swait.ge [sflag:s8], $0x8000  }
0x1cc: {  	[sflag:s8] =	ssyncset.done $0x0  }
0x1cd: {  	s21 =	rddreg [dreg:$0xe];
	[sflag:s8] =	ssyncadd.s32 $0xFFFF8000  }
0x1ce: {  	[hbm4b:s21+s2] =	stream.linear.scatter [tilespmem:s5], [sflag:$0x4], $0x8000, $0x38;
	[tilespmem:$0x11400] =	vst v63  }
0x1cf: {  	_ =	swait.ge [sflag:s4], $0x8000  }
0x1d0: {  	[sflag:s4] =	ssyncset.done $0x0  }
0x1d1: {  	[sflag:s4] =	ssyncadd.s32 $0xFFFF8000  }
0x1d2: {  	[tilespmem:s5], [sflag:$0x2] =	stream.indirect.gather [hbm4b:s6+s10], $0x80, s17, s10, $0xb8;
	[tilespmem:$0x11400] =	vst v63  }
0x1d3: {  	_ =	swait.ge [sflag:s9], $0x8000  }
0x1d4: {  	[sflag:s9] =	ssyncset.done $0x0  }
0x1d5: {  	s22 =	rddreg [dreg:$0xf];
	[sflag:s9] =	ssyncadd.s32 $0xFFFF8000  }
0x1d6: {  	[hbm4b:s22+s2] =	stream.linear.scatter [tilespmem:s7], [sflag:$0x3], $0x8000, $0x38;
	[tilespmem:$0x11400] =	vst v63  }
0x1d7: {  	_ =	swait.ge [sflag:s3], $0x8000  }
0x1d8: {  	[sflag:s3] =	ssyncset.done $0x0  }
0x1d9: {  	[sflag:s3] =	ssyncadd.s32 $0xFFFF8000  }
0x1da: {  	[tilespmem:s7], [sflag:$0x1] =	stream.indirect.gather [hbm4b:s6+s10], $0x80, s16, s10, $0xb8;
	[tilespmem:$0x11400] =	vst v63  }
0x1db: {  	_ =	swait.ge [sflag:s8], $0x8000  }
0x1dc: {  	[sflag:s8] =	ssyncset.done $0x0  }
0x1dd: {  	s23 =	rddreg [dreg:$0x10];
	[sflag:s8] =	ssyncadd.s32 $0xFFFF8000  }
0x1de: {  	[hbm4b:s23+s2] =	stream.linear.scatter [tilespmem:s5], [sflag:$0x4], $0x8000, $0x38;
	[tilespmem:$0x11400] =	vst v63  }
0x1df: {  	_ =	swait.ge [sflag:s4], $0x8000  }
0x1e0: {  	[sflag:s4] =	ssyncset.done $0x0  }
0x1e1: {  	[sflag:s4] =	ssyncadd.s32 $0xFFFF8000  }
0x1e2: {  	[tilespmem:s5], [sflag:$0x2] =	stream.indirect.gather [hbm4b:s6+s10], $0x80, s15, s10, $0xb8;
	[tilespmem:$0x11400] =	vst v63  }
0x1e3: {  	_ =	swait.ge [sflag:s9], $0x8000  }
0x1e4: {  	[sflag:s9] =	ssyncset.done $0x0  }
0x1e5: {  	s24 =	rddreg [dreg:$0x11];
	[sflag:s9] =	ssyncadd.s32 $0xFFFF8000  }
0x1e6: {  	[hbm4b:s24+s2] =	stream.linear.scatter [tilespmem:s7], [sflag:$0x3], $0x8000, $0x38;
	[tilespmem:$0x11400] =	vst v63  }
0x1e7: {  	_ =	swait.ge [sflag:s3], $0x8000  }
0x1e8: {  	[sflag:s3] =	ssyncset.done $0x0  }
0x1e9: {  	[sflag:s3] =	ssyncadd.s32 $0xFFFF8000  }
0x1ea: {  	[tilespmem:s7], [sflag:$0x1] =	stream.indirect.gather [hbm4b:s6+s10], $0x80, s14, s10, $0xb8;
	[tilespmem:$0x11400] =	vst v63  }
0x1eb: {  	_ =	swait.ge [sflag:s8], $0x8000  }
0x1ec: {  	[sflag:s8] =	ssyncset.done $0x0  }
0x1ed: {  	s25 =	rddreg [dreg:$0x12];
	[sflag:s8] =	ssyncadd.s32 $0xFFFF8000  }
0x1ee: {  	[hbm4b:s25+s2] =	stream.linear.scatter [tilespmem:s5], [sflag:$0x4], $0x8000, $0x38;
	[tilespmem:$0x11400] =	vst v63  }
0x1ef: {  	_ =	swait.ge [sflag:s4], $0x8000  }
0x1f0: {  	[sflag:s4] =	ssyncset.done $0x0  }
0x1f1: {  	[sflag:s4] =	ssyncadd.s32 $0xFFFF8000  }
0x1f2: {  	[tilespmem:s5], [sflag:$0x2] =	stream.indirect.gather [hbm4b:s6+s10], $0x80, s13, s10, $0xb8;
	[tilespmem:$0x11400] =	vst v63  }
0x1f3: {  	_ =	swait.ge [sflag:s9], $0x8000  }
0x1f4: {  	[sflag:s9] =	ssyncset.done $0x0  }
0x1f5: {  	s26 =	rddreg [dreg:$0x13];
	[sflag:s9] =	ssyncadd.s32 $0xFFFF8000  }
0x1f6: {  	[hbm4b:s26+s2] =	stream.linear.scatter [tilespmem:s7], [sflag:$0x3], $0x8000, $0x38;
	[tilespmem:$0x11400] =	vst v63  }
0x1f7: {  	_ =	swait.ge [sflag:s3], $0x8000  }
0x1f8: {  	[sflag:s3] =	ssyncset.done $0x0  }
0x1f9: {  	[sflag:s3] =	ssyncadd.s32 $0xFFFF8000  }
0x1fa: {  	[tilespmem:s7], [sflag:$0x1] =	stream.indirect.gather [hbm4b:s6+s10], $0x80, s12, s10, $0xb8;
	[tilespmem:$0x11400] =	vst v63  }
0x1fb: {  	_ =	swait.ge [sflag:s8], $0x8000  }
0x1fc: {  	[sflag:s8] =	ssyncset.done $0x0  }
0x1fd: {  	s28 =	rddreg [dreg:$0x14];
	[sflag:s8] =	ssyncadd.s32 $0xFFFF8000  }
0x1fe: {  	[hbm4b:s28+s2] =	stream.linear.scatter [tilespmem:s5], [sflag:$0x4], $0x8000, $0x38;
	[tilespmem:$0x11400] =	vst v63  }
0x1ff: {  	_ =	swait.ge [sflag:s4], $0x8000  }
0x200: {  	[sflag:s4] =	ssyncset.done $0x0  }
0x201: {  	[sflag:s4] =	ssyncadd.s32 $0xFFFF8000  }
0x202: {  	[tilespmem:s5], [sflag:$0x2] =	stream.indirect.gather [hbm4b:s6+s10], $0x80, s11, s10, $0xb8;
	[tilespmem:$0x11400] =	vst v63  }
0x203: {  	_ =	swait.ge [sflag:s9], $0x8000  }
0x204: {  	[sflag:s9] =	ssyncset.done $0x0  }
0x205: {  	s29 =	rddreg [dreg:$0x15];
	[sflag:s9] =	ssyncadd.s32 $0xFFFF8000  }
0x206: {  	[hbm4b:s29+s2] =	stream.linear.scatter [tilespmem:s7], [sflag:$0x3], $0x8000, $0x38;
	[tilespmem:$0x11400] =	vst v63  }
0x207: {  	_ =	swait.ge [sflag:s8], $0x8000  }
0x208: {  	[sflag:s8] =	ssyncset.done $0x0  }
0x209: {  	s30 =	rddreg [dreg:$0x16];
	[sflag:s8] =	ssyncadd.s32 $0xFFFF8000  }
0x20a: {  	[hbm4b:s30+s2] =	stream.linear.scatter [tilespmem:s5], [sflag:$0x4], $0x8000, $0x38;
	[tilespmem:$0x11400] =	vst v63  }
0x20b: {  	_ =	swait.ge [sflag:s3], $0x8000  }
0x20c: {  	[sflag:s3] =	ssyncset.done $0x0  }
0x20d: {  	[sflag:s3] =	ssyncadd.s32 $0xFFFF8000  }
0x20e: {  	_ =	swait.ge [sflag:s4], $0x8000  }
0x20f: {  	[sflag:s4] =	ssyncset.done $0x0  }
0x210: {  	[sflag:s4] =	ssyncadd.s32 $0xFFFF8000  }
0x211: {  	_ =	sfence.sel $0x180000  }
0x212: {  	[bflag:$0x0] =	sbarrier.arrive $0xFFFF  }
0x213: {  	_ =	strace $0x9000004D  }
0x214: {  	s31 =	stileid.u32;
	[bflag:$0x2] =	sbarrier.arrive $0xFFFF  }
0x215: {  	p0 =	sne.s32 s31, $0x0;
	s0 =	rddreg [dreg:$0x2]  }
0x216: {  	s0 =	sadd.s32 @!p0 $0x100000, s0  }
0x217: {  	[sflag:s0] =	ssyncadd.tile.s32 @!p0 $0x1;
	_ =	shalt  }
.Lfunc_end2:
_tile_overlayer_lowered:
.L_overlay_start_2:
0x218: {  	(tag) =	ssettag $0x2  }
0x219: {  	s0 =	rddreg [dreg:$0x0];
	s2 =	stileid.u32  }
0x21a: {  	s1 =	rddreg [dreg:$0x1];
	p0 =	sne.s32 s2, $0x0  }
0x21b: {  	s3 =	rddreg [dreg:$0x2];
	[bflag:$0x3] =	sbarrier.arrive $0xFFFF;
	s2 =	simm.s32 @!p0 $0x1C05  }
0x21c: {  	[timem:s3], [sflag:s2] =	dma.local @!p0 [hbm:s0], s1  }
0x21d: {  	s0 =	simm.s32 @!p0 $0x5  }
0x21e: {  	_ =	swait.ge @!p0 [sflag:s0], s1  }
0x21f: {  	s1 =	ssub.s32 @!p0 $0x0, s1;
	[sflag:s0] =	ssyncset.done @!p0 $0x0  }
0x220: {  	[sflag:s0] =	ssyncadd.s32 @!p0 s1  }
0x221: {  	[bflag:$0x3] =	sbarrier.arrive $0xFFFF  }
0x222: {  	_ =	shalt  }

// kernel: kernel.15.cloned.1.call-start
scs
__scs_entry_jumppad:
0x0: {  	(pc) =	sbr.rel $0x88, $3  }
0x1: {  	(tag) =	ssettag $0x0;
	lr =	simm.s32 $0x1  }
0x2: {  	[smem:$0x3F9B] =	sst lr;
	_ =	strace $0xD0000000  }
0x3: {  	_ = 	snop  }
0x4: {  	_ = 	snop  }
0x5: {  	_ = 	snop  }
0x6: {  	_ = 	snop  }
0x7: {  	_ = 	snop  }
__scs_overlays_trampoline_lowered:
0x8: {  	[smem:$0x3FAA] =	sst s0  }
0x9: {  	[smem:$0x3FAB] =	sst s1  }
0xa: {  	[smem:$0x3FAC] =	sst s2  }
0xb: {  	[smem:$0x3FAD] =	sst s3  }
0xc: {  	[smem:$0x3FAE] =	sst s4  }
0xd: {  	[smem:$0x3FAF] =	sst s5  }
0xe: {  	[smem:$0x3FB0] =	sst s6  }
0xf: {  	[smem:$0x3FB1] =	sst s7  }
0x10: {  	[smem:$0x3FB2] =	sst s8  }
0x11: {  	[smem:$0x3FB3] =	sst s9;
	s0 =	simm.s32 @!p0 $0x0  }
0x12: {  	s1 =	sld [smem:$0x3F99];
	s0 =	simm.s32 @p0 $0x1  }
0x13: {  	[smem:$0x3FB4] =	sst s0;
	s0 =	simm.s32 @!p1 $0x0  }
0x14: {  	s2 =	sld [smem:$0x3F98];
	s0 =	simm.s32 @p1 $0x1  }
0x15: {  	[smem:$0x3FB5] =	sst s0;
	s0 =	simm.s32 @!p2 $0x0  }
0x16: {  	s3 =	sld [smem:$0x3FDB];
	s0 =	simm.s32 @p2 $0x1  }
0x17: {  	s4 =	simm.s32 $0x1BF5;
	[smem:$0x3FB7] =	sst s0  }
0x18: {  	s0 =	sld [smem:$0x3F9A];
	_ =	swait.ge [sflag:s4], $0x0  }
0x19: {  	s7 =	sld [smem:$0x3F9B]  }
0x1a: {  	s8 =	sadd.s32 $0xFFFFE003, lr  }
0x1b: {  	s9 =	sadd.s32 $0xFFFFFEF7, lr;
	s5 =	simm.s32 $0xFFFFFFFF;
	p2 =	slt.u32 s8, $0xFFFFF086  }
0x1c: {  	p1 =	slt.u32 s9, $0xF7A;
	s5 =	simm.s32 @!p2 $0x0  }
0x1d: {  	s5 =	simm.s32 @p1 $0x1;
	p0 =	seq.s32 s7, s2  }
0x1e: {  	s7 =	smul.u32 @!p0 $0xF7A, s2;
	p2 =	seq.s32 @!p0 s5, $0x0  }
0x1f: {  	s9 =	smul.u32 $0xF7A, s1;
	s8 =	simm.s32 @!p0 $0x1BF5;
	p2 =	por !p2, p0  }
0x20: {  	[sflag:s8] =	ssyncset.s32 @!p0 $0xFFFFF086;
	s6 =	sadd.s32 @!p0 s3, s7;
	s7 =	simm.s32 @!p0 $0x108  }
0x21: {  	s3 =	sadd.s32 s3, s9;
	s6 =	sadd.s32 @!p0 $0x88, s6;
	s7 =	simm.s32 @p2 $0x1082  }
0x22: {  	[simem:s7], [sflag:s8] =	dma.local @!p0 [hbm:s6], $0xF7A  }
0x23: {  	s9 =	sor.u32 $0xD0000000, s2;
	s6 =	simm.s32 $0x108;
	_ =	swait.ge @!p0 [sflag:s8], $0x0  }
0x24: {  	s3 =	sadd.s32 $0x88, s3;
	s6 =	simm.s32 @!p1 $0x1082;
	[sflag:s4] =	ssyncset.s32 $0xFFFFF086  }
0x25: {  	[simem:s6], [sflag:s4] =	dma.local [hbm:s3], $0xF7A  }
0x26: {  	[smem:$0x3F9B] =	sst s1;
	(tag) =	ssettag s2;
	_ =	strace s9  }
0x27: {  	s1 =	sld [smem:$0x3FAB]  }
0x28: {  	s2 =	sld [smem:$0x3FAC]  }
0x29: {  	s4 =	sld [smem:$0x3FAE]  }
0x2a: {  	p0 =	seq.s32 s5, $0x0;
	s5 =	sld [smem:$0x3FAF]  }
0x2b: {  	s6 =	sld [smem:$0x3FB0]  }
0x2c: {  	s7 =	sld [smem:$0x3FB1]  }
0x2d: {  	s3 =	simm.s32 $0x108;
	s8 =	sld [smem:$0x3FB2]  }
0x2e: {  	s3 =	simm.s32 @!p0 $0x1082;
	s9 =	sld [smem:$0x3FB3]  }
0x2f: {  	lr =	sadd.s32 s0, s3;
	s0 =	sld [smem:$0x3FAA]  }
0x30: {  	s3 =	sld [smem:$0x3FAD]  }
0x31: {  	[smem:$0x3FB6] =	sst s10  }
0x32: {  	s10 =	sld [smem:$0x3FB4];
	_ =	sdelay $0x3  }
0x33: {  	p0 =	seq.s32 s10, $0x1;
	s10 =	sld [smem:$0x3FB6];
	_ =	sdelay $0x3  }
0x34: {  	[smem:$0x3FB6] =	sst s10  }
0x35: {  	s10 =	sld [smem:$0x3FB5];
	_ =	sdelay $0x3  }
0x36: {  	p1 =	seq.s32 s10, $0x1;
	s10 =	sld [smem:$0x3FB6];
	_ =	sdelay $0x3  }
0x37: {  	[smem:$0x3FB6] =	sst s10  }
0x38: {  	s10 =	sld [smem:$0x3FB7]  }
0x39: {  	_ = 	snop;
	(pc) =	sbr.ind lr, $3  }
0x3a: {  	_ = 	snop  }
0x3b: {  	_ = 	snop  }
0x3c: {  	p2 =	seq.s32 s10, $0x1;
	s10 =	sld [smem:$0x3FB6]  }
0x3d: {  	_ =	shalt  }
0x3e: {  	_ =	shalt  }
0x3f: {  	_ =	shalt  }
0x40: {  	_ =	shalt  }
0x41: {  	_ =	shalt  }
0x42: {  	_ =	shalt  }
0x43: {  	_ =	shalt  }
0x44: {  	_ =	shalt  }
0x45: {  	_ =	shalt  }
0x46: {  	_ =	shalt  }
0x47: {  	_ =	shalt  }
0x48: {  	_ =	shalt  }
0x49: {  	_ =	shalt  }
0x4a: {  	_ =	shalt  }
0x4b: {  	_ =	shalt  }
0x4c: {  	_ =	shalt  }
0x4d: {  	_ =	shalt  }
0x4e: {  	_ =	shalt  }
0x4f: {  	_ =	shalt  }
0x50: {  	_ =	shalt  }
0x51: {  	_ =	shalt  }
0x52: {  	_ =	shalt  }
0x53: {  	_ =	shalt  }
0x54: {  	_ =	shalt  }
0x55: {  	_ =	shalt  }
0x56: {  	_ =	shalt  }
0x57: {  	_ =	shalt  }
0x58: {  	_ =	shalt  }
0x59: {  	_ =	shalt  }
0x5a: {  	_ =	shalt  }
0x5b: {  	_ =	shalt  }
0x5c: {  	_ =	shalt  }
0x5d: {  	_ =	shalt  }
0x5e: {  	_ =	shalt  }
0x5f: {  	_ =	shalt  }
0x60: {  	_ =	shalt  }
0x61: {  	_ =	shalt  }
0x62: {  	_ =	shalt  }
0x63: {  	_ =	shalt  }
0x64: {  	_ =	shalt  }
0x65: {  	_ =	shalt  }
0x66: {  	_ =	shalt  }
0x67: {  	_ =	shalt  }
0x68: {  	_ =	shalt  }
0x69: {  	_ =	shalt  }
0x6a: {  	_ =	shalt  }
0x6b: {  	_ =	shalt  }
0x6c: {  	_ =	shalt  }
0x6d: {  	_ =	shalt  }
0x6e: {  	_ =	shalt  }
0x6f: {  	_ =	shalt  }
0x70: {  	_ =	shalt  }
0x71: {  	_ =	shalt  }
0x72: {  	_ =	shalt  }
0x73: {  	_ =	shalt  }
0x74: {  	_ =	shalt  }
0x75: {  	_ =	shalt  }
0x76: {  	_ =	shalt  }
0x77: {  	_ =	shalt  }
0x78: {  	_ =	shalt  }
0x79: {  	_ =	shalt  }
0x7a: {  	_ =	shalt  }
0x7b: {  	_ =	shalt  }
0x7c: {  	_ =	shalt  }
0x7d: {  	_ =	shalt  }
0x7e: {  	_ =	shalt  }
0x7f: {  	_ =	shalt  }
0x80: {  	_ =	shalt  }
0x81: {  	_ =	shalt  }
0x82: {  	_ =	shalt  }
0x83: {  	_ =	shalt  }
0x84: {  	_ =	shalt  }
0x85: {  	_ =	shalt  }
0x86: {  	_ =	shalt  }
0x87: {  	_ =	shalt  }
.Lfunc_end0:
.L_simem_size_0:
called_computation.2_lowered:
.L_overlay_start_0:
0x88: {  	s2 =	sld [smem:$0x3FD9]  }
0x89: {  	s3 =	sld [smem:$0x3FFE];
	_ =	sdelay $0x1  }
0x8a: {  	s1 =	srdreg.scid  }
0x8b: {  	s0 =	sand.u32 $0x1, s1  }
0x8c: {  	s16 =	sshll.u32 s0, $0xA;
	s2 =	sadd.s32 s3, s2  }
0x8d: {  	s2 =	sadd.s32 s2, s16  }
0x8e: {  	[smem:$0x3FC2] =	sst s2  }
0x8f: {  	_ = 	snop  }
0x90: {  	(tm) =	ssettm $0x1  }
0x91: {  	s17 =	sld [smem:$0x3FFB];
	_ =	sdelay $0x3  }
0x92: {  	_ =	strace s17  }
0x93: {  	s2 =	sld [smem:$0x3FFC];
	_ =	sdelay $0x3  }
0x94: {  	_ =	strace s2  }
0x95: {  	s2 =	sld [smem:$0x3FFD];
	_ =	sdelay $0x3  }
0x96: {  	_ =	strace s2  }
0x97: {  	_ =	strace $0x8FFFFFFF  }
0x98: {  	s18 =	sld [smem:$0x3FDB];
	_ =	sdelay $0x1  }
0x99: {  	s19 =	simm.s32 $_scs_section_size  }
0x9a: {  	s4 =	simm.s32 $_size__tile_overlayer_lowered;
	s5 =	simm.s32 $_tile_overlayer_lowered  }
0x9b: {  	s22 =	simm.s32 $0x1BFF;
	s21 =	sshll.u32 s5, $0x1;
	s2 =	sadd.s32 s19, s18  }
0x9c: {  	s6 =	simm.s32 $0x0;
	s20 =	sshll.u32 s4, $0x1;
	s4 =	sadd.s32 s21, s2  }
0x9d: {  	[timem:s6], [sflag:s22] =	dma.local [hbm:s4], s20  }
0x9e: {  	_ =	swait.ge [sflag:s22], s20  }
0x9f: {  	s3 =	ssub.s32 $0x0, s20;
	[sflag:s22] =	ssyncset.done $0x0  }
0xa0: {  	[sflag:s22] =	ssyncadd.s32 s3;
	_ =	sdelay $0x1  }
0xa1: {  	s23 =	simm.s32 $0x1B8B  }
0xa2: {  	_ =	swait.ge [sflag:s23], $0x1  }
0xa3: {  	[sflag:s23] =	ssyncset.done $0x0  }
0xa4: {  	s25 =	simm.s32 $0x1B8E;
	s24 =	sld [smem:$0x3FFE];
	[sflag:s23] =	ssyncadd.s32 $0xFFFFFFFF  }
0xa5: {  	s26 =	simm.s32 $execute0_lowered;
	[smem:$0x3FD2] =	sst s25  }
0xa6: {  	s4 =	sshll.u32 s26, $0x1;
	_ =	strace $0x80000049;
	[dreg:$0x1] =	wrdreg $0xFFFFFFFF  }
0xa7: {  	s28 =	simm.s32 $_size_execute0_lowered;
	s2 =	sadd.s32 s2, s4;
	[dreg:$0x0] =	wrdreg $0x0  }
0xa8: {  	s4 =	sshll.u32 s28, $0x1;
	[dreg:$0x2] =	wrdreg s2  }
0xa9: {  	[dreg:$0x3] =	wrdreg s4  }
0xaa: {  	[dreg:$0x4] =	wrdreg $0xC0  }
0xab: {  	_ =	task [dreg:s6], $0x5FFFF  }
0xac: {  	[dreg:$0x1] =	wrdreg $0xFFFFFFFF  }
0xad: {  	[dreg:$0x0] =	wrdreg $0x60  }
0xae: {  	[dreg:$0x2] =	wrdreg s24  }
0xaf: {  	[dreg:$0x3] =	wrdreg $0xA  }
0xb0: {  	_ =	task.clear_ibuf [dreg:s6], $0x4FFFF;
	_ =	strace $0x90000049  }
0xb1: {  	s29 =	simm.s32 $0xA;
	_ =	strace $0x8000004B  }
0xb2: {  	_ =	swait.ge [sflag:s29], $0x1  }
0xb3: {  	[sflag:s29] =	ssyncadd.s32 $0xFFFFFFFF  }
0xb4: {  	_ =	strace $0x9000004B  }
0xb5: {  	_ =	sfence  }
0xb6: {  	s30 =	sld [smem:$0x0];
	_ =	sdelay $0x2  }
0xb7: {  	s31 =	sshll.u32 s1, $0xD;
	s1 =	sshrl.u32 s1, $0x2  }
0xb8: {  	s3 =	sand.u32 $0x4000, s31;
	s1 =	sadd.s32 s1, s30  }
0xb9: {  	s0 =	sor.u32 s3, s0;
	s1 =	sshll.u32 s1, $0x11  }
0xba: {  	s0 =	sor.u32 s1, s0  }
0xbb: {  	s0 =	sadd.s32 $0x8F2B, s0  }
0xbc: {  	[sflag:s0] =	ssyncadd.remote.s32 $0x1  }
0xbd: {  	_ =	sfence.sel $0xFFFF  }
0xbe: {  	[dreg:$0x0] =	wrdreg $0xFFFFFFFF;
	(pc) =	sbr.abs _section_cstart, $3  }
0xbf: {  	[dreg:$0x1] =	wrdreg $0xFFFFFFFF  }
0xc0: {  	_ =	task.clear_ibuf [dreg:s6], $0x2FFFF;
	_ =	strace $0x9FFFFFFF  }
0xc1: {  	(tm) =	ssettm $0x7FFFFFFF  }
tec
execute0_lowered:
.L_overlay_start_1:
0x0: {  	(tag) =	ssettag $0x1  }
0x1: {  	s0 =	srdreg.scid;
	s1 =	stileid.u32  }
0x2: {  	s0 =	sand.u32 $0x1, s0;
	s1 =	sshll.u32 s1, $0x1  }
0x3: {  	s1 =	sor.u32 s0, s1  }
0x4: {  	s4 =	smul.u32 $0x280, s1  }
0x5: {  	s3 =	rddreg [dreg:$0x0];
	s2 =	simm.s32 $0x0;
	s5 =	smul.u32 $0x14000, s1  }
0x6: {  	[smem:$0x7FF] =	sst s2;
	s6 =	sadd.s32 $0x1A6600, s3;
	s4 =	sadd.s32 s4, s3  }
0x7: {  	s1 =	smul.u32 $0xA0000, s1;
	s22 =	sadd.s32 s6, s5;
	s4 =	sadd.s32 $0x1C00, s4  }
0x8: {  	_ =	strace $0x8000004A;
	s7 =	sadd.s32 $0x1000, s22;
	[dreg:$0x2] =	wrdreg s4  }
0x9: {  	s1 =	sshrl.u32 s1, $0x3;
	s8 =	sadd.s32 $0x2000, s22;
	[dreg:$0x3] =	wrdreg s7  }
0xa: {  	s9 =	sadd.s32 $0x3000, s22;
	s1 =	sadd.s32 s6, s1;
	[dreg:$0x4] =	wrdreg s8  }
0xb: {  	s31 =	simm.s32 $0x5;
	[dreg:$0x5] =	wrdreg s9;
	s10 =	sadd.s32 $0x4000, s1  }
0xc: {  	s30 =	simm.s32 $0x200;
	s11 =	sadd.s32 $0x5000, s1;
	[dreg:$0x6] =	wrdreg s10  }
0xd: {  	s29 =	simm.s32 $0x300;
	s12 =	sadd.s32 $0x6000, s1;
	[dreg:$0x7] =	wrdreg s11  }
0xe: {  	s28 =	simm.s32 $0x400;
	s13 =	sadd.s32 $0x7000, s1;
	[dreg:$0x8] =	wrdreg s12  }
0xf: {  	p0 =	por $0x0, $0x0;
	s14 =	sadd.s32 $0x8000, s1;
	[dreg:$0x9] =	wrdreg s13  }
0x10: {  	s0 =	ssub.s32 $0x2, s0;
	s15 =	sadd.s32 $0x9000, s1;
	[dreg:$0xa] =	wrdreg s14  }
0x11: {  	s25 =	sshrl.u32 s0, $0x1;
	s16 =	sadd.s32 $0xA000, s1;
	[dreg:$0xb] =	wrdreg s15  }
0x12: {  	s0 =	ssub.s32 s0, s25;
	s17 =	sadd.s32 $0xB000, s1;
	[dreg:$0xc] =	wrdreg s16  }
0x13: {  	s25 =	simm.s32 $0x600;
	s18 =	sadd.s32 $0xC000, s1;
	[dreg:$0xd] =	wrdreg s17  }
0x14: {  	s0 =	smax.u32 s0, $0x1;
	s19 =	sadd.s32 $0xD000, s1;
	[dreg:$0xe] =	wrdreg s18  }
0x15: {  	s5 =	simm.s32 $0x9400;
	s20 =	sadd.s32 $0xE000, s1;
	[dreg:$0xf] =	wrdreg s19  }
0x16: {  	s6 =	sadd.s32 $0x1FC00, s3;
	s21 =	sadd.s32 $0xF000, s1;
	[dreg:$0x10] =	wrdreg s20  }
0x17: {  	s3 =	simm.s32 $0x3;
	s23 =	sadd.s32 $0x10000, s1;
	[dreg:$0x11] =	wrdreg s21  }
0x18: {  	p1 =	sne.s32 s0, $0x1;
	s24 =	sadd.s32 $0x11000, s1;
	[dreg:$0x12] =	wrdreg s23  }
0x19: {  	s26 =	sadd.s32 $0x12000, s1;
	s1 =	sadd.s32 $0x13000, s1;
	[dreg:$0x13] =	wrdreg s24  }
0x1a: {  	s7 =	simm.s32 $0x1400;
	s9 =	simm.s32 $0x1;
	[dreg:$0x14] =	wrdreg s26  }
0x1b: {  	s8 =	simm.s32 $0x2;
	s4 =	simm.s32 $0x4;
	[dreg:$0x15] =	wrdreg s1  }
0x1c: {  	s10 =	simm.s32 $0x100;
	s26 =	simm.s32 $0x500;
	s24 =	simm.s32 $0x700  }
.Ltmp0:
0x1d: {  	s23 =	simm.s32 $0x800;
	s21 =	simm.s32 $0x900;
	(pc) =	sbr.rel @!p1 .LBB2_3-.Ltmp0, $4  }
0x1e: {  	s20 =	simm.s32 $0xA00;
	s19 =	simm.s32 $0xB00;
	s18 =	simm.s32 $0xC00  }
0x1f: {  	s17 =	simm.s32 $0xD00;
	s1 =	sadd.s32 $0xFFFFFFFF, s0;
	s16 =	simm.s32 $0xE00  }
0x20: {  	s15 =	simm.s32 $0xF00;
	s14 =	simm.s32 $0x1000;
	s13 =	simm.s32 $0x1100  }
0x21: {  	s12 =	simm.s32 $0x1200;
	s11 =	simm.s32 $0x1300;
	s0 =	rddreg [dreg:$0x2]  }
0x22: {  	[tilespmem:s2], [sflag:$0x5] =	stream.linear.gather [hbm4b:s0+s2], $0x1400, $0x38;
	[tilespmem:$0x11400] =	vst v63  }
0x23: {  	_ =	swait.ge [sflag:s31], $0x1400  }
0x24: {  	[sflag:s31] =	ssyncset.done $0x0  }
0x25: {  	[sflag:s31] =	ssyncadd.s32 $0xFFFFEC00  }
0x26: {  	[tilespmem:s7], [sflag:$0x1] =	stream.indirect.gather [hbm4b:s6+s10], $0x80, s2, s10, $0xb8;
	[tilespmem:$0x11400] =	vst v63  }
0x27: {  	_ = 	snop  }
0x28: {  	[tilespmem:s5], [sflag:$0x2] =	stream.indirect.gather [hbm4b:s6+s10], $0x80, s10, s10, $0xb8;
	[tilespmem:$0x11400] =	vst v63  }
0x29: {  	_ =	swait.ge [sflag:s9], $0x8000  }
0x2a: {  	[sflag:s9] =	ssyncset.done $0x0  }
0x2b: {  	[sflag:s9] =	ssyncadd.s32 $0xFFFF8000  }
0x2c: {  	[hbm4b:s22+s2] =	stream.linear.scatter [tilespmem:s7], [sflag:$0x3], $0x8000, $0x38;
	[tilespmem:$0x11400] =	vst v63  }
0x2d: {  	_ =	swait.ge [sflag:s3], $0x8000  }
0x2e: {  	[sflag:s3] =	ssyncset.done $0x0  }
0x2f: {  	[sflag:s3] =	ssyncadd.s32 $0xFFFF8000  }
0x30: {  	[tilespmem:s7], [sflag:$0x1] =	stream.indirect.gather [hbm4b:s6+s10], $0x80, s30, s10, $0xb8;
	[tilespmem:$0x11400] =	vst v63  }
0x31: {  	_ =	swait.ge [sflag:s8], $0x8000  }
0x32: {  	[sflag:s8] =	ssyncset.done $0x0  }
0x33: {  	s0 =	rddreg [dreg:$0x3];
	[sflag:s8] =	ssyncadd.s32 $0xFFFF8000  }
0x34: {  	[hbm4b:s0+s2] =	stream.linear.scatter [tilespmem:s5], [sflag:$0x4], $0x8000, $0x38;
	[tilespmem:$0x11400] =	vst v63  }
0x35: {  	_ =	swait.ge [sflag:s4], $0x8000  }
0x36: {  	[sflag:s4] =	ssyncset.done $0x0  }
0x37: {  	[sflag:s4] =	ssyncadd.s32 $0xFFFF8000  }
0x38: {  	[tilespmem:s5], [sflag:$0x2] =	stream.indirect.gather [hbm4b:s6+s10], $0x80, s29, s10, $0xb8;
	[tilespmem:$0x11400] =	vst v63  }
0x39: {  	_ =	swait.ge [sflag:s9], $0x8000  }
0x3a: {  	[sflag:s9] =	ssyncset.done $0x0  }
0x3b: {  	s0 =	rddreg [dreg:$0x4];
	[sflag:s9] =	ssyncadd.s32 $0xFFFF8000  }
0x3c: {  	[hbm4b:s0+s2] =	stream.linear.scatter [tilespmem:s7], [sflag:$0x3], $0x8000, $0x38;
	[tilespmem:$0x11400] =	vst v63  }
0x3d: {  	_ =	swait.ge [sflag:s3], $0x8000  }
0x3e: {  	[sflag:s3] =	ssyncset.done $0x0  }
0x3f: {  	[sflag:s3] =	ssyncadd.s32 $0xFFFF8000  }
0x40: {  	[tilespmem:s7], [sflag:$0x1] =	stream.indirect.gather [hbm4b:s6+s10], $0x80, s28, s10, $0xb8;
	[tilespmem:$0x11400] =	vst v63  }
0x41: {  	_ =	swait.ge [sflag:s8], $0x8000  }
0x42: {  	[sflag:s8] =	ssyncset.done $0x0  }
0x43: {  	s0 =	rddreg [dreg:$0x5];
	[sflag:s8] =	ssyncadd.s32 $0xFFFF8000  }
0x44: {  	[hbm4b:s0+s2] =	stream.linear.scatter [tilespmem:s5], [sflag:$0x4], $0x8000, $0x38;
	[tilespmem:$0x11400] =	vst v63  }
0x45: {  	_ =	swait.ge [sflag:s4], $0x8000  }
0x46: {  	[sflag:s4] =	ssyncset.done $0x0  }
0x47: {  	[sflag:s4] =	ssyncadd.s32 $0xFFFF8000  }
0x48: {  	[tilespmem:s5], [sflag:$0x2] =	stream.indirect.gather [hbm4b:s6+s10], $0x80, s26, s10, $0xb8;
	[tilespmem:$0x11400] =	vst v63  }
0x49: {  	_ =	swait.ge [sflag:s9], $0x8000  }
0x4a: {  	[sflag:s9] =	ssyncset.done $0x0  }
0x4b: {  	s0 =	rddreg [dreg:$0x6];
	[sflag:s9] =	ssyncadd.s32 $0xFFFF8000  }
0x4c: {  	[hbm4b:s0+s2] =	stream.linear.scatter [tilespmem:s7], [sflag:$0x3], $0x8000, $0x38;
	[tilespmem:$0x11400] =	vst v63  }
0x4d: {  	_ =	swait.ge [sflag:s3], $0x8000  }
0x4e: {  	[sflag:s3] =	ssyncset.done $0x0  }
0x4f: {  	[sflag:s3] =	ssyncadd.s32 $0xFFFF8000  }
0x50: {  	[tilespmem:s7], [sflag:$0x1] =	stream.indirect.gather [hbm4b:s6+s10], $0x80, s25, s10, $0xb8;
	[tilespmem:$0x11400] =	vst v63  }
0x51: {  	_ =	swait.ge [sflag:s8], $0x8000  }
0x52: {  	[sflag:s8] =	ssyncset.done $0x0  }
0x53: {  	s0 =	rddreg [dreg:$0x7];
	[sflag:s8] =	ssyncadd.s32 $0xFFFF8000  }
0x54: {  	[hbm4b:s0+s2] =	stream.linear.scatter [tilespmem:s5], [sflag:$0x4], $0x8000, $0x38;
	[tilespmem:$0x11400] =	vst v63  }
0x55: {  	_ =	swait.ge [sflag:s4], $0x8000  }
0x56: {  	[sflag:s4] =	ssyncset.done $0x0  }
0x57: {  	[sflag:s4] =	ssyncadd.s32 $0xFFFF8000  }
0x58: {  	[tilespmem:s5], [sflag:$0x2] =	stream.indirect.gather [hbm4b:s6+s10], $0x80, s24, s10, $0xb8;
	[tilespmem:$0x11400] =	vst v63  }
0x59: {  	_ =	swait.ge [sflag:s9], $0x8000  }
0x5a: {  	[sflag:s9] =	ssyncset.done $0x0  }
0x5b: {  	s0 =	rddreg [dreg:$0x8];
	[sflag:s9] =	ssyncadd.s32 $0xFFFF8000  }
0x5c: {  	[hbm4b:s0+s2] =	stream.linear.scatter [tilespmem:s7], [sflag:$0x3], $0x8000, $0x38;
	[tilespmem:$0x11400] =	vst v63  }
0x5d: {  	_ =	swait.ge [sflag:s3], $0x8000  }
0x5e: {  	[sflag:s3] =	ssyncset.done $0x0  }
0x5f: {  	[sflag:s3] =	ssyncadd.s32 $0xFFFF8000  }
0x60: {  	[tilespmem:s7], [sflag:$0x1] =	stream.indirect.gather [hbm4b:s6+s10], $0x80, s23, s10, $0xb8;
	[tilespmem:$0x11400] =	vst v63  }
0x61: {  	_ =	swait.ge [sflag:s8], $0x8000  }
0x62: {  	[sflag:s8] =	ssyncset.done $0x0  }
0x63: {  	s0 =	rddreg [dreg:$0x9];
	[sflag:s8] =	ssyncadd.s32 $0xFFFF8000  }
0x64: {  	[hbm4b:s0+s2] =	stream.linear.scatter [tilespmem:s5], [sflag:$0x4], $0x8000, $0x38;
	[tilespmem:$0x11400] =	vst v63  }
0x65: {  	_ =	swait.ge [sflag:s4], $0x8000  }
0x66: {  	[sflag:s4] =	ssyncset.done $0x0  }
0x67: {  	[sflag:s4] =	ssyncadd.s32 $0xFFFF8000  }
0x68: {  	[tilespmem:s5], [sflag:$0x2] =	stream.indirect.gather [hbm4b:s6+s10], $0x80, s21, s10, $0xb8;
	[tilespmem:$0x11400] =	vst v63  }
0x69: {  	_ =	swait.ge [sflag:s9], $0x8000  }
0x6a: {  	[sflag:s9] =	ssyncset.done $0x0  }
0x6b: {  	s0 =	rddreg [dreg:$0xa];
	[sflag:s9] =	ssyncadd.s32 $0xFFFF8000  }
0x6c: {  	[hbm4b:s0+s2] =	stream.linear.scatter [tilespmem:s7], [sflag:$0x3], $0x8000, $0x38;
	[tilespmem:$0x11400] =	vst v63  }
0x6d: {  	_ =	swait.ge [sflag:s3], $0x8000  }
0x6e: {  	[sflag:s3] =	ssyncset.done $0x0  }
0x6f: {  	[sflag:s3] =	ssyncadd.s32 $0xFFFF8000  }
0x70: {  	[tilespmem:s7], [sflag:$0x1] =	stream.indirect.gather [hbm4b:s6+s10], $0x80, s20, s10, $0xb8;
	[tilespmem:$0x11400] =	vst v63  }
0x71: {  	_ =	swait.ge [sflag:s8], $0x8000  }
0x72: {  	[sflag:s8] =	ssyncset.done $0x0  }
0x73: {  	s0 =	rddreg [dreg:$0xb];
	[sflag:s8] =	ssyncadd.s32 $0xFFFF8000  }
0x74: {  	[hbm4b:s0+s2] =	stream.linear.scatter [tilespmem:s5], [sflag:$0x4], $0x8000, $0x38;
	[tilespmem:$0x11400] =	vst v63  }
0x75: {  	_ =	swait.ge [sflag:s4], $0x8000  }
0x76: {  	[sflag:s4] =	ssyncset.done $0x0  }
0x77: {  	[sflag:s4] =	ssyncadd.s32 $0xFFFF8000  }
0x78: {  	[tilespmem:s5], [sflag:$0x2] =	stream.indirect.gather [hbm4b:s6+s10], $0x80, s19, s10, $0xb8;
	[tilespmem:$0x11400] =	vst v63  }
0x79: {  	_ =	swait.ge [sflag:s9], $0x8000  }
0x7a: {  	[sflag:s9] =	ssyncset.done $0x0  }
0x7b: {  	s0 =	rddreg [dreg:$0xc];
	[sflag:s9] =	ssyncadd.s32 $0xFFFF8000  }
0x7c: {  	[hbm4b:s0+s2] =	stream.linear.scatter [tilespmem:s7], [sflag:$0x3], $0x8000, $0x38;
	[tilespmem:$0x11400] =	vst v63  }
0x7d: {  	_ =	swait.ge [sflag:s3], $0x8000  }
0x7e: {  	[sflag:s3] =	ssyncset.done $0x0  }
0x7f: {  	[sflag:s3] =	ssyncadd.s32 $0xFFFF8000  }
0x80: {  	[tilespmem:s7], [sflag:$0x1] =	stream.indirect.gather [hbm4b:s6+s10], $0x80, s18, s10, $0xb8;
	[tilespmem:$0x11400] =	vst v63  }
0x81: {  	_ =	swait.ge [sflag:s8], $0x8000  }
0x82: {  	[sflag:s8] =	ssyncset.done $0x0  }
0x83: {  	s0 =	rddreg [dreg:$0xd];
	[sflag:s8] =	ssyncadd.s32 $0xFFFF8000  }
0x84: {  	[hbm4b:s0+s2] =	stream.linear.scatter [tilespmem:s5], [sflag:$0x4], $0x8000, $0x38;
	[tilespmem:$0x11400] =	vst v63  }
0x85: {  	_ =	swait.ge [sflag:s4], $0x8000  }
0x86: {  	[sflag:s4] =	ssyncset.done $0x0  }
0x87: {  	[sflag:s4] =	ssyncadd.s32 $0xFFFF8000  }
0x88: {  	[tilespmem:s5], [sflag:$0x2] =	stream.indirect.gather [hbm4b:s6+s10], $0x80, s17, s10, $0xb8;
	[tilespmem:$0x11400] =	vst v63  }
0x89: {  	_ =	swait.ge [sflag:s9], $0x8000  }
0x8a: {  	[sflag:s9] =	ssyncset.done $0x0  }
0x8b: {  	s0 =	rddreg [dreg:$0xe];
	[sflag:s9] =	ssyncadd.s32 $0xFFFF8000  }
0x8c: {  	[hbm4b:s0+s2] =	stream.linear.scatter [tilespmem:s7], [sflag:$0x3], $0x8000, $0x38;
	[tilespmem:$0x11400] =	vst v63  }
0x8d: {  	_ =	swait.ge [sflag:s3], $0x8000  }
0x8e: {  	[sflag:s3] =	ssyncset.done $0x0  }
0x8f: {  	[sflag:s3] =	ssyncadd.s32 $0xFFFF8000  }
0x90: {  	[tilespmem:s7], [sflag:$0x1] =	stream.indirect.gather [hbm4b:s6+s10], $0x80, s16, s10, $0xb8;
	[tilespmem:$0x11400] =	vst v63  }
0x91: {  	_ =	swait.ge [sflag:s8], $0x8000  }
0x92: {  	[sflag:s8] =	ssyncset.done $0x0  }
0x93: {  	s0 =	rddreg [dreg:$0xf];
	[sflag:s8] =	ssyncadd.s32 $0xFFFF8000  }
0x94: {  	[hbm4b:s0+s2] =	stream.linear.scatter [tilespmem:s5], [sflag:$0x4], $0x8000, $0x38;
	[tilespmem:$0x11400] =	vst v63  }
0x95: {  	_ =	swait.ge [sflag:s4], $0x8000  }
0x96: {  	[sflag:s4] =	ssyncset.done $0x0  }
0x97: {  	[sflag:s4] =	ssyncadd.s32 $0xFFFF8000  }
0x98: {  	[tilespmem:s5], [sflag:$0x2] =	stream.indirect.gather [hbm4b:s6+s10], $0x80, s15, s10, $0xb8;
	[tilespmem:$0x11400] =	vst v63  }
0x99: {  	_ =	swait.ge [sflag:s9], $0x8000  }
0x9a: {  	[sflag:s9] =	ssyncset.done $0x0  }
0x9b: {  	s0 =	rddreg [dreg:$0x10];
	[sflag:s9] =	ssyncadd.s32 $0xFFFF8000  }
0x9c: {  	[hbm4b:s0+s2] =	stream.linear.scatter [tilespmem:s7], [sflag:$0x3], $0x8000, $0x38;
	[tilespmem:$0x11400] =	vst v63  }
0x9d: {  	_ =	swait.ge [sflag:s3], $0x8000  }
0x9e: {  	[sflag:s3] =	ssyncset.done $0x0  }
0x9f: {  	[sflag:s3] =	ssyncadd.s32 $0xFFFF8000  }
0xa0: {  	[tilespmem:s7], [sflag:$0x1] =	stream.indirect.gather [hbm4b:s6+s10], $0x80, s14, s10, $0xb8;
	[tilespmem:$0x11400] =	vst v63  }
0xa1: {  	_ =	swait.ge [sflag:s8], $0x8000  }
0xa2: {  	[sflag:s8] =	ssyncset.done $0x0  }
0xa3: {  	s0 =	rddreg [dreg:$0x11];
	[sflag:s8] =	ssyncadd.s32 $0xFFFF8000  }
0xa4: {  	[hbm4b:s0+s2] =	stream.linear.scatter [tilespmem:s5], [sflag:$0x4], $0x8000, $0x38;
	[tilespmem:$0x11400] =	vst v63  }
0xa5: {  	_ =	swait.ge [sflag:s4], $0x8000  }
0xa6: {  	[sflag:s4] =	ssyncset.done $0x0  }
0xa7: {  	[sflag:s4] =	ssyncadd.s32 $0xFFFF8000  }
0xa8: {  	[tilespmem:s5], [sflag:$0x2] =	stream.indirect.gather [hbm4b:s6+s10], $0x80, s13, s10, $0xb8;
	[tilespmem:$0x11400] =	vst v63  }
0xa9: {  	_ =	swait.ge [sflag:s9], $0x8000  }
0xaa: {  	[sflag:s9] =	ssyncset.done $0x0  }
0xab: {  	s0 =	rddreg [dreg:$0x12];
	[sflag:s9] =	ssyncadd.s32 $0xFFFF8000  }
0xac: {  	[hbm4b:s0+s2] =	stream.linear.scatter [tilespmem:s7], [sflag:$0x3], $0x8000, $0x38;
	[tilespmem:$0x11400] =	vst v63  }
0xad: {  	_ =	swait.ge [sflag:s3], $0x8000  }
0xae: {  	[sflag:s3] =	ssyncset.done $0x0  }
0xaf: {  	[sflag:s3] =	ssyncadd.s32 $0xFFFF8000  }
0xb0: {  	[tilespmem:s7], [sflag:$0x1] =	stream.indirect.gather [hbm4b:s6+s10], $0x80, s12, s10, $0xb8;
	[tilespmem:$0x11400] =	vst v63  }
0xb1: {  	_ =	swait.ge [sflag:s8], $0x8000  }
0xb2: {  	[sflag:s8] =	ssyncset.done $0x0  }
0xb3: {  	s0 =	rddreg [dreg:$0x13];
	[sflag:s8] =	ssyncadd.s32 $0xFFFF8000  }
0xb4: {  	[hbm4b:s0+s2] =	stream.linear.scatter [tilespmem:s5], [sflag:$0x4], $0x8000, $0x38;
	[tilespmem:$0x11400] =	vst v63  }
0xb5: {  	_ =	swait.ge [sflag:s4], $0x8000  }
0xb6: {  	[sflag:s4] =	ssyncset.done $0x0  }
0xb7: {  	[sflag:s4] =	ssyncadd.s32 $0xFFFF8000  }
0xb8: {  	[tilespmem:s5], [sflag:$0x2] =	stream.indirect.gather [hbm4b:s6+s10], $0x80, s11, s10, $0xb8;
	[tilespmem:$0x11400] =	vst v63  }
0xb9: {  	_ =	swait.ge [sflag:s9], $0x8000  }
0xba: {  	[sflag:s9] =	ssyncset.done $0x0  }
0xbb: {  	s0 =	rddreg [dreg:$0x14];
	[sflag:s9] =	ssyncadd.s32 $0xFFFF8000  }
0xbc: {  	[hbm4b:s0+s2] =	stream.linear.scatter [tilespmem:s7], [sflag:$0x3], $0x8000, $0x38;
	[tilespmem:$0x11400] =	vst v63  }
0xbd: {  	_ =	swait.ge [sflag:s8], $0x8000  }
0xbe: {  	[sflag:s8] =	ssyncset.done $0x0  }
0xbf: {  	p1 =	sne.s32 s1, $0x1;
	s0 =	rddreg [dreg:$0x15];
	[sflag:s8] =	ssyncadd.s32 $0xFFFF8000  }
0xc0: {  	[hbm4b:s0+s2] =	stream.linear.scatter [tilespmem:s5], [sflag:$0x4], $0x8000, $0x38;
	[tilespmem:$0x11400] =	vst v63  }
.Ltmp1:
0xc1: {  	_ =	swait.ge [sflag:s3], $0x8000;
	(pc) =	sbr.rel @!p1 .LBB2_3-.Ltmp1, $4  }
0xc2: {  	[sflag:s3] =	ssyncset.done $0x0  }
0xc3: {  	[sflag:s3] =	ssyncadd.s32 $0xFFFF8000  }
0xc4: {  	s1 =	sadd.s32 $0xFFFFFFFF, s1;
	_ =	swait.ge [sflag:s4], $0x8000  }
0xc5: {  	p0 =	por $0x1, $0x1;
	s0 =	rddreg [dreg:$0x2];
	[sflag:s4] =	ssyncset.done $0x0  }
.LBB2_2:
0xc6: {  	[sflag:s4] =	ssyncadd.s32 $0xFFFF8000  }
0xc7: {  	[tilespmem:s2], [sflag:$0x5] =	stream.linear.gather [hbm4b:s0+s2], $0x1400, $0x38;
	[tilespmem:$0x11400] =	vst v63  }
0xc8: {  	_ =	swait.ge [sflag:s31], $0x1400  }
0xc9: {  	[sflag:s31] =	ssyncset.done $0x0  }
0xca: {  	[sflag:s31] =	ssyncadd.s32 $0xFFFFEC00  }
0xcb: {  	[tilespmem:s7], [sflag:$0x1] =	stream.indirect.gather [hbm4b:s6+s10], $0x80, s2, s10, $0xb8;
	[tilespmem:$0x11400] =	vst v63  }
0xcc: {  	_ = 	snop  }
0xcd: {  	[tilespmem:s5], [sflag:$0x2] =	stream.indirect.gather [hbm4b:s6+s10], $0x80, s10, s10, $0xb8;
	[tilespmem:$0x11400] =	vst v63  }
0xce: {  	_ =	swait.ge [sflag:s9], $0x8000  }
0xcf: {  	[sflag:s9] =	ssyncset.done $0x0  }
0xd0: {  	[sflag:s9] =	ssyncadd.s32 $0xFFFF8000  }
0xd1: {  	[hbm4b:s22+s2] =	stream.linear.scatter [tilespmem:s7], [sflag:$0x3], $0x8000, $0x38;
	[tilespmem:$0x11400] =	vst v63  }
0xd2: {  	_ =	swait.ge [sflag:s3], $0x8000  }
0xd3: {  	[sflag:s3] =	ssyncset.done $0x0  }
0xd4: {  	[sflag:s3] =	ssyncadd.s32 $0xFFFF8000  }
0xd5: {  	[tilespmem:s7], [sflag:$0x1] =	stream.indirect.gather [hbm4b:s6+s10], $0x80, s30, s10, $0xb8;
	[tilespmem:$0x11400] =	vst v63  }
0xd6: {  	_ =	swait.ge [sflag:s8], $0x8000  }
0xd7: {  	[sflag:s8] =	ssyncset.done $0x0  }
0xd8: {  	s0 =	rddreg [dreg:$0x3];
	[sflag:s8] =	ssyncadd.s32 $0xFFFF8000  }
0xd9: {  	[hbm4b:s0+s2] =	stream.linear.scatter [tilespmem:s5], [sflag:$0x4], $0x8000, $0x38;
	[tilespmem:$0x11400] =	vst v63  }
0xda: {  	_ =	swait.ge [sflag:s4], $0x8000  }
0xdb: {  	[sflag:s4] =	ssyncset.done $0x0  }
0xdc: {  	[sflag:s4] =	ssyncadd.s32 $0xFFFF8000  }
0xdd: {  	[tilespmem:s5], [sflag:$0x2] =	stream.indirect.gather [hbm4b:s6+s10], $0x80, s29, s10, $0xb8;
	[tilespmem:$0x11400] =	vst v63  }
0xde: {  	_ =	swait.ge [sflag:s9], $0x8000  }
0xdf: {  	[sflag:s9] =	ssyncset.done $0x0  }
0xe0: {  	s0 =	rddreg [dreg:$0x4];
	[sflag:s9] =	ssyncadd.s32 $0xFFFF8000  }
0xe1: {  	[hbm4b:s0+s2] =	stream.linear.scatter [tilespmem:s7], [sflag:$0x3], $0x8000, $0x38;
	[tilespmem:$0x11400] =	vst v63  }
0xe2: {  	_ =	swait.ge [sflag:s3], $0x8000  }
0xe3: {  	[sflag:s3] =	ssyncset.done $0x0  }
0xe4: {  	[sflag:s3] =	ssyncadd.s32 $0xFFFF8000  }
0xe5: {  	[tilespmem:s7], [sflag:$0x1] =	stream.indirect.gather [hbm4b:s6+s10], $0x80, s28, s10, $0xb8;
	[tilespmem:$0x11400] =	vst v63  }
0xe6: {  	_ =	swait.ge [sflag:s8], $0x8000  }
0xe7: {  	[sflag:s8] =	ssyncset.done $0x0  }
0xe8: {  	s0 =	rddreg [dreg:$0x5];
	[sflag:s8] =	ssyncadd.s32 $0xFFFF8000  }
0xe9: {  	[hbm4b:s0+s2] =	stream.linear.scatter [tilespmem:s5], [sflag:$0x4], $0x8000, $0x38;
	[tilespmem:$0x11400] =	vst v63  }
0xea: {  	_ =	swait.ge [sflag:s4], $0x8000  }
0xeb: {  	[sflag:s4] =	ssyncset.done $0x0  }
0xec: {  	[sflag:s4] =	ssyncadd.s32 $0xFFFF8000  }
0xed: {  	[tilespmem:s5], [sflag:$0x2] =	stream.indirect.gather [hbm4b:s6+s10], $0x80, s26, s10, $0xb8;
	[tilespmem:$0x11400] =	vst v63  }
0xee: {  	_ =	swait.ge [sflag:s9], $0x8000  }
0xef: {  	[sflag:s9] =	ssyncset.done $0x0  }
0xf0: {  	s0 =	rddreg [dreg:$0x6];
	[sflag:s9] =	ssyncadd.s32 $0xFFFF8000  }
0xf1: {  	[hbm4b:s0+s2] =	stream.linear.scatter [tilespmem:s7], [sflag:$0x3], $0x8000, $0x38;
	[tilespmem:$0x11400] =	vst v63  }
0xf2: {  	_ =	swait.ge [sflag:s3], $0x8000  }
0xf3: {  	[sflag:s3] =	ssyncset.done $0x0  }
0xf4: {  	[sflag:s3] =	ssyncadd.s32 $0xFFFF8000  }
0xf5: {  	[tilespmem:s7], [sflag:$0x1] =	stream.indirect.gather [hbm4b:s6+s10], $0x80, s25, s10, $0xb8;
	[tilespmem:$0x11400] =	vst v63  }
0xf6: {  	_ =	swait.ge [sflag:s8], $0x8000  }
0xf7: {  	[sflag:s8] =	ssyncset.done $0x0  }
0xf8: {  	s0 =	rddreg [dreg:$0x7];
	[sflag:s8] =	ssyncadd.s32 $0xFFFF8000  }
0xf9: {  	[hbm4b:s0+s2] =	stream.linear.scatter [tilespmem:s5], [sflag:$0x4], $0x8000, $0x38;
	[tilespmem:$0x11400] =	vst v63  }
0xfa: {  	_ =	swait.ge [sflag:s4], $0x8000  }
0xfb: {  	[sflag:s4] =	ssyncset.done $0x0  }
0xfc: {  	[sflag:s4] =	ssyncadd.s32 $0xFFFF8000  }
0xfd: {  	[tilespmem:s5], [sflag:$0x2] =	stream.indirect.gather [hbm4b:s6+s10], $0x80, s24, s10, $0xb8;
	[tilespmem:$0x11400] =	vst v63  }
0xfe: {  	_ =	swait.ge [sflag:s9], $0x8000  }
0xff: {  	[sflag:s9] =	ssyncset.done $0x0  }
0x100: {  	s0 =	rddreg [dreg:$0x8];
	[sflag:s9] =	ssyncadd.s32 $0xFFFF8000  }
0x101: {  	[hbm4b:s0+s2] =	stream.linear.scatter [tilespmem:s7], [sflag:$0x3], $0x8000, $0x38;
	[tilespmem:$0x11400] =	vst v63  }
0x102: {  	_ =	swait.ge [sflag:s3], $0x8000  }
0x103: {  	[sflag:s3] =	ssyncset.done $0x0  }
0x104: {  	[sflag:s3] =	ssyncadd.s32 $0xFFFF8000  }
0x105: {  	[tilespmem:s7], [sflag:$0x1] =	stream.indirect.gather [hbm4b:s6+s10], $0x80, s23, s10, $0xb8;
	[tilespmem:$0x11400] =	vst v63  }
0x106: {  	_ =	swait.ge [sflag:s8], $0x8000  }
0x107: {  	[sflag:s8] =	ssyncset.done $0x0  }
0x108: {  	s0 =	rddreg [dreg:$0x9];
	[sflag:s8] =	ssyncadd.s32 $0xFFFF8000  }
0x109: {  	[hbm4b:s0+s2] =	stream.linear.scatter [tilespmem:s5], [sflag:$0x4], $0x8000, $0x38;
	[tilespmem:$0x11400] =	vst v63  }
0x10a: {  	_ =	swait.ge [sflag:s4], $0x8000  }
0x10b: {  	[sflag:s4] =	ssyncset.done $0x0  }
0x10c: {  	[sflag:s4] =	ssyncadd.s32 $0xFFFF8000  }
0x10d: {  	[tilespmem:s5], [sflag:$0x2] =	stream.indirect.gather [hbm4b:s6+s10], $0x80, s21, s10, $0xb8;
	[tilespmem:$0x11400] =	vst v63  }
0x10e: {  	_ =	swait.ge [sflag:s9], $0x8000  }
0x10f: {  	[sflag:s9] =	ssyncset.done $0x0  }
0x110: {  	s0 =	rddreg [dreg:$0xa];
	[sflag:s9] =	ssyncadd.s32 $0xFFFF8000  }
0x111: {  	[hbm4b:s0+s2] =	stream.linear.scatter [tilespmem:s7], [sflag:$0x3], $0x8000, $0x38;
	[tilespmem:$0x11400] =	vst v63  }
0x112: {  	_ =	swait.ge [sflag:s3], $0x8000  }
0x113: {  	[sflag:s3] =	ssyncset.done $0x0  }
0x114: {  	[sflag:s3] =	ssyncadd.s32 $0xFFFF8000  }
0x115: {  	[tilespmem:s7], [sflag:$0x1] =	stream.indirect.gather [hbm4b:s6+s10], $0x80, s20, s10, $0xb8;
	[tilespmem:$0x11400] =	vst v63  }
0x116: {  	_ =	swait.ge [sflag:s8], $0x8000  }
0x117: {  	[sflag:s8] =	ssyncset.done $0x0  }
0x118: {  	s0 =	rddreg [dreg:$0xb];
	[sflag:s8] =	ssyncadd.s32 $0xFFFF8000  }
0x119: {  	[hbm4b:s0+s2] =	stream.linear.scatter [tilespmem:s5], [sflag:$0x4], $0x8000, $0x38;
	[tilespmem:$0x11400] =	vst v63  }
0x11a: {  	_ =	swait.ge [sflag:s4], $0x8000  }
0x11b: {  	[sflag:s4] =	ssyncset.done $0x0  }
0x11c: {  	[sflag:s4] =	ssyncadd.s32 $0xFFFF8000  }
0x11d: {  	[tilespmem:s5], [sflag:$0x2] =	stream.indirect.gather [hbm4b:s6+s10], $0x80, s19, s10, $0xb8;
	[tilespmem:$0x11400] =	vst v63  }
0x11e: {  	_ =	swait.ge [sflag:s9], $0x8000  }
0x11f: {  	[sflag:s9] =	ssyncset.done $0x0  }
0x120: {  	s0 =	rddreg [dreg:$0xc];
	[sflag:s9] =	ssyncadd.s32 $0xFFFF8000  }
0x121: {  	[hbm4b:s0+s2] =	stream.linear.scatter [tilespmem:s7], [sflag:$0x3], $0x8000, $0x38;
	[tilespmem:$0x11400] =	vst v63  }
0x122: {  	_ =	swait.ge [sflag:s3], $0x8000  }
0x123: {  	[sflag:s3] =	ssyncset.done $0x0  }
0x124: {  	[sflag:s3] =	ssyncadd.s32 $0xFFFF8000  }
0x125: {  	[tilespmem:s7], [sflag:$0x1] =	stream.indirect.gather [hbm4b:s6+s10], $0x80, s18, s10, $0xb8;
	[tilespmem:$0x11400] =	vst v63  }
0x126: {  	_ =	swait.ge [sflag:s8], $0x8000  }
0x127: {  	[sflag:s8] =	ssyncset.done $0x0  }
0x128: {  	s0 =	rddreg [dreg:$0xd];
	[sflag:s8] =	ssyncadd.s32 $0xFFFF8000  }
0x129: {  	[hbm4b:s0+s2] =	stream.linear.scatter [tilespmem:s5], [sflag:$0x4], $0x8000, $0x38;
	[tilespmem:$0x11400] =	vst v63  }
0x12a: {  	_ =	swait.ge [sflag:s4], $0x8000  }
0x12b: {  	[sflag:s4] =	ssyncset.done $0x0  }
0x12c: {  	[sflag:s4] =	ssyncadd.s32 $0xFFFF8000  }
0x12d: {  	[tilespmem:s5], [sflag:$0x2] =	stream.indirect.gather [hbm4b:s6+s10], $0x80, s17, s10, $0xb8;
	[tilespmem:$0x11400] =	vst v63  }
0x12e: {  	_ =	swait.ge [sflag:s9], $0x8000  }
0x12f: {  	[sflag:s9] =	ssyncset.done $0x0  }
0x130: {  	s0 =	rddreg [dreg:$0xe];
	[sflag:s9] =	ssyncadd.s32 $0xFFFF8000  }
0x131: {  	[hbm4b:s0+s2] =	stream.linear.scatter [tilespmem:s7], [sflag:$0x3], $0x8000, $0x38;
	[tilespmem:$0x11400] =	vst v63  }
0x132: {  	_ =	swait.ge [sflag:s3], $0x8000  }
0x133: {  	[sflag:s3] =	ssyncset.done $0x0  }
0x134: {  	[sflag:s3] =	ssyncadd.s32 $0xFFFF8000  }
0x135: {  	[tilespmem:s7], [sflag:$0x1] =	stream.indirect.gather [hbm4b:s6+s10], $0x80, s16, s10, $0xb8;
	[tilespmem:$0x11400] =	vst v63  }
0x136: {  	_ =	swait.ge [sflag:s8], $0x8000  }
0x137: {  	[sflag:s8] =	ssyncset.done $0x0  }
0x138: {  	s0 =	rddreg [dreg:$0xf];
	[sflag:s8] =	ssyncadd.s32 $0xFFFF8000  }
0x139: {  	[hbm4b:s0+s2] =	stream.linear.scatter [tilespmem:s5], [sflag:$0x4], $0x8000, $0x38;
	[tilespmem:$0x11400] =	vst v63  }
0x13a: {  	_ =	swait.ge [sflag:s4], $0x8000  }
0x13b: {  	[sflag:s4] =	ssyncset.done $0x0  }
0x13c: {  	[sflag:s4] =	ssyncadd.s32 $0xFFFF8000  }
0x13d: {  	[tilespmem:s5], [sflag:$0x2] =	stream.indirect.gather [hbm4b:s6+s10], $0x80, s15, s10, $0xb8;
	[tilespmem:$0x11400] =	vst v63  }
0x13e: {  	_ =	swait.ge [sflag:s9], $0x8000  }
0x13f: {  	[sflag:s9] =	ssyncset.done $0x0  }
0x140: {  	s0 =	rddreg [dreg:$0x10];
	[sflag:s9] =	ssyncadd.s32 $0xFFFF8000  }
0x141: {  	[hbm4b:s0+s2] =	stream.linear.scatter [tilespmem:s7], [sflag:$0x3], $0x8000, $0x38;
	[tilespmem:$0x11400] =	vst v63  }
0x142: {  	_ =	swait.ge [sflag:s3], $0x8000  }
0x143: {  	[sflag:s3] =	ssyncset.done $0x0  }
0x144: {  	[sflag:s3] =	ssyncadd.s32 $0xFFFF8000  }
0x145: {  	[tilespmem:s7], [sflag:$0x1] =	stream.indirect.gather [hbm4b:s6+s10], $0x80, s14, s10, $0xb8;
	[tilespmem:$0x11400] =	vst v63  }
0x146: {  	_ =	swait.ge [sflag:s8], $0x8000  }
0x147: {  	[sflag:s8] =	ssyncset.done $0x0  }
0x148: {  	s0 =	rddreg [dreg:$0x11];
	[sflag:s8] =	ssyncadd.s32 $0xFFFF8000  }
0x149: {  	[hbm4b:s0+s2] =	stream.linear.scatter [tilespmem:s5], [sflag:$0x4], $0x8000, $0x38;
	[tilespmem:$0x11400] =	vst v63  }
0x14a: {  	_ =	swait.ge [sflag:s4], $0x8000  }
0x14b: {  	[sflag:s4] =	ssyncset.done $0x0  }
0x14c: {  	[sflag:s4] =	ssyncadd.s32 $0xFFFF8000  }
0x14d: {  	[tilespmem:s5], [sflag:$0x2] =	stream.indirect.gather [hbm4b:s6+s10], $0x80, s13, s10, $0xb8;
	[tilespmem:$0x11400] =	vst v63  }
0x14e: {  	_ =	swait.ge [sflag:s9], $0x8000  }
0x14f: {  	[sflag:s9] =	ssyncset.done $0x0  }
0x150: {  	s0 =	rddreg [dreg:$0x12];
	[sflag:s9] =	ssyncadd.s32 $0xFFFF8000  }
0x151: {  	[hbm4b:s0+s2] =	stream.linear.scatter [tilespmem:s7], [sflag:$0x3], $0x8000, $0x38;
	[tilespmem:$0x11400] =	vst v63  }
0x152: {  	_ =	swait.ge [sflag:s3], $0x8000  }
0x153: {  	[sflag:s3] =	ssyncset.done $0x0  }
0x154: {  	[sflag:s3] =	ssyncadd.s32 $0xFFFF8000  }
0x155: {  	[tilespmem:s7], [sflag:$0x1] =	stream.indirect.gather [hbm4b:s6+s10], $0x80, s12, s10, $0xb8;
	[tilespmem:$0x11400] =	vst v63  }
0x156: {  	_ =	swait.ge [sflag:s8], $0x8000  }
0x157: {  	[sflag:s8] =	ssyncset.done $0x0  }
0x158: {  	s0 =	rddreg [dreg:$0x13];
	[sflag:s8] =	ssyncadd.s32 $0xFFFF8000  }
0x159: {  	[hbm4b:s0+s2] =	stream.linear.scatter [tilespmem:s5], [sflag:$0x4], $0x8000, $0x38;
	[tilespmem:$0x11400] =	vst v63  }
0x15a: {  	_ =	swait.ge [sflag:s4], $0x8000  }
0x15b: {  	[sflag:s4] =	ssyncset.done $0x0  }
0x15c: {  	[sflag:s4] =	ssyncadd.s32 $0xFFFF8000  }
0x15d: {  	[tilespmem:s5], [sflag:$0x2] =	stream.indirect.gather [hbm4b:s6+s10], $0x80, s11, s10, $0xb8;
	[tilespmem:$0x11400] =	vst v63  }
0x15e: {  	_ =	swait.ge [sflag:s9], $0x8000  }
0x15f: {  	[sflag:s9] =	ssyncset.done $0x0  }
0x160: {  	s0 =	rddreg [dreg:$0x14];
	[sflag:s9] =	ssyncadd.s32 $0xFFFF8000  }
0x161: {  	[hbm4b:s0+s2] =	stream.linear.scatter [tilespmem:s7], [sflag:$0x3], $0x8000, $0x38;
	[tilespmem:$0x11400] =	vst v63  }
0x162: {  	_ =	swait.ge [sflag:s8], $0x8000  }
0x163: {  	[sflag:s8] =	ssyncset.done $0x0  }
0x164: {  	p1 =	sne.s32 s1, $0x1;
	s0 =	rddreg [dreg:$0x15];
	[sflag:s8] =	ssyncadd.s32 $0xFFFF8000  }
0x165: {  	[hbm4b:s0+s2] =	stream.linear.scatter [tilespmem:s5], [sflag:$0x4], $0x8000, $0x38;
	[tilespmem:$0x11400] =	vst v63  }
.Ltmp2:
0x166: {  	_ =	swait.ge [sflag:s3], $0x8000;
	(pc) =	sbr.rel @p1 .LBB2_2-.Ltmp2, $4  }
0x167: {  	[sflag:s3] =	ssyncset.done $0x0  }
0x168: {  	[sflag:s3] =	ssyncadd.s32 $0xFFFF8000  }
0x169: {  	_ =	swait.ge [sflag:s4], $0x8000  }
0x16a: {  	s1 =	sadd.s32 $0xFFFFFFFF, s1;
	s0 =	rddreg [dreg:$0x2];
	[sflag:s4] =	ssyncset.done $0x0  }
.LBB2_3:
0x16b: {  	[sflag:s4] =	ssyncadd.s32 @p0 $0xFFFF8000  }
0x16c: {  	[tilespmem:s2], [sflag:$0x5] =	stream.linear.gather [hbm4b:s0+s2], $0x1400, $0x38;
	[tilespmem:$0x11400] =	vst v63  }
0x16d: {  	_ =	swait.ge [sflag:s31], $0x1400  }
0x16e: {  	[sflag:s31] =	ssyncset.done $0x0  }
0x16f: {  	[sflag:s31] =	ssyncadd.s32 $0xFFFFEC00  }
0x170: {  	[tilespmem:s7], [sflag:$0x1] =	stream.indirect.gather [hbm4b:s6+s10], $0x80, s2, s10, $0xb8;
	[tilespmem:$0x11400] =	vst v63  }
0x171: {  	_ = 	snop  }
0x172: {  	[tilespmem:s5], [sflag:$0x2] =	stream.indirect.gather [hbm4b:s6+s10], $0x80, s10, s10, $0xb8;
	[tilespmem:$0x11400] =	vst v63  }
0x173: {  	_ =	swait.ge [sflag:s9], $0x8000  }
0x174: {  	[sflag:s9] =	ssyncset.done $0x0  }
0x175: {  	[sflag:s9] =	ssyncadd.s32 $0xFFFF8000  }
0x176: {  	[hbm4b:s22+s2] =	stream.linear.scatter [tilespmem:s7], [sflag:$0x3], $0x8000, $0x38;
	[tilespmem:$0x11400] =	vst v63  }
0x177: {  	_ =	swait.ge [sflag:s3], $0x8000  }
0x178: {  	[sflag:s3] =	ssyncset.done $0x0  }
0x179: {  	[sflag:s3] =	ssyncadd.s32 $0xFFFF8000  }
0x17a: {  	[tilespmem:s7], [sflag:$0x1] =	stream.indirect.gather [hbm4b:s6+s10], $0x80, s30, s10, $0xb8;
	[tilespmem:$0x11400] =	vst v63  }
0x17b: {  	_ =	swait.ge [sflag:s8], $0x8000  }
0x17c: {  	[sflag:s8] =	ssyncset.done $0x0  }
0x17d: {  	s31 =	rddreg [dreg:$0x3];
	[sflag:s8] =	ssyncadd.s32 $0xFFFF8000  }
0x17e: {  	[hbm4b:s31+s2] =	stream.linear.scatter [tilespmem:s5], [sflag:$0x4], $0x8000, $0x38;
	[tilespmem:$0x11400] =	vst v63  }
0x17f: {  	_ =	swait.ge [sflag:s4], $0x8000  }
0x180: {  	[sflag:s4] =	ssyncset.done $0x0  }
0x181: {  	[sflag:s4] =	ssyncadd.s32 $0xFFFF8000  }
0x182: {  	[tilespmem:s5], [sflag:$0x2] =	stream.indirect.gather [hbm4b:s6+s10], $0x80, s29, s10, $0xb8;
	[tilespmem:$0x11400] =	vst v63  }
0x183: {  	_ =	swait.ge [sflag:s9], $0x8000  }
0x184: {  	[sflag:s9] =	ssyncset.done $0x0  }
0x185: {  	s1 =	rddreg [dreg:$0x4];
	[sflag:s9] =	ssyncadd.s32 $0xFFFF8000  }
0x186: {  	[hbm4b:s1+s2] =	stream.linear.scatter [tilespmem:s7], [sflag:$0x3], $0x8000, $0x38;
	[tilespmem:$0x11400] =	vst v63  }
0x187: {  	_ =	swait.ge [sflag:s3], $0x8000  }
0x188: {  	[sflag:s3] =	ssyncset.done $0x0  }
0x189: {  	[sflag:s3] =	ssyncadd.s32 $0xFFFF8000  }
0x18a: {  	[tilespmem:s7], [sflag:$0x1] =	stream.indirect.gather [hbm4b:s6+s10], $0x80, s28, s10, $0xb8;
	[tilespmem:$0x11400] =	vst v63  }
0x18b: {  	_ =	swait.ge [sflag:s8], $0x8000  }
0x18c: {  	[sflag:s8] =	ssyncset.done $0x0  }
0x18d: {  	s22 =	rddreg [dreg:$0x5];
	[sflag:s8] =	ssyncadd.s32 $0xFFFF8000  }
0x18e: {  	[hbm4b:s22+s2] =	stream.linear.scatter [tilespmem:s5], [sflag:$0x4], $0x8000, $0x38;
	[tilespmem:$0x11400] =	vst v63  }
0x18f: {  	_ =	swait.ge [sflag:s4], $0x8000  }
0x190: {  	[sflag:s4] =	ssyncset.done $0x0  }
0x191: {  	[sflag:s4] =	ssyncadd.s32 $0xFFFF8000  }
0x192: {  	[tilespmem:s5], [sflag:$0x2] =	stream.indirect.gather [hbm4b:s6+s10], $0x80, s26, s10, $0xb8;
	[tilespmem:$0x11400] =	vst v63  }
0x193: {  	_ =	swait.ge [sflag:s9], $0x8000  }
0x194: {  	[sflag:s9] =	ssyncset.done $0x0  }
0x195: {  	s26 =	rddreg [dreg:$0x6];
	[sflag:s9] =	ssyncadd.s32 $0xFFFF8000  }
0x196: {  	[hbm4b:s26+s2] =	stream.linear.scatter [tilespmem:s7], [sflag:$0x3], $0x8000, $0x38;
	[tilespmem:$0x11400] =	vst v63  }
0x197: {  	_ =	swait.ge [sflag:s3], $0x8000  }
0x198: {  	[sflag:s3] =	ssyncset.done $0x0  }
0x199: {  	[sflag:s3] =	ssyncadd.s32 $0xFFFF8000  }
0x19a: {  	[tilespmem:s7], [sflag:$0x1] =	stream.indirect.gather [hbm4b:s6+s10], $0x80, s25, s10, $0xb8;
	[tilespmem:$0x11400] =	vst v63  }
0x19b: {  	_ =	swait.ge [sflag:s8], $0x8000  }
0x19c: {  	[sflag:s8] =	ssyncset.done $0x0  }
0x19d: {  	s28 =	rddreg [dreg:$0x7];
	[sflag:s8] =	ssyncadd.s32 $0xFFFF8000  }
0x19e: {  	[hbm4b:s28+s2] =	stream.linear.scatter [tilespmem:s5], [sflag:$0x4], $0x8000, $0x38;
	[tilespmem:$0x11400] =	vst v63  }
0x19f: {  	_ =	swait.ge [sflag:s4], $0x8000  }
0x1a0: {  	[sflag:s4] =	ssyncset.done $0x0  }
0x1a1: {  	[sflag:s4] =	ssyncadd.s32 $0xFFFF8000  }
0x1a2: {  	[tilespmem:s5], [sflag:$0x2] =	stream.indirect.gather [hbm4b:s6+s10], $0x80, s24, s10, $0xb8;
	[tilespmem:$0x11400] =	vst v63  }
0x1a3: {  	_ =	swait.ge [sflag:s9], $0x8000  }
0x1a4: {  	[sflag:s9] =	ssyncset.done $0x0  }
0x1a5: {  	s29 =	rddreg [dreg:$0x8];
	[sflag:s9] =	ssyncadd.s32 $0xFFFF8000  }
0x1a6: {  	[hbm4b:s29+s2] =	stream.linear.scatter [tilespmem:s7], [sflag:$0x3], $0x8000, $0x38;
	[tilespmem:$0x11400] =	vst v63  }
0x1a7: {  	_ =	swait.ge [sflag:s3], $0x8000  }
0x1a8: {  	[sflag:s3] =	ssyncset.done $0x0  }
0x1a9: {  	[sflag:s3] =	ssyncadd.s32 $0xFFFF8000  }
0x1aa: {  	[tilespmem:s7], [sflag:$0x1] =	stream.indirect.gather [hbm4b:s6+s10], $0x80, s23, s10, $0xb8;
	[tilespmem:$0x11400] =	vst v63  }
0x1ab: {  	_ =	swait.ge [sflag:s8], $0x8000  }
0x1ac: {  	[sflag:s8] =	ssyncset.done $0x0  }
0x1ad: {  	s30 =	rddreg [dreg:$0x9];
	[sflag:s8] =	ssyncadd.s32 $0xFFFF8000  }
0x1ae: {  	[hbm4b:s30+s2] =	stream.linear.scatter [tilespmem:s5], [sflag:$0x4], $0x8000, $0x38;
	[tilespmem:$0x11400] =	vst v63  }
0x1af: {  	_ =	swait.ge [sflag:s4], $0x8000  }
0x1b0: {  	[sflag:s4] =	ssyncset.done $0x0  }
0x1b1: {  	[sflag:s4] =	ssyncadd.s32 $0xFFFF8000  }
0x1b2: {  	[tilespmem:s5], [sflag:$0x2] =	stream.indirect.gather [hbm4b:s6+s10], $0x80, s21, s10, $0xb8;
	[tilespmem:$0x11400] =	vst v63  }
0x1b3: {  	_ =	swait.ge [sflag:s9], $0x8000  }
0x1b4: {  	[sflag:s9] =	ssyncset.done $0x0  }
0x1b5: {  	s31 =	rddreg [dreg:$0xa];
	[sflag:s9] =	ssyncadd.s32 $0xFFFF8000  }
0x1b6: {  	[hbm4b:s31+s2] =	stream.linear.scatter [tilespmem:s7], [sflag:$0x3], $0x8000, $0x38;
	[tilespmem:$0x11400] =	vst v63  }
0x1b7: {  	_ =	swait.ge [sflag:s3], $0x8000  }
0x1b8: {  	[sflag:s3] =	ssyncset.done $0x0  }
0x1b9: {  	[sflag:s3] =	ssyncadd.s32 $0xFFFF8000  }
0x1ba: {  	[tilespmem:s7], [sflag:$0x1] =	stream.indirect.gather [hbm4b:s6+s10], $0x80, s20, s10, $0xb8;
	[tilespmem:$0x11400] =	vst v63  }
0x1bb: {  	_ =	swait.ge [sflag:s8], $0x8000  }
0x1bc: {  	[sflag:s8] =	ssyncset.done $0x0  }
0x1bd: {  	s1 =	rddreg [dreg:$0xb];
	[sflag:s8] =	ssyncadd.s32 $0xFFFF8000  }
0x1be: {  	[hbm4b:s1+s2] =	stream.linear.scatter [tilespmem:s5], [sflag:$0x4], $0x8000, $0x38;
	[tilespmem:$0x11400] =	vst v63  }
0x1bf: {  	_ =	swait.ge [sflag:s4], $0x8000  }
0x1c0: {  	[sflag:s4] =	ssyncset.done $0x0  }
0x1c1: {  	[sflag:s4] =	ssyncadd.s32 $0xFFFF8000  }
0x1c2: {  	[tilespmem:s5], [sflag:$0x2] =	stream.indirect.gather [hbm4b:s6+s10], $0x80, s19, s10, $0xb8;
	[tilespmem:$0x11400] =	vst v63  }
0x1c3: {  	_ =	swait.ge [sflag:s9], $0x8000  }
0x1c4: {  	[sflag:s9] =	ssyncset.done $0x0  }
0x1c5: {  	s20 =	rddreg [dreg:$0xc];
	[sflag:s9] =	ssyncadd.s32 $0xFFFF8000  }
0x1c6: {  	[hbm4b:s20+s2] =	stream.linear.scatter [tilespmem:s7], [sflag:$0x3], $0x8000, $0x38;
	[tilespmem:$0x11400] =	vst v63  }
0x1c7: {  	_ =	swait.ge [sflag:s3], $0x8000  }
0x1c8: {  	[sflag:s3] =	ssyncset.done $0x0  }
0x1c9: {  	[sflag:s3] =	ssyncadd.s32 $0xFFFF8000  }
0x1ca: {  	[tilespmem:s7], [sflag:$0x1] =	stream.indirect.gather [hbm4b:s6+s10], $0x80, s18, s10, $0xb8;
	[tilespmem:$0x11400] =	vst v63  }
0x1cb: {  	_ =	swait.ge [sflag:s8], $0x8000  }
0x1cc: {  	[sflag:s8] =	ssyncset.done $0x0  }
0x1cd: {  	s21 =	rddreg [dreg:$0xd];
	[sflag:s8] =	ssyncadd.s32 $0xFFFF8000  }
0x1ce: {  	[hbm4b:s21+s2] =	stream.linear.scatter [tilespmem:s5], [sflag:$0x4], $0x8000, $0x38;
	[tilespmem:$0x11400] =	vst v63  }
0x1cf: {  	_ =	swait.ge [sflag:s4], $0x8000  }
0x1d0: {  	[sflag:s4] =	ssyncset.done $0x0  }
0x1d1: {  	[sflag:s4] =	ssyncadd.s32 $0xFFFF8000  }
0x1d2: {  	[tilespmem:s5], [sflag:$0x2] =	stream.indirect.gather [hbm4b:s6+s10], $0x80, s17, s10, $0xb8;
	[tilespmem:$0x11400] =	vst v63  }
0x1d3: {  	_ =	swait.ge [sflag:s9], $0x8000  }
0x1d4: {  	[sflag:s9] =	ssyncset.done $0x0  }
0x1d5: {  	s22 =	rddreg [dreg:$0xe];
	[sflag:s9] =	ssyncadd.s32 $0xFFFF8000  }
0x1d6: {  	[hbm4b:s22+s2] =	stream.linear.scatter [tilespmem:s7], [sflag:$0x3], $0x8000, $0x38;
	[tilespmem:$0x11400] =	vst v63  }
0x1d7: {  	_ =	swait.ge [sflag:s3], $0x8000  }
0x1d8: {  	[sflag:s3] =	ssyncset.done $0x0  }
0x1d9: {  	[sflag:s3] =	ssyncadd.s32 $0xFFFF8000  }
0x1da: {  	[tilespmem:s7], [sflag:$0x1] =	stream.indirect.gather [hbm4b:s6+s10], $0x80, s16, s10, $0xb8;
	[tilespmem:$0x11400] =	vst v63  }
0x1db: {  	_ =	swait.ge [sflag:s8], $0x8000  }
0x1dc: {  	[sflag:s8] =	ssyncset.done $0x0  }
0x1dd: {  	s23 =	rddreg [dreg:$0xf];
	[sflag:s8] =	ssyncadd.s32 $0xFFFF8000  }
0x1de: {  	[hbm4b:s23+s2] =	stream.linear.scatter [tilespmem:s5], [sflag:$0x4], $0x8000, $0x38;
	[tilespmem:$0x11400] =	vst v63  }
0x1df: {  	_ =	swait.ge [sflag:s4], $0x8000  }
0x1e0: {  	[sflag:s4] =	ssyncset.done $0x0  }
0x1e1: {  	[sflag:s4] =	ssyncadd.s32 $0xFFFF8000  }
0x1e2: {  	[tilespmem:s5], [sflag:$0x2] =	stream.indirect.gather [hbm4b:s6+s10], $0x80, s15, s10, $0xb8;
	[tilespmem:$0x11400] =	vst v63  }
0x1e3: {  	_ =	swait.ge [sflag:s9], $0x8000  }
0x1e4: {  	[sflag:s9] =	ssyncset.done $0x0  }
0x1e5: {  	s24 =	rddreg [dreg:$0x10];
	[sflag:s9] =	ssyncadd.s32 $0xFFFF8000  }
0x1e6: {  	[hbm4b:s24+s2] =	stream.linear.scatter [tilespmem:s7], [sflag:$0x3], $0x8000, $0x38;
	[tilespmem:$0x11400] =	vst v63  }
0x1e7: {  	_ =	swait.ge [sflag:s3], $0x8000  }
0x1e8: {  	[sflag:s3] =	ssyncset.done $0x0  }
0x1e9: {  	[sflag:s3] =	ssyncadd.s32 $0xFFFF8000  }
0x1ea: {  	[tilespmem:s7], [sflag:$0x1] =	stream.indirect.gather [hbm4b:s6+s10], $0x80, s14, s10, $0xb8;
	[tilespmem:$0x11400] =	vst v63  }
0x1eb: {  	_ =	swait.ge [sflag:s8], $0x8000  }
0x1ec: {  	[sflag:s8] =	ssyncset.done $0x0  }
0x1ed: {  	s25 =	rddreg [dreg:$0x11];
	[sflag:s8] =	ssyncadd.s32 $0xFFFF8000  }
0x1ee: {  	[hbm4b:s25+s2] =	stream.linear.scatter [tilespmem:s5], [sflag:$0x4], $0x8000, $0x38;
	[tilespmem:$0x11400] =	vst v63  }
0x1ef: {  	_ =	swait.ge [sflag:s4], $0x8000  }
0x1f0: {  	[sflag:s4] =	ssyncset.done $0x0  }
0x1f1: {  	[sflag:s4] =	ssyncadd.s32 $0xFFFF8000  }
0x1f2: {  	[tilespmem:s5], [sflag:$0x2] =	stream.indirect.gather [hbm4b:s6+s10], $0x80, s13, s10, $0xb8;
	[tilespmem:$0x11400] =	vst v63  }
0x1f3: {  	_ =	swait.ge [sflag:s9], $0x8000  }
0x1f4: {  	[sflag:s9] =	ssyncset.done $0x0  }
0x1f5: {  	s26 =	rddreg [dreg:$0x12];
	[sflag:s9] =	ssyncadd.s32 $0xFFFF8000  }
0x1f6: {  	[hbm4b:s26+s2] =	stream.linear.scatter [tilespmem:s7], [sflag:$0x3], $0x8000, $0x38;
	[tilespmem:$0x11400] =	vst v63  }
0x1f7: {  	_ =	swait.ge [sflag:s3], $0x8000  }
0x1f8: {  	[sflag:s3] =	ssyncset.done $0x0  }
0x1f9: {  	[sflag:s3] =	ssyncadd.s32 $0xFFFF8000  }
0x1fa: {  	[tilespmem:s7], [sflag:$0x1] =	stream.indirect.gather [hbm4b:s6+s10], $0x80, s12, s10, $0xb8;
	[tilespmem:$0x11400] =	vst v63  }
0x1fb: {  	_ =	swait.ge [sflag:s8], $0x8000  }
0x1fc: {  	[sflag:s8] =	ssyncset.done $0x0  }
0x1fd: {  	s28 =	rddreg [dreg:$0x13];
	[sflag:s8] =	ssyncadd.s32 $0xFFFF8000  }
0x1fe: {  	[hbm4b:s28+s2] =	stream.linear.scatter [tilespmem:s5], [sflag:$0x4], $0x8000, $0x38;
	[tilespmem:$0x11400] =	vst v63  }
0x1ff: {  	_ =	swait.ge [sflag:s4], $0x8000  }
0x200: {  	[sflag:s4] =	ssyncset.done $0x0  }
0x201: {  	[sflag:s4] =	ssyncadd.s32 $0xFFFF8000  }
0x202: {  	[tilespmem:s5], [sflag:$0x2] =	stream.indirect.gather [hbm4b:s6+s10], $0x80, s11, s10, $0xb8;
	[tilespmem:$0x11400] =	vst v63  }
0x203: {  	_ =	swait.ge [sflag:s9], $0x8000  }
0x204: {  	[sflag:s9] =	ssyncset.done $0x0  }
0x205: {  	s29 =	rddreg [dreg:$0x14];
	[sflag:s9] =	ssyncadd.s32 $0xFFFF8000  }
0x206: {  	[hbm4b:s29+s2] =	stream.linear.scatter [tilespmem:s7], [sflag:$0x3], $0x8000, $0x38;
	[tilespmem:$0x11400] =	vst v63  }
0x207: {  	_ =	swait.ge [sflag:s8], $0x8000  }
0x208: {  	[sflag:s8] =	ssyncset.done $0x0  }
0x209: {  	s30 =	rddreg [dreg:$0x15];
	[sflag:s8] =	ssyncadd.s32 $0xFFFF8000  }
0x20a: {  	[hbm4b:s30+s2] =	stream.linear.scatter [tilespmem:s5], [sflag:$0x4], $0x8000, $0x38;
	[tilespmem:$0x11400] =	vst v63  }
0x20b: {  	_ =	swait.ge [sflag:s3], $0x8000  }
0x20c: {  	[sflag:s3] =	ssyncset.done $0x0  }
0x20d: {  	[sflag:s3] =	ssyncadd.s32 $0xFFFF8000  }
0x20e: {  	_ =	swait.ge [sflag:s4], $0x8000  }
0x20f: {  	[sflag:s4] =	ssyncset.done $0x0  }
0x210: {  	[sflag:s4] =	ssyncadd.s32 $0xFFFF8000  }
0x211: {  	_ =	sfence.sel $0x180000  }
0x212: {  	[bflag:$0x0] =	sbarrier.arrive $0xFFFF  }
0x213: {  	_ =	strace $0x9000004A  }
0x214: {  	s31 =	stileid.u32;
	[bflag:$0x2] =	sbarrier.arrive $0xFFFF  }
0x215: {  	p0 =	sne.s32 s31, $0x0;
	s0 =	rddreg [dreg:$0x1]  }
0x216: {  	s0 =	sadd.s32 @!p0 $0x100000, s0  }
0x217: {  	[sflag:s0] =	ssyncadd.tile.s32 @!p0 $0x1;
	_ =	shalt  }
.Lfunc_end2:
_tile_overlayer_lowered:
.L_overlay_start_2:
0x218: {  	(tag) =	ssettag $0x2  }
0x219: {  	s0 =	rddreg [dreg:$0x0];
	s2 =	stileid.u32  }
0x21a: {  	s1 =	rddreg [dreg:$0x1];
	p0 =	sne.s32 s2, $0x0  }
0x21b: {  	s3 =	rddreg [dreg:$0x2];
	[bflag:$0x3] =	sbarrier.arrive $0xFFFF;
	s2 =	simm.s32 @!p0 $0x1C05  }
0x21c: {  	[timem:s3], [sflag:s2] =	dma.local @!p0 [hbm:s0], s1  }
0x21d: {  	s0 =	simm.s32 @!p0 $0x5  }
0x21e: {  	_ =	swait.ge @!p0 [sflag:s0], s1  }
0x21f: {  	s1 =	ssub.s32 @!p0 $0x0, s1;
	[sflag:s0] =	ssyncset.done @!p0 $0x0  }
0x220: {  	[sflag:s0] =	ssyncadd.s32 @!p0 s1  }
0x221: {  	[bflag:$0x3] =	sbarrier.arrive $0xFFFF  }
0x222: {  	_ =	shalt  }

// kernel: kernel.9.cloned.1.call-start
scs
__scs_entry_jumppad:
0x0: {  	(pc) =	sbr.rel $0x88, $3  }
0x1: {  	(tag) =	ssettag $0x0;
	lr =	simm.s32 $0x1  }
0x2: {  	[smem:$0x3F9B] =	sst lr;
	_ =	strace $0xD0000000  }
0x3: {  	_ = 	snop  }
0x4: {  	_ = 	snop  }
0x5: {  	_ = 	snop  }
0x6: {  	_ = 	snop  }
0x7: {  	_ = 	snop  }
__scs_overlays_trampoline_lowered:
0x8: {  	[smem:$0x3FAA] =	sst s0  }
0x9: {  	[smem:$0x3FAB] =	sst s1  }
0xa: {  	[smem:$0x3FAC] =	sst s2  }
0xb: {  	[smem:$0x3FAD] =	sst s3  }
0xc: {  	[smem:$0x3FAE] =	sst s4  }
0xd: {  	[smem:$0x3FAF] =	sst s5  }
0xe: {  	[smem:$0x3FB0] =	sst s6  }
0xf: {  	[smem:$0x3FB1] =	sst s7  }
0x10: {  	[smem:$0x3FB2] =	sst s8  }
0x11: {  	[smem:$0x3FB3] =	sst s9;
	s0 =	simm.s32 @!p0 $0x0  }
0x12: {  	s1 =	sld [smem:$0x3F99];
	s0 =	simm.s32 @p0 $0x1  }
0x13: {  	[smem:$0x3FB4] =	sst s0;
	s0 =	simm.s32 @!p1 $0x0  }
0x14: {  	s2 =	sld [smem:$0x3F98];
	s0 =	simm.s32 @p1 $0x1  }
0x15: {  	[smem:$0x3FB5] =	sst s0;
	s0 =	simm.s32 @!p2 $0x0  }
0x16: {  	s3 =	sld [smem:$0x3FDB];
	s0 =	simm.s32 @p2 $0x1  }
0x17: {  	s4 =	simm.s32 $0x1BF5;
	[smem:$0x3FB7] =	sst s0  }
0x18: {  	s0 =	sld [smem:$0x3F9A];
	_ =	swait.ge [sflag:s4], $0x0  }
0x19: {  	s7 =	sld [smem:$0x3F9B]  }
0x1a: {  	s8 =	sadd.s32 $0xFFFFE003, lr  }
0x1b: {  	s9 =	sadd.s32 $0xFFFFFEF7, lr;
	s5 =	simm.s32 $0xFFFFFFFF;
	p2 =	slt.u32 s8, $0xFFFFF086  }
0x1c: {  	p1 =	slt.u32 s9, $0xF7A;
	s5 =	simm.s32 @!p2 $0x0  }
0x1d: {  	s5 =	simm.s32 @p1 $0x1;
	p0 =	seq.s32 s7, s2  }
0x1e: {  	s7 =	smul.u32 @!p0 $0xF7A, s2;
	p2 =	seq.s32 @!p0 s5, $0x0  }
0x1f: {  	s9 =	smul.u32 $0xF7A, s1;
	s8 =	simm.s32 @!p0 $0x1BF5;
	p2 =	por !p2, p0  }
0x20: {  	[sflag:s8] =	ssyncset.s32 @!p0 $0xFFFFF086;
	s6 =	sadd.s32 @!p0 s3, s7;
	s7 =	simm.s32 @!p0 $0x108  }
0x21: {  	s3 =	sadd.s32 s3, s9;
	s6 =	sadd.s32 @!p0 $0x88, s6;
	s7 =	simm.s32 @p2 $0x1082  }
0x22: {  	[simem:s7], [sflag:s8] =	dma.local @!p0 [hbm:s6], $0xF7A  }
0x23: {  	s9 =	sor.u32 $0xD0000000, s2;
	s6 =	simm.s32 $0x108;
	_ =	swait.ge @!p0 [sflag:s8], $0x0  }
0x24: {  	s3 =	sadd.s32 $0x88, s3;
	s6 =	simm.s32 @!p1 $0x1082;
	[sflag:s4] =	ssyncset.s32 $0xFFFFF086  }
0x25: {  	[simem:s6], [sflag:s4] =	dma.local [hbm:s3], $0xF7A  }
0x26: {  	[smem:$0x3F9B] =	sst s1;
	(tag) =	ssettag s2;
	_ =	strace s9  }
0x27: {  	s1 =	sld [smem:$0x3FAB]  }
0x28: {  	s2 =	sld [smem:$0x3FAC]  }
0x29: {  	s4 =	sld [smem:$0x3FAE]  }
0x2a: {  	p0 =	seq.s32 s5, $0x0;
	s5 =	sld [smem:$0x3FAF]  }
0x2b: {  	s6 =	sld [smem:$0x3FB0]  }
0x2c: {  	s7 =	sld [smem:$0x3FB1]  }
0x2d: {  	s3 =	simm.s32 $0x108;
	s8 =	sld [smem:$0x3FB2]  }
0x2e: {  	s3 =	simm.s32 @!p0 $0x1082;
	s9 =	sld [smem:$0x3FB3]  }
0x2f: {  	lr =	sadd.s32 s0, s3;
	s0 =	sld [smem:$0x3FAA]  }
0x30: {  	s3 =	sld [smem:$0x3FAD]  }
0x31: {  	[smem:$0x3FB6] =	sst s10  }
0x32: {  	s10 =	sld [smem:$0x3FB4];
	_ =	sdelay $0x3  }
0x33: {  	p0 =	seq.s32 s10, $0x1;
	s10 =	sld [smem:$0x3FB6];
	_ =	sdelay $0x3  }
0x34: {  	[smem:$0x3FB6] =	sst s10  }
0x35: {  	s10 =	sld [smem:$0x3FB5];
	_ =	sdelay $0x3  }
0x36: {  	p1 =	seq.s32 s10, $0x1;
	s10 =	sld [smem:$0x3FB6];
	_ =	sdelay $0x3  }
0x37: {  	[smem:$0x3FB6] =	sst s10  }
0x38: {  	s10 =	sld [smem:$0x3FB7]  }
0x39: {  	_ = 	snop;
	(pc) =	sbr.ind lr, $3  }
0x3a: {  	_ = 	snop  }
0x3b: {  	_ = 	snop  }
0x3c: {  	p2 =	seq.s32 s10, $0x1;
	s10 =	sld [smem:$0x3FB6]  }
0x3d: {  	_ =	shalt  }
0x3e: {  	_ =	shalt  }
0x3f: {  	_ =	shalt  }
0x40: {  	_ =	shalt  }
0x41: {  	_ =	shalt  }
0x42: {  	_ =	shalt  }
0x43: {  	_ =	shalt  }
0x44: {  	_ =	shalt  }
0x45: {  	_ =	shalt  }
0x46: {  	_ =	shalt  }
0x47: {  	_ =	shalt  }
0x48: {  	_ =	shalt  }
0x49: {  	_ =	shalt  }
0x4a: {  	_ =	shalt  }
0x4b: {  	_ =	shalt  }
0x4c: {  	_ =	shalt  }
0x4d: {  	_ =	shalt  }
0x4e: {  	_ =	shalt  }
0x4f: {  	_ =	shalt  }
0x50: {  	_ =	shalt  }
0x51: {  	_ =	shalt  }
0x52: {  	_ =	shalt  }
0x53: {  	_ =	shalt  }
0x54: {  	_ =	shalt  }
0x55: {  	_ =	shalt  }
0x56: {  	_ =	shalt  }
0x57: {  	_ =	shalt  }
0x58: {  	_ =	shalt  }
0x59: {  	_ =	shalt  }
0x5a: {  	_ =	shalt  }
0x5b: {  	_ =	shalt  }
0x5c: {  	_ =	shalt  }
0x5d: {  	_ =	shalt  }
0x5e: {  	_ =	shalt  }
0x5f: {  	_ =	shalt  }
0x60: {  	_ =	shalt  }
0x61: {  	_ =	shalt  }
0x62: {  	_ =	shalt  }
0x63: {  	_ =	shalt  }
0x64: {  	_ =	shalt  }
0x65: {  	_ =	shalt  }
0x66: {  	_ =	shalt  }
0x67: {  	_ =	shalt  }
0x68: {  	_ =	shalt  }
0x69: {  	_ =	shalt  }
0x6a: {  	_ =	shalt  }
0x6b: {  	_ =	shalt  }
0x6c: {  	_ =	shalt  }
0x6d: {  	_ =	shalt  }
0x6e: {  	_ =	shalt  }
0x6f: {  	_ =	shalt  }
0x70: {  	_ =	shalt  }
0x71: {  	_ =	shalt  }
0x72: {  	_ =	shalt  }
0x73: {  	_ =	shalt  }
0x74: {  	_ =	shalt  }
0x75: {  	_ =	shalt  }
0x76: {  	_ =	shalt  }
0x77: {  	_ =	shalt  }
0x78: {  	_ =	shalt  }
0x79: {  	_ =	shalt  }
0x7a: {  	_ =	shalt  }
0x7b: {  	_ =	shalt  }
0x7c: {  	_ =	shalt  }
0x7d: {  	_ =	shalt  }
0x7e: {  	_ =	shalt  }
0x7f: {  	_ =	shalt  }
0x80: {  	_ =	shalt  }
0x81: {  	_ =	shalt  }
0x82: {  	_ =	shalt  }
0x83: {  	_ =	shalt  }
0x84: {  	_ =	shalt  }
0x85: {  	_ =	shalt  }
0x86: {  	_ =	shalt  }
0x87: {  	_ =	shalt  }
.Lfunc_end0:
.L_simem_size_0:
called_computation_lowered:
.L_overlay_start_0:
0x88: {  	s2 =	sld [smem:$0x3FD9]  }
0x89: {  	s3 =	sld [smem:$0x3FFE];
	_ =	sdelay $0x1  }
0x8a: {  	s1 =	srdreg.scid  }
0x8b: {  	s0 =	sand.u32 $0x1, s1  }
0x8c: {  	s17 =	sshll.u32 s0, $0xA;
	s2 =	sadd.s32 s3, s2  }
0x8d: {  	s2 =	sadd.s32 s2, s17  }
0x8e: {  	[smem:$0x3FC2] =	sst s2  }
0x8f: {  	_ = 	snop  }
0x90: {  	s2 =	sld [smem:$0x3FD0];
	(tm) =	ssettm $0x1  }
0x91: {  	s18 =	sld [smem:$0x3FFB];
	_ =	sdelay $0x3  }
0x92: {  	_ =	strace s18  }
0x93: {  	s3 =	sld [smem:$0x3FFC];
	_ =	sdelay $0x3  }
0x94: {  	_ =	strace s3  }
0x95: {  	s3 =	sld [smem:$0x3FFD];
	_ =	sdelay $0x3  }
0x96: {  	_ =	strace s3  }
0x97: {  	_ =	strace $0x8FFFFFFF  }
0x98: {  	s19 =	sld [smem:$0x3FDB];
	_ =	sdelay $0x1  }
0x99: {  	s4 =	simm.s32 $_scs_section_size  }
0x9a: {  	s5 =	simm.s32 $_size__tile_overlayer_lowered;
	s6 =	simm.s32 $_tile_overlayer_lowered  }
0x9b: {  	s22 =	simm.s32 $0x1BFF;
	s21 =	sshll.u32 s6, $0x1;
	s3 =	sadd.s32 s4, s19  }
0x9c: {  	s7 =	simm.s32 $0x0;
	s20 =	sshll.u32 s5, $0x1;
	s5 =	sadd.s32 s21, s3  }
0x9d: {  	[timem:s7], [sflag:s22] =	dma.local [hbm:s5], s20  }
0x9e: {  	_ =	swait.ge [sflag:s22], s20  }
0x9f: {  	s4 =	ssub.s32 $0x0, s20;
	[sflag:s22] =	ssyncset.done $0x0  }
0xa0: {  	[sflag:s22] =	ssyncadd.s32 s4;
	_ =	sdelay $0x1  }
0xa1: {  	s23 =	simm.s32 $0x1B8B  }
0xa2: {  	_ =	swait.ge [sflag:s23], $0x1  }
0xa3: {  	[sflag:s23] =	ssyncset.done $0x0  }
0xa4: {  	s25 =	simm.s32 $0x1B8E;
	s24 =	sld [smem:$0x3FFE];
	[sflag:s23] =	ssyncadd.s32 $0xFFFFFFFF  }
0xa5: {  	s26 =	simm.s32 $execute0_lowered;
	[smem:$0x3FD2] =	sst s25  }
0xa6: {  	s5 =	sshll.u32 s26, $0x1;
	_ =	strace $0x80000046;
	[dreg:$0x1] =	wrdreg $0xFFFFFFFF  }
0xa7: {  	s28 =	simm.s32 $_size_execute0_lowered;
	s3 =	sadd.s32 s3, s5;
	[dreg:$0x0] =	wrdreg $0x0  }
0xa8: {  	s5 =	sshll.u32 s28, $0x1;
	[dreg:$0x2] =	wrdreg s3  }
0xa9: {  	[dreg:$0x3] =	wrdreg s5  }
0xaa: {  	[dreg:$0x4] =	wrdreg $0xC0  }
0xab: {  	_ =	task [dreg:s7], $0x5FFFF  }
0xac: {  	[dreg:$0x1] =	wrdreg $0xFFFFFFFF  }
0xad: {  	[dreg:$0x0] =	wrdreg $0x60  }
0xae: {  	[dreg:$0x2] =	wrdreg s24  }
0xaf: {  	[dreg:$0x3] =	wrdreg s2  }
0xb0: {  	[dreg:$0x4] =	wrdreg $0x9  }
0xb1: {  	_ =	task.clear_ibuf [dreg:s7], $0x5FFFF;
	_ =	strace $0x90000046  }
0xb2: {  	s29 =	simm.s32 $0x9;
	_ =	strace $0x80000048  }
0xb3: {  	_ =	swait.ge [sflag:s29], $0x1  }
0xb4: {  	[sflag:s29] =	ssyncadd.s32 $0xFFFFFFFF  }
0xb5: {  	_ =	strace $0x90000048  }
0xb6: {  	_ =	sfence  }
0xb7: {  	s30 =	sld [smem:$0x0];
	_ =	sdelay $0x2  }
0xb8: {  	s31 =	sshll.u32 s1, $0xD;
	s1 =	sshrl.u32 s1, $0x2  }
0xb9: {  	s3 =	sand.u32 $0x4000, s31;
	s1 =	sadd.s32 s1, s30  }
0xba: {  	s0 =	sor.u32 s3, s0;
	s1 =	sshll.u32 s1, $0x11  }
0xbb: {  	s0 =	sor.u32 s1, s0  }
0xbc: {  	s0 =	sadd.s32 $0x8F2B, s0  }
0xbd: {  	[sflag:s0] =	ssyncadd.remote.s32 $0x1  }
0xbe: {  	_ =	sfence.sel $0xFFFF  }
0xbf: {  	[dreg:$0x0] =	wrdreg $0xFFFFFFFF;
	(pc) =	sbr.abs _section_cstart, $3  }
0xc0: {  	[dreg:$0x1] =	wrdreg $0xFFFFFFFF  }
0xc1: {  	_ =	task.clear_ibuf [dreg:s7], $0x2FFFF;
	_ =	strace $0x9FFFFFFF  }
0xc2: {  	(tm) =	ssettm $0x7FFFFFFF  }
0xc3: {  	_ =	shalt  }
tec
execute0_lowered:
.L_overlay_start_1:
0x0: {  	(tag) =	ssettag $0x1  }
0x1: {  	s4 =	rddreg [dreg:$0x0];
	s1 =	srdreg.scid  }
0x2: {  	s0 =	stileid.u32;
	s2 =	rddreg [dreg:$0x1]  }
0x3: {  	s8 =	simm.s32 $0x2;
	s9 =	simm.s32 $0x2800;
	s10 =	simm.s32 $0x1  }
0x4: {  	s11 =	simm.s32 $0x5000;
	s5 =	sand.u32 $0x1, s1;
	s3 =	sshll.u32 s0, $0x1  }
0x5: {  	s1 =	rddreg [dreg:$0x2];
	s6 =	sor.u32 s5, s3;
	s5 =	ssub.s32 $0x2, s5  }
0x6: {  	s3 =	simm.s32 $0x0;
	s6 =	smul.u32 $0x500, s6;
	s7 =	sshrl.u32 s5, $0x1  }
0x7: {  	s12 =	simm.s32 $0x0;
	[smem:$0x7FF] =	sst s3;
	s7 =	ssub.s32 s5, s7  }
0x8: {  	_ =	strace $0x80000047;
	s6 =	sadd.s32 s6, s4;
	s7 =	smax.u32 s7, $0x1  }
0x9: {  	v0 =	vimm.f32 $0.0e+00;
	s4 =	sadd.s32 $0x1C00, s6;
	s5 =	sadd.s32 $0xBC00, s6;
	s6 =	sadd.s32 $0x15C00, s6  }
.LBB2_1:
0xa: {  	[tilespmem:s3], [sflag:$0x2] =	stream.linear.gather [hbm4b:s4+s3], $0x2800, $0x38;
	[tilespmem:$0x7800] =	vst v63  }
0xb: {  	_ =	swait.ge [sflag:s8], $0x2800  }
0xc: {  	[sflag:s8] =	ssyncset.done $0x0  }
0xd: {  	[sflag:s8] =	ssyncadd.s32 $0xFFFFD800  }
0xe: {  	[tilespmem:s9], [sflag:$0x1] =	stream.indirect.gather [hbm4b:s2+s9], $0x1, s3, s9, $0xb8;
	[tilespmem:$0x7800] =	vst v63  }
0xf: {  	_ =	swait.ge [sflag:s10], $0x2800  }
0x10: {  	[sflag:s10] =	ssyncset.done $0x0  }
0x11: {  	s13 =	simm.s32 $0x0;
	[sflag:s10] =	ssyncadd.s32 $0xFFFFD800  }
0x12: {  	v1 =	vld [tilespmem:s13+$0x2800]  }
0x13: {  	s14 =	simm.s32 $0x40  }
.LBB2_2:
0x14: {  	p0 =	sne.s32 s14, $0x9FC0  }
.Ltmp0:
0x15: {  	_ = 	snop;
	(pc) =	sbr.rel @p0 .LBB2_2-.Ltmp0, $4  }
0x16: {  	_ = 	snop  }
0x17: {  	s15 =	sshra.s32 s14, $0x2;
	s14 =	sadd.s32 $0x40, s14;
	vm0 =	vgt.s32 v1, $0x0  }
0x18: {  	v1 =	vld [tilespmem:s15+$0x2800];
	v2 =	vsel vm0, $0x3F800000, v0  }
0x19: {  	[tilespmem:s13+$0x5000] =	vst v2;
	s13 =	smov.u32 s15  }
0x1a: {  	_ =	sdelay $0x2  }
0x1b: {  	vm0 =	vgt.s32 v1, $0x0  }
0x1c: {  	v1 =	vsel vm0, $0x3F800000, v0  }
0x1d: {  	[tilespmem:s13+$0x5000] =	vst v1  }
0x1e: {  	[hbm4b:s5+s3] =	stream.linear.scatter [tilespmem:s9], [sflag:$0x2], $0x2800, $0x38;
	[tilespmem:$0x7800] =	vst v63  }
0x1f: {  	s12 =	sadd.s32 $0x1, s12;
	_ =	swait.ge [sflag:s8], $0x2800  }
0x20: {  	p0 =	sne.s32 s12, s7;
	[sflag:s8] =	ssyncset.done $0x0  }
.Ltmp1:
0x21: {  	[sflag:s8] =	ssyncadd.s32 $0xFFFFD800;
	(pc) =	sbr.rel @p0 .LBB2_1-.Ltmp1, $4  }
0x22: {  	[hbm4b:s6+s3] =	stream.linear.scatter [tilespmem:s11], [sflag:$0x2], $0x2800, $0x38;
	[tilespmem:$0x7800] =	vst v63  }
0x23: {  	_ =	swait.ge [sflag:s8], $0x2800  }
0x24: {  	[sflag:s8] =	ssyncset.done $0x0  }
0x25: {  	[sflag:s8] =	ssyncadd.s32 $0xFFFFD800  }
0x26: {  	_ =	sfence.sel $0x180000  }
0x27: {  	[bflag:$0x0] =	sbarrier.arrive $0xFFFF  }
0x28: {  	p0 =	sne.s32 s0, $0x0;
	_ =	strace $0x90000047  }
0x29: {  	s0 =	sadd.s32 @!p0 $0x100000, s1;
	[bflag:$0x2] =	sbarrier.arrive $0xFFFF  }
0x2a: {  	[sflag:s0] =	ssyncadd.tile.s32 @!p0 $0x1;
	_ =	shalt  }
.Lfunc_end2:
_tile_overlayer_lowered:
.L_overlay_start_2:
0x2b: {  	(tag) =	ssettag $0x2  }
0x2c: {  	s0 =	rddreg [dreg:$0x0];
	s2 =	stileid.u32  }
0x2d: {  	s1 =	rddreg [dreg:$0x1];
	p0 =	sne.s32 s2, $0x0  }
0x2e: {  	s3 =	rddreg [dreg:$0x2];
	[bflag:$0x3] =	sbarrier.arrive $0xFFFF;
	s2 =	simm.s32 @!p0 $0x1C02  }
0x2f: {  	[timem:s3], [sflag:s2] =	dma.local @!p0 [hbm:s0], s1  }
0x30: {  	s0 =	simm.s32 @!p0 $0x2  }
0x31: {  	_ =	swait.ge @!p0 [sflag:s0], s1  }
0x32: {  	s1 =	ssub.s32 @!p0 $0x0, s1;
	[sflag:s0] =	ssyncset.done @!p0 $0x0  }
0x33: {  	[sflag:s0] =	ssyncadd.s32 @!p0 s1  }
0x34: {  	[bflag:$0x3] =	sbarrier.arrive $0xFFFF  }
0x35: {  	_ =	shalt  }

</sc_bundles>
